<compile_context>
chip_gen: v7x
topology: tpu7x:2x2x1
jax: 0.10.2.dev20260603
libtpu: 0.0.44.dev20260713+nightly
codegen_flags: <defaults>
</compile_context>

<pallas_src>
import functools

import jax
import jax.numpy as jnp
from jax import lax
from jax.experimental import pallas as pl
from jax.experimental.pallas import tpu as pltpu
from jax.experimental.pallas import tpu_sc as plsc

N = 10000
H = 64
HC = 32
NP = 10240
NC = 2
NS = 16
LANES = 16
CH = 128
NBUF = 8
PF = 4
EP = 327680
CPT = EP // (NS * CH)
ROWS_PT = NP // NS

_mesh = plsc.VectorSubcoreMesh(
    core_axis_name="c", subcore_axis_name="s", num_cores=NC, num_subcores=NS
)

_sc_params = pltpu.CompilerParams(
    needs_layout_passes=False, use_tc_tiling_on_sc=False
)



@functools.partial(
    pl.kernel,
    out_type=jax.ShapeDtypeStruct((NC, NP), jnp.float32),
    mesh=_mesh,
    scratch_types=[
        pltpu.VMEM((CPT // NC, CH), jnp.int32),
        pltpu.VMEM((NP,), jnp.float32),
        pltpu.VMEM((ROWS_PT,), jnp.float32),
        pltpu.VMEM((ROWS_PT,), jnp.float32),
        pltpu.VMEM_SHARED((NS, NP), jnp.float32),
    ],
    compiler_params=_sc_params,
)
def _deg_kernel(dst_hbm, out_hbm, idx_v, deg_v, acc_v, tmp_v, part_sh):
    c = lax.axis_index("c")
    s = lax.axis_index("s")
    wid = c * NS + s

    pltpu.sync_copy(dst_hbm.at[pl.ds(wid * (CPT // NC), CPT // NC)], idx_v)

    def zero_body(j, _):
        deg_v[pl.ds(j * LANES, LANES)] = jnp.zeros((LANES,), jnp.float32)
        return 0

    lax.fori_loop(0, NP // LANES, zero_body, 0)

    ones = jnp.ones((LANES,), jnp.float32)

    def chunk_body(t, _):
        for k in range(CH // LANES):
            idx = idx_v[t, pl.ds(k * LANES, LANES)]
            plsc.addupdate_scatter(deg_v, [idx], ones)
        return 0

    lax.fori_loop(0, CPT // NC, chunk_body, 0)

    pltpu.sync_copy(deg_v, part_sh.at[s])
    plsc.subcore_barrier()

    col = s * ROWS_PT
    pltpu.sync_copy(part_sh.at[0, pl.ds(col, ROWS_PT)], acc_v)
    for r in range(1, NS):
        pltpu.sync_copy(part_sh.at[r, pl.ds(col, ROWS_PT)], tmp_v)

        def add_body(j, _):
            sl = pl.ds(j * LANES, LANES)
            acc_v[sl] = acc_v[sl] + tmp_v[sl]
            return 0

        lax.fori_loop(0, ROWS_PT // LANES, add_body, 0)
    pltpu.sync_copy(acc_v, out_hbm.at[c, pl.ds(col, ROWS_PT)])


@functools.partial(
    pl.kernel,
    out_type=jax.ShapeDtypeStruct((NC, NP, HC), jnp.float32),
    mesh=_mesh,
    scratch_types=[
        pltpu.VMEM((CPT, CH), jnp.int32),
        pltpu.VMEM((CPT, CH), jnp.int32),
        [pltpu.VMEM((CH, HC), jnp.float32)] * NBUF,
        pltpu.VMEM_SHARED((NP, HC), jnp.float32),
        pltpu.VMEM_SHARED((NP, HC), jnp.float32),
        [pltpu.SemaphoreType.DMA] * NBUF,
        [pltpu.SemaphoreType.DMA] * NBUF,
    ],
    compiler_params=_sc_params,
)
def _scatter_kernel(src_hbm, dst_hbm, mp_hbm, zeros_hbm, out_hbm,
                    sidx, didx, rows, acc_sh, tbl_sh, gsems, ssems):
    c = lax.axis_index("c")
    s = lax.axis_index("s")
    cb = s * CPT
    row0 = s * ROWS_PT

    pltpu.sync_copy(zeros_hbm.at[pl.ds(row0, ROWS_PT)],
                    acc_sh.at[pl.ds(row0, ROWS_PT)])
    pltpu.sync_copy(mp_hbm.at[c, pl.ds(row0, ROWS_PT)],
                    tbl_sh.at[pl.ds(row0, ROWS_PT)])
    pltpu.sync_copy(src_hbm.at[pl.ds(cb, CPT)], sidx)
    pltpu.sync_copy(dst_hbm.at[pl.ds(cb, CPT)], didx)
    plsc.subcore_barrier()

    for b in range(PF):
        pltpu.async_copy(tbl_sh.at[sidx.at[b]], rows[b], gsems[b])

    def ring_body(g, _):
        for b in range(NBUF):
            t = g + b
            pltpu.make_async_copy(tbl_sh.at[sidx.at[t]], rows[b],
                                  gsems[b]).wait()
            pltpu.async_copy(rows[b], acc_sh.at[didx.at[t]], ssems[b],
                             add=True)
            bf = (b + PF) % NBUF
            tf = t + PF

            @pl.when(tf < CPT)
            def _():
                @pl.when(tf >= NBUF)
                def _():
                    pltpu.make_async_copy(rows[bf], acc_sh.at[didx.at[0]],
                                          ssems[bf]).wait()

                pltpu.async_copy(tbl_sh.at[sidx.at[tf]], rows[bf], gsems[bf])
        return 0

    lax.fori_loop(0, CPT // NBUF, lambda i, z: ring_body(i * NBUF, z), 0)

    for b in range(NBUF):
        pltpu.make_async_copy(rows[b], acc_sh.at[didx.at[0]],
                              ssems[b]).wait()

    plsc.subcore_barrier()
    pltpu.sync_copy(acc_sh.at[pl.ds(row0, ROWS_PT)],
                    out_hbm.at[c, pl.ds(row0, ROWS_PT)])



RP = NP // 4
RN = N // 4


def _dinv_packed(deg4):
    dinv4 = lax.rsqrt(deg4 + 1.0)
    return jnp.concatenate(
        [jnp.broadcast_to(dinv4[:, j:j + 1], (RP, HC)) for j in range(4)],
        axis=1,
    )


def _t1_body(deg4_ref, xp_ref, bw1_ref, dinvp_ref, mpp_ref):
    dinvp = _dinv_packed(deg4_ref[0] + deg4_ref[1])
    dinvp_ref[...] = dinvp
    for c in range(NC):
        m = jnp.dot(xp_ref[...], bw1_ref[c],
                    preferred_element_type=jnp.float32)
        mpp_ref[c, pl.ds(0, RN)] = m * dinvp[:RN]
        mpp_ref[c, pl.ds(RN, RP - RN)] = jnp.zeros((RP - RN, 4 * HC),
                                                   jnp.float32)


def _t2_body(accp_ref, mpp_ref, dinvp_ref, bp_ref, bw_ref, outp_ref):
    dinvp = dinvp_ref[...]
    h = [
        jnp.maximum(
            (accp_ref[c] + mpp_ref[c]) * dinvp + bp_ref[c][None, :], 0.0
        )
        for c in range(NC)
    ]
    for co in range(NC):
        m = (
            jnp.dot(h[0], bw_ref[0, co], preferred_element_type=jnp.float32)
            + jnp.dot(h[1], bw_ref[1, co], preferred_element_type=jnp.float32)
        )
        outp_ref[co] = m * dinvp


def _t3_body(accp_ref, mpp_ref, dinvp_ref, bp_ref, wr_ref, br_ref, out_ref):
    dinvp = dinvp_ref[...]
    ridx = lax.broadcasted_iota(jnp.int32, (RP, 4 * HC), 0)
    pools = []
    for c in range(NC):
        h = jnp.maximum(
            (accp_ref[c] + mpp_ref[c]) * dinvp + bp_ref[c][None, :], 0.0
        )
        h = jnp.where(ridx < RN, h, 0.0)
        cs = jnp.sum(h, axis=0)
        pools.append(cs[0:HC] + cs[HC:2 * HC] + cs[2 * HC:3 * HC]
                     + cs[3 * HC:4 * HC])
    pooled = jnp.concatenate(pools)[None, :] * (1.0 / N)
    out_ref[...] = jnp.maximum(
        jnp.dot(pooled, wr_ref[...], preferred_element_type=jnp.float32)
        + br_ref[...][None, :],
        0.0,
    )


_t1 = pl.pallas_call(
    _t1_body,
    out_shape=(
        jax.ShapeDtypeStruct((RP, 4 * HC), jnp.float32),
        jax.ShapeDtypeStruct((NC, RP, 4 * HC), jnp.float32),
    ),
)

_t2 = pl.pallas_call(
    _t2_body,
    out_shape=jax.ShapeDtypeStruct((NC, RP, 4 * HC), jnp.float32),
)

_t3 = pl.pallas_call(
    _t3_body,
    out_shape=jax.ShapeDtypeStruct((1, 128), jnp.float32),
)

_EYE4 = None


def _pack_w_in(W):
    eye4 = jnp.eye(4, dtype=jnp.float32)
    return jnp.stack(
        [jnp.kron(eye4, W[:, c * HC:(c + 1) * HC]) for c in range(NC)]
    )


def _pack_w_mid(W):
    eye4 = jnp.eye(4, dtype=jnp.float32)
    return jnp.stack([
        jnp.stack([
            jnp.kron(eye4, W[ch * HC:(ch + 1) * HC, co * HC:(co + 1) * HC])
            for co in range(NC)
        ])
        for ch in range(NC)
    ])


def _pack_b(b):
    return jnp.stack(
        [jnp.tile(b[c * HC:(c + 1) * HC], 4) for c in range(NC)]
    )


def kernel(x, edge_index, W1, b1, W2, b2, W3, b3, Wr, br):
    e = edge_index.shape[1]
    pad = jnp.full((EP - e,), N, jnp.int32)
    src = jnp.concatenate([edge_index[0], pad]).reshape(NS * CPT, CH)
    dst = jnp.concatenate([edge_index[1], pad]).reshape(NS * CPT, CH)
    zeros2d = jnp.zeros((NP, HC), jnp.float32)

    xp = x.reshape(RN, 4 * 128)
    bw1 = _pack_w_in(W1)
    bw2 = _pack_w_mid(W2)
    bw3 = _pack_w_mid(W3)
    b1p, b2p, b3p = _pack_b(b1), _pack_b(b2), _pack_b(b3)

    deg = _deg_kernel(dst)
    deg4 = deg.reshape(NC, RP, 4)
    dinvp, mpp1 = _t1(deg4, xp, bw1)
    acc1 = _scatter_kernel(src, dst, mpp1.reshape(NC, NP, HC), zeros2d)
    mpp2 = _t2(acc1.reshape(NC, RP, 4 * HC), mpp1, dinvp, b1p, bw2)
    acc2 = _scatter_kernel(src, dst, mpp2.reshape(NC, NP, HC), zeros2d)
    mpp3 = _t2(acc2.reshape(NC, RP, 4 * HC), mpp2, dinvp, b2p, bw3)
    acc3 = _scatter_kernel(src, dst, mpp3.reshape(NC, NP, HC), zeros2d)
    out = _t3(acc3.reshape(NC, RP, 4 * HC), mpp3, dinvp, b3p, Wr, br)
    return out

# --- scband reference (transcript-rebuilt; emitter-appended) ---
"""Pipeline reference for scband-gnnbackbone-26104811225806 (READ-ONLY COPY).

The authoritative reference and input builder live on the scoring server;
editing this copy changes nothing except your own understanding.
"""

import jax, jax.numpy as jnp
import numpy as np

N = 10000
E = 320000
D_IN = 128
H = 64
R = 128


def setup_inputs(seed: int = 0) -> dict:
    key = jax.random.key(seed)
    ks = jax.random.split(key, 10)
    x = jax.random.normal(ks[0], (N, D_IN), dtype=jnp.float32)
    edge_index = jax.random.randint(ks[1], (2, E), 0, N, dtype=jnp.int32)
    W1 = jax.random.normal(ks[2], (D_IN, H), dtype=jnp.float32) * (1.0 / np.sqrt(D_IN))
    b1 = jnp.zeros((H,), dtype=jnp.float32)
    W2 = jax.random.normal(ks[3], (H, H), dtype=jnp.float32) * (1.0 / np.sqrt(H))
    b2 = jnp.zeros((H,), dtype=jnp.float32)
    W3 = jax.random.normal(ks[4], (H, H), dtype=jnp.float32) * (1.0 / np.sqrt(H))
    b3 = jnp.zeros((H,), dtype=jnp.float32)
    Wr = jax.random.normal(ks[5], (H, R), dtype=jnp.float32) * (1.0 / np.sqrt(H))
    br = jnp.zeros((R,), dtype=jnp.float32)
    return {"x": x, "edge_index": edge_index, "W1": W1, "b1": b1, "W2": W2, "b2": b2, "W3": W3, "b3": b3, "Wr": Wr, "br": br}


def reference(x, edge_index, W1, b1, W2, b2, W3, b3, Wr, br):
    n = x.shape[0]
    src = edge_index[0]
    dst = edge_index[1]
    # GCNConv default: add self-loops, symmetric normalization
    loops = jnp.arange(n, dtype=src.dtype)
    src = jnp.concatenate([src, loops])
    dst = jnp.concatenate([dst, loops])
    deg = jax.ops.segment_sum(jnp.ones_like(dst, dtype=x.dtype), dst, num_segments=n)
    dinv = jnp.where(deg > 0, 1.0 / jnp.sqrt(deg), 0.0)
    norm = dinv[src] * dinv[dst]

    def gcn_layer(h, W, b):
        m = h @ W
        msg = m[src] * norm[:, None]
        agg = jax.ops.segment_sum(msg, dst, num_segments=n)
        return jax.nn.relu(agg + b)

    h = gcn_layer(x, W1, b1)
    h = gcn_layer(h, W2, b2)
    h = gcn_layer(h, W3, b3)
    # global_mean_pool with batch all-zeros -> mean over all nodes, one graph
    pooled = jnp.mean(h, axis=0, keepdims=True)
    out = jax.nn.relu(pooled @ Wr + br)
    return out

if __name__ == "__main__":
    import jax
    _d = setup_inputs()
    print(jax.jit(kernel)(*tuple(_d.values())))

</pallas_src>

<mosaic_0001>
#map = affine_map<(d0, d1) -> (0, 0)>
#map1 = affine_map<(d0, d1) -> (0, 0, 0)>
module attributes {stable_mosaic.version = 14 : i64} {
  func.func @_scatter_kernel(%arg0: i32, %arg1: i32, %arg2: memref<2560x128xi32, #tpu.memory_space<hbm>>, %arg3: memref<2560x128xi32, #tpu.memory_space<hbm>>, %arg4: memref<2x10240x32xf32, #tpu.memory_space<hbm>>, %arg5: memref<10240x32xf32, #tpu.memory_space<hbm>>, %arg6: memref<2x10240x32xf32, #tpu.memory_space<hbm>>, %arg7: memref<160x128xi32, #tpu.memory_space<vmem>>, %arg8: memref<160x128xi32, #tpu.memory_space<vmem>>, %arg9: memref<128x32xf32, #tpu.memory_space<vmem>>, %arg10: memref<128x32xf32, #tpu.memory_space<vmem>>, %arg11: memref<128x32xf32, #tpu.memory_space<vmem>>, %arg12: memref<128x32xf32, #tpu.memory_space<vmem>>, %arg13: memref<128x32xf32, #tpu.memory_space<vmem>>, %arg14: memref<128x32xf32, #tpu.memory_space<vmem>>, %arg15: memref<128x32xf32, #tpu.memory_space<vmem>>, %arg16: memref<128x32xf32, #tpu.memory_space<vmem>>, %arg17: memref<10240x32xf32, #tpu.memory_space<vmem_shared>>, %arg18: memref<10240x32xf32, #tpu.memory_space<vmem_shared>>, %arg19: memref<!tpu.dma_semaphore, #tpu.memory_space<semaphore_mem>>, %arg20: memref<!tpu.dma_semaphore, #tpu.memory_space<semaphore_mem>>, %arg21: memref<!tpu.dma_semaphore, #tpu.memory_space<semaphore_mem>>, %arg22: memref<!tpu.dma_semaphore, #tpu.memory_space<semaphore_mem>>, %arg23: memref<!tpu.dma_semaphore, #tpu.memory_space<semaphore_mem>>, %arg24: memref<!tpu.dma_semaphore, #tpu.memory_space<semaphore_mem>>, %arg25: memref<!tpu.dma_semaphore, #tpu.memory_space<semaphore_mem>>, %arg26: memref<!tpu.dma_semaphore, #tpu.memory_space<semaphore_mem>>, %arg27: memref<!tpu.dma_semaphore, #tpu.memory_space<semaphore_mem>>, %arg28: memref<!tpu.dma_semaphore, #tpu.memory_space<semaphore_mem>>, %arg29: memref<!tpu.dma_semaphore, #tpu.memory_space<semaphore_mem>>, %arg30: memref<!tpu.dma_semaphore, #tpu.memory_space<semaphore_mem>>, %arg31: memref<!tpu.dma_semaphore, #tpu.memory_space<semaphore_mem>>, %arg32: memref<!tpu.dma_semaphore, #tpu.memory_space<semaphore_mem>>, %arg33: memref<!tpu.dma_semaphore, #tpu.memory_space<semaphore_mem>>, %arg34: memref<!tpu.dma_semaphore, #tpu.memory_space<semaphore_mem>>) attributes {dimension_semantics = [#tpu.dimension_semantics<core_parallel>, #tpu.dimension_semantics<subcore_parallel>], iteration_bounds = array<i64: 2, 16>, scalar_prefetch = 0 : i64, scratch_operands = 28 : i64, tpu.core_type = #tpu.core_type<sc_vector_subcore>, window_params = [{transform_indices = #map}, {transform_indices = #map}, {transform_indices = #map1}, {transform_indices = #map}, {transform_indices = #map1}]} {
    %mul3A = arith.constant 160 : i32
    %mul3A_0 = arith.muli %arg1, %mul3A : i32
    %mul3A_1 = arith.constant 640 : i32
    %mul3A_2 = arith.muli %arg1, %mul3A_1 : i32
    "tpu.region"() ({
      %run_scoped3A = tpu.sem_alloc : memref<!tpu.dma_semaphore, #tpu.memory_space<semaphore_mem>>
      %dma_start3A_92 = arith.constant 0 : i32
      %dma_start3A_93 = tpu.memref_slice %arg17[%mul3A_2, %dma_start3A_92] : memref<10240x32xf32, #tpu.memory_space<vmem_shared>> -> memref<640x32xf32, #tpu.memory_space<vmem_shared>>
      %dma_start3A_94 = arith.constant 0 : i32
      %dma_start3A_95 = tpu.memref_slice %arg5[%mul3A_2, %dma_start3A_94] : memref<10240x32xf32, #tpu.memory_space<hbm>> -> memref<640x32xf32, #tpu.memory_space<hbm>>
      tpu.enqueue_dma source(%dma_start3A_95 : memref<640x32xf32, #tpu.memory_space<hbm>>) target(%dma_start3A_93 : memref<640x32xf32, #tpu.memory_space<vmem_shared>>) target_semaphore(%run_scoped3A : memref<!tpu.dma_semaphore, #tpu.memory_space<semaphore_mem>>)
      %dma_wait3A_96 = arith.constant 0 : i32
      %dma_wait3A_97 = tpu.memref_slice %arg17[%mul3A_2, %dma_wait3A_96] : memref<10240x32xf32, #tpu.memory_space<vmem_shared>> -> memref<640x32xf32, #tpu.memory_space<vmem_shared>>
      %dma_wait3A_98 = arith.constant 0 : i32
      %dma_wait3A_99 = tpu.memref_slice %arg5[%mul3A_2, %dma_wait3A_98] : memref<10240x32xf32, #tpu.memory_space<hbm>> -> memref<640x32xf32, #tpu.memory_space<hbm>>
      tpu.wait_dma2 semaphore(%run_scoped3A : memref<!tpu.dma_semaphore, #tpu.memory_space<semaphore_mem>>) src(%dma_wait3A_99 : memref<640x32xf32, #tpu.memory_space<hbm>>) dst(%dma_wait3A_97 : memref<640x32xf32, #tpu.memory_space<vmem_shared>>)
      tpu.yield
    }) : () -> ()
    "tpu.region"() ({
      %run_scoped3A = tpu.sem_alloc : memref<!tpu.dma_semaphore, #tpu.memory_space<semaphore_mem>>
      %dma_start3A_92 = arith.constant 0 : i32
      %dma_start3A_93 = tpu.memref_slice %arg18[%mul3A_2, %dma_start3A_92] : memref<10240x32xf32, #tpu.memory_space<vmem_shared>> -> memref<640x32xf32, #tpu.memory_space<vmem_shared>>
      %dma_start3A_94 = arith.constant 0 : i32
      %dma_start3A_95 = tpu.memref_slice %arg4[%arg0, %mul3A_2, %dma_start3A_94] : memref<2x10240x32xf32, #tpu.memory_space<hbm>> -> memref<1x640x32xf32, #tpu.memory_space<hbm>>
      %dma_start3A_96 = tpu.memref_squeeze %dma_start3A_95 : memref<1x640x32xf32, #tpu.memory_space<hbm>> -> memref<640x32xf32, #tpu.memory_space<hbm>>
      tpu.enqueue_dma source(%dma_start3A_96 : memref<640x32xf32, #tpu.memory_space<hbm>>) target(%dma_start3A_93 : memref<640x32xf32, #tpu.memory_space<vmem_shared>>) target_semaphore(%run_scoped3A : memref<!tpu.dma_semaphore, #tpu.memory_space<semaphore_mem>>)
      %dma_wait3A_97 = arith.constant 0 : i32
      %dma_wait3A_98 = tpu.memref_slice %arg18[%mul3A_2, %dma_wait3A_97] : memref<10240x32xf32, #tpu.memory_space<vmem_shared>> -> memref<640x32xf32, #tpu.memory_space<vmem_shared>>
      %dma_wait3A_99 = arith.constant 0 : i32
      %dma_wait3A_100 = tpu.memref_slice %arg4[%arg0, %mul3A_2, %dma_wait3A_99] : memref<2x10240x32xf32, #tpu.memory_space<hbm>> -> memref<1x640x32xf32, #tpu.memory_space<hbm>>
      %dma_wait3A_101 = tpu.memref_squeeze %dma_wait3A_100 : memref<1x640x32xf32, #tpu.memory_space<hbm>> -> memref<640x32xf32, #tpu.memory_space<hbm>>
      tpu.wait_dma2 semaphore(%run_scoped3A : memref<!tpu.dma_semaphore, #tpu.memory_space<semaphore_mem>>) src(%dma_wait3A_101 : memref<640x32xf32, #tpu.memory_space<hbm>>) dst(%dma_wait3A_98 : memref<640x32xf32, #tpu.memory_space<vmem_shared>>)
      tpu.yield
    }) : () -> ()
    "tpu.region"() ({
      %run_scoped3A = tpu.sem_alloc : memref<!tpu.dma_semaphore, #tpu.memory_space<semaphore_mem>>
      %dma_start3A_92 = arith.constant 0 : i32
      %dma_start3A_93 = tpu.memref_slice %arg2[%mul3A_0, %dma_start3A_92] : memref<2560x128xi32, #tpu.memory_space<hbm>> -> memref<160x128xi32, #tpu.memory_space<hbm>>
      %dma_start3A_94 = arith.constant 0 : i32
      %dma_start3A_95 = tpu.memref_slice %arg2[%mul3A_0, %dma_start3A_94] : memref<2560x128xi32, #tpu.memory_space<hbm>> -> memref<160x128xi32, #tpu.memory_space<hbm>>
      tpu.enqueue_dma source(%dma_start3A_95 : memref<160x128xi32, #tpu.memory_space<hbm>>) target(%arg7 : memref<160x128xi32, #tpu.memory_space<vmem>>) target_semaphore(%run_scoped3A : memref<!tpu.dma_semaphore, #tpu.memory_space<semaphore_mem>>)
      %dma_wait3A_96 = arith.constant 0 : i32
      %dma_wait3A_97 = tpu.memref_slice %arg2[%mul3A_0, %dma_wait3A_96] : memref<2560x128xi32, #tpu.memory_space<hbm>> -> memref<160x128xi32, #tpu.memory_space<hbm>>
      %dma_wait3A_98 = arith.constant 0 : i32
      %dma_wait3A_99 = tpu.memref_slice %arg2[%mul3A_0, %dma_wait3A_98] : memref<2560x128xi32, #tpu.memory_space<hbm>> -> memref<160x128xi32, #tpu.memory_space<hbm>>
      tpu.wait_dma2 semaphore(%run_scoped3A : memref<!tpu.dma_semaphore, #tpu.memory_space<semaphore_mem>>) src(%dma_wait3A_99 : memref<160x128xi32, #tpu.memory_space<hbm>>) dst(%arg7 : memref<160x128xi32, #tpu.memory_space<vmem>>)
      tpu.yield
    }) : () -> ()
    "tpu.region"() ({
      %run_scoped3A = tpu.sem_alloc : memref<!tpu.dma_semaphore, #tpu.memory_space<semaphore_mem>>
      %dma_start3A_92 = arith.constant 0 : i32
      %dma_start3A_93 = tpu.memref_slice %arg3[%mul3A_0, %dma_start3A_92] : memref<2560x128xi32, #tpu.memory_space<hbm>> -> memref<160x128xi32, #tpu.memory_space<hbm>>
      %dma_start3A_94 = arith.constant 0 : i32
      %dma_start3A_95 = tpu.memref_slice %arg3[%mul3A_0, %dma_start3A_94] : memref<2560x128xi32, #tpu.memory_space<hbm>> -> memref<160x128xi32, #tpu.memory_space<hbm>>
      tpu.enqueue_dma source(%dma_start3A_95 : memref<160x128xi32, #tpu.memory_space<hbm>>) target(%arg8 : memref<160x128xi32, #tpu.memory_space<vmem>>) target_semaphore(%run_scoped3A : memref<!tpu.dma_semaphore, #tpu.memory_space<semaphore_mem>>)
      %dma_wait3A_96 = arith.constant 0 : i32
      %dma_wait3A_97 = tpu.memref_slice %arg3[%mul3A_0, %dma_wait3A_96] : memref<2560x128xi32, #tpu.memory_space<hbm>> -> memref<160x128xi32, #tpu.memory_space<hbm>>
      %dma_wait3A_98 = arith.constant 0 : i32
      %dma_wait3A_99 = tpu.memref_slice %arg3[%mul3A_0, %dma_wait3A_98] : memref<2560x128xi32, #tpu.memory_space<hbm>> -> memref<160x128xi32, #tpu.memory_space<hbm>>
      tpu.wait_dma2 semaphore(%run_scoped3A : memref<!tpu.dma_semaphore, #tpu.memory_space<semaphore_mem>>) src(%dma_wait3A_99 : memref<160x128xi32, #tpu.memory_space<hbm>>) dst(%arg8 : memref<160x128xi32, #tpu.memory_space<vmem>>)
      tpu.yield
    }) : () -> ()
    %barrier3A = arith.constant 0 : index
    tpu.barrier barrier_id(%barrier3A)
    %dma_start3A = arith.constant 0 : i32
    %dma_start3A_3 = arith.constant 0 : i32
    %dma_start3A_4 = tpu.memref_slice %arg7[%dma_start3A, %dma_start3A_3] : memref<160x128xi32, #tpu.memory_space<vmem>> -> memref<1x128xi32, #tpu.memory_space<vmem>>
    %dma_start3A_5 = tpu.memref_squeeze %dma_start3A_4 : memref<1x128xi32, #tpu.memory_space<vmem>> -> memref<128xi32, #tpu.memory_space<vmem>>
    %dma_start3A_6 = arith.constant 0 : i32
    %dma_start3A_7 = arith.constant 0 : i32
    %dma_start3A_8 = tpu.memref_slice %arg18[%dma_start3A_6, %dma_start3A_7] : memref<10240x32xf32, #tpu.memory_space<vmem_shared>> -> memref<10240x32xf32, #tpu.memory_space<vmem_shared>>
    tpu.enqueue_indirect_dma source(%dma_start3A_8 : memref<10240x32xf32, #tpu.memory_space<vmem_shared>>) target(%arg9 : memref<128x32xf32, #tpu.memory_space<vmem>>) offsets(%dma_start3A_5 : memref<128xi32, #tpu.memory_space<vmem>>) semaphore(%arg19 : memref<!tpu.dma_semaphore, #tpu.memory_space<semaphore_mem>>)
    %dma_start3A_9 = arith.constant 1 : i32
    %dma_start3A_10 = arith.constant 0 : i32
    %dma_start3A_11 = tpu.memref_slice %arg7[%dma_start3A_9, %dma_start3A_10] : memref<160x128xi32, #tpu.memory_space<vmem>> -> memref<1x128xi32, #tpu.memory_space<vmem>>
    %dma_start3A_12 = tpu.memref_squeeze %dma_start3A_11 : memref<1x128xi32, #tpu.memory_space<vmem>> -> memref<128xi32, #tpu.memory_space<vmem>>
    %dma_start3A_13 = arith.constant 0 : i32
    %dma_start3A_14 = arith.constant 0 : i32
    %dma_start3A_15 = tpu.memref_slice %arg18[%dma_start3A_13, %dma_start3A_14] : memref<10240x32xf32, #tpu.memory_space<vmem_shared>> -> memref<10240x32xf32, #tpu.memory_space<vmem_shared>>
    tpu.enqueue_indirect_dma source(%dma_start3A_15 : memref<10240x32xf32, #tpu.memory_space<vmem_shared>>) target(%arg10 : memref<128x32xf32, #tpu.memory_space<vmem>>) offsets(%dma_start3A_12 : memref<128xi32, #tpu.memory_space<vmem>>) semaphore(%arg20 : memref<!tpu.dma_semaphore, #tpu.memory_space<semaphore_mem>>)
    %dma_start3A_16 = arith.constant 2 : i32
    %dma_start3A_17 = arith.constant 0 : i32
    %dma_start3A_18 = tpu.memref_slice %arg7[%dma_start3A_16, %dma_start3A_17] : memref<160x128xi32, #tpu.memory_space<vmem>> -> memref<1x128xi32, #tpu.memory_space<vmem>>
    %dma_start3A_19 = tpu.memref_squeeze %dma_start3A_18 : memref<1x128xi32, #tpu.memory_space<vmem>> -> memref<128xi32, #tpu.memory_space<vmem>>
    %dma_start3A_20 = arith.constant 0 : i32
    %dma_start3A_21 = arith.constant 0 : i32
    %dma_start3A_22 = tpu.memref_slice %arg18[%dma_start3A_20, %dma_start3A_21] : memref<10240x32xf32, #tpu.memory_space<vmem_shared>> -> memref<10240x32xf32, #tpu.memory_space<vmem_shared>>
    tpu.enqueue_indirect_dma source(%dma_start3A_22 : memref<10240x32xf32, #tpu.memory_space<vmem_shared>>) target(%arg11 : memref<128x32xf32, #tpu.memory_space<vmem>>) offsets(%dma_start3A_19 : memref<128xi32, #tpu.memory_space<vmem>>) semaphore(%arg21 : memref<!tpu.dma_semaphore, #tpu.memory_space<semaphore_mem>>)
    %dma_start3A_23 = arith.constant 3 : i32
    %dma_start3A_24 = arith.constant 0 : i32
    %dma_start3A_25 = tpu.memref_slice %arg7[%dma_start3A_23, %dma_start3A_24] : memref<160x128xi32, #tpu.memory_space<vmem>> -> memref<1x128xi32, #tpu.memory_space<vmem>>
    %dma_start3A_26 = tpu.memref_squeeze %dma_start3A_25 : memref<1x128xi32, #tpu.memory_space<vmem>> -> memref<128xi32, #tpu.memory_space<vmem>>
    %dma_start3A_27 = arith.constant 0 : i32
    %dma_start3A_28 = arith.constant 0 : i32
    %dma_start3A_29 = tpu.memref_slice %arg18[%dma_start3A_27, %dma_start3A_28] : memref<10240x32xf32, #tpu.memory_space<vmem_shared>> -> memref<10240x32xf32, #tpu.memory_space<vmem_shared>>
    tpu.enqueue_indirect_dma source(%dma_start3A_29 : memref<10240x32xf32, #tpu.memory_space<vmem_shared>>) target(%arg12 : memref<128x32xf32, #tpu.memory_space<vmem>>) offsets(%dma_start3A_26 : memref<128xi32, #tpu.memory_space<vmem>>) semaphore(%arg22 : memref<!tpu.dma_semaphore, #tpu.memory_space<semaphore_mem>>)
    %scan3A = arith.constant 0 : i32
    %scan3A_30 = arith.constant 0 : i32
    %scan3A_31 = arith.constant 20 : i32
    %scan3A_32 = arith.addi %scan3A_30, %scan3A_31 : i32
    %scan3A_33 = arith.constant 1 : i32
    %scan3A_34 = scf.for %scan3A_92 = %scan3A_30 to %scan3A_32 step %scan3A_33 iter_args(%scan3A_93 = %scan3A) -> (i32)  : i32 {
      %mul3A_94 = arith.constant 8 : i32
      %mul3A_95 = arith.muli %scan3A_92, %mul3A_94 : i32
      %add3A = arith.constant 0 : i32
      %add3A_96 = arith.addi %mul3A_95, %add3A : i32
      %dma_wait3A_97 = arith.constant 0 : i32
      %dma_wait3A_98 = tpu.memref_slice %arg7[%add3A_96, %dma_wait3A_97] : memref<160x128xi32, #tpu.memory_space<vmem>> -> memref<1x128xi32, #tpu.memory_space<vmem>>
      %dma_wait3A_99 = tpu.memref_squeeze %dma_wait3A_98 : memref<1x128xi32, #tpu.memory_space<vmem>> -> memref<128xi32, #tpu.memory_space<vmem>>
      %dma_wait3A_100 = arith.constant 0 : i32
      %dma_wait3A_101 = arith.constant 0 : i32
      %dma_wait3A_102 = tpu.memref_slice %arg18[%dma_wait3A_100, %dma_wait3A_101] : memref<10240x32xf32, #tpu.memory_space<vmem_shared>> -> memref<10240x32xf32, #tpu.memory_space<vmem_shared>>
      tpu.wait_indirect_dma semaphore(%arg19 : memref<!tpu.dma_semaphore, #tpu.memory_space<semaphore_mem>>) src(%dma_wait3A_102 : memref<10240x32xf32, #tpu.memory_space<vmem_shared>>) dst(%arg9 : memref<128x32xf32, #tpu.memory_space<vmem>>)
      %dma_start3A_103 = arith.constant 0 : i32
      %dma_start3A_104 = tpu.memref_slice %arg8[%add3A_96, %dma_start3A_103] : memref<160x128xi32, #tpu.memory_space<vmem>> -> memref<1x128xi32, #tpu.memory_space<vmem>>
      %dma_start3A_105 = tpu.memref_squeeze %dma_start3A_104 : memref<1x128xi32, #tpu.memory_space<vmem>> -> memref<128xi32, #tpu.memory_space<vmem>>
      %dma_start3A_106 = arith.constant 0 : i32
      %dma_start3A_107 = arith.constant 0 : i32
      %dma_start3A_108 = tpu.memref_slice %arg17[%dma_start3A_106, %dma_start3A_107] : memref<10240x32xf32, #tpu.memory_space<vmem_shared>> -> memref<10240x32xf32, #tpu.memory_space<vmem_shared>>
      tpu.enqueue_indirect_dma source(%arg9 : memref<128x32xf32, #tpu.memory_space<vmem>>) target(%dma_start3A_108 : memref<10240x32xf32, #tpu.memory_space<vmem_shared>>) offsets(%dma_start3A_105 : memref<128xi32, #tpu.memory_space<vmem>>) semaphore(%arg27 : memref<!tpu.dma_semaphore, #tpu.memory_space<semaphore_mem>>) {add = true}
      %add3A_109 = arith.constant 4 : i32
      %add3A_110 = arith.addi %add3A_96, %add3A_109 : i32
      %lt3A = arith.constant 160 : i32
      %lt3A_111 = arith.cmpi slt, %add3A_110, %lt3A : i32
      %convert_element_type3A = arith.extui %lt3A_111 : i1 to i32
      %cond3A = arith.constant 0 : i32
      %cond3A_112 = arith.cmpi ne, %convert_element_type3A, %cond3A : i32
      scf.if %cond3A_112 {
        %ge3A = arith.constant 8 : i32
        %ge3A_261 = arith.cmpi sge, %add3A_110, %ge3A : i32
        %convert_element_type3A_262 = arith.extui %ge3A_261 : i1 to i32
        %cond3A_263 = arith.constant 0 : i32
        %cond3A_264 = arith.cmpi ne, %convert_element_type3A_262, %cond3A_263 : i32
        scf.if %cond3A_264 {
          %dma_wait3A_271 = arith.constant 0 : i32
          %dma_wait3A_272 = arith.constant 0 : i32
          %dma_wait3A_273 = tpu.memref_slice %arg8[%dma_wait3A_271, %dma_wait3A_272] : memref<160x128xi32, #tpu.memory_space<vmem>> -> memref<1x128xi32, #tpu.memory_space<vmem>>
          %dma_wait3A_274 = tpu.memref_squeeze %dma_wait3A_273 : memref<1x128xi32, #tpu.memory_space<vmem>> -> memref<128xi32, #tpu.memory_space<vmem>>
          %dma_wait3A_275 = arith.constant 0 : i32
          %dma_wait3A_276 = arith.constant 0 : i32
          %dma_wait3A_277 = tpu.memref_slice %arg17[%dma_wait3A_275, %dma_wait3A_276] : memref<10240x32xf32, #tpu.memory_space<vmem_shared>> -> memref<10240x32xf32, #tpu.memory_space<vmem_shared>>
          tpu.wait_indirect_dma semaphore(%arg31 : memref<!tpu.dma_semaphore, #tpu.memory_space<semaphore_mem>>) src(%arg13 : memref<128x32xf32, #tpu.memory_space<vmem>>) dst(%dma_wait3A_277 : memref<10240x32xf32, #tpu.memory_space<vmem_shared>>)
        } else {
        }
        %dma_start3A_265 = arith.constant 0 : i32
        %dma_start3A_266 = tpu.memref_slice %arg7[%add3A_110, %dma_start3A_265] : memref<160x128xi32, #tpu.memory_space<vmem>> -> memref<1x128xi32, #tpu.memory_space<vmem>>
        %dma_start3A_267 = tpu.memref_squeeze %dma_start3A_266 : memref<1x128xi32, #tpu.memory_space<vmem>> -> memref<128xi32, #tpu.memory_space<vmem>>
        %dma_start3A_268 = arith.constant 0 : i32
        %dma_start3A_269 = arith.constant 0 : i32
        %dma_start3A_270 = tpu.memref_slice %arg18[%dma_start3A_268, %dma_start3A_269] : memref<10240x32xf32, #tpu.memory_space<vmem_shared>> -> memref<10240x32xf32, #tpu.memory_space<vmem_shared>>
        tpu.enqueue_indirect_dma source(%dma_start3A_270 : memref<10240x32xf32, #tpu.memory_space<vmem_shared>>) target(%arg13 : memref<128x32xf32, #tpu.memory_space<vmem>>) offsets(%dma_start3A_267 : memref<128xi32, #tpu.memory_space<vmem>>) semaphore(%arg23 : memref<!tpu.dma_semaphore, #tpu.memory_space<semaphore_mem>>)
      } else {
      }
      %add3A_113 = arith.constant 1 : i32
      %add3A_114 = arith.addi %mul3A_95, %add3A_113 : i32
      %dma_wait3A_115 = arith.constant 0 : i32
      %dma_wait3A_116 = tpu.memref_slice %arg7[%add3A_114, %dma_wait3A_115] : memref<160x128xi32, #tpu.memory_space<vmem>> -> memref<1x128xi32, #tpu.memory_space<vmem>>
      %dma_wait3A_117 = tpu.memref_squeeze %dma_wait3A_116 : memref<1x128xi32, #tpu.memory_space<vmem>> -> memref<128xi32, #tpu.memory_space<vmem>>
      %dma_wait3A_118 = arith.constant 0 : i32
      %dma_wait3A_119 = arith.constant 0 : i32
      %dma_wait3A_120 = tpu.memref_slice %arg18[%dma_wait3A_118, %dma_wait3A_119] : memref<10240x32xf32, #tpu.memory_space<vmem_shared>> -> memref<10240x32xf32, #tpu.memory_space<vmem_shared>>
      tpu.wait_indirect_dma semaphore(%arg20 : memref<!tpu.dma_semaphore, #tpu.memory_space<semaphore_mem>>) src(%dma_wait3A_120 : memref<10240x32xf32, #tpu.memory_space<vmem_shared>>) dst(%arg10 : memref<128x32xf32, #tpu.memory_space<vmem>>)
      %dma_start3A_121 = arith.constant 0 : i32
      %dma_start3A_122 = tpu.memref_slice %arg8[%add3A_114, %dma_start3A_121] : memref<160x128xi32, #tpu.memory_space<vmem>> -> memref<1x128xi32, #tpu.memory_space<vmem>>
      %dma_start3A_123 = tpu.memref_squeeze %dma_start3A_122 : memref<1x128xi32, #tpu.memory_space<vmem>> -> memref<128xi32, #tpu.memory_space<vmem>>
      %dma_start3A_124 = arith.constant 0 : i32
      %dma_start3A_125 = arith.constant 0 : i32
      %dma_start3A_126 = tpu.memref_slice %arg17[%dma_start3A_124, %dma_start3A_125] : memref<10240x32xf32, #tpu.memory_space<vmem_shared>> -> memref<10240x32xf32, #tpu.memory_space<vmem_shared>>
      tpu.enqueue_indirect_dma source(%arg10 : memref<128x32xf32, #tpu.memory_space<vmem>>) target(%dma_start3A_126 : memref<10240x32xf32, #tpu.memory_space<vmem_shared>>) offsets(%dma_start3A_123 : memref<128xi32, #tpu.memory_space<vmem>>) semaphore(%arg28 : memref<!tpu.dma_semaphore, #tpu.memory_space<semaphore_mem>>) {add = true}
      %add3A_127 = arith.constant 4 : i32
      %add3A_128 = arith.addi %add3A_114, %add3A_127 : i32
      %lt3A_129 = arith.constant 160 : i32
      %lt3A_130 = arith.cmpi slt, %add3A_128, %lt3A_129 : i32
      %convert_element_type3A_131 = arith.extui %lt3A_130 : i1 to i32
      %cond3A_132 = arith.constant 0 : i32
      %cond3A_133 = arith.cmpi ne, %convert_element_type3A_131, %cond3A_132 : i32
      scf.if %cond3A_133 {
        %ge3A = arith.constant 8 : i32
        %ge3A_261 = arith.cmpi sge, %add3A_128, %ge3A : i32
        %convert_element_type3A_262 = arith.extui %ge3A_261 : i1 to i32
        %cond3A_263 = arith.constant 0 : i32
        %cond3A_264 = arith.cmpi ne, %convert_element_type3A_262, %cond3A_263 : i32
        scf.if %cond3A_264 {
          %dma_wait3A_271 = arith.constant 0 : i32
          %dma_wait3A_272 = arith.constant 0 : i32
          %dma_wait3A_273 = tpu.memref_slice %arg8[%dma_wait3A_271, %dma_wait3A_272] : memref<160x128xi32, #tpu.memory_space<vmem>> -> memref<1x128xi32, #tpu.memory_space<vmem>>
          %dma_wait3A_274 = tpu.memref_squeeze %dma_wait3A_273 : memref<1x128xi32, #tpu.memory_space<vmem>> -> memref<128xi32, #tpu.memory_space<vmem>>
          %dma_wait3A_275 = arith.constant 0 : i32
          %dma_wait3A_276 = arith.constant 0 : i32
          %dma_wait3A_277 = tpu.memref_slice %arg17[%dma_wait3A_275, %dma_wait3A_276] : memref<10240x32xf32, #tpu.memory_space<vmem_shared>> -> memref<10240x32xf32, #tpu.memory_space<vmem_shared>>
          tpu.wait_indirect_dma semaphore(%arg32 : memref<!tpu.dma_semaphore, #tpu.memory_space<semaphore_mem>>) src(%arg14 : memref<128x32xf32, #tpu.memory_space<vmem>>) dst(%dma_wait3A_277 : memref<10240x32xf32, #tpu.memory_space<vmem_shared>>)
        } else {
        }
        %dma_start3A_265 = arith.constant 0 : i32
        %dma_start3A_266 = tpu.memref_slice %arg7[%add3A_128, %dma_start3A_265] : memref<160x128xi32, #tpu.memory_space<vmem>> -> memref<1x128xi32, #tpu.memory_space<vmem>>
        %dma_start3A_267 = tpu.memref_squeeze %dma_start3A_266 : memref<1x128xi32, #tpu.memory_space<vmem>> -> memref<128xi32, #tpu.memory_space<vmem>>
        %dma_start3A_268 = arith.constant 0 : i32
        %dma_start3A_269 = arith.constant 0 : i32
        %dma_start3A_270 = tpu.memref_slice %arg18[%dma_start3A_268, %dma_start3A_269] : memref<10240x32xf32, #tpu.memory_space<vmem_shared>> -> memref<10240x32xf32, #tpu.memory_space<vmem_shared>>
        tpu.enqueue_indirect_dma source(%dma_start3A_270 : memref<10240x32xf32, #tpu.memory_space<vmem_shared>>) target(%arg14 : memref<128x32xf32, #tpu.memory_space<vmem>>) offsets(%dma_start3A_267 : memref<128xi32, #tpu.memory_space<vmem>>) semaphore(%arg24 : memref<!tpu.dma_semaphore, #tpu.memory_space<semaphore_mem>>)
      } else {
      }
      %add3A_134 = arith.constant 2 : i32
      %add3A_135 = arith.addi %mul3A_95, %add3A_134 : i32
      %dma_wait3A_136 = arith.constant 0 : i32
      %dma_wait3A_137 = tpu.memref_slice %arg7[%add3A_135, %dma_wait3A_136] : memref<160x128xi32, #tpu.memory_space<vmem>> -> memref<1x128xi32, #tpu.memory_space<vmem>>
      %dma_wait3A_138 = tpu.memref_squeeze %dma_wait3A_137 : memref<1x128xi32, #tpu.memory_space<vmem>> -> memref<128xi32, #tpu.memory_space<vmem>>
      %dma_wait3A_139 = arith.constant 0 : i32
      %dma_wait3A_140 = arith.constant 0 : i32
      %dma_wait3A_141 = tpu.memref_slice %arg18[%dma_wait3A_139, %dma_wait3A_140] : memref<10240x32xf32, #tpu.memory_space<vmem_shared>> -> memref<10240x32xf32, #tpu.memory_space<vmem_shared>>
      tpu.wait_indirect_dma semaphore(%arg21 : memref<!tpu.dma_semaphore, #tpu.memory_space<semaphore_mem>>) src(%dma_wait3A_141 : memref<10240x32xf32, #tpu.memory_space<vmem_shared>>) dst(%arg11 : memref<128x32xf32, #tpu.memory_space<vmem>>)
      %dma_start3A_142 = arith.constant 0 : i32
      %dma_start3A_143 = tpu.memref_slice %arg8[%add3A_135, %dma_start3A_142] : memref<160x128xi32, #tpu.memory_space<vmem>> -> memref<1x128xi32, #tpu.memory_space<vmem>>
      %dma_start3A_144 = tpu.memref_squeeze %dma_start3A_143 : memref<1x128xi32, #tpu.memory_space<vmem>> -> memref<128xi32, #tpu.memory_space<vmem>>
      %dma_start3A_145 = arith.constant 0 : i32
      %dma_start3A_146 = arith.constant 0 : i32
      %dma_start3A_147 = tpu.memref_slice %arg17[%dma_start3A_145, %dma_start3A_146] : memref<10240x32xf32, #tpu.memory_space<vmem_shared>> -> memref<10240x32xf32, #tpu.memory_space<vmem_shared>>
      tpu.enqueue_indirect_dma source(%arg11 : memref<128x32xf32, #tpu.memory_space<vmem>>) target(%dma_start3A_147 : memref<10240x32xf32, #tpu.memory_space<vmem_shared>>) offsets(%dma_start3A_144 : memref<128xi32, #tpu.memory_space<vmem>>) semaphore(%arg29 : memref<!tpu.dma_semaphore, #tpu.memory_space<semaphore_mem>>) {add = true}
      %add3A_148 = arith.constant 4 : i32
      %add3A_149 = arith.addi %add3A_135, %add3A_148 : i32
      %lt3A_150 = arith.constant 160 : i32
      %lt3A_151 = arith.cmpi slt, %add3A_149, %lt3A_150 : i32
      %convert_element_type3A_152 = arith.extui %lt3A_151 : i1 to i32
      %cond3A_153 = arith.constant 0 : i32
      %cond3A_154 = arith.cmpi ne, %convert_element_type3A_152, %cond3A_153 : i32
      scf.if %cond3A_154 {
        %ge3A = arith.constant 8 : i32
        %ge3A_261 = arith.cmpi sge, %add3A_149, %ge3A : i32
        %convert_element_type3A_262 = arith.extui %ge3A_261 : i1 to i32
        %cond3A_263 = arith.constant 0 : i32
        %cond3A_264 = arith.cmpi ne, %convert_element_type3A_262, %cond3A_263 : i32
        scf.if %cond3A_264 {
          %dma_wait3A_271 = arith.constant 0 : i32
          %dma_wait3A_272 = arith.constant 0 : i32
          %dma_wait3A_273 = tpu.memref_slice %arg8[%dma_wait3A_271, %dma_wait3A_272] : memref<160x128xi32, #tpu.memory_space<vmem>> -> memref<1x128xi32, #tpu.memory_space<vmem>>
          %dma_wait3A_274 = tpu.memref_squeeze %dma_wait3A_273 : memref<1x128xi32, #tpu.memory_space<vmem>> -> memref<128xi32, #tpu.memory_space<vmem>>
          %dma_wait3A_275 = arith.constant 0 : i32
          %dma_wait3A_276 = arith.constant 0 : i32
          %dma_wait3A_277 = tpu.memref_slice %arg17[%dma_wait3A_275, %dma_wait3A_276] : memref<10240x32xf32, #tpu.memory_space<vmem_shared>> -> memref<10240x32xf32, #tpu.memory_space<vmem_shared>>
          tpu.wait_indirect_dma semaphore(%arg33 : memref<!tpu.dma_semaphore, #tpu.memory_space<semaphore_mem>>) src(%arg15 : memref<128x32xf32, #tpu.memory_space<vmem>>) dst(%dma_wait3A_277 : memref<10240x32xf32, #tpu.memory_space<vmem_shared>>)
        } else {
        }
        %dma_start3A_265 = arith.constant 0 : i32
        %dma_start3A_266 = tpu.memref_slice %arg7[%add3A_149, %dma_start3A_265] : memref<160x128xi32, #tpu.memory_space<vmem>> -> memref<1x128xi32, #tpu.memory_space<vmem>>
        %dma_start3A_267 = tpu.memref_squeeze %dma_start3A_266 : memref<1x128xi32, #tpu.memory_space<vmem>> -> memref<128xi32, #tpu.memory_space<vmem>>
        %dma_start3A_268 = arith.constant 0 : i32
        %dma_start3A_269 = arith.constant 0 : i32
        %dma_start3A_270 = tpu.memref_slice %arg18[%dma_start3A_268, %dma_start3A_269] : memref<10240x32xf32, #tpu.memory_space<vmem_shared>> -> memref<10240x32xf32, #tpu.memory_space<vmem_shared>>
        tpu.enqueue_indirect_dma source(%dma_start3A_270 : memref<10240x32xf32, #tpu.memory_space<vmem_shared>>) target(%arg15 : memref<128x32xf32, #tpu.memory_space<vmem>>) offsets(%dma_start3A_267 : memref<128xi32, #tpu.memory_space<vmem>>) semaphore(%arg25 : memref<!tpu.dma_semaphore, #tpu.memory_space<semaphore_mem>>)
      } else {
      }
      %add3A_155 = arith.constant 3 : i32
      %add3A_156 = arith.addi %mul3A_95, %add3A_155 : i32
      %dma_wait3A_157 = arith.constant 0 : i32
      %dma_wait3A_158 = tpu.memref_slice %arg7[%add3A_156, %dma_wait3A_157] : memref<160x128xi32, #tpu.memory_space<vmem>> -> memref<1x128xi32, #tpu.memory_space<vmem>>
      %dma_wait3A_159 = tpu.memref_squeeze %dma_wait3A_158 : memref<1x128xi32, #tpu.memory_space<vmem>> -> memref<128xi32, #tpu.memory_space<vmem>>
      %dma_wait3A_160 = arith.constant 0 : i32
      %dma_wait3A_161 = arith.constant 0 : i32
      %dma_wait3A_162 = tpu.memref_slice %arg18[%dma_wait3A_160, %dma_wait3A_161] : memref<10240x32xf32, #tpu.memory_space<vmem_shared>> -> memref<10240x32xf32, #tpu.memory_space<vmem_shared>>
      tpu.wait_indirect_dma semaphore(%arg22 : memref<!tpu.dma_semaphore, #tpu.memory_space<semaphore_mem>>) src(%dma_wait3A_162 : memref<10240x32xf32, #tpu.memory_space<vmem_shared>>) dst(%arg12 : memref<128x32xf32, #tpu.memory_space<vmem>>)
      %dma_start3A_163 = arith.constant 0 : i32
      %dma_start3A_164 = tpu.memref_slice %arg8[%add3A_156, %dma_start3A_163] : memref<160x128xi32, #tpu.memory_space<vmem>> -> memref<1x128xi32, #tpu.memory_space<vmem>>
      %dma_start3A_165 = tpu.memref_squeeze %dma_start3A_164 : memref<1x128xi32, #tpu.memory_space<vmem>> -> memref<128xi32, #tpu.memory_space<vmem>>
      %dma_start3A_166 = arith.constant 0 : i32
      %dma_start3A_167 = arith.constant 0 : i32
      %dma_start3A_168 = tpu.memref_slice %arg17[%dma_start3A_166, %dma_start3A_167] : memref<10240x32xf32, #tpu.memory_space<vmem_shared>> -> memref<10240x32xf32, #tpu.memory_space<vmem_shared>>
      tpu.enqueue_indirect_dma source(%arg12 : memref<128x32xf32, #tpu.memory_space<vmem>>) target(%dma_start3A_168 : memref<10240x32xf32, #tpu.memory_space<vmem_shared>>) offsets(%dma_start3A_165 : memref<128xi32, #tpu.memory_space<vmem>>) semaphore(%arg30 : memref<!tpu.dma_semaphore, #tpu.memory_space<semaphore_mem>>) {add = true}
      %add3A_169 = arith.constant 4 : i32
      %add3A_170 = arith.addi %add3A_156, %add3A_169 : i32
      %lt3A_171 = arith.constant 160 : i32
      %lt3A_172 = arith.cmpi slt, %add3A_170, %lt3A_171 : i32
      %convert_element_type3A_173 = arith.extui %lt3A_172 : i1 to i32
      %cond3A_174 = arith.constant 0 : i32
      %cond3A_175 = arith.cmpi ne, %convert_element_type3A_173, %cond3A_174 : i32
      scf.if %cond3A_175 {
        %ge3A = arith.constant 8 : i32
        %ge3A_261 = arith.cmpi sge, %add3A_170, %ge3A : i32
        %convert_element_type3A_262 = arith.extui %ge3A_261 : i1 to i32
        %cond3A_263 = arith.constant 0 : i32
        %cond3A_264 = arith.cmpi ne, %convert_element_type3A_262, %cond3A_263 : i32
        scf.if %cond3A_264 {
          %dma_wait3A_271 = arith.constant 0 : i32
          %dma_wait3A_272 = arith.constant 0 : i32
          %dma_wait3A_273 = tpu.memref_slice %arg8[%dma_wait3A_271, %dma_wait3A_272] : memref<160x128xi32, #tpu.memory_space<vmem>> -> memref<1x128xi32, #tpu.memory_space<vmem>>
          %dma_wait3A_274 = tpu.memref_squeeze %dma_wait3A_273 : memref<1x128xi32, #tpu.memory_space<vmem>> -> memref<128xi32, #tpu.memory_space<vmem>>
          %dma_wait3A_275 = arith.constant 0 : i32
          %dma_wait3A_276 = arith.constant 0 : i32
          %dma_wait3A_277 = tpu.memref_slice %arg17[%dma_wait3A_275, %dma_wait3A_276] : memref<10240x32xf32, #tpu.memory_space<vmem_shared>> -> memref<10240x32xf32, #tpu.memory_space<vmem_shared>>
          tpu.wait_indirect_dma semaphore(%arg34 : memref<!tpu.dma_semaphore, #tpu.memory_space<semaphore_mem>>) src(%arg16 : memref<128x32xf32, #tpu.memory_space<vmem>>) dst(%dma_wait3A_277 : memref<10240x32xf32, #tpu.memory_space<vmem_shared>>)
        } else {
        }
        %dma_start3A_265 = arith.constant 0 : i32
        %dma_start3A_266 = tpu.memref_slice %arg7[%add3A_170, %dma_start3A_265] : memref<160x128xi32, #tpu.memory_space<vmem>> -> memref<1x128xi32, #tpu.memory_space<vmem>>
        %dma_start3A_267 = tpu.memref_squeeze %dma_start3A_266 : memref<1x128xi32, #tpu.memory_space<vmem>> -> memref<128xi32, #tpu.memory_space<vmem>>
        %dma_start3A_268 = arith.constant 0 : i32
        %dma_start3A_269 = arith.constant 0 : i32
        %dma_start3A_270 = tpu.memref_slice %arg18[%dma_start3A_268, %dma_start3A_269] : memref<10240x32xf32, #tpu.memory_space<vmem_shared>> -> memref<10240x32xf32, #tpu.memory_space<vmem_shared>>
        tpu.enqueue_indirect_dma source(%dma_start3A_270 : memref<10240x32xf32, #tpu.memory_space<vmem_shared>>) target(%arg16 : memref<128x32xf32, #tpu.memory_space<vmem>>) offsets(%dma_start3A_267 : memref<128xi32, #tpu.memory_space<vmem>>) semaphore(%arg26 : memref<!tpu.dma_semaphore, #tpu.memory_space<semaphore_mem>>)
      } else {
      }
      %add3A_176 = arith.constant 4 : i32
      %add3A_177 = arith.addi %mul3A_95, %add3A_176 : i32
      %dma_wait3A_178 = arith.constant 0 : i32
      %dma_wait3A_179 = tpu.memref_slice %arg7[%add3A_177, %dma_wait3A_178] : memref<160x128xi32, #tpu.memory_space<vmem>> -> memref<1x128xi32, #tpu.memory_space<vmem>>
      %dma_wait3A_180 = tpu.memref_squeeze %dma_wait3A_179 : memref<1x128xi32, #tpu.memory_space<vmem>> -> memref<128xi32, #tpu.memory_space<vmem>>
      %dma_wait3A_181 = arith.constant 0 : i32
      %dma_wait3A_182 = arith.constant 0 : i32
      %dma_wait3A_183 = tpu.memref_slice %arg18[%dma_wait3A_181, %dma_wait3A_182] : memref<10240x32xf32, #tpu.memory_space<vmem_shared>> -> memref<10240x32xf32, #tpu.memory_space<vmem_shared>>
      tpu.wait_indirect_dma semaphore(%arg23 : memref<!tpu.dma_semaphore, #tpu.memory_space<semaphore_mem>>) src(%dma_wait3A_183 : memref<10240x32xf32, #tpu.memory_space<vmem_shared>>) dst(%arg13 : memref<128x32xf32, #tpu.memory_space<vmem>>)
      %dma_start3A_184 = arith.constant 0 : i32
      %dma_start3A_185 = tpu.memref_slice %arg8[%add3A_177, %dma_start3A_184] : memref<160x128xi32, #tpu.memory_space<vmem>> -> memref<1x128xi32, #tpu.memory_space<vmem>>
      %dma_start3A_186 = tpu.memref_squeeze %dma_start3A_185 : memref<1x128xi32, #tpu.memory_space<vmem>> -> memref<128xi32, #tpu.memory_space<vmem>>
      %dma_start3A_187 = arith.constant 0 : i32
      %dma_start3A_188 = arith.constant 0 : i32
      %dma_start3A_189 = tpu.memref_slice %arg17[%dma_start3A_187, %dma_start3A_188] : memref<10240x32xf32, #tpu.memory_space<vmem_shared>> -> memref<10240x32xf32, #tpu.memory_space<vmem_shared>>
      tpu.enqueue_indirect_dma source(%arg13 : memref<128x32xf32, #tpu.memory_space<vmem>>) target(%dma_start3A_189 : memref<10240x32xf32, #tpu.memory_space<vmem_shared>>) offsets(%dma_start3A_186 : memref<128xi32, #tpu.memory_space<vmem>>) semaphore(%arg31 : memref<!tpu.dma_semaphore, #tpu.memory_space<semaphore_mem>>) {add = true}
      %add3A_190 = arith.constant 4 : i32
      %add3A_191 = arith.addi %add3A_177, %add3A_190 : i32
      %lt3A_192 = arith.constant 160 : i32
      %lt3A_193 = arith.cmpi slt, %add3A_191, %lt3A_192 : i32
      %convert_element_type3A_194 = arith.extui %lt3A_193 : i1 to i32
      %cond3A_195 = arith.constant 0 : i32
      %cond3A_196 = arith.cmpi ne, %convert_element_type3A_194, %cond3A_195 : i32
      scf.if %cond3A_196 {
        %ge3A = arith.constant 8 : i32
        %ge3A_261 = arith.cmpi sge, %add3A_191, %ge3A : i32
        %convert_element_type3A_262 = arith.extui %ge3A_261 : i1 to i32
        %cond3A_263 = arith.constant 0 : i32
        %cond3A_264 = arith.cmpi ne, %convert_element_type3A_262, %cond3A_263 : i32
        scf.if %cond3A_264 {
          %dma_wait3A_271 = arith.constant 0 : i32
          %dma_wait3A_272 = arith.constant 0 : i32
          %dma_wait3A_273 = tpu.memref_slice %arg8[%dma_wait3A_271, %dma_wait3A_272] : memref<160x128xi32, #tpu.memory_space<vmem>> -> memref<1x128xi32, #tpu.memory_space<vmem>>
          %dma_wait3A_274 = tpu.memref_squeeze %dma_wait3A_273 : memref<1x128xi32, #tpu.memory_space<vmem>> -> memref<128xi32, #tpu.memory_space<vmem>>
          %dma_wait3A_275 = arith.constant 0 : i32
          %dma_wait3A_276 = arith.constant 0 : i32
          %dma_wait3A_277 = tpu.memref_slice %arg17[%dma_wait3A_275, %dma_wait3A_276] : memref<10240x32xf32, #tpu.memory_space<vmem_shared>> -> memref<10240x32xf32, #tpu.memory_space<vmem_shared>>
          tpu.wait_indirect_dma semaphore(%arg27 : memref<!tpu.dma_semaphore, #tpu.memory_space<semaphore_mem>>) src(%arg9 : memref<128x32xf32, #tpu.memory_space<vmem>>) dst(%dma_wait3A_277 : memref<10240x32xf32, #tpu.memory_space<vmem_shared>>)
        } else {
        }
        %dma_start3A_265 = arith.constant 0 : i32
        %dma_start3A_266 = tpu.memref_slice %arg7[%add3A_191, %dma_start3A_265] : memref<160x128xi32, #tpu.memory_space<vmem>> -> memref<1x128xi32, #tpu.memory_space<vmem>>
        %dma_start3A_267 = tpu.memref_squeeze %dma_start3A_266 : memref<1x128xi32, #tpu.memory_space<vmem>> -> memref<128xi32, #tpu.memory_space<vmem>>
        %dma_start3A_268 = arith.constant 0 : i32
        %dma_start3A_269 = arith.constant 0 : i32
        %dma_start3A_270 = tpu.memref_slice %arg18[%dma_start3A_268, %dma_start3A_269] : memref<10240x32xf32, #tpu.memory_space<vmem_shared>> -> memref<10240x32xf32, #tpu.memory_space<vmem_shared>>
        tpu.enqueue_indirect_dma source(%dma_start3A_270 : memref<10240x32xf32, #tpu.memory_space<vmem_shared>>) target(%arg9 : memref<128x32xf32, #tpu.memory_space<vmem>>) offsets(%dma_start3A_267 : memref<128xi32, #tpu.memory_space<vmem>>) semaphore(%arg19 : memref<!tpu.dma_semaphore, #tpu.memory_space<semaphore_mem>>)
      } else {
      }
      %add3A_197 = arith.constant 5 : i32
      %add3A_198 = arith.addi %mul3A_95, %add3A_197 : i32
      %dma_wait3A_199 = arith.constant 0 : i32
      %dma_wait3A_200 = tpu.memref_slice %arg7[%add3A_198, %dma_wait3A_199] : memref<160x128xi32, #tpu.memory_space<vmem>> -> memref<1x128xi32, #tpu.memory_space<vmem>>
      %dma_wait3A_201 = tpu.memref_squeeze %dma_wait3A_200 : memref<1x128xi32, #tpu.memory_space<vmem>> -> memref<128xi32, #tpu.memory_space<vmem>>
      %dma_wait3A_202 = arith.constant 0 : i32
      %dma_wait3A_203 = arith.constant 0 : i32
      %dma_wait3A_204 = tpu.memref_slice %arg18[%dma_wait3A_202, %dma_wait3A_203] : memref<10240x32xf32, #tpu.memory_space<vmem_shared>> -> memref<10240x32xf32, #tpu.memory_space<vmem_shared>>
      tpu.wait_indirect_dma semaphore(%arg24 : memref<!tpu.dma_semaphore, #tpu.memory_space<semaphore_mem>>) src(%dma_wait3A_204 : memref<10240x32xf32, #tpu.memory_space<vmem_shared>>) dst(%arg14 : memref<128x32xf32, #tpu.memory_space<vmem>>)
      %dma_start3A_205 = arith.constant 0 : i32
      %dma_start3A_206 = tpu.memref_slice %arg8[%add3A_198, %dma_start3A_205] : memref<160x128xi32, #tpu.memory_space<vmem>> -> memref<1x128xi32, #tpu.memory_space<vmem>>
      %dma_start3A_207 = tpu.memref_squeeze %dma_start3A_206 : memref<1x128xi32, #tpu.memory_space<vmem>> -> memref<128xi32, #tpu.memory_space<vmem>>
      %dma_start3A_208 = arith.constant 0 : i32
      %dma_start3A_209 = arith.constant 0 : i32
      %dma_start3A_210 = tpu.memref_slice %arg17[%dma_start3A_208, %dma_start3A_209] : memref<10240x32xf32, #tpu.memory_space<vmem_shared>> -> memref<10240x32xf32, #tpu.memory_space<vmem_shared>>
      tpu.enqueue_indirect_dma source(%arg14 : memref<128x32xf32, #tpu.memory_space<vmem>>) target(%dma_start3A_210 : memref<10240x32xf32, #tpu.memory_space<vmem_shared>>) offsets(%dma_start3A_207 : memref<128xi32, #tpu.memory_space<vmem>>) semaphore(%arg32 : memref<!tpu.dma_semaphore, #tpu.memory_space<semaphore_mem>>) {add = true}
      %add3A_211 = arith.constant 4 : i32
      %add3A_212 = arith.addi %add3A_198, %add3A_211 : i32
      %lt3A_213 = arith.constant 160 : i32
      %lt3A_214 = arith.cmpi slt, %add3A_212, %lt3A_213 : i32
      %convert_element_type3A_215 = arith.extui %lt3A_214 : i1 to i32
      %cond3A_216 = arith.constant 0 : i32
      %cond3A_217 = arith.cmpi ne, %convert_element_type3A_215, %cond3A_216 : i32
      scf.if %cond3A_217 {
        %ge3A = arith.constant 8 : i32
        %ge3A_261 = arith.cmpi sge, %add3A_212, %ge3A : i32
        %convert_element_type3A_262 = arith.extui %ge3A_261 : i1 to i32
        %cond3A_263 = arith.constant 0 : i32
        %cond3A_264 = arith.cmpi ne, %convert_element_type3A_262, %cond3A_263 : i32
        scf.if %cond3A_264 {
          %dma_wait3A_271 = arith.constant 0 : i32
          %dma_wait3A_272 = arith.constant 0 : i32
          %dma_wait3A_273 = tpu.memref_slice %arg8[%dma_wait3A_271, %dma_wait3A_272] : memref<160x128xi32, #tpu.memory_space<vmem>> -> memref<1x128xi32, #tpu.memory_space<vmem>>
          %dma_wait3A_274 = tpu.memref_squeeze %dma_wait3A_273 : memref<1x128xi32, #tpu.memory_space<vmem>> -> memref<128xi32, #tpu.memory_space<vmem>>
          %dma_wait3A_275 = arith.constant 0 : i32
          %dma_wait3A_276 = arith.constant 0 : i32
          %dma_wait3A_277 = tpu.memref_slice %arg17[%dma_wait3A_275, %dma_wait3A_276] : memref<10240x32xf32, #tpu.memory_space<vmem_shared>> -> memref<10240x32xf32, #tpu.memory_space<vmem_shared>>
          tpu.wait_indirect_dma semaphore(%arg28 : memref<!tpu.dma_semaphore, #tpu.memory_space<semaphore_mem>>) src(%arg10 : memref<128x32xf32, #tpu.memory_space<vmem>>) dst(%dma_wait3A_277 : memref<10240x32xf32, #tpu.memory_space<vmem_shared>>)
        } else {
        }
        %dma_start3A_265 = arith.constant 0 : i32
        %dma_start3A_266 = tpu.memref_slice %arg7[%add3A_212, %dma_start3A_265] : memref<160x128xi32, #tpu.memory_space<vmem>> -> memref<1x128xi32, #tpu.memory_space<vmem>>
        %dma_start3A_267 = tpu.memref_squeeze %dma_start3A_266 : memref<1x128xi32, #tpu.memory_space<vmem>> -> memref<128xi32, #tpu.memory_space<vmem>>
        %dma_start3A_268 = arith.constant 0 : i32
        %dma_start3A_269 = arith.constant 0 : i32
        %dma_start3A_270 = tpu.memref_slice %arg18[%dma_start3A_268, %dma_start3A_269] : memref<10240x32xf32, #tpu.memory_space<vmem_shared>> -> memref<10240x32xf32, #tpu.memory_space<vmem_shared>>
        tpu.enqueue_indirect_dma source(%dma_start3A_270 : memref<10240x32xf32, #tpu.memory_space<vmem_shared>>) target(%arg10 : memref<128x32xf32, #tpu.memory_space<vmem>>) offsets(%dma_start3A_267 : memref<128xi32, #tpu.memory_space<vmem>>) semaphore(%arg20 : memref<!tpu.dma_semaphore, #tpu.memory_space<semaphore_mem>>)
      } else {
      }
      %add3A_218 = arith.constant 6 : i32
      %add3A_219 = arith.addi %mul3A_95, %add3A_218 : i32
      %dma_wait3A_220 = arith.constant 0 : i32
      %dma_wait3A_221 = tpu.memref_slice %arg7[%add3A_219, %dma_wait3A_220] : memref<160x128xi32, #tpu.memory_space<vmem>> -> memref<1x128xi32, #tpu.memory_space<vmem>>
      %dma_wait3A_222 = tpu.memref_squeeze %dma_wait3A_221 : memref<1x128xi32, #tpu.memory_space<vmem>> -> memref<128xi32, #tpu.memory_space<vmem>>
      %dma_wait3A_223 = arith.constant 0 : i32
      %dma_wait3A_224 = arith.constant 0 : i32
      %dma_wait3A_225 = tpu.memref_slice %arg18[%dma_wait3A_223, %dma_wait3A_224] : memref<10240x32xf32, #tpu.memory_space<vmem_shared>> -> memref<10240x32xf32, #tpu.memory_space<vmem_shared>>
      tpu.wait_indirect_dma semaphore(%arg25 : memref<!tpu.dma_semaphore, #tpu.memory_space<semaphore_mem>>) src(%dma_wait3A_225 : memref<10240x32xf32, #tpu.memory_space<vmem_shared>>) dst(%arg15 : memref<128x32xf32, #tpu.memory_space<vmem>>)
      %dma_start3A_226 = arith.constant 0 : i32
      %dma_start3A_227 = tpu.memref_slice %arg8[%add3A_219, %dma_start3A_226] : memref<160x128xi32, #tpu.memory_space<vmem>> -> memref<1x128xi32, #tpu.memory_space<vmem>>
      %dma_start3A_228 = tpu.memref_squeeze %dma_start3A_227 : memref<1x128xi32, #tpu.memory_space<vmem>> -> memref<128xi32, #tpu.memory_space<vmem>>
      %dma_start3A_229 = arith.constant 0 : i32
      %dma_start3A_230 = arith.constant 0 : i32
      %dma_start3A_231 = tpu.memref_slice %arg17[%dma_start3A_229, %dma_start3A_230] : memref<10240x32xf32, #tpu.memory_space<vmem_shared>> -> memref<10240x32xf32, #tpu.memory_space<vmem_shared>>
      tpu.enqueue_indirect_dma source(%arg15 : memref<128x32xf32, #tpu.memory_space<vmem>>) target(%dma_start3A_231 : memref<10240x32xf32, #tpu.memory_space<vmem_shared>>) offsets(%dma_start3A_228 : memref<128xi32, #tpu.memory_space<vmem>>) semaphore(%arg33 : memref<!tpu.dma_semaphore, #tpu.memory_space<semaphore_mem>>) {add = true}
      %add3A_232 = arith.constant 4 : i32
      %add3A_233 = arith.addi %add3A_219, %add3A_232 : i32
      %lt3A_234 = arith.constant 160 : i32
      %lt3A_235 = arith.cmpi slt, %add3A_233, %lt3A_234 : i32
      %convert_element_type3A_236 = arith.extui %lt3A_235 : i1 to i32
      %cond3A_237 = arith.constant 0 : i32
      %cond3A_238 = arith.cmpi ne, %convert_element_type3A_236, %cond3A_237 : i32
      scf.if %cond3A_238 {
        %ge3A = arith.constant 8 : i32
        %ge3A_261 = arith.cmpi sge, %add3A_233, %ge3A : i32
        %convert_element_type3A_262 = arith.extui %ge3A_261 : i1 to i32
        %cond3A_263 = arith.constant 0 : i32
        %cond3A_264 = arith.cmpi ne, %convert_element_type3A_262, %cond3A_263 : i32
        scf.if %cond3A_264 {
          %dma_wait3A_271 = arith.constant 0 : i32
          %dma_wait3A_272 = arith.constant 0 : i32
          %dma_wait3A_273 = tpu.memref_slice %arg8[%dma_wait3A_271, %dma_wait3A_272] : memref<160x128xi32, #tpu.memory_space<vmem>> -> memref<1x128xi32, #tpu.memory_space<vmem>>
          %dma_wait3A_274 = tpu.memref_squeeze %dma_wait3A_273 : memref<1x128xi32, #tpu.memory_space<vmem>> -> memref<128xi32, #tpu.memory_space<vmem>>
          %dma_wait3A_275 = arith.constant 0 : i32
          %dma_wait3A_276 = arith.constant 0 : i32
          %dma_wait3A_277 = tpu.memref_slice %arg17[%dma_wait3A_275, %dma_wait3A_276] : memref<10240x32xf32, #tpu.memory_space<vmem_shared>> -> memref<10240x32xf32, #tpu.memory_space<vmem_shared>>
          tpu.wait_indirect_dma semaphore(%arg29 : memref<!tpu.dma_semaphore, #tpu.memory_space<semaphore_mem>>) src(%arg11 : memref<128x32xf32, #tpu.memory_space<vmem>>) dst(%dma_wait3A_277 : memref<10240x32xf32, #tpu.memory_space<vmem_shared>>)
        } else {
        }
        %dma_start3A_265 = arith.constant 0 : i32
        %dma_start3A_266 = tpu.memref_slice %arg7[%add3A_233, %dma_start3A_265] : memref<160x128xi32, #tpu.memory_space<vmem>> -> memref<1x128xi32, #tpu.memory_space<vmem>>
        %dma_start3A_267 = tpu.memref_squeeze %dma_start3A_266 : memref<1x128xi32, #tpu.memory_space<vmem>> -> memref<128xi32, #tpu.memory_space<vmem>>
        %dma_start3A_268 = arith.constant 0 : i32
        %dma_start3A_269 = arith.constant 0 : i32
        %dma_start3A_270 = tpu.memref_slice %arg18[%dma_start3A_268, %dma_start3A_269] : memref<10240x32xf32, #tpu.memory_space<vmem_shared>> -> memref<10240x32xf32, #tpu.memory_space<vmem_shared>>
        tpu.enqueue_indirect_dma source(%dma_start3A_270 : memref<10240x32xf32, #tpu.memory_space<vmem_shared>>) target(%arg11 : memref<128x32xf32, #tpu.memory_space<vmem>>) offsets(%dma_start3A_267 : memref<128xi32, #tpu.memory_space<vmem>>) semaphore(%arg21 : memref<!tpu.dma_semaphore, #tpu.memory_space<semaphore_mem>>)
      } else {
      }
      %add3A_239 = arith.constant 7 : i32
      %add3A_240 = arith.addi %mul3A_95, %add3A_239 : i32
      %dma_wait3A_241 = arith.constant 0 : i32
      %dma_wait3A_242 = tpu.memref_slice %arg7[%add3A_240, %dma_wait3A_241] : memref<160x128xi32, #tpu.memory_space<vmem>> -> memref<1x128xi32, #tpu.memory_space<vmem>>
      %dma_wait3A_243 = tpu.memref_squeeze %dma_wait3A_242 : memref<1x128xi32, #tpu.memory_space<vmem>> -> memref<128xi32, #tpu.memory_space<vmem>>
      %dma_wait3A_244 = arith.constant 0 : i32
      %dma_wait3A_245 = arith.constant 0 : i32
      %dma_wait3A_246 = tpu.memref_slice %arg18[%dma_wait3A_244, %dma_wait3A_245] : memref<10240x32xf32, #tpu.memory_space<vmem_shared>> -> memref<10240x32xf32, #tpu.memory_space<vmem_shared>>
      tpu.wait_indirect_dma semaphore(%arg26 : memref<!tpu.dma_semaphore, #tpu.memory_space<semaphore_mem>>) src(%dma_wait3A_246 : memref<10240x32xf32, #tpu.memory_space<vmem_shared>>) dst(%arg16 : memref<128x32xf32, #tpu.memory_space<vmem>>)
      %dma_start3A_247 = arith.constant 0 : i32
      %dma_start3A_248 = tpu.memref_slice %arg8[%add3A_240, %dma_start3A_247] : memref<160x128xi32, #tpu.memory_space<vmem>> -> memref<1x128xi32, #tpu.memory_space<vmem>>
      %dma_start3A_249 = tpu.memref_squeeze %dma_start3A_248 : memref<1x128xi32, #tpu.memory_space<vmem>> -> memref<128xi32, #tpu.memory_space<vmem>>
      %dma_start3A_250 = arith.constant 0 : i32
      %dma_start3A_251 = arith.constant 0 : i32
      %dma_start3A_252 = tpu.memref_slice %arg17[%dma_start3A_250, %dma_start3A_251] : memref<10240x32xf32, #tpu.memory_space<vmem_shared>> -> memref<10240x32xf32, #tpu.memory_space<vmem_shared>>
      tpu.enqueue_indirect_dma source(%arg16 : memref<128x32xf32, #tpu.memory_space<vmem>>) target(%dma_start3A_252 : memref<10240x32xf32, #tpu.memory_space<vmem_shared>>) offsets(%dma_start3A_249 : memref<128xi32, #tpu.memory_space<vmem>>) semaphore(%arg34 : memref<!tpu.dma_semaphore, #tpu.memory_space<semaphore_mem>>) {add = true}
      %add3A_253 = arith.constant 4 : i32
      %add3A_254 = arith.addi %add3A_240, %add3A_253 : i32
      %lt3A_255 = arith.constant 160 : i32
      %lt3A_256 = arith.cmpi slt, %add3A_254, %lt3A_255 : i32
      %convert_element_type3A_257 = arith.extui %lt3A_256 : i1 to i32
      %cond3A_258 = arith.constant 0 : i32
      %cond3A_259 = arith.cmpi ne, %convert_element_type3A_257, %cond3A_258 : i32
      scf.if %cond3A_259 {
        %ge3A = arith.constant 8 : i32
        %ge3A_261 = arith.cmpi sge, %add3A_254, %ge3A : i32
        %convert_element_type3A_262 = arith.extui %ge3A_261 : i1 to i32
        %cond3A_263 = arith.constant 0 : i32
        %cond3A_264 = arith.cmpi ne, %convert_element_type3A_262, %cond3A_263 : i32
        scf.if %cond3A_264 {
          %dma_wait3A_271 = arith.constant 0 : i32
          %dma_wait3A_272 = arith.constant 0 : i32
          %dma_wait3A_273 = tpu.memref_slice %arg8[%dma_wait3A_271, %dma_wait3A_272] : memref<160x128xi32, #tpu.memory_space<vmem>> -> memref<1x128xi32, #tpu.memory_space<vmem>>
          %dma_wait3A_274 = tpu.memref_squeeze %dma_wait3A_273 : memref<1x128xi32, #tpu.memory_space<vmem>> -> memref<128xi32, #tpu.memory_space<vmem>>
          %dma_wait3A_275 = arith.constant 0 : i32
          %dma_wait3A_276 = arith.constant 0 : i32
          %dma_wait3A_277 = tpu.memref_slice %arg17[%dma_wait3A_275, %dma_wait3A_276] : memref<10240x32xf32, #tpu.memory_space<vmem_shared>> -> memref<10240x32xf32, #tpu.memory_space<vmem_shared>>
          tpu.wait_indirect_dma semaphore(%arg30 : memref<!tpu.dma_semaphore, #tpu.memory_space<semaphore_mem>>) src(%arg12 : memref<128x32xf32, #tpu.memory_space<vmem>>) dst(%dma_wait3A_277 : memref<10240x32xf32, #tpu.memory_space<vmem_shared>>)
        } else {
        }
        %dma_start3A_265 = arith.constant 0 : i32
        %dma_start3A_266 = tpu.memref_slice %arg7[%add3A_254, %dma_start3A_265] : memref<160x128xi32, #tpu.memory_space<vmem>> -> memref<1x128xi32, #tpu.memory_space<vmem>>
        %dma_start3A_267 = tpu.memref_squeeze %dma_start3A_266 : memref<1x128xi32, #tpu.memory_space<vmem>> -> memref<128xi32, #tpu.memory_space<vmem>>
        %dma_start3A_268 = arith.constant 0 : i32
        %dma_start3A_269 = arith.constant 0 : i32
        %dma_start3A_270 = tpu.memref_slice %arg18[%dma_start3A_268, %dma_start3A_269] : memref<10240x32xf32, #tpu.memory_space<vmem_shared>> -> memref<10240x32xf32, #tpu.memory_space<vmem_shared>>
        tpu.enqueue_indirect_dma source(%dma_start3A_270 : memref<10240x32xf32, #tpu.memory_space<vmem_shared>>) target(%arg12 : memref<128x32xf32, #tpu.memory_space<vmem>>) offsets(%dma_start3A_267 : memref<128xi32, #tpu.memory_space<vmem>>) semaphore(%arg22 : memref<!tpu.dma_semaphore, #tpu.memory_space<semaphore_mem>>)
      } else {
      }
      %scan3A_260 = arith.constant 0 : i32
      scf.yield %scan3A_260 : i32
    }
    %scan3A_35 = arith.constant 20 : i32
    %dma_wait3A = arith.constant 0 : i32
    %dma_wait3A_36 = arith.constant 0 : i32
    %dma_wait3A_37 = tpu.memref_slice %arg8[%dma_wait3A, %dma_wait3A_36] : memref<160x128xi32, #tpu.memory_space<vmem>> -> memref<1x128xi32, #tpu.memory_space<vmem>>
    %dma_wait3A_38 = tpu.memref_squeeze %dma_wait3A_37 : memref<1x128xi32, #tpu.memory_space<vmem>> -> memref<128xi32, #tpu.memory_space<vmem>>
    %dma_wait3A_39 = arith.constant 0 : i32
    %dma_wait3A_40 = arith.constant 0 : i32
    %dma_wait3A_41 = tpu.memref_slice %arg17[%dma_wait3A_39, %dma_wait3A_40] : memref<10240x32xf32, #tpu.memory_space<vmem_shared>> -> memref<10240x32xf32, #tpu.memory_space<vmem_shared>>
    tpu.wait_indirect_dma semaphore(%arg27 : memref<!tpu.dma_semaphore, #tpu.memory_space<semaphore_mem>>) src(%arg9 : memref<128x32xf32, #tpu.memory_space<vmem>>) dst(%dma_wait3A_41 : memref<10240x32xf32, #tpu.memory_space<vmem_shared>>)
    %dma_wait3A_42 = arith.constant 0 : i32
    %dma_wait3A_43 = arith.constant 0 : i32
    %dma_wait3A_44 = tpu.memref_slice %arg8[%dma_wait3A_42, %dma_wait3A_43] : memref<160x128xi32, #tpu.memory_space<vmem>> -> memref<1x128xi32, #tpu.memory_space<vmem>>
    %dma_wait3A_45 = tpu.memref_squeeze %dma_wait3A_44 : memref<1x128xi32, #tpu.memory_space<vmem>> -> memref<128xi32, #tpu.memory_space<vmem>>
    %dma_wait3A_46 = arith.constant 0 : i32
    %dma_wait3A_47 = arith.constant 0 : i32
    %dma_wait3A_48 = tpu.memref_slice %arg17[%dma_wait3A_46, %dma_wait3A_47] : memref<10240x32xf32, #tpu.memory_space<vmem_shared>> -> memref<10240x32xf32, #tpu.memory_space<vmem_shared>>
    tpu.wait_indirect_dma semaphore(%arg28 : memref<!tpu.dma_semaphore, #tpu.memory_space<semaphore_mem>>) src(%arg10 : memref<128x32xf32, #tpu.memory_space<vmem>>) dst(%dma_wait3A_48 : memref<10240x32xf32, #tpu.memory_space<vmem_shared>>)
    %dma_wait3A_49 = arith.constant 0 : i32
    %dma_wait3A_50 = arith.constant 0 : i32
    %dma_wait3A_51 = tpu.memref_slice %arg8[%dma_wait3A_49, %dma_wait3A_50] : memref<160x128xi32, #tpu.memory_space<vmem>> -> memref<1x128xi32, #tpu.memory_space<vmem>>
    %dma_wait3A_52 = tpu.memref_squeeze %dma_wait3A_51 : memref<1x128xi32, #tpu.memory_space<vmem>> -> memref<128xi32, #tpu.memory_space<vmem>>
    %dma_wait3A_53 = arith.constant 0 : i32
    %dma_wait3A_54 = arith.constant 0 : i32
    %dma_wait3A_55 = tpu.memref_slice %arg17[%dma_wait3A_53, %dma_wait3A_54] : memref<10240x32xf32, #tpu.memory_space<vmem_shared>> -> memref<10240x32xf32, #tpu.memory_space<vmem_shared>>
    tpu.wait_indirect_dma semaphore(%arg29 : memref<!tpu.dma_semaphore, #tpu.memory_space<semaphore_mem>>) src(%arg11 : memref<128x32xf32, #tpu.memory_space<vmem>>) dst(%dma_wait3A_55 : memref<10240x32xf32, #tpu.memory_space<vmem_shared>>)
    %dma_wait3A_56 = arith.constant 0 : i32
    %dma_wait3A_57 = arith.constant 0 : i32
    %dma_wait3A_58 = tpu.memref_slice %arg8[%dma_wait3A_56, %dma_wait3A_57] : memref<160x128xi32, #tpu.memory_space<vmem>> -> memref<1x128xi32, #tpu.memory_space<vmem>>
    %dma_wait3A_59 = tpu.memref_squeeze %dma_wait3A_58 : memref<1x128xi32, #tpu.memory_space<vmem>> -> memref<128xi32, #tpu.memory_space<vmem>>
    %dma_wait3A_60 = arith.constant 0 : i32
    %dma_wait3A_61 = arith.constant 0 : i32
    %dma_wait3A_62 = tpu.memref_slice %arg17[%dma_wait3A_60, %dma_wait3A_61] : memref<10240x32xf32, #tpu.memory_space<vmem_shared>> -> memref<10240x32xf32, #tpu.memory_space<vmem_shared>>
    tpu.wait_indirect_dma semaphore(%arg30 : memref<!tpu.dma_semaphore, #tpu.memory_space<semaphore_mem>>) src(%arg12 : memref<128x32xf32, #tpu.memory_space<vmem>>) dst(%dma_wait3A_62 : memref<10240x32xf32, #tpu.memory_space<vmem_shared>>)
    %dma_wait3A_63 = arith.constant 0 : i32
    %dma_wait3A_64 = arith.constant 0 : i32
    %dma_wait3A_65 = tpu.memref_slice %arg8[%dma_wait3A_63, %dma_wait3A_64] : memref<160x128xi32, #tpu.memory_space<vmem>> -> memref<1x128xi32, #tpu.memory_space<vmem>>
    %dma_wait3A_66 = tpu.memref_squeeze %dma_wait3A_65 : memref<1x128xi32, #tpu.memory_space<vmem>> -> memref<128xi32, #tpu.memory_space<vmem>>
    %dma_wait3A_67 = arith.constant 0 : i32
    %dma_wait3A_68 = arith.constant 0 : i32
    %dma_wait3A_69 = tpu.memref_slice %arg17[%dma_wait3A_67, %dma_wait3A_68] : memref<10240x32xf32, #tpu.memory_space<vmem_shared>> -> memref<10240x32xf32, #tpu.memory_space<vmem_shared>>
    tpu.wait_indirect_dma semaphore(%arg31 : memref<!tpu.dma_semaphore, #tpu.memory_space<semaphore_mem>>) src(%arg13 : memref<128x32xf32, #tpu.memory_space<vmem>>) dst(%dma_wait3A_69 : memref<10240x32xf32, #tpu.memory_space<vmem_shared>>)
    %dma_wait3A_70 = arith.constant 0 : i32
    %dma_wait3A_71 = arith.constant 0 : i32
    %dma_wait3A_72 = tpu.memref_slice %arg8[%dma_wait3A_70, %dma_wait3A_71] : memref<160x128xi32, #tpu.memory_space<vmem>> -> memref<1x128xi32, #tpu.memory_space<vmem>>
    %dma_wait3A_73 = tpu.memref_squeeze %dma_wait3A_72 : memref<1x128xi32, #tpu.memory_space<vmem>> -> memref<128xi32, #tpu.memory_space<vmem>>
    %dma_wait3A_74 = arith.constant 0 : i32
    %dma_wait3A_75 = arith.constant 0 : i32
    %dma_wait3A_76 = tpu.memref_slice %arg17[%dma_wait3A_74, %dma_wait3A_75] : memref<10240x32xf32, #tpu.memory_space<vmem_shared>> -> memref<10240x32xf32, #tpu.memory_space<vmem_shared>>
    tpu.wait_indirect_dma semaphore(%arg32 : memref<!tpu.dma_semaphore, #tpu.memory_space<semaphore_mem>>) src(%arg14 : memref<128x32xf32, #tpu.memory_space<vmem>>) dst(%dma_wait3A_76 : memref<10240x32xf32, #tpu.memory_space<vmem_shared>>)
    %dma_wait3A_77 = arith.constant 0 : i32
    %dma_wait3A_78 = arith.constant 0 : i32
    %dma_wait3A_79 = tpu.memref_slice %arg8[%dma_wait3A_77, %dma_wait3A_78] : memref<160x128xi32, #tpu.memory_space<vmem>> -> memref<1x128xi32, #tpu.memory_space<vmem>>
    %dma_wait3A_80 = tpu.memref_squeeze %dma_wait3A_79 : memref<1x128xi32, #tpu.memory_space<vmem>> -> memref<128xi32, #tpu.memory_space<vmem>>
    %dma_wait3A_81 = arith.constant 0 : i32
    %dma_wait3A_82 = arith.constant 0 : i32
    %dma_wait3A_83 = tpu.memref_slice %arg17[%dma_wait3A_81, %dma_wait3A_82] : memref<10240x32xf32, #tpu.memory_space<vmem_shared>> -> memref<10240x32xf32, #tpu.memory_space<vmem_shared>>
    tpu.wait_indirect_dma semaphore(%arg33 : memref<!tpu.dma_semaphore, #tpu.memory_space<semaphore_mem>>) src(%arg15 : memref<128x32xf32, #tpu.memory_space<vmem>>) dst(%dma_wait3A_83 : memref<10240x32xf32, #tpu.memory_space<vmem_shared>>)
    %dma_wait3A_84 = arith.constant 0 : i32
    %dma_wait3A_85 = arith.constant 0 : i32
    %dma_wait3A_86 = tpu.memref_slice %arg8[%dma_wait3A_84, %dma_wait3A_85] : memref<160x128xi32, #tpu.memory_space<vmem>> -> memref<1x128xi32, #tpu.memory_space<vmem>>
    %dma_wait3A_87 = tpu.memref_squeeze %dma_wait3A_86 : memref<1x128xi32, #tpu.memory_space<vmem>> -> memref<128xi32, #tpu.memory_space<vmem>>
    %dma_wait3A_88 = arith.constant 0 : i32
    %dma_wait3A_89 = arith.constant 0 : i32
    %dma_wait3A_90 = tpu.memref_slice %arg17[%dma_wait3A_88, %dma_wait3A_89] : memref<10240x32xf32, #tpu.memory_space<vmem_shared>> -> memref<10240x32xf32, #tpu.memory_space<vmem_shared>>
    tpu.wait_indirect_dma semaphore(%arg34 : memref<!tpu.dma_semaphore, #tpu.memory_space<semaphore_mem>>) src(%arg16 : memref<128x32xf32, #tpu.memory_space<vmem>>) dst(%dma_wait3A_90 : memref<10240x32xf32, #tpu.memory_space<vmem_shared>>)
    %barrier3A_91 = arith.constant 0 : index
    tpu.barrier barrier_id(%barrier3A_91)
    "tpu.region"() ({
      %run_scoped3A = tpu.sem_alloc : memref<!tpu.dma_semaphore, #tpu.memory_space<semaphore_mem>>
      %dma_start3A_92 = arith.constant 0 : i32
      %dma_start3A_93 = tpu.memref_slice %arg6[%arg0, %mul3A_2, %dma_start3A_92] : memref<2x10240x32xf32, #tpu.memory_space<hbm>> -> memref<1x640x32xf32, #tpu.memory_space<hbm>>
      %dma_start3A_94 = tpu.memref_squeeze %dma_start3A_93 : memref<1x640x32xf32, #tpu.memory_space<hbm>> -> memref<640x32xf32, #tpu.memory_space<hbm>>
      %dma_start3A_95 = arith.constant 0 : i32
      %dma_start3A_96 = tpu.memref_slice %arg17[%mul3A_2, %dma_start3A_95] : memref<10240x32xf32, #tpu.memory_space<vmem_shared>> -> memref<640x32xf32, #tpu.memory_space<vmem_shared>>
      tpu.enqueue_dma source(%dma_start3A_96 : memref<640x32xf32, #tpu.memory_space<vmem_shared>>) target(%dma_start3A_94 : memref<640x32xf32, #tpu.memory_space<hbm>>) target_semaphore(%run_scoped3A : memref<!tpu.dma_semaphore, #tpu.memory_space<semaphore_mem>>)
      %dma_wait3A_97 = arith.constant 0 : i32
      %dma_wait3A_98 = tpu.memref_slice %arg6[%arg0, %mul3A_2, %dma_wait3A_97] : memref<2x10240x32xf32, #tpu.memory_space<hbm>> -> memref<1x640x32xf32, #tpu.memory_space<hbm>>
      %dma_wait3A_99 = tpu.memref_squeeze %dma_wait3A_98 : memref<1x640x32xf32, #tpu.memory_space<hbm>> -> memref<640x32xf32, #tpu.memory_space<hbm>>
      %dma_wait3A_100 = arith.constant 0 : i32
      %dma_wait3A_101 = tpu.memref_slice %arg17[%mul3A_2, %dma_wait3A_100] : memref<10240x32xf32, #tpu.memory_space<vmem_shared>> -> memref<640x32xf32, #tpu.memory_space<vmem_shared>>
      tpu.wait_dma2 semaphore(%run_scoped3A : memref<!tpu.dma_semaphore, #tpu.memory_space<semaphore_mem>>) src(%dma_wait3A_101 : memref<640x32xf32, #tpu.memory_space<vmem_shared>>) dst(%dma_wait3A_99 : memref<640x32xf32, #tpu.memory_space<hbm>>)
      tpu.yield
    }) : () -> ()
    return
  }
}

#map = affine_map<(d0, d1) -> (0, 0)>
#map1 = affine_map<(d0, d1) -> (0, 0, 0)>
module attributes {stable_mosaic.version = 14 : i64} {
  func.func @_scatter_kernel(%arg0: i32, %arg1: i32, %arg2: memref<2560x128xi32, #tpu.memory_space<hbm>>, %arg3: memref<2560x128xi32, #tpu.memory_space<hbm>>, %arg4: memref<2x10240x32xf32, #tpu.memory_space<hbm>>, %arg5: memref<10240x32xf32, #tpu.memory_space<hbm>>, %arg6: memref<2x10240x32xf32, #tpu.memory_space<hbm>>, %arg7: memref<160x128xi32, #tpu.memory_space<vmem>>, %arg8: memref<160x128xi32, #tpu.memory_space<vmem>>, %arg9: memref<128x32xf32, #tpu.memory_space<vmem>>, %arg10: memref<128x32xf32, #tpu.memory_space<vmem>>, %arg11: memref<128x32xf32, #tpu.memory_space<vmem>>, %arg12: memref<128x32xf32, #tpu.memory_space<vmem>>, %arg13: memref<128x32xf32, #tpu.memory_space<vmem>>, %arg14: memref<128x32xf32, #tpu.memory_space<vmem>>, %arg15: memref<128x32xf32, #tpu.memory_space<vmem>>, %arg16: memref<128x32xf32, #tpu.memory_space<vmem>>, %arg17: memref<10240x32xf32, #tpu.memory_space<vmem_shared>>, %arg18: memref<10240x32xf32, #tpu.memory_space<vmem_shared>>, %arg19: memref<!tpu.dma_semaphore, #tpu.memory_space<semaphore_mem>>, %arg20: memref<!tpu.dma_semaphore, #tpu.memory_space<semaphore_mem>>, %arg21: memref<!tpu.dma_semaphore, #tpu.memory_space<semaphore_mem>>, %arg22: memref<!tpu.dma_semaphore, #tpu.memory_space<semaphore_mem>>, %arg23: memref<!tpu.dma_semaphore, #tpu.memory_space<semaphore_mem>>, %arg24: memref<!tpu.dma_semaphore, #tpu.memory_space<semaphore_mem>>, %arg25: memref<!tpu.dma_semaphore, #tpu.memory_space<semaphore_mem>>, %arg26: memref<!tpu.dma_semaphore, #tpu.memory_space<semaphore_mem>>, %arg27: memref<!tpu.dma_semaphore, #tpu.memory_space<semaphore_mem>>, %arg28: memref<!tpu.dma_semaphore, #tpu.memory_space<semaphore_mem>>, %arg29: memref<!tpu.dma_semaphore, #tpu.memory_space<semaphore_mem>>, %arg30: memref<!tpu.dma_semaphore, #tpu.memory_space<semaphore_mem>>, %arg31: memref<!tpu.dma_semaphore, #tpu.memory_space<semaphore_mem>>, %arg32: memref<!tpu.dma_semaphore, #tpu.memory_space<semaphore_mem>>, %arg33: memref<!tpu.dma_semaphore, #tpu.memory_space<semaphore_mem>>, %arg34: memref<!tpu.dma_semaphore, #tpu.memory_space<semaphore_mem>>) attributes {dimension_semantics = [#tpu.dimension_semantics<core_parallel>, #tpu.dimension_semantics<subcore_parallel>], iteration_bounds = array<i64: 2, 16>, scalar_prefetch = 0 : i64, scratch_operands = 28 : i64, tpu.core_type = #tpu.core_type<sc_vector_subcore>, window_params = [{transform_indices = #map}, {transform_indices = #map}, {transform_indices = #map1}, {transform_indices = #map}, {transform_indices = #map1}]} {
    %mul3A = arith.constant 160 : i32
    %mul3A_0 = arith.muli %arg1, %mul3A : i32
    %mul3A_1 = arith.constant 640 : i32
    %mul3A_2 = arith.muli %arg1, %mul3A_1 : i32
    "tpu.region"() ({
      %run_scoped3A = tpu.sem_alloc : memref<!tpu.dma_semaphore, #tpu.memory_space<semaphore_mem>>
      %dma_start3A_92 = arith.constant 0 : i32
      %dma_start3A_93 = tpu.memref_slice %arg17[%mul3A_2, %dma_start3A_92] : memref<10240x32xf32, #tpu.memory_space<vmem_shared>> -> memref<640x32xf32, #tpu.memory_space<vmem_shared>>
      %dma_start3A_94 = arith.constant 0 : i32
      %dma_start3A_95 = tpu.memref_slice %arg5[%mul3A_2, %dma_start3A_94] : memref<10240x32xf32, #tpu.memory_space<hbm>> -> memref<640x32xf32, #tpu.memory_space<hbm>>
      tpu.enqueue_dma source(%dma_start3A_95 : memref<640x32xf32, #tpu.memory_space<hbm>>) target(%dma_start3A_93 : memref<640x32xf32, #tpu.memory_space<vmem_shared>>) target_semaphore(%run_scoped3A : memref<!tpu.dma_semaphore, #tpu.memory_space<semaphore_mem>>)
      %dma_wait3A_96 = arith.constant 0 : i32
      %dma_wait3A_97 = tpu.memref_slice %arg17[%mul3A_2, %dma_wait3A_96] : memref<10240x32xf32, #tpu.memory_space<vmem_shared>> -> memref<640x32xf32, #tpu.memory_space<vmem_shared>>
      %dma_wait3A_98 = arith.constant 0 : i32
      %dma_wait3A_99 = tpu.memref_slice %arg5[%mul3A_2, %dma_wait3A_98] : memref<10240x32xf32, #tpu.memory_space<hbm>> -> memref<640x32xf32, #tpu.memory_space<hbm>>
      tpu.wait_dma2 semaphore(%run_scoped3A : memref<!tpu.dma_semaphore, #tpu.memory_space<semaphore_mem>>) src(%dma_wait3A_99 : memref<640x32xf32, #tpu.memory_space<hbm>>) dst(%dma_wait3A_97 : memref<640x32xf32, #tpu.memory_space<vmem_shared>>)
      tpu.yield
    }) : () -> ()
    "tpu.region"() ({
      %run_scoped3A = tpu.sem_alloc : memref<!tpu.dma_semaphore, #tpu.memory_space<semaphore_mem>>
      %dma_start3A_92 = arith.constant 0 : i32
      %dma_start3A_93 = tpu.memref_slice %arg18[%mul3A_2, %dma_start3A_92] : memref<10240x32xf32, #tpu.memory_space<vmem_shared>> -> memref<640x32xf32, #tpu.memory_space<vmem_shared>>
      %dma_start3A_94 = arith.constant 0 : i32
      %dma_start3A_95 = tpu.memref_slice %arg4[%arg0, %mul3A_2, %dma_start3A_94] : memref<2x10240x32xf32, #tpu.memory_space<hbm>> -> memref<1x640x32xf32, #tpu.memory_space<hbm>>
      %dma_start3A_96 = tpu.memref_squeeze %dma_start3A_95 : memref<1x640x32xf32, #tpu.memory_space<hbm>> -> memref<640x32xf32, #tpu.memory_space<hbm>>
      tpu.enqueue_dma source(%dma_start3A_96 : memref<640x32xf32, #tpu.memory_space<hbm>>) target(%dma_start3A_93 : memref<640x32xf32, #tpu.memory_space<vmem_shared>>) target_semaphore(%run_scoped3A : memref<!tpu.dma_semaphore, #tpu.memory_space<semaphore_mem>>)
      %dma_wait3A_97 = arith.constant 0 : i32
      %dma_wait3A_98 = tpu.memref_slice %arg18[%mul3A_2, %dma_wait3A_97] : memref<10240x32xf32, #tpu.memory_space<vmem_shared>> -> memref<640x32xf32, #tpu.memory_space<vmem_shared>>
      %dma_wait3A_99 = arith.constant 0 : i32
      %dma_wait3A_100 = tpu.memref_slice %arg4[%arg0, %mul3A_2, %dma_wait3A_99] : memref<2x10240x32xf32, #tpu.memory_space<hbm>> -> memref<1x640x32xf32, #tpu.memory_space<hbm>>
      %dma_wait3A_101 = tpu.memref_squeeze %dma_wait3A_100 : memref<1x640x32xf32, #tpu.memory_space<hbm>> -> memref<640x32xf32, #tpu.memory_space<hbm>>
      tpu.wait_dma2 semaphore(%run_scoped3A : memref<!tpu.dma_semaphore, #tpu.memory_space<semaphore_mem>>) src(%dma_wait3A_101 : memref<640x32xf32, #tpu.memory_space<hbm>>) dst(%dma_wait3A_98 : memref<640x32xf32, #tpu.memory_space<vmem_shared>>)
      tpu.yield
    }) : () -> ()
    "tpu.region"() ({
      %run_scoped3A = tpu.sem_alloc : memref<!tpu.dma_semaphore, #tpu.memory_space<semaphore_mem>>
      %dma_start3A_92 = arith.constant 0 : i32
      %dma_start3A_93 = tpu.memref_slice %arg2[%mul3A_0, %dma_start3A_92] : memref<2560x128xi32, #tpu.memory_space<hbm>> -> memref<160x128xi32, #tpu.memory_space<hbm>>
      %dma_start3A_94 = arith.constant 0 : i32
      %dma_start3A_95 = tpu.memref_slice %arg2[%mul3A_0, %dma_start3A_94] : memref<2560x128xi32, #tpu.memory_space<hbm>> -> memref<160x128xi32, #tpu.memory_space<hbm>>
      tpu.enqueue_dma source(%dma_start3A_95 : memref<160x128xi32, #tpu.memory_space<hbm>>) target(%arg7 : memref<160x128xi32, #tpu.memory_space<vmem>>) target_semaphore(%run_scoped3A : memref<!tpu.dma_semaphore, #tpu.memory_space<semaphore_mem>>)
      %dma_wait3A_96 = arith.constant 0 : i32
      %dma_wait3A_97 = tpu.memref_slice %arg2[%mul3A_0, %dma_wait3A_96] : memref<2560x128xi32, #tpu.memory_space<hbm>> -> memref<160x128xi32, #tpu.memory_space<hbm>>
      %dma_wait3A_98 = arith.constant 0 : i32
      %dma_wait3A_99 = tpu.memref_slice %arg2[%mul3A_0, %dma_wait3A_98] : memref<2560x128xi32, #tpu.memory_space<hbm>> -> memref<160x128xi32, #tpu.memory_space<hbm>>
      tpu.wait_dma2 semaphore(%run_scoped3A : memref<!tpu.dma_semaphore, #tpu.memory_space<semaphore_mem>>) src(%dma_wait3A_99 : memref<160x128xi32, #tpu.memory_space<hbm>>) dst(%arg7 : memref<160x128xi32, #tpu.memory_space<vmem>>)
      tpu.yield
    }) : () -> ()
    "tpu.region"() ({
      %run_scoped3A = tpu.sem_alloc : memref<!tpu.dma_semaphore, #tpu.memory_space<semaphore_mem>>
      %dma_start3A_92 = arith.constant 0 : i32
      %dma_start3A_93 = tpu.memref_slice %arg3[%mul3A_0, %dma_start3A_92] : memref<2560x128xi32, #tpu.memory_space<hbm>> -> memref<160x128xi32, #tpu.memory_space<hbm>>
      %dma_start3A_94 = arith.constant 0 : i32
      %dma_start3A_95 = tpu.memref_slice %arg3[%mul3A_0, %dma_start3A_94] : memref<2560x128xi32, #tpu.memory_space<hbm>> -> memref<160x128xi32, #tpu.memory_space<hbm>>
      tpu.enqueue_dma source(%dma_start3A_95 : memref<160x128xi32, #tpu.memory_space<hbm>>) target(%arg8 : memref<160x128xi32, #tpu.memory_space<vmem>>) target_semaphore(%run_scoped3A : memref<!tpu.dma_semaphore, #tpu.memory_space<semaphore_mem>>)
      %dma_wait3A_96 = arith.constant 0 : i32
      %dma_wait3A_97 = tpu.memref_slice %arg3[%mul3A_0, %dma_wait3A_96] : memref<2560x128xi32, #tpu.memory_space<hbm>> -> memref<160x128xi32, #tpu.memory_space<hbm>>
      %dma_wait3A_98 = arith.constant 0 : i32
      %dma_wait3A_99 = tpu.memref_slice %arg3[%mul3A_0, %dma_wait3A_98] : memref<2560x128xi32, #tpu.memory_space<hbm>> -> memref<160x128xi32, #tpu.memory_space<hbm>>
      tpu.wait_dma2 semaphore(%run_scoped3A : memref<!tpu.dma_semaphore, #tpu.memory_space<semaphore_mem>>) src(%dma_wait3A_99 : memref<160x128xi32, #tpu.memory_space<hbm>>) dst(%arg8 : memref<160x128xi32, #tpu.memory_space<vmem>>)
      tpu.yield
    }) : () -> ()
    %barrier3A = arith.constant 0 : index
    tpu.barrier barrier_id(%barrier3A)
    %dma_start3A = arith.constant 0 : i32
    %dma_start3A_3 = arith.constant 0 : i32
    %dma_start3A_4 = tpu.memref_slice %arg7[%dma_start3A, %dma_start3A_3] : memref<160x128xi32, #tpu.memory_space<vmem>> -> memref<1x128xi32, #tpu.memory_space<vmem>>
    %dma_start3A_5 = tpu.memref_squeeze %dma_start3A_4 : memref<1x128xi32, #tpu.memory_space<vmem>> -> memref<128xi32, #tpu.memory_space<vmem>>
    %dma_start3A_6 = arith.constant 0 : i32
    %dma_start3A_7 = arith.constant 0 : i32
    %dma_start3A_8 = tpu.memref_slice %arg18[%dma_start3A_6, %dma_start3A_7] : memref<10240x32xf32, #tpu.memory_space<vmem_shared>> -> memref<10240x32xf32, #tpu.memory_space<vmem_shared>>
    tpu.enqueue_indirect_dma source(%dma_start3A_8 : memref<10240x32xf32, #tpu.memory_space<vmem_shared>>) target(%arg9 : memref<128x32xf32, #tpu.memory_space<vmem>>) offsets(%dma_start3A_5 : memref<128xi32, #tpu.memory_space<vmem>>) semaphore(%arg19 : memref<!tpu.dma_semaphore, #tpu.memory_space<semaphore_mem>>)
    %dma_start3A_9 = arith.constant 1 : i32
    %dma_start3A_10 = arith.constant 0 : i32
    %dma_start3A_11 = tpu.memref_slice %arg7[%dma_start3A_9, %dma_start3A_10] : memref<160x128xi32, #tpu.memory_space<vmem>> -> memref<1x128xi32, #tpu.memory_space<vmem>>
    %dma_start3A_12 = tpu.memref_squeeze %dma_start3A_11 : memref<1x128xi32, #tpu.memory_space<vmem>> -> memref<128xi32, #tpu.memory_space<vmem>>
    %dma_start3A_13 = arith.constant 0 : i32
    %dma_start3A_14 = arith.constant 0 : i32
    %dma_start3A_15 = tpu.memref_slice %arg18[%dma_start3A_13, %dma_start3A_14] : memref<10240x32xf32, #tpu.memory_space<vmem_shared>> -> memref<10240x32xf32, #tpu.memory_space<vmem_shared>>
    tpu.enqueue_indirect_dma source(%dma_start3A_15 : memref<10240x32xf32, #tpu.memory_space<vmem_shared>>) target(%arg10 : memref<128x32xf32, #tpu.memory_space<vmem>>) offsets(%dma_start3A_12 : memref<128xi32, #tpu.memory_space<vmem>>) semaphore(%arg20 : memref<!tpu.dma_semaphore, #tpu.memory_space<semaphore_mem>>)
    %dma_start3A_16 = arith.constant 2 : i32
    %dma_start3A_17 = arith.constant 0 : i32
    %dma_start3A_18 = tpu.memref_slice %arg7[%dma_start3A_16, %dma_start3A_17] : memref<160x128xi32, #tpu.memory_space<vmem>> -> memref<1x128xi32, #tpu.memory_space<vmem>>
    %dma_start3A_19 = tpu.memref_squeeze %dma_start3A_18 : memref<1x128xi32, #tpu.memory_space<vmem>> -> memref<128xi32, #tpu.memory_space<vmem>>
    %dma_start3A_20 = arith.constant 0 : i32
    %dma_start3A_21 = arith.constant 0 : i32
    %dma_start3A_22 = tpu.memref_slice %arg18[%dma_start3A_20, %dma_start3A_21] : memref<10240x32xf32, #tpu.memory_space<vmem_shared>> -> memref<10240x32xf32, #tpu.memory_space<vmem_shared>>
    tpu.enqueue_indirect_dma source(%dma_start3A_22 : memref<10240x32xf32, #tpu.memory_space<vmem_shared>>) target(%arg11 : memref<128x32xf32, #tpu.memory_space<vmem>>) offsets(%dma_start3A_19 : memref<128xi32, #tpu.memory_space<vmem>>) semaphore(%arg21 : memref<!tpu.dma_semaphore, #tpu.memory_space<semaphore_mem>>)
    %dma_start3A_23 = arith.constant 3 : i32
    %dma_start3A_24 = arith.constant 0 : i32
    %dma_start3A_25 = tpu.memref_slice %arg7[%dma_start3A_23, %dma_start3A_24] : memref<160x128xi32, #tpu.memory_space<vmem>> -> memref<1x128xi32, #tpu.memory_space<vmem>>
    %dma_start3A_26 = tpu.memref_squeeze %dma_start3A_25 : memref<1x128xi32, #tpu.memory_space<vmem>> -> memref<128xi32, #tpu.memory_space<vmem>>
    %dma_start3A_27 = arith.constant 0 : i32
    %dma_start3A_28 = arith.constant 0 : i32
    %dma_start3A_29 = tpu.memref_slice %arg18[%dma_start3A_27, %dma_start3A_28] : memref<10240x32xf32, #tpu.memory_space<vmem_shared>> -> memref<10240x32xf32, #tpu.memory_space<vmem_shared>>
    tpu.enqueue_indirect_dma source(%dma_start3A_29 : memref<10240x32xf32, #tpu.memory_space<vmem_shared>>) target(%arg12 : memref<128x32xf32, #tpu.memory_space<vmem>>) offsets(%dma_start3A_26 : memref<128xi32, #tpu.memory_space<vmem>>) semaphore(%arg22 : memref<!tpu.dma_semaphore, #tpu.memory_space<semaphore_mem>>)
    %scan3A = arith.constant 0 : i32
    %scan3A_30 = arith.constant 0 : i32
    %scan3A_31 = arith.constant 20 : i32
    %scan3A_32 = arith.addi %scan3A_30, %scan3A_31 : i32
    %scan3A_33 = arith.constant 1 : i32
    %scan3A_34 = scf.for %scan3A_92 = %scan3A_30 to %scan3A_32 step %scan3A_33 iter_args(%scan3A_93 = %scan3A) -> (i32)  : i32 {
      %mul3A_94 = arith.constant 8 : i32
      %mul3A_95 = arith.muli %scan3A_92, %mul3A_94 : i32
      %add3A = arith.constant 0 : i32
      %add3A_96 = arith.addi %mul3A_95, %add3A : i32
      %dma_wait3A_97 = arith.constant 0 : i32
      %dma_wait3A_98 = tpu.memref_slice %arg7[%add3A_96, %dma_wait3A_97] : memref<160x128xi32, #tpu.memory_space<vmem>> -> memref<1x128xi32, #tpu.memory_space<vmem>>
      %dma_wait3A_99 = tpu.memref_squeeze %dma_wait3A_98 : memref<1x128xi32, #tpu.memory_space<vmem>> -> memref<128xi32, #tpu.memory_space<vmem>>
      %dma_wait3A_100 = arith.constant 0 : i32
      %dma_wait3A_101 = arith.constant 0 : i32
      %dma_wait3A_102 = tpu.memref_slice %arg18[%dma_wait3A_100, %dma_wait3A_101] : memref<10240x32xf32, #tpu.memory_space<vmem_shared>> -> memref<10240x32xf32, #tpu.memory_space<vmem_shared>>
      tpu.wait_indirect_dma semaphore(%arg19 : memref<!tpu.dma_semaphore, #tpu.memory_space<semaphore_mem>>) src(%dma_wait3A_102 : memref<10240x32xf32, #tpu.memory_space<vmem_shared>>) dst(%arg9 : memref<128x32xf32, #tpu.memory_space<vmem>>)
      %dma_start3A_103 = arith.constant 0 : i32
      %dma_start3A_104 = tpu.memref_slice %arg8[%add3A_96, %dma_start3A_103] : memref<160x128xi32, #tpu.memory_space<vmem>> -> memref<1x128xi32, #tpu.memory_space<vmem>>
      %dma_start3A_105 = tpu.memref_squeeze %dma_start3A_104 : memref<1x128xi32, #tpu.memory_space<vmem>> -> memref<128xi32, #tpu.memory_space<vmem>>
      %dma_start3A_106 = arith.constant 0 : i32
      %dma_start3A_107 = arith.constant 0 : i32
      %dma_start3A_108 = tpu.memref_slice %arg17[%dma_start3A_106, %dma_start3A_107] : memref<10240x32xf32, #tpu.memory_space<vmem_shared>> -> memref<10240x32xf32, #tpu.memory_space<vmem_shared>>
      tpu.enqueue_indirect_dma source(%arg9 : memref<128x32xf32, #tpu.memory_space<vmem>>) target(%dma_start3A_108 : memref<10240x32xf32, #tpu.memory_space<vmem_shared>>) offsets(%dma_start3A_105 : memref<128xi32, #tpu.memory_space<vmem>>) semaphore(%arg27 : memref<!tpu.dma_semaphore, #tpu.memory_space<semaphore_mem>>) {add = true}
      %add3A_109 = arith.constant 4 : i32
      %add3A_110 = arith.addi %add3A_96, %add3A_109 : i32
      %lt3A = arith.constant 160 : i32
      %lt3A_111 = arith.cmpi slt, %add3A_110, %lt3A : i32
      %convert_element_type3A = arith.extui %lt3A_111 : i1 to i32
      %cond3A = arith.constant 0 : i32
      %cond3A_112 = arith.cmpi ne, %convert_element_type3A, %cond3A : i32
      scf.if %cond3A_112 {
        %ge3A = arith.constant 8 : i32
        %ge3A_261 = arith.cmpi sge, %add3A_110, %ge3A : i32
        %convert_element_type3A_262 = arith.extui %ge3A_261 : i1 to i32
        %cond3A_263 = arith.constant 0 : i32
        %cond3A_264 = arith.cmpi ne, %convert_element_type3A_262, %cond3A_263 : i32
        scf.if %cond3A_264 {
          %dma_wait3A_271 = arith.constant 0 : i32
          %dma_wait3A_272 = arith.constant 0 : i32
          %dma_wait3A_273 = tpu.memref_slice %arg8[%dma_wait3A_271, %dma_wait3A_272] : memref<160x128xi32, #tpu.memory_space<vmem>> -> memref<1x128xi32, #tpu.memory_space<vmem>>
          %dma_wait3A_274 = tpu.memref_squeeze %dma_wait3A_273 : memref<1x128xi32, #tpu.memory_space<vmem>> -> memref<128xi32, #tpu.memory_space<vmem>>
          %dma_wait3A_275 = arith.constant 0 : i32
          %dma_wait3A_276 = arith.constant 0 : i32
          %dma_wait3A_277 = tpu.memref_slice %arg17[%dma_wait3A_275, %dma_wait3A_276] : memref<10240x32xf32, #tpu.memory_space<vmem_shared>> -> memref<10240x32xf32, #tpu.memory_space<vmem_shared>>
          tpu.wait_indirect_dma semaphore(%arg31 : memref<!tpu.dma_semaphore, #tpu.memory_space<semaphore_mem>>) src(%arg13 : memref<128x32xf32, #tpu.memory_space<vmem>>) dst(%dma_wait3A_277 : memref<10240x32xf32, #tpu.memory_space<vmem_shared>>)
        } else {
        }
        %dma_start3A_265 = arith.constant 0 : i32
        %dma_start3A_266 = tpu.memref_slice %arg7[%add3A_110, %dma_start3A_265] : memref<160x128xi32, #tpu.memory_space<vmem>> -> memref<1x128xi32, #tpu.memory_space<vmem>>
        %dma_start3A_267 = tpu.memref_squeeze %dma_start3A_266 : memref<1x128xi32, #tpu.memory_space<vmem>> -> memref<128xi32, #tpu.memory_space<vmem>>
        %dma_start3A_268 = arith.constant 0 : i32
        %dma_start3A_269 = arith.constant 0 : i32
        %dma_start3A_270 = tpu.memref_slice %arg18[%dma_start3A_268, %dma_start3A_269] : memref<10240x32xf32, #tpu.memory_space<vmem_shared>> -> memref<10240x32xf32, #tpu.memory_space<vmem_shared>>
        tpu.enqueue_indirect_dma source(%dma_start3A_270 : memref<10240x32xf32, #tpu.memory_space<vmem_shared>>) target(%arg13 : memref<128x32xf32, #tpu.memory_space<vmem>>) offsets(%dma_start3A_267 : memref<128xi32, #tpu.memory_space<vmem>>) semaphore(%arg23 : memref<!tpu.dma_semaphore, #tpu.memory_space<semaphore_mem>>)
      } else {
      }
      %add3A_113 = arith.constant 1 : i32
      %add3A_114 = arith.addi %mul3A_95, %add3A_113 : i32
      %dma_wait3A_115 = arith.constant 0 : i32
      %dma_wait3A_116 = tpu.memref_slice %arg7[%add3A_114, %dma_wait3A_115] : memref<160x128xi32, #tpu.memory_space<vmem>> -> memref<1x128xi32, #tpu.memory_space<vmem>>
      %dma_wait3A_117 = tpu.memref_squeeze %dma_wait3A_116 : memref<1x128xi32, #tpu.memory_space<vmem>> -> memref<128xi32, #tpu.memory_space<vmem>>
      %dma_wait3A_118 = arith.constant 0 : i32
      %dma_wait3A_119 = arith.constant 0 : i32
      %dma_wait3A_120 = tpu.memref_slice %arg18[%dma_wait3A_118, %dma_wait3A_119] : memref<10240x32xf32, #tpu.memory_space<vmem_shared>> -> memref<10240x32xf32, #tpu.memory_space<vmem_shared>>
      tpu.wait_indirect_dma semaphore(%arg20 : memref<!tpu.dma_semaphore, #tpu.memory_space<semaphore_mem>>) src(%dma_wait3A_120 : memref<10240x32xf32, #tpu.memory_space<vmem_shared>>) dst(%arg10 : memref<128x32xf32, #tpu.memory_space<vmem>>)
      %dma_start3A_121 = arith.constant 0 : i32
      %dma_start3A_122 = tpu.memref_slice %arg8[%add3A_114, %dma_start3A_121] : memref<160x128xi32, #tpu.memory_space<vmem>> -> memref<1x128xi32, #tpu.memory_space<vmem>>
      %dma_start3A_123 = tpu.memref_squeeze %dma_start3A_122 : memref<1x128xi32, #tpu.memory_space<vmem>> -> memref<128xi32, #tpu.memory_space<vmem>>
      %dma_start3A_124 = arith.constant 0 : i32
      %dma_start3A_125 = arith.constant 0 : i32
      %dma_start3A_126 = tpu.memref_slice %arg17[%dma_start3A_124, %dma_start3A_125] : memref<10240x32xf32, #tpu.memory_space<vmem_shared>> -> memref<10240x32xf32, #tpu.memory_space<vmem_shared>>
      tpu.enqueue_indirect_dma source(%arg10 : memref<128x32xf32, #tpu.memory_space<vmem>>) target(%dma_start3A_126 : memref<10240x32xf32, #tpu.memory_space<vmem_shared>>) offsets(%dma_start3A_123 : memref<128xi32, #tpu.memory_space<vmem>>) semaphore(%arg28 : memref<!tpu.dma_semaphore, #tpu.memory_space<semaphore_mem>>) {add = true}
      %add3A_127 = arith.constant 4 : i32
      %add3A_128 = arith.addi %add3A_114, %add3A_127 : i32
      %lt3A_129 = arith.constant 160 : i32
      %lt3A_130 = arith.cmpi slt, %add3A_128, %lt3A_129 : i32
      %convert_element_type3A_131 = arith.extui %lt3A_130 : i1 to i32
      %cond3A_132 = arith.constant 0 : i32
      %cond3A_133 = arith.cmpi ne, %convert_element_type3A_131, %cond3A_132 : i32
      scf.if %cond3A_133 {
        %ge3A = arith.constant 8 : i32
        %ge3A_261 = arith.cmpi sge, %add3A_128, %ge3A : i32
        %convert_element_type3A_262 = arith.extui %ge3A_261 : i1 to i32
        %cond3A_263 = arith.constant 0 : i32
        %cond3A_264 = arith.cmpi ne, %convert_element_type3A_262, %cond3A_263 : i32
        scf.if %cond3A_264 {
          %dma_wait3A_271 = arith.constant 0 : i32
          %dma_wait3A_272 = arith.constant 0 : i32
          %dma_wait3A_273 = tpu.memref_slice %arg8[%dma_wait3A_271, %dma_wait3A_272] : memref<160x128xi32, #tpu.memory_space<vmem>> -> memref<1x128xi32, #tpu.memory_space<vmem>>
          %dma_wait3A_274 = tpu.memref_squeeze %dma_wait3A_273 : memref<1x128xi32, #tpu.memory_space<vmem>> -> memref<128xi32, #tpu.memory_space<vmem>>
          %dma_wait3A_275 = arith.constant 0 : i32
          %dma_wait3A_276 = arith.constant 0 : i32
          %dma_wait3A_277 = tpu.memref_slice %arg17[%dma_wait3A_275, %dma_wait3A_276] : memref<10240x32xf32, #tpu.memory_space<vmem_shared>> -> memref<10240x32xf32, #tpu.memory_space<vmem_shared>>
          tpu.wait_indirect_dma semaphore(%arg32 : memref<!tpu.dma_semaphore, #tpu.memory_space<semaphore_mem>>) src(%arg14 : memref<128x32xf32, #tpu.memory_space<vmem>>) dst(%dma_wait3A_277 : memref<10240x32xf32, #tpu.memory_space<vmem_shared>>)
        } else {
        }
        %dma_start3A_265 = arith.constant 0 : i32
        %dma_start3A_266 = tpu.memref_slice %arg7[%add3A_128, %dma_start3A_265] : memref<160x128xi32, #tpu.memory_space<vmem>> -> memref<1x128xi32, #tpu.memory_space<vmem>>
        %dma_start3A_267 = tpu.memref_squeeze %dma_start3A_266 : memref<1x128xi32, #tpu.memory_space<vmem>> -> memref<128xi32, #tpu.memory_space<vmem>>
        %dma_start3A_268 = arith.constant 0 : i32
        %dma_start3A_269 = arith.constant 0 : i32
        %dma_start3A_270 = tpu.memref_slice %arg18[%dma_start3A_268, %dma_start3A_269] : memref<10240x32xf32, #tpu.memory_space<vmem_shared>> -> memref<10240x32xf32, #tpu.memory_space<vmem_shared>>
        tpu.enqueue_indirect_dma source(%dma_start3A_270 : memref<10240x32xf32, #tpu.memory_space<vmem_shared>>) target(%arg14 : memref<128x32xf32, #tpu.memory_space<vmem>>) offsets(%dma_start3A_267 : memref<128xi32, #tpu.memory_space<vmem>>) semaphore(%arg24 : memref<!tpu.dma_semaphore, #tpu.memory_space<semaphore_mem>>)
      } else {
      }
      %add3A_134 = arith.constant 2 : i32
      %add3A_135 = arith.addi %mul3A_95, %add3A_134 : i32
      %dma_wait3A_136 = arith.constant 0 : i32
      %dma_wait3A_137 = tpu.memref_slice %arg7[%add3A_135, %dma_wait3A_136] : memref<160x128xi32, #tpu.memory_space<vmem>> -> memref<1x128xi32, #tpu.memory_space<vmem>>
      %dma_wait3A_138 = tpu.memref_squeeze %dma_wait3A_137 : memref<1x128xi32, #tpu.memory_space<vmem>> -> memref<128xi32, #tpu.memory_space<vmem>>
      %dma_wait3A_139 = arith.constant 0 : i32
      %dma_wait3A_140 = arith.constant 0 : i32
      %dma_wait3A_141 = tpu.memref_slice %arg18[%dma_wait3A_139, %dma_wait3A_140] : memref<10240x32xf32, #tpu.memory_space<vmem_shared>> -> memref<10240x32xf32, #tpu.memory_space<vmem_shared>>
      tpu.wait_indirect_dma semaphore(%arg21 : memref<!tpu.dma_semaphore, #tpu.memory_space<semaphore_mem>>) src(%dma_wait3A_141 : memref<10240x32xf32, #tpu.memory_space<vmem_shared>>) dst(%arg11 : memref<128x32xf32, #tpu.memory_space<vmem>>)
      %dma_start3A_142 = arith.constant 0 : i32
      %dma_start3A_143 = tpu.memref_slice %arg8[%add3A_135, %dma_start3A_142] : memref<160x128xi32, #tpu.memory_space<vmem>> -> memref<1x128xi32, #tpu.memory_space<vmem>>
      %dma_start3A_144 = tpu.memref_squeeze %dma_start3A_143 : memref<1x128xi32, #tpu.memory_space<vmem>> -> memref<128xi32, #tpu.memory_space<vmem>>
      %dma_start3A_145 = arith.constant 0 : i32
      %dma_start3A_146 = arith.constant 0 : i32
      %dma_start3A_147 = tpu.memref_slice %arg17[%dma_start3A_145, %dma_start3A_146] : memref<10240x32xf32, #tpu.memory_space<vmem_shared>> -> memref<10240x32xf32, #tpu.memory_space<vmem_shared>>
      tpu.enqueue_indirect_dma source(%arg11 : memref<128x32xf32, #tpu.memory_space<vmem>>) target(%dma_start3A_147 : memref<10240x32xf32, #tpu.memory_space<vmem_shared>>) offsets(%dma_start3A_144 : memref<128xi32, #tpu.memory_space<vmem>>) semaphore(%arg29 : memref<!tpu.dma_semaphore, #tpu.memory_space<semaphore_mem>>) {add = true}
      %add3A_148 = arith.constant 4 : i32
      %add3A_149 = arith.addi %add3A_135, %add3A_148 : i32
      %lt3A_150 = arith.constant 160 : i32
      %lt3A_151 = arith.cmpi slt, %add3A_149, %lt3A_150 : i32
      %convert_element_type3A_152 = arith.extui %lt3A_151 : i1 to i32
      %cond3A_153 = arith.constant 0 : i32
      %cond3A_154 = arith.cmpi ne, %convert_element_type3A_152, %cond3A_153 : i32
      scf.if %cond3A_154 {
        %ge3A = arith.constant 8 : i32
        %ge3A_261 = arith.cmpi sge, %add3A_149, %ge3A : i32
        %convert_element_type3A_262 = arith.extui %ge3A_261 : i1 to i32
        %cond3A_263 = arith.constant 0 : i32
        %cond3A_264 = arith.cmpi ne, %convert_element_type3A_262, %cond3A_263 : i32
        scf.if %cond3A_264 {
          %dma_wait3A_271 = arith.constant 0 : i32
          %dma_wait3A_272 = arith.constant 0 : i32
          %dma_wait3A_273 = tpu.memref_slice %arg8[%dma_wait3A_271, %dma_wait3A_272] : memref<160x128xi32, #tpu.memory_space<vmem>> -> memref<1x128xi32, #tpu.memory_space<vmem>>
          %dma_wait3A_274 = tpu.memref_squeeze %dma_wait3A_273 : memref<1x128xi32, #tpu.memory_space<vmem>> -> memref<128xi32, #tpu.memory_space<vmem>>
          %dma_wait3A_275 = arith.constant 0 : i32
          %dma_wait3A_276 = arith.constant 0 : i32
          %dma_wait3A_277 = tpu.memref_slice %arg17[%dma_wait3A_275, %dma_wait3A_276] : memref<10240x32xf32, #tpu.memory_space<vmem_shared>> -> memref<10240x32xf32, #tpu.memory_space<vmem_shared>>
          tpu.wait_indirect_dma semaphore(%arg33 : memref<!tpu.dma_semaphore, #tpu.memory_space<semaphore_mem>>) src(%arg15 : memref<128x32xf32, #tpu.memory_space<vmem>>) dst(%dma_wait3A_277 : memref<10240x32xf32, #tpu.memory_space<vmem_shared>>)
        } else {
        }
        %dma_start3A_265 = arith.constant 0 : i32
        %dma_start3A_266 = tpu.memref_slice %arg7[%add3A_149, %dma_start3A_265] : memref<160x128xi32, #tpu.memory_space<vmem>> -> memref<1x128xi32, #tpu.memory_space<vmem>>
        %dma_start3A_267 = tpu.memref_squeeze %dma_start3A_266 : memref<1x128xi32, #tpu.memory_space<vmem>> -> memref<128xi32, #tpu.memory_space<vmem>>
        %dma_start3A_268 = arith.constant 0 : i32
        %dma_start3A_269 = arith.constant 0 : i32
        %dma_start3A_270 = tpu.memref_slice %arg18[%dma_start3A_268, %dma_start3A_269] : memref<10240x32xf32, #tpu.memory_space<vmem_shared>> -> memref<10240x32xf32, #tpu.memory_space<vmem_shared>>
        tpu.enqueue_indirect_dma source(%dma_start3A_270 : memref<10240x32xf32, #tpu.memory_space<vmem_shared>>) target(%arg15 : memref<128x32xf32, #tpu.memory_space<vmem>>) offsets(%dma_start3A_267 : memref<128xi32, #tpu.memory_space<vmem>>) semaphore(%arg25 : memref<!tpu.dma_semaphore, #tpu.memory_space<semaphore_mem>>)
      } else {
      }
      %add3A_155 = arith.constant 3 : i32
      %add3A_156 = arith.addi %mul3A_95, %add3A_155 : i32
      %dma_wait3A_157 = arith.constant 0 : i32
      %dma_wait3A_158 = tpu.memref_slice %arg7[%add3A_156, %dma_wait3A_157] : memref<160x128xi32, #tpu.memory_space<vmem>> -> memref<1x128xi32, #tpu.memory_space<vmem>>
      %dma_wait3A_159 = tpu.memref_squeeze %dma_wait3A_158 : memref<1x128xi32, #tpu.memory_space<vmem>> -> memref<128xi32, #tpu.memory_space<vmem>>
      %dma_wait3A_160 = arith.constant 0 : i32
      %dma_wait3A_161 = arith.constant 0 : i32
      %dma_wait3A_162 = tpu.memref_slice %arg18[%dma_wait3A_160, %dma_wait3A_161] : memref<10240x32xf32, #tpu.memory_space<vmem_shared>> -> memref<10240x32xf32, #tpu.memory_space<vmem_shared>>
      tpu.wait_indirect_dma semaphore(%arg22 : memref<!tpu.dma_semaphore, #tpu.memory_space<semaphore_mem>>) src(%dma_wait3A_162 : memref<10240x32xf32, #tpu.memory_space<vmem_shared>>) dst(%arg12 : memref<128x32xf32, #tpu.memory_space<vmem>>)
      %dma_start3A_163 = arith.constant 0 : i32
      %dma_start3A_164 = tpu.memref_slice %arg8[%add3A_156, %dma_start3A_163] : memref<160x128xi32, #tpu.memory_space<vmem>> -> memref<1x128xi32, #tpu.memory_space<vmem>>
      %dma_start3A_165 = tpu.memref_squeeze %dma_start3A_164 : memref<1x128xi32, #tpu.memory_space<vmem>> -> memref<128xi32, #tpu.memory_space<vmem>>
      %dma_start3A_166 = arith.constant 0 : i32
      %dma_start3A_167 = arith.constant 0 : i32
      %dma_start3A_168 = tpu.memref_slice %arg17[%dma_start3A_166, %dma_start3A_167] : memref<10240x32xf32, #tpu.memory_space<vmem_shared>> -> memref<10240x32xf32, #tpu.memory_space<vmem_shared>>
      tpu.enqueue_indirect_dma source(%arg12 : memref<128x32xf32, #tpu.memory_space<vmem>>) target(%dma_start3A_168 : memref<10240x32xf32, #tpu.memory_space<vmem_shared>>) offsets(%dma_start3A_165 : memref<128xi32, #tpu.memory_space<vmem>>) semaphore(%arg30 : memref<!tpu.dma_semaphore, #tpu.memory_space<semaphore_mem>>) {add = true}
      %add3A_169 = arith.constant 4 : i32
      %add3A_170 = arith.addi %add3A_156, %add3A_169 : i32
      %lt3A_171 = arith.constant 160 : i32
      %lt3A_172 = arith.cmpi slt, %add3A_170, %lt3A_171 : i32
      %convert_element_type3A_173 = arith.extui %lt3A_172 : i1 to i32
      %cond3A_174 = arith.constant 0 : i32
      %cond3A_175 = arith.cmpi ne, %convert_element_type3A_173, %cond3A_174 : i32
      scf.if %cond3A_175 {
        %ge3A = arith.constant 8 : i32
        %ge3A_261 = arith.cmpi sge, %add3A_170, %ge3A : i32
        %convert_element_type3A_262 = arith.extui %ge3A_261 : i1 to i32
        %cond3A_263 = arith.constant 0 : i32
        %cond3A_264 = arith.cmpi ne, %convert_element_type3A_262, %cond3A_263 : i32
        scf.if %cond3A_264 {
          %dma_wait3A_271 = arith.constant 0 : i32
          %dma_wait3A_272 = arith.constant 0 : i32
          %dma_wait3A_273 = tpu.memref_slice %arg8[%dma_wait3A_271, %dma_wait3A_272] : memref<160x128xi32, #tpu.memory_space<vmem>> -> memref<1x128xi32, #tpu.memory_space<vmem>>
          %dma_wait3A_274 = tpu.memref_squeeze %dma_wait3A_273 : memref<1x128xi32, #tpu.memory_space<vmem>> -> memref<128xi32, #tpu.memory_space<vmem>>
          %dma_wait3A_275 = arith.constant 0 : i32
          %dma_wait3A_276 = arith.constant 0 : i32
          %dma_wait3A_277 = tpu.memref_slice %arg17[%dma_wait3A_275, %dma_wait3A_276] : memref<10240x32xf32, #tpu.memory_space<vmem_shared>> -> memref<10240x32xf32, #tpu.memory_space<vmem_shared>>
          tpu.wait_indirect_dma semaphore(%arg34 : memref<!tpu.dma_semaphore, #tpu.memory_space<semaphore_mem>>) src(%arg16 : memref<128x32xf32, #tpu.memory_space<vmem>>) dst(%dma_wait3A_277 : memref<10240x32xf32, #tpu.memory_space<vmem_shared>>)
        } else {
        }
        %dma_start3A_265 = arith.constant 0 : i32
        %dma_start3A_266 = tpu.memref_slice %arg7[%add3A_170, %dma_start3A_265] : memref<160x128xi32, #tpu.memory_space<vmem>> -> memref<1x128xi32, #tpu.memory_space<vmem>>
        %dma_start3A_267 = tpu.memref_squeeze %dma_start3A_266 : memref<1x128xi32, #tpu.memory_space<vmem>> -> memref<128xi32, #tpu.memory_space<vmem>>
        %dma_start3A_268 = arith.constant 0 : i32
        %dma_start3A_269 = arith.constant 0 : i32
        %dma_start3A_270 = tpu.memref_slice %arg18[%dma_start3A_268, %dma_start3A_269] : memref<10240x32xf32, #tpu.memory_space<vmem_shared>> -> memref<10240x32xf32, #tpu.memory_space<vmem_shared>>
        tpu.enqueue_indirect_dma source(%dma_start3A_270 : memref<10240x32xf32, #tpu.memory_space<vmem_shared>>) target(%arg16 : memref<128x32xf32, #tpu.memory_space<vmem>>) offsets(%dma_start3A_267 : memref<128xi32, #tpu.memory_space<vmem>>) semaphore(%arg26 : memref<!tpu.dma_semaphore, #tpu.memory_space<semaphore_mem>>)
      } else {
      }
      %add3A_176 = arith.constant 4 : i32
      %add3A_177 = arith.addi %mul3A_95, %add3A_176 : i32
      %dma_wait3A_178 = arith.constant 0 : i32
      %dma_wait3A_179 = tpu.memref_slice %arg7[%add3A_177, %dma_wait3A_178] : memref<160x128xi32, #tpu.memory_space<vmem>> -> memref<1x128xi32, #tpu.memory_space<vmem>>
      %dma_wait3A_180 = tpu.memref_squeeze %dma_wait3A_179 : memref<1x128xi32, #tpu.memory_space<vmem>> -> memref<128xi32, #tpu.memory_space<vmem>>
      %dma_wait3A_181 = arith.constant 0 : i32
      %dma_wait3A_182 = arith.constant 0 : i32
      %dma_wait3A_183 = tpu.memref_slice %arg18[%dma_wait3A_181, %dma_wait3A_182] : memref<10240x32xf32, #tpu.memory_space<vmem_shared>> -> memref<10240x32xf32, #tpu.memory_space<vmem_shared>>
      tpu.wait_indirect_dma semaphore(%arg23 : memref<!tpu.dma_semaphore, #tpu.memory_space<semaphore_mem>>) src(%dma_wait3A_183 : memref<10240x32xf32, #tpu.memory_space<vmem_shared>>) dst(%arg13 : memref<128x32xf32, #tpu.memory_space<vmem>>)
      %dma_start3A_184 = arith.constant 0 : i32
      %dma_start3A_185 = tpu.memref_slice %arg8[%add3A_177, %dma_start3A_184] : memref<160x128xi32, #tpu.memory_space<vmem>> -> memref<1x128xi32, #tpu.memory_space<vmem>>
      %dma_start3A_186 = tpu.memref_squeeze %dma_start3A_185 : memref<1x128xi32, #tpu.memory_space<vmem>> -> memref<128xi32, #tpu.memory_space<vmem>>
      %dma_start3A_187 = arith.constant 0 : i32
      %dma_start3A_188 = arith.constant 0 : i32
      %dma_start3A_189 = tpu.memref_slice %arg17[%dma_start3A_187, %dma_start3A_188] : memref<10240x32xf32, #tpu.memory_space<vmem_shared>> -> memref<10240x32xf32, #tpu.memory_space<vmem_shared>>
      tpu.enqueue_indirect_dma source(%arg13 : memref<128x32xf32, #tpu.memory_space<vmem>>) target(%dma_start3A_189 : memref<10240x32xf32, #tpu.memory_space<vmem_shared>>) offsets(%dma_start3A_186 : memref<128xi32, #tpu.memory_space<vmem>>) semaphore(%arg31 : memref<!tpu.dma_semaphore, #tpu.memory_space<semaphore_mem>>) {add = true}
      %add3A_190 = arith.constant 4 : i32
      %add3A_191 = arith.addi %add3A_177, %add3A_190 : i32
      %lt3A_192 = arith.constant 160 : i32
      %lt3A_193 = arith.cmpi slt, %add3A_191, %lt3A_192 : i32
      %convert_element_type3A_194 = arith.extui %lt3A_193 : i1 to i32
      %cond3A_195 = arith.constant 0 : i32
      %cond3A_196 = arith.cmpi ne, %convert_element_type3A_194, %cond3A_195 : i32
      scf.if %cond3A_196 {
        %ge3A = arith.constant 8 : i32
        %ge3A_261 = arith.cmpi sge, %add3A_191, %ge3A : i32
        %convert_element_type3A_262 = arith.extui %ge3A_261 : i1 to i32
        %cond3A_263 = arith.constant 0 : i32
        %cond3A_264 = arith.cmpi ne, %convert_element_type3A_262, %cond3A_263 : i32
        scf.if %cond3A_264 {
          %dma_wait3A_271 = arith.constant 0 : i32
          %dma_wait3A_272 = arith.constant 0 : i32
          %dma_wait3A_273 = tpu.memref_slice %arg8[%dma_wait3A_271, %dma_wait3A_272] : memref<160x128xi32, #tpu.memory_space<vmem>> -> memref<1x128xi32, #tpu.memory_space<vmem>>
          %dma_wait3A_274 = tpu.memref_squeeze %dma_wait3A_273 : memref<1x128xi32, #tpu.memory_space<vmem>> -> memref<128xi32, #tpu.memory_space<vmem>>
          %dma_wait3A_275 = arith.constant 0 : i32
          %dma_wait3A_276 = arith.constant 0 : i32
          %dma_wait3A_277 = tpu.memref_slice %arg17[%dma_wait3A_275, %dma_wait3A_276] : memref<10240x32xf32, #tpu.memory_space<vmem_shared>> -> memref<10240x32xf32, #tpu.memory_space<vmem_shared>>
          tpu.wait_indirect_dma semaphore(%arg27 : memref<!tpu.dma_semaphore, #tpu.memory_space<semaphore_mem>>) src(%arg9 : memref<128x32xf32, #tpu.memory_space<vmem>>) dst(%dma_wait3A_277 : memref<10240x32xf32, #tpu.memory_space<vmem_shared>>)
        } else {
        }
        %dma_start3A_265 = arith.constant 0 : i32
        %dma_start3A_266 = tpu.memref_slice %arg7[%add3A_191, %dma_start3A_265] : memref<160x128xi32, #tpu.memory_space<vmem>> -> memref<1x128xi32, #tpu.memory_space<vmem>>
        %dma_start3A_267 = tpu.memref_squeeze %dma_start3A_266 : memref<1x128xi32, #tpu.memory_space<vmem>> -> memref<128xi32, #tpu.memory_space<vmem>>
        %dma_start3A_268 = arith.constant 0 : i32
        %dma_start3A_269 = arith.constant 0 : i32
        %dma_start3A_270 = tpu.memref_slice %arg18[%dma_start3A_268, %dma_start3A_269] : memref<10240x32xf32, #tpu.memory_space<vmem_shared>> -> memref<10240x32xf32, #tpu.memory_space<vmem_shared>>
        tpu.enqueue_indirect_dma source(%dma_start3A_270 : memref<10240x32xf32, #tpu.memory_space<vmem_shared>>) target(%arg9 : memref<128x32xf32, #tpu.memory_space<vmem>>) offsets(%dma_start3A_267 : memref<128xi32, #tpu.memory_space<vmem>>) semaphore(%arg19 : memref<!tpu.dma_semaphore, #tpu.memory_space<semaphore_mem>>)
      } else {
      }
      %add3A_197 = arith.constant 5 : i32
      %add3A_198 = arith.addi %mul3A_95, %add3A_197 : i32
      %dma_wait3A_199 = arith.constant 0 : i32
      %dma_wait3A_200 = tpu.memref_slice %arg7[%add3A_198, %dma_wait3A_199] : memref<160x128xi32, #tpu.memory_space<vmem>> -> memref<1x128xi32, #tpu.memory_space<vmem>>
      %dma_wait3A_201 = tpu.memref_squeeze %dma_wait3A_200 : memref<1x128xi32, #tpu.memory_space<vmem>> -> memref<128xi32, #tpu.memory_space<vmem>>
      %dma_wait3A_202 = arith.constant 0 : i32
      %dma_wait3A_203 = arith.constant 0 : i32
      %dma_wait3A_204 = tpu.memref_slice %arg18[%dma_wait3A_202, %dma_wait3A_203] : memref<10240x32xf32, #tpu.memory_space<vmem_shared>> -> memref<10240x32xf32, #tpu.memory_space<vmem_shared>>
      tpu.wait_indirect_dma semaphore(%arg24 : memref<!tpu.dma_semaphore, #tpu.memory_space<semaphore_mem>>) src(%dma_wait3A_204 : memref<10240x32xf32, #tpu.memory_space<vmem_shared>>) dst(%arg14 : memref<128x32xf32, #tpu.memory_space<vmem>>)
      %dma_start3A_205 = arith.constant 0 : i32
      %dma_start3A_206 = tpu.memref_slice %arg8[%add3A_198, %dma_start3A_205] : memref<160x128xi32, #tpu.memory_space<vmem>> -> memref<1x128xi32, #tpu.memory_space<vmem>>
      %dma_start3A_207 = tpu.memref_squeeze %dma_start3A_206 : memref<1x128xi32, #tpu.memory_space<vmem>> -> memref<128xi32, #tpu.memory_space<vmem>>
      %dma_start3A_208 = arith.constant 0 : i32
      %dma_start3A_209 = arith.constant 0 : i32
      %dma_start3A_210 = tpu.memref_slice %arg17[%dma_start3A_208, %dma_start3A_209] : memref<10240x32xf32, #tpu.memory_space<vmem_shared>> -> memref<10240x32xf32, #tpu.memory_space<vmem_shared>>
      tpu.enqueue_indirect_dma source(%arg14 : memref<128x32xf32, #tpu.memory_space<vmem>>) target(%dma_start3A_210 : memref<10240x32xf32, #tpu.memory_space<vmem_shared>>) offsets(%dma_start3A_207 : memref<128xi32, #tpu.memory_space<vmem>>) semaphore(%arg32 : memref<!tpu.dma_semaphore, #tpu.memory_space<semaphore_mem>>) {add = true}
      %add3A_211 = arith.constant 4 : i32
      %add3A_212 = arith.addi %add3A_198, %add3A_211 : i32
      %lt3A_213 = arith.constant 160 : i32
      %lt3A_214 = arith.cmpi slt, %add3A_212, %lt3A_213 : i32
      %convert_element_type3A_215 = arith.extui %lt3A_214 : i1 to i32
      %cond3A_216 = arith.constant 0 : i32
      %cond3A_217 = arith.cmpi ne, %convert_element_type3A_215, %cond3A_216 : i32
      scf.if %cond3A_217 {
        %ge3A = arith.constant 8 : i32
        %ge3A_261 = arith.cmpi sge, %add3A_212, %ge3A : i32
        %convert_element_type3A_262 = arith.extui %ge3A_261 : i1 to i32
        %cond3A_263 = arith.constant 0 : i32
        %cond3A_264 = arith.cmpi ne, %convert_element_type3A_262, %cond3A_263 : i32
        scf.if %cond3A_264 {
          %dma_wait3A_271 = arith.constant 0 : i32
          %dma_wait3A_272 = arith.constant 0 : i32
          %dma_wait3A_273 = tpu.memref_slice %arg8[%dma_wait3A_271, %dma_wait3A_272] : memref<160x128xi32, #tpu.memory_space<vmem>> -> memref<1x128xi32, #tpu.memory_space<vmem>>
          %dma_wait3A_274 = tpu.memref_squeeze %dma_wait3A_273 : memref<1x128xi32, #tpu.memory_space<vmem>> -> memref<128xi32, #tpu.memory_space<vmem>>
          %dma_wait3A_275 = arith.constant 0 : i32
          %dma_wait3A_276 = arith.constant 0 : i32
          %dma_wait3A_277 = tpu.memref_slice %arg17[%dma_wait3A_275, %dma_wait3A_276] : memref<10240x32xf32, #tpu.memory_space<vmem_shared>> -> memref<10240x32xf32, #tpu.memory_space<vmem_shared>>
          tpu.wait_indirect_dma semaphore(%arg28 : memref<!tpu.dma_semaphore, #tpu.memory_space<semaphore_mem>>) src(%arg10 : memref<128x32xf32, #tpu.memory_space<vmem>>) dst(%dma_wait3A_277 : memref<10240x32xf32, #tpu.memory_space<vmem_shared>>)
        } else {
        }
        %dma_start3A_265 = arith.constant 0 : i32
        %dma_start3A_266 = tpu.memref_slice %arg7[%add3A_212, %dma_start3A_265] : memref<160x128xi32, #tpu.memory_space<vmem>> -> memref<1x128xi32, #tpu.memory_space<vmem>>
        %dma_start3A_267 = tpu.memref_squeeze %dma_start3A_266 : memref<1x128xi32, #tpu.memory_space<vmem>> -> memref<128xi32, #tpu.memory_space<vmem>>
        %dma_start3A_268 = arith.constant 0 : i32
        %dma_start3A_269 = arith.constant 0 : i32
        %dma_start3A_270 = tpu.memref_slice %arg18[%dma_start3A_268, %dma_start3A_269] : memref<10240x32xf32, #tpu.memory_space<vmem_shared>> -> memref<10240x32xf32, #tpu.memory_space<vmem_shared>>
        tpu.enqueue_indirect_dma source(%dma_start3A_270 : memref<10240x32xf32, #tpu.memory_space<vmem_shared>>) target(%arg10 : memref<128x32xf32, #tpu.memory_space<vmem>>) offsets(%dma_start3A_267 : memref<128xi32, #tpu.memory_space<vmem>>) semaphore(%arg20 : memref<!tpu.dma_semaphore, #tpu.memory_space<semaphore_mem>>)
      } else {
      }
      %add3A_218 = arith.constant 6 : i32
      %add3A_219 = arith.addi %mul3A_95, %add3A_218 : i32
      %dma_wait3A_220 = arith.constant 0 : i32
      %dma_wait3A_221 = tpu.memref_slice %arg7[%add3A_219, %dma_wait3A_220] : memref<160x128xi32, #tpu.memory_space<vmem>> -> memref<1x128xi32, #tpu.memory_space<vmem>>
      %dma_wait3A_222 = tpu.memref_squeeze %dma_wait3A_221 : memref<1x128xi32, #tpu.memory_space<vmem>> -> memref<128xi32, #tpu.memory_space<vmem>>
      %dma_wait3A_223 = arith.constant 0 : i32
      %dma_wait3A_224 = arith.constant 0 : i32
      %dma_wait3A_225 = tpu.memref_slice %arg18[%dma_wait3A_223, %dma_wait3A_224] : memref<10240x32xf32, #tpu.memory_space<vmem_shared>> -> memref<10240x32xf32, #tpu.memory_space<vmem_shared>>
      tpu.wait_indirect_dma semaphore(%arg25 : memref<!tpu.dma_semaphore, #tpu.memory_space<semaphore_mem>>) src(%dma_wait3A_225 : memref<10240x32xf32, #tpu.memory_space<vmem_shared>>) dst(%arg15 : memref<128x32xf32, #tpu.memory_space<vmem>>)
      %dma_start3A_226 = arith.constant 0 : i32
      %dma_start3A_227 = tpu.memref_slice %arg8[%add3A_219, %dma_start3A_226] : memref<160x128xi32, #tpu.memory_space<vmem>> -> memref<1x128xi32, #tpu.memory_space<vmem>>
      %dma_start3A_228 = tpu.memref_squeeze %dma_start3A_227 : memref<1x128xi32, #tpu.memory_space<vmem>> -> memref<128xi32, #tpu.memory_space<vmem>>
      %dma_start3A_229 = arith.constant 0 : i32
      %dma_start3A_230 = arith.constant 0 : i32
      %dma_start3A_231 = tpu.memref_slice %arg17[%dma_start3A_229, %dma_start3A_230] : memref<10240x32xf32, #tpu.memory_space<vmem_shared>> -> memref<10240x32xf32, #tpu.memory_space<vmem_shared>>
      tpu.enqueue_indirect_dma source(%arg15 : memref<128x32xf32, #tpu.memory_space<vmem>>) target(%dma_start3A_231 : memref<10240x32xf32, #tpu.memory_space<vmem_shared>>) offsets(%dma_start3A_228 : memref<128xi32, #tpu.memory_space<vmem>>) semaphore(%arg33 : memref<!tpu.dma_semaphore, #tpu.memory_space<semaphore_mem>>) {add = true}
      %add3A_232 = arith.constant 4 : i32
      %add3A_233 = arith.addi %add3A_219, %add3A_232 : i32
      %lt3A_234 = arith.constant 160 : i32
      %lt3A_235 = arith.cmpi slt, %add3A_233, %lt3A_234 : i32
      %convert_element_type3A_236 = arith.extui %lt3A_235 : i1 to i32
      %cond3A_237 = arith.constant 0 : i32
      %cond3A_238 = arith.cmpi ne, %convert_element_type3A_236, %cond3A_237 : i32
      scf.if %cond3A_238 {
        %ge3A = arith.constant 8 : i32
        %ge3A_261 = arith.cmpi sge, %add3A_233, %ge3A : i32
        %convert_element_type3A_262 = arith.extui %ge3A_261 : i1 to i32
        %cond3A_263 = arith.constant 0 : i32
        %cond3A_264 = arith.cmpi ne, %convert_element_type3A_262, %cond3A_263 : i32
        scf.if %cond3A_264 {
          %dma_wait3A_271 = arith.constant 0 : i32
          %dma_wait3A_272 = arith.constant 0 : i32
          %dma_wait3A_273 = tpu.memref_slice %arg8[%dma_wait3A_271, %dma_wait3A_272] : memref<160x128xi32, #tpu.memory_space<vmem>> -> memref<1x128xi32, #tpu.memory_space<vmem>>
          %dma_wait3A_274 = tpu.memref_squeeze %dma_wait3A_273 : memref<1x128xi32, #tpu.memory_space<vmem>> -> memref<128xi32, #tpu.memory_space<vmem>>
          %dma_wait3A_275 = arith.constant 0 : i32
          %dma_wait3A_276 = arith.constant 0 : i32
          %dma_wait3A_277 = tpu.memref_slice %arg17[%dma_wait3A_275, %dma_wait3A_276] : memref<10240x32xf32, #tpu.memory_space<vmem_shared>> -> memref<10240x32xf32, #tpu.memory_space<vmem_shared>>
          tpu.wait_indirect_dma semaphore(%arg29 : memref<!tpu.dma_semaphore, #tpu.memory_space<semaphore_mem>>) src(%arg11 : memref<128x32xf32, #tpu.memory_space<vmem>>) dst(%dma_wait3A_277 : memref<10240x32xf32, #tpu.memory_space<vmem_shared>>)
        } else {
        }
        %dma_start3A_265 = arith.constant 0 : i32
        %dma_start3A_266 = tpu.memref_slice %arg7[%add3A_233, %dma_start3A_265] : memref<160x128xi32, #tpu.memory_space<vmem>> -> memref<1x128xi32, #tpu.memory_space<vmem>>
        %dma_start3A_267 = tpu.memref_squeeze %dma_start3A_266 : memref<1x128xi32, #tpu.memory_space<vmem>> -> memref<128xi32, #tpu.memory_space<vmem>>
        %dma_start3A_268 = arith.constant 0 : i32
        %dma_start3A_269 = arith.constant 0 : i32
        %dma_start3A_270 = tpu.memref_slice %arg18[%dma_start3A_268, %dma_start3A_269] : memref<10240x32xf32, #tpu.memory_space<vmem_shared>> -> memref<10240x32xf32, #tpu.memory_space<vmem_shared>>
        tpu.enqueue_indirect_dma source(%dma_start3A_270 : memref<10240x32xf32, #tpu.memory_space<vmem_shared>>) target(%arg11 : memref<128x32xf32, #tpu.memory_space<vmem>>) offsets(%dma_start3A_267 : memref<128xi32, #tpu.memory_space<vmem>>) semaphore(%arg21 : memref<!tpu.dma_semaphore, #tpu.memory_space<semaphore_mem>>)
      } else {
      }
      %add3A_239 = arith.constant 7 : i32
      %add3A_240 = arith.addi %mul3A_95, %add3A_239 : i32
      %dma_wait3A_241 = arith.constant 0 : i32
      %dma_wait3A_242 = tpu.memref_slice %arg7[%add3A_240, %dma_wait3A_241] : memref<160x128xi32, #tpu.memory_space<vmem>> -> memref<1x128xi32, #tpu.memory_space<vmem>>
      %dma_wait3A_243 = tpu.memref_squeeze %dma_wait3A_242 : memref<1x128xi32, #tpu.memory_space<vmem>> -> memref<128xi32, #tpu.memory_space<vmem>>
      %dma_wait3A_244 = arith.constant 0 : i32
      %dma_wait3A_245 = arith.constant 0 : i32
      %dma_wait3A_246 = tpu.memref_slice %arg18[%dma_wait3A_244, %dma_wait3A_245] : memref<10240x32xf32, #tpu.memory_space<vmem_shared>> -> memref<10240x32xf32, #tpu.memory_space<vmem_shared>>
      tpu.wait_indirect_dma semaphore(%arg26 : memref<!tpu.dma_semaphore, #tpu.memory_space<semaphore_mem>>) src(%dma_wait3A_246 : memref<10240x32xf32, #tpu.memory_space<vmem_shared>>) dst(%arg16 : memref<128x32xf32, #tpu.memory_space<vmem>>)
      %dma_start3A_247 = arith.constant 0 : i32
      %dma_start3A_248 = tpu.memref_slice %arg8[%add3A_240, %dma_start3A_247] : memref<160x128xi32, #tpu.memory_space<vmem>> -> memref<1x128xi32, #tpu.memory_space<vmem>>
      %dma_start3A_249 = tpu.memref_squeeze %dma_start3A_248 : memref<1x128xi32, #tpu.memory_space<vmem>> -> memref<128xi32, #tpu.memory_space<vmem>>
      %dma_start3A_250 = arith.constant 0 : i32
      %dma_start3A_251 = arith.constant 0 : i32
      %dma_start3A_252 = tpu.memref_slice %arg17[%dma_start3A_250, %dma_start3A_251] : memref<10240x32xf32, #tpu.memory_space<vmem_shared>> -> memref<10240x32xf32, #tpu.memory_space<vmem_shared>>
      tpu.enqueue_indirect_dma source(%arg16 : memref<128x32xf32, #tpu.memory_space<vmem>>) target(%dma_start3A_252 : memref<10240x32xf32, #tpu.memory_space<vmem_shared>>) offsets(%dma_start3A_249 : memref<128xi32, #tpu.memory_space<vmem>>) semaphore(%arg34 : memref<!tpu.dma_semaphore, #tpu.memory_space<semaphore_mem>>) {add = true}
      %add3A_253 = arith.constant 4 : i32
      %add3A_254 = arith.addi %add3A_240, %add3A_253 : i32
      %lt3A_255 = arith.constant 160 : i32
      %lt3A_256 = arith.cmpi slt, %add3A_254, %lt3A_255 : i32
      %convert_element_type3A_257 = arith.extui %lt3A_256 : i1 to i32
      %cond3A_258 = arith.constant 0 : i32
      %cond3A_259 = arith.cmpi ne, %convert_element_type3A_257, %cond3A_258 : i32
      scf.if %cond3A_259 {
        %ge3A = arith.constant 8 : i32
        %ge3A_261 = arith.cmpi sge, %add3A_254, %ge3A : i32
        %convert_element_type3A_262 = arith.extui %ge3A_261 : i1 to i32
        %cond3A_263 = arith.constant 0 : i32
        %cond3A_264 = arith.cmpi ne, %convert_element_type3A_262, %cond3A_263 : i32
        scf.if %cond3A_264 {
          %dma_wait3A_271 = arith.constant 0 : i32
          %dma_wait3A_272 = arith.constant 0 : i32
          %dma_wait3A_273 = tpu.memref_slice %arg8[%dma_wait3A_271, %dma_wait3A_272] : memref<160x128xi32, #tpu.memory_space<vmem>> -> memref<1x128xi32, #tpu.memory_space<vmem>>
          %dma_wait3A_274 = tpu.memref_squeeze %dma_wait3A_273 : memref<1x128xi32, #tpu.memory_space<vmem>> -> memref<128xi32, #tpu.memory_space<vmem>>
          %dma_wait3A_275 = arith.constant 0 : i32
          %dma_wait3A_276 = arith.constant 0 : i32
          %dma_wait3A_277 = tpu.memref_slice %arg17[%dma_wait3A_275, %dma_wait3A_276] : memref<10240x32xf32, #tpu.memory_space<vmem_shared>> -> memref<10240x32xf32, #tpu.memory_space<vmem_shared>>
          tpu.wait_indirect_dma semaphore(%arg30 : memref<!tpu.dma_semaphore, #tpu.memory_space<semaphore_mem>>) src(%arg12 : memref<128x32xf32, #tpu.memory_space<vmem>>) dst(%dma_wait3A_277 : memref<10240x32xf32, #tpu.memory_space<vmem_shared>>)
        } else {
        }
        %dma_start3A_265 = arith.constant 0 : i32
        %dma_start3A_266 = tpu.memref_slice %arg7[%add3A_254, %dma_start3A_265] : memref<160x128xi32, #tpu.memory_space<vmem>> -> memref<1x128xi32, #tpu.memory_space<vmem>>
        %dma_start3A_267 = tpu.memref_squeeze %dma_start3A_266 : memref<1x128xi32, #tpu.memory_space<vmem>> -> memref<128xi32, #tpu.memory_space<vmem>>
        %dma_start3A_268 = arith.constant 0 : i32
        %dma_start3A_269 = arith.constant 0 : i32
        %dma_start3A_270 = tpu.memref_slice %arg18[%dma_start3A_268, %dma_start3A_269] : memref<10240x32xf32, #tpu.memory_space<vmem_shared>> -> memref<10240x32xf32, #tpu.memory_space<vmem_shared>>
        tpu.enqueue_indirect_dma source(%dma_start3A_270 : memref<10240x32xf32, #tpu.memory_space<vmem_shared>>) target(%arg12 : memref<128x32xf32, #tpu.memory_space<vmem>>) offsets(%dma_start3A_267 : memref<128xi32, #tpu.memory_space<vmem>>) semaphore(%arg22 : memref<!tpu.dma_semaphore, #tpu.memory_space<semaphore_mem>>)
      } else {
      }
      %scan3A_260 = arith.constant 0 : i32
      scf.yield %scan3A_260 : i32
    }
    %scan3A_35 = arith.constant 20 : i32
    %dma_wait3A = arith.constant 0 : i32
    %dma_wait3A_36 = arith.constant 0 : i32
    %dma_wait3A_37 = tpu.memref_slice %arg8[%dma_wait3A, %dma_wait3A_36] : memref<160x128xi32, #tpu.memory_space<vmem>> -> memref<1x128xi32, #tpu.memory_space<vmem>>
    %dma_wait3A_38 = tpu.memref_squeeze %dma_wait3A_37 : memref<1x128xi32, #tpu.memory_space<vmem>> -> memref<128xi32, #tpu.memory_space<vmem>>
    %dma_wait3A_39 = arith.constant 0 : i32
    %dma_wait3A_40 = arith.constant 0 : i32
    %dma_wait3A_41 = tpu.memref_slice %arg17[%dma_wait3A_39, %dma_wait3A_40] : memref<10240x32xf32, #tpu.memory_space<vmem_shared>> -> memref<10240x32xf32, #tpu.memory_space<vmem_shared>>
    tpu.wait_indirect_dma semaphore(%arg27 : memref<!tpu.dma_semaphore, #tpu.memory_space<semaphore_mem>>) src(%arg9 : memref<128x32xf32, #tpu.memory_space<vmem>>) dst(%dma_wait3A_41 : memref<10240x32xf32, #tpu.memory_space<vmem_shared>>)
    %dma_wait3A_42 = arith.constant 0 : i32
    %dma_wait3A_43 = arith.constant 0 : i32
    %dma_wait3A_44 = tpu.memref_slice %arg8[%dma_wait3A_42, %dma_wait3A_43] : memref<160x128xi32, #tpu.memory_space<vmem>> -> memref<1x128xi32, #tpu.memory_space<vmem>>
    %dma_wait3A_45 = tpu.memref_squeeze %dma_wait3A_44 : memref<1x128xi32, #tpu.memory_space<vmem>> -> memref<128xi32, #tpu.memory_space<vmem>>
    %dma_wait3A_46 = arith.constant 0 : i32
    %dma_wait3A_47 = arith.constant 0 : i32
    %dma_wait3A_48 = tpu.memref_slice %arg17[%dma_wait3A_46, %dma_wait3A_47] : memref<10240x32xf32, #tpu.memory_space<vmem_shared>> -> memref<10240x32xf32, #tpu.memory_space<vmem_shared>>
    tpu.wait_indirect_dma semaphore(%arg28 : memref<!tpu.dma_semaphore, #tpu.memory_space<semaphore_mem>>) src(%arg10 : memref<128x32xf32, #tpu.memory_space<vmem>>) dst(%dma_wait3A_48 : memref<10240x32xf32, #tpu.memory_space<vmem_shared>>)
    %dma_wait3A_49 = arith.constant 0 : i32
    %dma_wait3A_50 = arith.constant 0 : i32
    %dma_wait3A_51 = tpu.memref_slice %arg8[%dma_wait3A_49, %dma_wait3A_50] : memref<160x128xi32, #tpu.memory_space<vmem>> -> memref<1x128xi32, #tpu.memory_space<vmem>>
    %dma_wait3A_52 = tpu.memref_squeeze %dma_wait3A_51 : memref<1x128xi32, #tpu.memory_space<vmem>> -> memref<128xi32, #tpu.memory_space<vmem>>
    %dma_wait3A_53 = arith.constant 0 : i32
    %dma_wait3A_54 = arith.constant 0 : i32
    %dma_wait3A_55 = tpu.memref_slice %arg17[%dma_wait3A_53, %dma_wait3A_54] : memref<10240x32xf32, #tpu.memory_space<vmem_shared>> -> memref<10240x32xf32, #tpu.memory_space<vmem_shared>>
    tpu.wait_indirect_dma semaphore(%arg29 : memref<!tpu.dma_semaphore, #tpu.memory_space<semaphore_mem>>) src(%arg11 : memref<128x32xf32, #tpu.memory_space<vmem>>) dst(%dma_wait3A_55 : memref<10240x32xf32, #tpu.memory_space<vmem_shared>>)
    %dma_wait3A_56 = arith.constant 0 : i32
    %dma_wait3A_57 = arith.constant 0 : i32
    %dma_wait3A_58 = tpu.memref_slice %arg8[%dma_wait3A_56, %dma_wait3A_57] : memref<160x128xi32, #tpu.memory_space<vmem>> -> memref<1x128xi32, #tpu.memory_space<vmem>>
    %dma_wait3A_59 = tpu.memref_squeeze %dma_wait3A_58 : memref<1x128xi32, #tpu.memory_space<vmem>> -> memref<128xi32, #tpu.memory_space<vmem>>
    %dma_wait3A_60 = arith.constant 0 : i32
    %dma_wait3A_61 = arith.constant 0 : i32
    %dma_wait3A_62 = tpu.memref_slice %arg17[%dma_wait3A_60, %dma_wait3A_61] : memref<10240x32xf32, #tpu.memory_space<vmem_shared>> -> memref<10240x32xf32, #tpu.memory_space<vmem_shared>>
    tpu.wait_indirect_dma semaphore(%arg30 : memref<!tpu.dma_semaphore, #tpu.memory_space<semaphore_mem>>) src(%arg12 : memref<128x32xf32, #tpu.memory_space<vmem>>) dst(%dma_wait3A_62 : memref<10240x32xf32, #tpu.memory_space<vmem_shared>>)
    %dma_wait3A_63 = arith.constant 0 : i32
    %dma_wait3A_64 = arith.constant 0 : i32
    %dma_wait3A_65 = tpu.memref_slice %arg8[%dma_wait3A_63, %dma_wait3A_64] : memref<160x128xi32, #tpu.memory_space<vmem>> -> memref<1x128xi32, #tpu.memory_space<vmem>>
    %dma_wait3A_66 = tpu.memref_squeeze %dma_wait3A_65 : memref<1x128xi32, #tpu.memory_space<vmem>> -> memref<128xi32, #tpu.memory_space<vmem>>
    %dma_wait3A_67 = arith.constant 0 : i32
    %dma_wait3A_68 = arith.constant 0 : i32
    %dma_wait3A_69 = tpu.memref_slice %arg17[%dma_wait3A_67, %dma_wait3A_68] : memref<10240x32xf32, #tpu.memory_space<vmem_shared>> -> memref<10240x32xf32, #tpu.memory_space<vmem_shared>>
    tpu.wait_indirect_dma semaphore(%arg31 : memref<!tpu.dma_semaphore, #tpu.memory_space<semaphore_mem>>) src(%arg13 : memref<128x32xf32, #tpu.memory_space<vmem>>) dst(%dma_wait3A_69 : memref<10240x32xf32, #tpu.memory_space<vmem_shared>>)
    %dma_wait3A_70 = arith.constant 0 : i32
    %dma_wait3A_71 = arith.constant 0 : i32
    %dma_wait3A_72 = tpu.memref_slice %arg8[%dma_wait3A_70, %dma_wait3A_71] : memref<160x128xi32, #tpu.memory_space<vmem>> -> memref<1x128xi32, #tpu.memory_space<vmem>>
    %dma_wait3A_73 = tpu.memref_squeeze %dma_wait3A_72 : memref<1x128xi32, #tpu.memory_space<vmem>> -> memref<128xi32, #tpu.memory_space<vmem>>
    %dma_wait3A_74 = arith.constant 0 : i32
    %dma_wait3A_75 = arith.constant 0 : i32
    %dma_wait3A_76 = tpu.memref_slice %arg17[%dma_wait3A_74, %dma_wait3A_75] : memref<10240x32xf32, #tpu.memory_space<vmem_shared>> -> memref<10240x32xf32, #tpu.memory_space<vmem_shared>>
    tpu.wait_indirect_dma semaphore(%arg32 : memref<!tpu.dma_semaphore, #tpu.memory_space<semaphore_mem>>) src(%arg14 : memref<128x32xf32, #tpu.memory_space<vmem>>) dst(%dma_wait3A_76 : memref<10240x32xf32, #tpu.memory_space<vmem_shared>>)
    %dma_wait3A_77 = arith.constant 0 : i32
    %dma_wait3A_78 = arith.constant 0 : i32
    %dma_wait3A_79 = tpu.memref_slice %arg8[%dma_wait3A_77, %dma_wait3A_78] : memref<160x128xi32, #tpu.memory_space<vmem>> -> memref<1x128xi32, #tpu.memory_space<vmem>>
    %dma_wait3A_80 = tpu.memref_squeeze %dma_wait3A_79 : memref<1x128xi32, #tpu.memory_space<vmem>> -> memref<128xi32, #tpu.memory_space<vmem>>
    %dma_wait3A_81 = arith.constant 0 : i32
    %dma_wait3A_82 = arith.constant 0 : i32
    %dma_wait3A_83 = tpu.memref_slice %arg17[%dma_wait3A_81, %dma_wait3A_82] : memref<10240x32xf32, #tpu.memory_space<vmem_shared>> -> memref<10240x32xf32, #tpu.memory_space<vmem_shared>>
    tpu.wait_indirect_dma semaphore(%arg33 : memref<!tpu.dma_semaphore, #tpu.memory_space<semaphore_mem>>) src(%arg15 : memref<128x32xf32, #tpu.memory_space<vmem>>) dst(%dma_wait3A_83 : memref<10240x32xf32, #tpu.memory_space<vmem_shared>>)
    %dma_wait3A_84 = arith.constant 0 : i32
    %dma_wait3A_85 = arith.constant 0 : i32
    %dma_wait3A_86 = tpu.memref_slice %arg8[%dma_wait3A_84, %dma_wait3A_85] : memref<160x128xi32, #tpu.memory_space<vmem>> -> memref<1x128xi32, #tpu.memory_space<vmem>>
    %dma_wait3A_87 = tpu.memref_squeeze %dma_wait3A_86 : memref<1x128xi32, #tpu.memory_space<vmem>> -> memref<128xi32, #tpu.memory_space<vmem>>
    %dma_wait3A_88 = arith.constant 0 : i32
    %dma_wait3A_89 = arith.constant 0 : i32
    %dma_wait3A_90 = tpu.memref_slice %arg17[%dma_wait3A_88, %dma_wait3A_89] : memref<10240x32xf32, #tpu.memory_space<vmem_shared>> -> memref<10240x32xf32, #tpu.memory_space<vmem_shared>>
    tpu.wait_indirect_dma semaphore(%arg34 : memref<!tpu.dma_semaphore, #tpu.memory_space<semaphore_mem>>) src(%arg16 : memref<128x32xf32, #tpu.memory_space<vmem>>) dst(%dma_wait3A_90 : memref<10240x32xf32, #tpu.memory_space<vmem_shared>>)
    %barrier3A_91 = arith.constant 0 : index
    tpu.barrier barrier_id(%barrier3A_91)
    "tpu.region"() ({
      %run_scoped3A = tpu.sem_alloc : memref<!tpu.dma_semaphore, #tpu.memory_space<semaphore_mem>>
      %dma_start3A_92 = arith.constant 0 : i32
      %dma_start3A_93 = tpu.memref_slice %arg6[%arg0, %mul3A_2, %dma_start3A_92] : memref<2x10240x32xf32, #tpu.memory_space<hbm>> -> memref<1x640x32xf32, #tpu.memory_space<hbm>>
      %dma_start3A_94 = tpu.memref_squeeze %dma_start3A_93 : memref<1x640x32xf32, #tpu.memory_space<hbm>> -> memref<640x32xf32, #tpu.memory_space<hbm>>
      %dma_start3A_95 = arith.constant 0 : i32
      %dma_start3A_96 = tpu.memref_slice %arg17[%mul3A_2, %dma_start3A_95] : memref<10240x32xf32, #tpu.memory_space<vmem_shared>> -> memref<640x32xf32, #tpu.memory_space<vmem_shared>>
      tpu.enqueue_dma source(%dma_start3A_96 : memref<640x32xf32, #tpu.memory_space<vmem_shared>>) target(%dma_start3A_94 : memref<640x32xf32, #tpu.memory_space<hbm>>) target_semaphore(%run_scoped3A : memref<!tpu.dma_semaphore, #tpu.memory_space<semaphore_mem>>)
      %dma_wait3A_97 = arith.constant 0 : i32
      %dma_wait3A_98 = tpu.memref_slice %arg6[%arg0, %mul3A_2, %dma_wait3A_97] : memref<2x10240x32xf32, #tpu.memory_space<hbm>> -> memref<1x640x32xf32, #tpu.memory_space<hbm>>
      %dma_wait3A_99 = tpu.memref_squeeze %dma_wait3A_98 : memref<1x640x32xf32, #tpu.memory_space<hbm>> -> memref<640x32xf32, #tpu.memory_space<hbm>>
      %dma_wait3A_100 = arith.constant 0 : i32
      %dma_wait3A_101 = tpu.memref_slice %arg17[%mul3A_2, %dma_wait3A_100] : memref<10240x32xf32, #tpu.memory_space<vmem_shared>> -> memref<640x32xf32, #tpu.memory_space<vmem_shared>>
      tpu.wait_dma2 semaphore(%run_scoped3A : memref<!tpu.dma_semaphore, #tpu.memory_space<semaphore_mem>>) src(%dma_wait3A_101 : memref<640x32xf32, #tpu.memory_space<vmem_shared>>) dst(%dma_wait3A_99 : memref<640x32xf32, #tpu.memory_space<hbm>>)
      tpu.yield
    }) : () -> ()
    return
  }
}

#map = affine_map<(d0, d1) -> (0, 0)>
module attributes {stable_mosaic.version = 14 : i64} {
  func.func @_deg_kernel(%arg0: i32, %arg1: i32, %arg2: memref<2560x128xi32, #tpu.memory_space<hbm>>, %arg3: memref<2x10240xf32, #tpu.memory_space<hbm>>, %arg4: memref<80x128xi32, #tpu.memory_space<vmem>>, %arg5: memref<10240xf32, #tpu.memory_space<vmem>>, %arg6: memref<640xf32, #tpu.memory_space<vmem>>, %arg7: memref<640xf32, #tpu.memory_space<vmem>>, %arg8: memref<16x10240xf32, #tpu.memory_space<vmem_shared>>) attributes {dimension_semantics = [#tpu.dimension_semantics<core_parallel>, #tpu.dimension_semantics<subcore_parallel>], iteration_bounds = array<i64: 2, 16>, scalar_prefetch = 0 : i64, scratch_operands = 5 : i64, tpu.core_type = #tpu.core_type<sc_vector_subcore>, window_params = [{transform_indices = #map}, {transform_indices = #map}]} {
    %mul3A = arith.constant 16 : i32
    %mul3A_0 = arith.muli %arg0, %mul3A : i32
    %add3A = arith.addi %mul3A_0, %arg1 : i32
    %mul3A_1 = arith.constant 80 : i32
    %mul3A_2 = arith.muli %add3A, %mul3A_1 : i32
    "tpu.region"() ({
      %run_scoped3A_139 = tpu.sem_alloc : memref<!tpu.dma_semaphore, #tpu.memory_space<semaphore_mem>>
      %dma_start3A = arith.constant 0 : i32
      %dma_start3A_140 = tpu.memref_slice %arg2[%mul3A_2, %dma_start3A] : memref<2560x128xi32, #tpu.memory_space<hbm>> -> memref<80x128xi32, #tpu.memory_space<hbm>>
      %dma_start3A_141 = arith.constant 0 : i32
      %dma_start3A_142 = tpu.memref_slice %arg2[%mul3A_2, %dma_start3A_141] : memref<2560x128xi32, #tpu.memory_space<hbm>> -> memref<80x128xi32, #tpu.memory_space<hbm>>
      tpu.enqueue_dma source(%dma_start3A_142 : memref<80x128xi32, #tpu.memory_space<hbm>>) target(%arg4 : memref<80x128xi32, #tpu.memory_space<vmem>>) target_semaphore(%run_scoped3A_139 : memref<!tpu.dma_semaphore, #tpu.memory_space<semaphore_mem>>)
      %dma_wait3A = arith.constant 0 : i32
      %dma_wait3A_143 = tpu.memref_slice %arg2[%mul3A_2, %dma_wait3A] : memref<2560x128xi32, #tpu.memory_space<hbm>> -> memref<80x128xi32, #tpu.memory_space<hbm>>
      %dma_wait3A_144 = arith.constant 0 : i32
      %dma_wait3A_145 = tpu.memref_slice %arg2[%mul3A_2, %dma_wait3A_144] : memref<2560x128xi32, #tpu.memory_space<hbm>> -> memref<80x128xi32, #tpu.memory_space<hbm>>
      tpu.wait_dma2 semaphore(%run_scoped3A_139 : memref<!tpu.dma_semaphore, #tpu.memory_space<semaphore_mem>>) src(%dma_wait3A_145 : memref<80x128xi32, #tpu.memory_space<hbm>>) dst(%arg4 : memref<80x128xi32, #tpu.memory_space<vmem>>)
      tpu.yield
    }) : () -> ()
    %scan3A = arith.constant 0 : i32
    %scan3A_3 = arith.constant 0 : i32
    %scan3A_4 = arith.constant 640 : i32
    %scan3A_5 = arith.addi %scan3A_3, %scan3A_4 : i32
    %scan3A_6 = arith.constant 1 : i32
    %scan3A_7 = scf.for %scan3A_139 = %scan3A_3 to %scan3A_5 step %scan3A_6 iter_args(%scan3A_140 = %scan3A) -> (i32)  : i32 {
      %broadcast_in_dim3A_141 = arith.constant 0.000000e+00 : f32
      %broadcast_in_dim3A_142 = vector.broadcast %broadcast_in_dim3A_141 : f32 to vector<16xf32>
      %mul3A_143 = arith.constant 16 : i32
      %mul3A_144 = arith.muli %scan3A_139, %mul3A_143 : i32
      %swap3A = arith.index_cast %mul3A_144 : i32 to index
      %swap3A_145 = tpu.vector_load %arg5[%swap3A] {strides = array<i32>} : memref<10240xf32, #tpu.memory_space<vmem>>, vector<16xf32>,
      tpu.vector_store %arg5[%swap3A], %broadcast_in_dim3A_142 {strides = array<i32>} : memref<10240xf32, #tpu.memory_space<vmem>>, vector<16xf32>,
      %scan3A_146 = arith.constant 0 : i32
      scf.yield %scan3A_146 : i32
    }
    %scan3A_8 = arith.constant 640 : i32
    %broadcast_in_dim3A = arith.constant 1.000000e+00 : f32
    %broadcast_in_dim3A_9 = vector.broadcast %broadcast_in_dim3A : f32 to vector<16xf32>
    %scan3A_10 = arith.constant 0 : i32
    %scan3A_11 = arith.constant 0 : i32
    %scan3A_12 = arith.constant 80 : i32
    %scan3A_13 = arith.addi %scan3A_11, %scan3A_12 : i32
    %scan3A_14 = arith.constant 1 : i32
    %scan3A_15 = scf.for %scan3A_139 = %scan3A_11 to %scan3A_13 step %scan3A_14 iter_args(%scan3A_140 = %scan3A_10) -> (i32)  : i32 {
      %get3A = arith.index_cast %scan3A_139 : i32 to index
      %get3A_141 = arith.constant 0 : index
      %get3A_142 = tpu.vector_load %arg4[%get3A, %get3A_141] {strides = array<i32>} : memref<80x128xi32, #tpu.memory_space<vmem>>, vector<16xi32>,
      tpu.vector_store_idx %arg5[%get3A_142], %broadcast_in_dim3A_9 {add = true} : memref<10240xf32, #tpu.memory_space<vmem>>[vector<16xi32>], vector<16xf32>,
      %get3A_143 = arith.index_cast %scan3A_139 : i32 to index
      %get3A_144 = arith.constant 16 : index
      %get3A_145 = tpu.vector_load %arg4[%get3A_143, %get3A_144] {strides = array<i32>} : memref<80x128xi32, #tpu.memory_space<vmem>>, vector<16xi32>,
      tpu.vector_store_idx %arg5[%get3A_145], %broadcast_in_dim3A_9 {add = true} : memref<10240xf32, #tpu.memory_space<vmem>>[vector<16xi32>], vector<16xf32>,
      %get3A_146 = arith.index_cast %scan3A_139 : i32 to index
      %get3A_147 = arith.constant 32 : index
      %get3A_148 = tpu.vector_load %arg4[%get3A_146, %get3A_147] {strides = array<i32>} : memref<80x128xi32, #tpu.memory_space<vmem>>, vector<16xi32>,
      tpu.vector_store_idx %arg5[%get3A_148], %broadcast_in_dim3A_9 {add = true} : memref<10240xf32, #tpu.memory_space<vmem>>[vector<16xi32>], vector<16xf32>,
      %get3A_149 = arith.index_cast %scan3A_139 : i32 to index
      %get3A_150 = arith.constant 48 : index
      %get3A_151 = tpu.vector_load %arg4[%get3A_149, %get3A_150] {strides = array<i32>} : memref<80x128xi32, #tpu.memory_space<vmem>>, vector<16xi32>,
      tpu.vector_store_idx %arg5[%get3A_151], %broadcast_in_dim3A_9 {add = true} : memref<10240xf32, #tpu.memory_space<vmem>>[vector<16xi32>], vector<16xf32>,
      %get3A_152 = arith.index_cast %scan3A_139 : i32 to index
      %get3A_153 = arith.constant 64 : index
      %get3A_154 = tpu.vector_load %arg4[%get3A_152, %get3A_153] {strides = array<i32>} : memref<80x128xi32, #tpu.memory_space<vmem>>, vector<16xi32>,
      tpu.vector_store_idx %arg5[%get3A_154], %broadcast_in_dim3A_9 {add = true} : memref<10240xf32, #tpu.memory_space<vmem>>[vector<16xi32>], vector<16xf32>,
      %get3A_155 = arith.index_cast %scan3A_139 : i32 to index
      %get3A_156 = arith.constant 80 : index
      %get3A_157 = tpu.vector_load %arg4[%get3A_155, %get3A_156] {strides = array<i32>} : memref<80x128xi32, #tpu.memory_space<vmem>>, vector<16xi32>,
      tpu.vector_store_idx %arg5[%get3A_157], %broadcast_in_dim3A_9 {add = true} : memref<10240xf32, #tpu.memory_space<vmem>>[vector<16xi32>], vector<16xf32>,
      %get3A_158 = arith.index_cast %scan3A_139 : i32 to index
      %get3A_159 = arith.constant 96 : index
      %get3A_160 = tpu.vector_load %arg4[%get3A_158, %get3A_159] {strides = array<i32>} : memref<80x128xi32, #tpu.memory_space<vmem>>, vector<16xi32>,
      tpu.vector_store_idx %arg5[%get3A_160], %broadcast_in_dim3A_9 {add = true} : memref<10240xf32, #tpu.memory_space<vmem>>[vector<16xi32>], vector<16xf32>,
      %get3A_161 = arith.index_cast %scan3A_139 : i32 to index
      %get3A_162 = arith.constant 112 : index
      %get3A_163 = tpu.vector_load %arg4[%get3A_161, %get3A_162] {strides = array<i32>} : memref<80x128xi32, #tpu.memory_space<vmem>>, vector<16xi32>,
      tpu.vector_store_idx %arg5[%get3A_163], %broadcast_in_dim3A_9 {add = true} : memref<10240xf32, #tpu.memory_space<vmem>>[vector<16xi32>], vector<16xf32>,
      %scan3A_164 = arith.constant 0 : i32
      scf.yield %scan3A_164 : i32
    }
    %scan3A_16 = arith.constant 80 : i32
    "tpu.region"() ({
      %run_scoped3A_139 = tpu.sem_alloc : memref<!tpu.dma_semaphore, #tpu.memory_space<semaphore_mem>>
      %dma_start3A = arith.constant 0 : i32
      %dma_start3A_140 = tpu.memref_slice %arg8[%arg1, %dma_start3A] : memref<16x10240xf32, #tpu.memory_space<vmem_shared>> -> memref<1x10240xf32, #tpu.memory_space<vmem_shared>>
      %dma_start3A_141 = tpu.memref_squeeze %dma_start3A_140 : memref<1x10240xf32, #tpu.memory_space<vmem_shared>> -> memref<10240xf32, #tpu.memory_space<vmem_shared>>
      %dma_start3A_142 = arith.constant 0 : i32
      %dma_start3A_143 = tpu.memref_slice %arg8[%arg1, %dma_start3A_142] : memref<16x10240xf32, #tpu.memory_space<vmem_shared>> -> memref<1x10240xf32, #tpu.memory_space<vmem_shared>>
      %dma_start3A_144 = tpu.memref_squeeze %dma_start3A_143 : memref<1x10240xf32, #tpu.memory_space<vmem_shared>> -> memref<10240xf32, #tpu.memory_space<vmem_shared>>
      tpu.enqueue_dma source(%arg5 : memref<10240xf32, #tpu.memory_space<vmem>>) target(%dma_start3A_144 : memref<10240xf32, #tpu.memory_space<vmem_shared>>) target_semaphore(%run_scoped3A_139 : memref<!tpu.dma_semaphore, #tpu.memory_space<semaphore_mem>>)
      %dma_wait3A = arith.constant 0 : i32
      %dma_wait3A_145 = tpu.memref_slice %arg8[%arg1, %dma_wait3A] : memref<16x10240xf32, #tpu.memory_space<vmem_shared>> -> memref<1x10240xf32, #tpu.memory_space<vmem_shared>>
      %dma_wait3A_146 = tpu.memref_squeeze %dma_wait3A_145 : memref<1x10240xf32, #tpu.memory_space<vmem_shared>> -> memref<10240xf32, #tpu.memory_space<vmem_shared>>
      %dma_wait3A_147 = arith.constant 0 : i32
      %dma_wait3A_148 = tpu.memref_slice %arg8[%arg1, %dma_wait3A_147] : memref<16x10240xf32, #tpu.memory_space<vmem_shared>> -> memref<1x10240xf32, #tpu.memory_space<vmem_shared>>
      %dma_wait3A_149 = tpu.memref_squeeze %dma_wait3A_148 : memref<1x10240xf32, #tpu.memory_space<vmem_shared>> -> memref<10240xf32, #tpu.memory_space<vmem_shared>>
      tpu.wait_dma2 semaphore(%run_scoped3A_139 : memref<!tpu.dma_semaphore, #tpu.memory_space<semaphore_mem>>) src(%arg5 : memref<10240xf32, #tpu.memory_space<vmem>>) dst(%dma_wait3A_149 : memref<10240xf32, #tpu.memory_space<vmem_shared>>)
      tpu.yield
    }) : () -> ()
    %barrier3A = arith.constant 0 : index
    tpu.barrier barrier_id(%barrier3A)
    %mul3A_17 = arith.constant 640 : i32
    %mul3A_18 = arith.muli %arg1, %mul3A_17 : i32
    %run_scoped3A = arith.constant 0 : i32
    "tpu.region"() ({
      %run_scoped3A_139 = tpu.sem_alloc : memref<!tpu.dma_semaphore, #tpu.memory_space<semaphore_mem>>
      %dma_start3A = tpu.memref_slice %arg8[%run_scoped3A, %mul3A_18] : memref<16x10240xf32, #tpu.memory_space<vmem_shared>> -> memref<1x640xf32, #tpu.memory_space<vmem_shared>>
      %dma_start3A_140 = tpu.memref_squeeze %dma_start3A : memref<1x640xf32, #tpu.memory_space<vmem_shared>> -> memref<640xf32, #tpu.memory_space<vmem_shared>>
      %dma_start3A_141 = tpu.memref_slice %arg8[%run_scoped3A, %mul3A_18] : memref<16x10240xf32, #tpu.memory_space<vmem_shared>> -> memref<1x640xf32, #tpu.memory_space<vmem_shared>>
      %dma_start3A_142 = tpu.memref_squeeze %dma_start3A_141 : memref<1x640xf32, #tpu.memory_space<vmem_shared>> -> memref<640xf32, #tpu.memory_space<vmem_shared>>
      tpu.enqueue_dma source(%dma_start3A_142 : memref<640xf32, #tpu.memory_space<vmem_shared>>) target(%arg6 : memref<640xf32, #tpu.memory_space<vmem>>) target_semaphore(%run_scoped3A_139 : memref<!tpu.dma_semaphore, #tpu.memory_space<semaphore_mem>>)
      %dma_wait3A = tpu.memref_slice %arg8[%run_scoped3A, %mul3A_18] : memref<16x10240xf32, #tpu.memory_space<vmem_shared>> -> memref<1x640xf32, #tpu.memory_space<vmem_shared>>
      %dma_wait3A_143 = tpu.memref_squeeze %dma_wait3A : memref<1x640xf32, #tpu.memory_space<vmem_shared>> -> memref<640xf32, #tpu.memory_space<vmem_shared>>
      %dma_wait3A_144 = tpu.memref_slice %arg8[%run_scoped3A, %mul3A_18] : memref<16x10240xf32, #tpu.memory_space<vmem_shared>> -> memref<1x640xf32, #tpu.memory_space<vmem_shared>>
      %dma_wait3A_145 = tpu.memref_squeeze %dma_wait3A_144 : memref<1x640xf32, #tpu.memory_space<vmem_shared>> -> memref<640xf32, #tpu.memory_space<vmem_shared>>
      tpu.wait_dma2 semaphore(%run_scoped3A_139 : memref<!tpu.dma_semaphore, #tpu.memory_space<semaphore_mem>>) src(%dma_wait3A_145 : memref<640xf32, #tpu.memory_space<vmem_shared>>) dst(%arg6 : memref<640xf32, #tpu.memory_space<vmem>>)
      tpu.yield
    }) : () -> ()
    %run_scoped3A_19 = arith.constant 1 : i32
    "tpu.region"() ({
      %run_scoped3A_139 = tpu.sem_alloc : memref<!tpu.dma_semaphore, #tpu.memory_space<semaphore_mem>>
      %dma_start3A = tpu.memref_slice %arg8[%run_scoped3A_19, %mul3A_18] : memref<16x10240xf32, #tpu.memory_space<vmem_shared>> -> memref<1x640xf32, #tpu.memory_space<vmem_shared>>
      %dma_start3A_140 = tpu.memref_squeeze %dma_start3A : memref<1x640xf32, #tpu.memory_space<vmem_shared>> -> memref<640xf32, #tpu.memory_space<vmem_shared>>
      %dma_start3A_141 = tpu.memref_slice %arg8[%run_scoped3A_19, %mul3A_18] : memref<16x10240xf32, #tpu.memory_space<vmem_shared>> -> memref<1x640xf32, #tpu.memory_space<vmem_shared>>
      %dma_start3A_142 = tpu.memref_squeeze %dma_start3A_141 : memref<1x640xf32, #tpu.memory_space<vmem_shared>> -> memref<640xf32, #tpu.memory_space<vmem_shared>>
      tpu.enqueue_dma source(%dma_start3A_142 : memref<640xf32, #tpu.memory_space<vmem_shared>>) target(%arg7 : memref<640xf32, #tpu.memory_space<vmem>>) target_semaphore(%run_scoped3A_139 : memref<!tpu.dma_semaphore, #tpu.memory_space<semaphore_mem>>)
      %dma_wait3A = tpu.memref_slice %arg8[%run_scoped3A_19, %mul3A_18] : memref<16x10240xf32, #tpu.memory_space<vmem_shared>> -> memref<1x640xf32, #tpu.memory_space<vmem_shared>>
      %dma_wait3A_143 = tpu.memref_squeeze %dma_wait3A : memref<1x640xf32, #tpu.memory_space<vmem_shared>> -> memref<640xf32, #tpu.memory_space<vmem_shared>>
      %dma_wait3A_144 = tpu.memref_slice %arg8[%run_scoped3A_19, %mul3A_18] : memref<16x10240xf32, #tpu.memory_space<vmem_shared>> -> memref<1x640xf32, #tpu.memory_space<vmem_shared>>
      %dma_wait3A_145 = tpu.memref_squeeze %dma_wait3A_144 : memref<1x640xf32, #tpu.memory_space<vmem_shared>> -> memref<640xf32, #tpu.memory_space<vmem_shared>>
      tpu.wait_dma2 semaphore(%run_scoped3A_139 : memref<!tpu.dma_semaphore, #tpu.memory_space<semaphore_mem>>) src(%dma_wait3A_145 : memref<640xf32, #tpu.memory_space<vmem_shared>>) dst(%arg7 : memref<640xf32, #tpu.memory_space<vmem>>)
      tpu.yield
    }) : () -> ()
    %scan3A_20 = arith.constant 0 : i32
    %scan3A_21 = arith.constant 0 : i32
    %scan3A_22 = arith.constant 40 : i32
    %scan3A_23 = arith.addi %scan3A_21, %scan3A_22 : i32
    %scan3A_24 = arith.constant 1 : i32
    %scan3A_25 = scf.for %scan3A_139 = %scan3A_21 to %scan3A_23 step %scan3A_24 iter_args(%scan3A_140 = %scan3A_20) -> (i32)  : i32 {
      %mul3A_141 = arith.constant 16 : i32
      %mul3A_142 = arith.muli %scan3A_139, %mul3A_141 : i32
      %get3A = arith.index_cast %mul3A_142 : i32 to index
      %get3A_143 = tpu.vector_load %arg6[%get3A] {strides = array<i32>} : memref<640xf32, #tpu.memory_space<vmem>>, vector<16xf32>,
      %get3A_144 = arith.index_cast %mul3A_142 : i32 to index
      %get3A_145 = tpu.vector_load %arg7[%get3A_144] {strides = array<i32>} : memref<640xf32, #tpu.memory_space<vmem>>, vector<16xf32>,
      %add3A_146 = arith.addf %get3A_143, %get3A_145 : vector<16xf32>
      %swap3A = arith.index_cast %mul3A_142 : i32 to index
      %swap3A_147 = tpu.vector_load %arg6[%swap3A] {strides = array<i32>} : memref<640xf32, #tpu.memory_space<vmem>>, vector<16xf32>,
      tpu.vector_store %arg6[%swap3A], %add3A_146 {strides = array<i32>} : memref<640xf32, #tpu.memory_space<vmem>>, vector<16xf32>,
      %scan3A_148 = arith.constant 0 : i32
      scf.yield %scan3A_148 : i32
    }
    %scan3A_26 = arith.constant 40 : i32
    %run_scoped3A_27 = arith.constant 2 : i32
    "tpu.region"() ({
      %run_scoped3A_139 = tpu.sem_alloc : memref<!tpu.dma_semaphore, #tpu.memory_space<semaphore_mem>>
      %dma_start3A = tpu.memref_slice %arg8[%run_scoped3A_27, %mul3A_18] : memref<16x10240xf32, #tpu.memory_space<vmem_shared>> -> memref<1x640xf32, #tpu.memory_space<vmem_shared>>
      %dma_start3A_140 = tpu.memref_squeeze %dma_start3A : memref<1x640xf32, #tpu.memory_space<vmem_shared>> -> memref<640xf32, #tpu.memory_space<vmem_shared>>
      %dma_start3A_141 = tpu.memref_slice %arg8[%run_scoped3A_27, %mul3A_18] : memref<16x10240xf32, #tpu.memory_space<vmem_shared>> -> memref<1x640xf32, #tpu.memory_space<vmem_shared>>
      %dma_start3A_142 = tpu.memref_squeeze %dma_start3A_141 : memref<1x640xf32, #tpu.memory_space<vmem_shared>> -> memref<640xf32, #tpu.memory_space<vmem_shared>>
      tpu.enqueue_dma source(%dma_start3A_142 : memref<640xf32, #tpu.memory_space<vmem_shared>>) target(%arg7 : memref<640xf32, #tpu.memory_space<vmem>>) target_semaphore(%run_scoped3A_139 : memref<!tpu.dma_semaphore, #tpu.memory_space<semaphore_mem>>)
      %dma_wait3A = tpu.memref_slice %arg8[%run_scoped3A_27, %mul3A_18] : memref<16x10240xf32, #tpu.memory_space<vmem_shared>> -> memref<1x640xf32, #tpu.memory_space<vmem_shared>>
      %dma_wait3A_143 = tpu.memref_squeeze %dma_wait3A : memref<1x640xf32, #tpu.memory_space<vmem_shared>> -> memref<640xf32, #tpu.memory_space<vmem_shared>>
      %dma_wait3A_144 = tpu.memref_slice %arg8[%run_scoped3A_27, %mul3A_18] : memref<16x10240xf32, #tpu.memory_space<vmem_shared>> -> memref<1x640xf32, #tpu.memory_space<vmem_shared>>
      %dma_wait3A_145 = tpu.memref_squeeze %dma_wait3A_144 : memref<1x640xf32, #tpu.memory_space<vmem_shared>> -> memref<640xf32, #tpu.memory_space<vmem_shared>>
      tpu.wait_dma2 semaphore(%run_scoped3A_139 : memref<!tpu.dma_semaphore, #tpu.memory_space<semaphore_mem>>) src(%dma_wait3A_145 : memref<640xf32, #tpu.memory_space<vmem_shared>>) dst(%arg7 : memref<640xf32, #tpu.memory_space<vmem>>)
      tpu.yield
    }) : () -> ()
    %scan3A_28 = arith.constant 0 : i32
    %scan3A_29 = arith.constant 0 : i32
    %scan3A_30 = arith.constant 40 : i32
    %scan3A_31 = arith.addi %scan3A_29, %scan3A_30 : i32
    %scan3A_32 = arith.constant 1 : i32
    %scan3A_33 = scf.for %scan3A_139 = %scan3A_29 to %scan3A_31 step %scan3A_32 iter_args(%scan3A_140 = %scan3A_28) -> (i32)  : i32 {
      %mul3A_141 = arith.constant 16 : i32
      %mul3A_142 = arith.muli %scan3A_139, %mul3A_141 : i32
      %get3A = arith.index_cast %mul3A_142 : i32 to index
      %get3A_143 = tpu.vector_load %arg6[%get3A] {strides = array<i32>} : memref<640xf32, #tpu.memory_space<vmem>>, vector<16xf32>,
      %get3A_144 = arith.index_cast %mul3A_142 : i32 to index
      %get3A_145 = tpu.vector_load %arg7[%get3A_144] {strides = array<i32>} : memref<640xf32, #tpu.memory_space<vmem>>, vector<16xf32>,
      %add3A_146 = arith.addf %get3A_143, %get3A_145 : vector<16xf32>
      %swap3A = arith.index_cast %mul3A_142 : i32 to index
      %swap3A_147 = tpu.vector_load %arg6[%swap3A] {strides = array<i32>} : memref<640xf32, #tpu.memory_space<vmem>>, vector<16xf32>,
      tpu.vector_store %arg6[%swap3A], %add3A_146 {strides = array<i32>} : memref<640xf32, #tpu.memory_space<vmem>>, vector<16xf32>,
      %scan3A_148 = arith.constant 0 : i32
      scf.yield %scan3A_148 : i32
    }
    %scan3A_34 = arith.constant 40 : i32
    %run_scoped3A_35 = arith.constant 3 : i32
    "tpu.region"() ({
      %run_scoped3A_139 = tpu.sem_alloc : memref<!tpu.dma_semaphore, #tpu.memory_space<semaphore_mem>>
      %dma_start3A = tpu.memref_slice %arg8[%run_scoped3A_35, %mul3A_18] : memref<16x10240xf32, #tpu.memory_space<vmem_shared>> -> memref<1x640xf32, #tpu.memory_space<vmem_shared>>
      %dma_start3A_140 = tpu.memref_squeeze %dma_start3A : memref<1x640xf32, #tpu.memory_space<vmem_shared>> -> memref<640xf32, #tpu.memory_space<vmem_shared>>
      %dma_start3A_141 = tpu.memref_slice %arg8[%run_scoped3A_35, %mul3A_18] : memref<16x10240xf32, #tpu.memory_space<vmem_shared>> -> memref<1x640xf32, #tpu.memory_space<vmem_shared>>
      %dma_start3A_142 = tpu.memref_squeeze %dma_start3A_141 : memref<1x640xf32, #tpu.memory_space<vmem_shared>> -> memref<640xf32, #tpu.memory_space<vmem_shared>>
      tpu.enqueue_dma source(%dma_start3A_142 : memref<640xf32, #tpu.memory_space<vmem_shared>>) target(%arg7 : memref<640xf32, #tpu.memory_space<vmem>>) target_semaphore(%run_scoped3A_139 : memref<!tpu.dma_semaphore, #tpu.memory_space<semaphore_mem>>)
      %dma_wait3A = tpu.memref_slice %arg8[%run_scoped3A_35, %mul3A_18] : memref<16x10240xf32, #tpu.memory_space<vmem_shared>> -> memref<1x640xf32, #tpu.memory_space<vmem_shared>>
      %dma_wait3A_143 = tpu.memref_squeeze %dma_wait3A : memref<1x640xf32, #tpu.memory_space<vmem_shared>> -> memref<640xf32, #tpu.memory_space<vmem_shared>>
      %dma_wait3A_144 = tpu.memref_slice %arg8[%run_scoped3A_35, %mul3A_18] : memref<16x10240xf32, #tpu.memory_space<vmem_shared>> -> memref<1x640xf32, #tpu.memory_space<vmem_shared>>
      %dma_wait3A_145 = tpu.memref_squeeze %dma_wait3A_144 : memref<1x640xf32, #tpu.memory_space<vmem_shared>> -> memref<640xf32, #tpu.memory_space<vmem_shared>>
      tpu.wait_dma2 semaphore(%run_scoped3A_139 : memref<!tpu.dma_semaphore, #tpu.memory_space<semaphore_mem>>) src(%dma_wait3A_145 : memref<640xf32, #tpu.memory_space<vmem_shared>>) dst(%arg7 : memref<640xf32, #tpu.memory_space<vmem>>)
      tpu.yield
    }) : () -> ()
    %scan3A_36 = arith.constant 0 : i32
    %scan3A_37 = arith.constant 0 : i32
    %scan3A_38 = arith.constant 40 : i32
    %scan3A_39 = arith.addi %scan3A_37, %scan3A_38 : i32
    %scan3A_40 = arith.constant 1 : i32
    %scan3A_41 = scf.for %scan3A_139 = %scan3A_37 to %scan3A_39 step %scan3A_40 iter_args(%scan3A_140 = %scan3A_36) -> (i32)  : i32 {
      %mul3A_141 = arith.constant 16 : i32
      %mul3A_142 = arith.muli %scan3A_139, %mul3A_141 : i32
      %get3A = arith.index_cast %mul3A_142 : i32 to index
      %get3A_143 = tpu.vector_load %arg6[%get3A] {strides = array<i32>} : memref<640xf32, #tpu.memory_space<vmem>>, vector<16xf32>,
      %get3A_144 = arith.index_cast %mul3A_142 : i32 to index
      %get3A_145 = tpu.vector_load %arg7[%get3A_144] {strides = array<i32>} : memref<640xf32, #tpu.memory_space<vmem>>, vector<16xf32>,
      %add3A_146 = arith.addf %get3A_143, %get3A_145 : vector<16xf32>
      %swap3A = arith.index_cast %mul3A_142 : i32 to index
      %swap3A_147 = tpu.vector_load %arg6[%swap3A] {strides = array<i32>} : memref<640xf32, #tpu.memory_space<vmem>>, vector<16xf32>,
      tpu.vector_store %arg6[%swap3A], %add3A_146 {strides = array<i32>} : memref<640xf32, #tpu.memory_space<vmem>>, vector<16xf32>,
      %scan3A_148 = arith.constant 0 : i32
      scf.yield %scan3A_148 : i32
    }
    %scan3A_42 = arith.constant 40 : i32
    %run_scoped3A_43 = arith.constant 4 : i32
    "tpu.region"() ({
      %run_scoped3A_139 = tpu.sem_alloc : memref<!tpu.dma_semaphore, #tpu.memory_space<semaphore_mem>>
      %dma_start3A = tpu.memref_slice %arg8[%run_scoped3A_43, %mul3A_18] : memref<16x10240xf32, #tpu.memory_space<vmem_shared>> -> memref<1x640xf32, #tpu.memory_space<vmem_shared>>
      %dma_start3A_140 = tpu.memref_squeeze %dma_start3A : memref<1x640xf32, #tpu.memory_space<vmem_shared>> -> memref<640xf32, #tpu.memory_space<vmem_shared>>
      %dma_start3A_141 = tpu.memref_slice %arg8[%run_scoped3A_43, %mul3A_18] : memref<16x10240xf32, #tpu.memory_space<vmem_shared>> -> memref<1x640xf32, #tpu.memory_space<vmem_shared>>
      %dma_start3A_142 = tpu.memref_squeeze %dma_start3A_141 : memref<1x640xf32, #tpu.memory_space<vmem_shared>> -> memref<640xf32, #tpu.memory_space<vmem_shared>>
      tpu.enqueue_dma source(%dma_start3A_142 : memref<640xf32, #tpu.memory_space<vmem_shared>>) target(%arg7 : memref<640xf32, #tpu.memory_space<vmem>>) target_semaphore(%run_scoped3A_139 : memref<!tpu.dma_semaphore, #tpu.memory_space<semaphore_mem>>)
      %dma_wait3A = tpu.memref_slice %arg8[%run_scoped3A_43, %mul3A_18] : memref<16x10240xf32, #tpu.memory_space<vmem_shared>> -> memref<1x640xf32, #tpu.memory_space<vmem_shared>>
      %dma_wait3A_143 = tpu.memref_squeeze %dma_wait3A : memref<1x640xf32, #tpu.memory_space<vmem_shared>> -> memref<640xf32, #tpu.memory_space<vmem_shared>>
      %dma_wait3A_144 = tpu.memref_slice %arg8[%run_scoped3A_43, %mul3A_18] : memref<16x10240xf32, #tpu.memory_space<vmem_shared>> -> memref<1x640xf32, #tpu.memory_space<vmem_shared>>
      %dma_wait3A_145 = tpu.memref_squeeze %dma_wait3A_144 : memref<1x640xf32, #tpu.memory_space<vmem_shared>> -> memref<640xf32, #tpu.memory_space<vmem_shared>>
      tpu.wait_dma2 semaphore(%run_scoped3A_139 : memref<!tpu.dma_semaphore, #tpu.memory_space<semaphore_mem>>) src(%dma_wait3A_145 : memref<640xf32, #tpu.memory_space<vmem_shared>>) dst(%arg7 : memref<640xf32, #tpu.memory_space<vmem>>)
      tpu.yield
    }) : () -> ()
    %scan3A_44 = arith.constant 0 : i32
    %scan3A_45 = arith.constant 0 : i32
    %scan3A_46 = arith.constant 40 : i32
    %scan3A_47 = arith.addi %scan3A_45, %scan3A_46 : i32
    %scan3A_48 = arith.constant 1 : i32
    %scan3A_49 = scf.for %scan3A_139 = %scan3A_45 to %scan3A_47 step %scan3A_48 iter_args(%scan3A_140 = %scan3A_44) -> (i32)  : i32 {
      %mul3A_141 = arith.constant 16 : i32
      %mul3A_142 = arith.muli %scan3A_139, %mul3A_141 : i32
      %get3A = arith.index_cast %mul3A_142 : i32 to index
      %get3A_143 = tpu.vector_load %arg6[%get3A] {strides = array<i32>} : memref<640xf32, #tpu.memory_space<vmem>>, vector<16xf32>,
      %get3A_144 = arith.index_cast %mul3A_142 : i32 to index
      %get3A_145 = tpu.vector_load %arg7[%get3A_144] {strides = array<i32>} : memref<640xf32, #tpu.memory_space<vmem>>, vector<16xf32>,
      %add3A_146 = arith.addf %get3A_143, %get3A_145 : vector<16xf32>
      %swap3A = arith.index_cast %mul3A_142 : i32 to index
      %swap3A_147 = tpu.vector_load %arg6[%swap3A] {strides = array<i32>} : memref<640xf32, #tpu.memory_space<vmem>>, vector<16xf32>,
      tpu.vector_store %arg6[%swap3A], %add3A_146 {strides = array<i32>} : memref<640xf32, #tpu.memory_space<vmem>>, vector<16xf32>,
      %scan3A_148 = arith.constant 0 : i32
      scf.yield %scan3A_148 : i32
    }
    %scan3A_50 = arith.constant 40 : i32
    %run_scoped3A_51 = arith.constant 5 : i32
    "tpu.region"() ({
      %run_scoped3A_139 = tpu.sem_alloc : memref<!tpu.dma_semaphore, #tpu.memory_space<semaphore_mem>>
      %dma_start3A = tpu.memref_slice %arg8[%run_scoped3A_51, %mul3A_18] : memref<16x10240xf32, #tpu.memory_space<vmem_shared>> -> memref<1x640xf32, #tpu.memory_space<vmem_shared>>
      %dma_start3A_140 = tpu.memref_squeeze %dma_start3A : memref<1x640xf32, #tpu.memory_space<vmem_shared>> -> memref<640xf32, #tpu.memory_space<vmem_shared>>
      %dma_start3A_141 = tpu.memref_slice %arg8[%run_scoped3A_51, %mul3A_18] : memref<16x10240xf32, #tpu.memory_space<vmem_shared>> -> memref<1x640xf32, #tpu.memory_space<vmem_shared>>
      %dma_start3A_142 = tpu.memref_squeeze %dma_start3A_141 : memref<1x640xf32, #tpu.memory_space<vmem_shared>> -> memref<640xf32, #tpu.memory_space<vmem_shared>>
      tpu.enqueue_dma source(%dma_start3A_142 : memref<640xf32, #tpu.memory_space<vmem_shared>>) target(%arg7 : memref<640xf32, #tpu.memory_space<vmem>>) target_semaphore(%run_scoped3A_139 : memref<!tpu.dma_semaphore, #tpu.memory_space<semaphore_mem>>)
      %dma_wait3A = tpu.memref_slice %arg8[%run_scoped3A_51, %mul3A_18] : memref<16x10240xf32, #tpu.memory_space<vmem_shared>> -> memref<1x640xf32, #tpu.memory_space<vmem_shared>>
      %dma_wait3A_143 = tpu.memref_squeeze %dma_wait3A : memref<1x640xf32, #tpu.memory_space<vmem_shared>> -> memref<640xf32, #tpu.memory_space<vmem_shared>>
      %dma_wait3A_144 = tpu.memref_slice %arg8[%run_scoped3A_51, %mul3A_18] : memref<16x10240xf32, #tpu.memory_space<vmem_shared>> -> memref<1x640xf32, #tpu.memory_space<vmem_shared>>
      %dma_wait3A_145 = tpu.memref_squeeze %dma_wait3A_144 : memref<1x640xf32, #tpu.memory_space<vmem_shared>> -> memref<640xf32, #tpu.memory_space<vmem_shared>>
      tpu.wait_dma2 semaphore(%run_scoped3A_139 : memref<!tpu.dma_semaphore, #tpu.memory_space<semaphore_mem>>) src(%dma_wait3A_145 : memref<640xf32, #tpu.memory_space<vmem_shared>>) dst(%arg7 : memref<640xf32, #tpu.memory_space<vmem>>)
      tpu.yield
    }) : () -> ()
    %scan3A_52 = arith.constant 0 : i32
    %scan3A_53 = arith.constant 0 : i32
    %scan3A_54 = arith.constant 40 : i32
    %scan3A_55 = arith.addi %scan3A_53, %scan3A_54 : i32
    %scan3A_56 = arith.constant 1 : i32
    %scan3A_57 = scf.for %scan3A_139 = %scan3A_53 to %scan3A_55 step %scan3A_56 iter_args(%scan3A_140 = %scan3A_52) -> (i32)  : i32 {
      %mul3A_141 = arith.constant 16 : i32
      %mul3A_142 = arith.muli %scan3A_139, %mul3A_141 : i32
      %get3A = arith.index_cast %mul3A_142 : i32 to index
      %get3A_143 = tpu.vector_load %arg6[%get3A] {strides = array<i32>} : memref<640xf32, #tpu.memory_space<vmem>>, vector<16xf32>,
      %get3A_144 = arith.index_cast %mul3A_142 : i32 to index
      %get3A_145 = tpu.vector_load %arg7[%get3A_144] {strides = array<i32>} : memref<640xf32, #tpu.memory_space<vmem>>, vector<16xf32>,
      %add3A_146 = arith.addf %get3A_143, %get3A_145 : vector<16xf32>
      %swap3A = arith.index_cast %mul3A_142 : i32 to index
      %swap3A_147 = tpu.vector_load %arg6[%swap3A] {strides = array<i32>} : memref<640xf32, #tpu.memory_space<vmem>>, vector<16xf32>,
      tpu.vector_store %arg6[%swap3A], %add3A_146 {strides = array<i32>} : memref<640xf32, #tpu.memory_space<vmem>>, vector<16xf32>,
      %scan3A_148 = arith.constant 0 : i32
      scf.yield %scan3A_148 : i32
    }
    %scan3A_58 = arith.constant 40 : i32
    %run_scoped3A_59 = arith.constant 6 : i32
    "tpu.region"() ({
      %run_scoped3A_139 = tpu.sem_alloc : memref<!tpu.dma_semaphore, #tpu.memory_space<semaphore_mem>>
      %dma_start3A = tpu.memref_slice %arg8[%run_scoped3A_59, %mul3A_18] : memref<16x10240xf32, #tpu.memory_space<vmem_shared>> -> memref<1x640xf32, #tpu.memory_space<vmem_shared>>
      %dma_start3A_140 = tpu.memref_squeeze %dma_start3A : memref<1x640xf32, #tpu.memory_space<vmem_shared>> -> memref<640xf32, #tpu.memory_space<vmem_shared>>
      %dma_start3A_141 = tpu.memref_slice %arg8[%run_scoped3A_59, %mul3A_18] : memref<16x10240xf32, #tpu.memory_space<vmem_shared>> -> memref<1x640xf32, #tpu.memory_space<vmem_shared>>
      %dma_start3A_142 = tpu.memref_squeeze %dma_start3A_141 : memref<1x640xf32, #tpu.memory_space<vmem_shared>> -> memref<640xf32, #tpu.memory_space<vmem_shared>>
      tpu.enqueue_dma source(%dma_start3A_142 : memref<640xf32, #tpu.memory_space<vmem_shared>>) target(%arg7 : memref<640xf32, #tpu.memory_space<vmem>>) target_semaphore(%run_scoped3A_139 : memref<!tpu.dma_semaphore, #tpu.memory_space<semaphore_mem>>)
      %dma_wait3A = tpu.memref_slice %arg8[%run_scoped3A_59, %mul3A_18] : memref<16x10240xf32, #tpu.memory_space<vmem_shared>> -> memref<1x640xf32, #tpu.memory_space<vmem_shared>>
      %dma_wait3A_143 = tpu.memref_squeeze %dma_wait3A : memref<1x640xf32, #tpu.memory_space<vmem_shared>> -> memref<640xf32, #tpu.memory_space<vmem_shared>>
      %dma_wait3A_144 = tpu.memref_slice %arg8[%run_scoped3A_59, %mul3A_18] : memref<16x10240xf32, #tpu.memory_space<vmem_shared>> -> memref<1x640xf32, #tpu.memory_space<vmem_shared>>
      %dma_wait3A_145 = tpu.memref_squeeze %dma_wait3A_144 : memref<1x640xf32, #tpu.memory_space<vmem_shared>> -> memref<640xf32, #tpu.memory_space<vmem_shared>>
      tpu.wait_dma2 semaphore(%run_scoped3A_139 : memref<!tpu.dma_semaphore, #tpu.memory_space<semaphore_mem>>) src(%dma_wait3A_145 : memref<640xf32, #tpu.memory_space<vmem_shared>>) dst(%arg7 : memref<640xf32, #tpu.memory_space<vmem>>)
      tpu.yield
    }) : () -> ()
    %scan3A_60 = arith.constant 0 : i32
    %scan3A_61 = arith.constant 0 : i32
    %scan3A_62 = arith.constant 40 : i32
    %scan3A_63 = arith.addi %scan3A_61, %scan3A_62 : i32
    %scan3A_64 = arith.constant 1 : i32
    %scan3A_65 = scf.for %scan3A_139 = %scan3A_61 to %scan3A_63 step %scan3A_64 iter_args(%scan3A_140 = %scan3A_60) -> (i32)  : i32 {
      %mul3A_141 = arith.constant 16 : i32
      %mul3A_142 = arith.muli %scan3A_139, %mul3A_141 : i32
      %get3A = arith.index_cast %mul3A_142 : i32 to index
      %get3A_143 = tpu.vector_load %arg6[%get3A] {strides = array<i32>} : memref<640xf32, #tpu.memory_space<vmem>>, vector<16xf32>,
      %get3A_144 = arith.index_cast %mul3A_142 : i32 to index
      %get3A_145 = tpu.vector_load %arg7[%get3A_144] {strides = array<i32>} : memref<640xf32, #tpu.memory_space<vmem>>, vector<16xf32>,
      %add3A_146 = arith.addf %get3A_143, %get3A_145 : vector<16xf32>
      %swap3A = arith.index_cast %mul3A_142 : i32 to index
      %swap3A_147 = tpu.vector_load %arg6[%swap3A] {strides = array<i32>} : memref<640xf32, #tpu.memory_space<vmem>>, vector<16xf32>,
      tpu.vector_store %arg6[%swap3A], %add3A_146 {strides = array<i32>} : memref<640xf32, #tpu.memory_space<vmem>>, vector<16xf32>,
      %scan3A_148 = arith.constant 0 : i32
      scf.yield %scan3A_148 : i32
    }
    %scan3A_66 = arith.constant 40 : i32
    %run_scoped3A_67 = arith.constant 7 : i32
    "tpu.region"() ({
      %run_scoped3A_139 = tpu.sem_alloc : memref<!tpu.dma_semaphore, #tpu.memory_space<semaphore_mem>>
      %dma_start3A = tpu.memref_slice %arg8[%run_scoped3A_67, %mul3A_18] : memref<16x10240xf32, #tpu.memory_space<vmem_shared>> -> memref<1x640xf32, #tpu.memory_space<vmem_shared>>
      %dma_start3A_140 = tpu.memref_squeeze %dma_start3A : memref<1x640xf32, #tpu.memory_space<vmem_shared>> -> memref<640xf32, #tpu.memory_space<vmem_shared>>
      %dma_start3A_141 = tpu.memref_slice %arg8[%run_scoped3A_67, %mul3A_18] : memref<16x10240xf32, #tpu.memory_space<vmem_shared>> -> memref<1x640xf32, #tpu.memory_space<vmem_shared>>
      %dma_start3A_142 = tpu.memref_squeeze %dma_start3A_141 : memref<1x640xf32, #tpu.memory_space<vmem_shared>> -> memref<640xf32, #tpu.memory_space<vmem_shared>>
      tpu.enqueue_dma source(%dma_start3A_142 : memref<640xf32, #tpu.memory_space<vmem_shared>>) target(%arg7 : memref<640xf32, #tpu.memory_space<vmem>>) target_semaphore(%run_scoped3A_139 : memref<!tpu.dma_semaphore, #tpu.memory_space<semaphore_mem>>)
      %dma_wait3A = tpu.memref_slice %arg8[%run_scoped3A_67, %mul3A_18] : memref<16x10240xf32, #tpu.memory_space<vmem_shared>> -> memref<1x640xf32, #tpu.memory_space<vmem_shared>>
      %dma_wait3A_143 = tpu.memref_squeeze %dma_wait3A : memref<1x640xf32, #tpu.memory_space<vmem_shared>> -> memref<640xf32, #tpu.memory_space<vmem_shared>>
      %dma_wait3A_144 = tpu.memref_slice %arg8[%run_scoped3A_67, %mul3A_18] : memref<16x10240xf32, #tpu.memory_space<vmem_shared>> -> memref<1x640xf32, #tpu.memory_space<vmem_shared>>
      %dma_wait3A_145 = tpu.memref_squeeze %dma_wait3A_144 : memref<1x640xf32, #tpu.memory_space<vmem_shared>> -> memref<640xf32, #tpu.memory_space<vmem_shared>>
      tpu.wait_dma2 semaphore(%run_scoped3A_139 : memref<!tpu.dma_semaphore, #tpu.memory_space<semaphore_mem>>) src(%dma_wait3A_145 : memref<640xf32, #tpu.memory_space<vmem_shared>>) dst(%arg7 : memref<640xf32, #tpu.memory_space<vmem>>)
      tpu.yield
    }) : () -> ()
    %scan3A_68 = arith.constant 0 : i32
    %scan3A_69 = arith.constant 0 : i32
    %scan3A_70 = arith.constant 40 : i32
    %scan3A_71 = arith.addi %scan3A_69, %scan3A_70 : i32
    %scan3A_72 = arith.constant 1 : i32
    %scan3A_73 = scf.for %scan3A_139 = %scan3A_69 to %scan3A_71 step %scan3A_72 iter_args(%scan3A_140 = %scan3A_68) -> (i32)  : i32 {
      %mul3A_141 = arith.constant 16 : i32
      %mul3A_142 = arith.muli %scan3A_139, %mul3A_141 : i32
      %get3A = arith.index_cast %mul3A_142 : i32 to index
      %get3A_143 = tpu.vector_load %arg6[%get3A] {strides = array<i32>} : memref<640xf32, #tpu.memory_space<vmem>>, vector<16xf32>,
      %get3A_144 = arith.index_cast %mul3A_142 : i32 to index
      %get3A_145 = tpu.vector_load %arg7[%get3A_144] {strides = array<i32>} : memref<640xf32, #tpu.memory_space<vmem>>, vector<16xf32>,
      %add3A_146 = arith.addf %get3A_143, %get3A_145 : vector<16xf32>
      %swap3A = arith.index_cast %mul3A_142 : i32 to index
      %swap3A_147 = tpu.vector_load %arg6[%swap3A] {strides = array<i32>} : memref<640xf32, #tpu.memory_space<vmem>>, vector<16xf32>,
      tpu.vector_store %arg6[%swap3A], %add3A_146 {strides = array<i32>} : memref<640xf32, #tpu.memory_space<vmem>>, vector<16xf32>,
      %scan3A_148 = arith.constant 0 : i32
      scf.yield %scan3A_148 : i32
    }
    %scan3A_74 = arith.constant 40 : i32
    %run_scoped3A_75 = arith.constant 8 : i32
    "tpu.region"() ({
      %run_scoped3A_139 = tpu.sem_alloc : memref<!tpu.dma_semaphore, #tpu.memory_space<semaphore_mem>>
      %dma_start3A = tpu.memref_slice %arg8[%run_scoped3A_75, %mul3A_18] : memref<16x10240xf32, #tpu.memory_space<vmem_shared>> -> memref<1x640xf32, #tpu.memory_space<vmem_shared>>
      %dma_start3A_140 = tpu.memref_squeeze %dma_start3A : memref<1x640xf32, #tpu.memory_space<vmem_shared>> -> memref<640xf32, #tpu.memory_space<vmem_shared>>
      %dma_start3A_141 = tpu.memref_slice %arg8[%run_scoped3A_75, %mul3A_18] : memref<16x10240xf32, #tpu.memory_space<vmem_shared>> -> memref<1x640xf32, #tpu.memory_space<vmem_shared>>
      %dma_start3A_142 = tpu.memref_squeeze %dma_start3A_141 : memref<1x640xf32, #tpu.memory_space<vmem_shared>> -> memref<640xf32, #tpu.memory_space<vmem_shared>>
      tpu.enqueue_dma source(%dma_start3A_142 : memref<640xf32, #tpu.memory_space<vmem_shared>>) target(%arg7 : memref<640xf32, #tpu.memory_space<vmem>>) target_semaphore(%run_scoped3A_139 : memref<!tpu.dma_semaphore, #tpu.memory_space<semaphore_mem>>)
      %dma_wait3A = tpu.memref_slice %arg8[%run_scoped3A_75, %mul3A_18] : memref<16x10240xf32, #tpu.memory_space<vmem_shared>> -> memref<1x640xf32, #tpu.memory_space<vmem_shared>>
      %dma_wait3A_143 = tpu.memref_squeeze %dma_wait3A : memref<1x640xf32, #tpu.memory_space<vmem_shared>> -> memref<640xf32, #tpu.memory_space<vmem_shared>>
      %dma_wait3A_144 = tpu.memref_slice %arg8[%run_scoped3A_75, %mul3A_18] : memref<16x10240xf32, #tpu.memory_space<vmem_shared>> -> memref<1x640xf32, #tpu.memory_space<vmem_shared>>
      %dma_wait3A_145 = tpu.memref_squeeze %dma_wait3A_144 : memref<1x640xf32, #tpu.memory_space<vmem_shared>> -> memref<640xf32, #tpu.memory_space<vmem_shared>>
      tpu.wait_dma2 semaphore(%run_scoped3A_139 : memref<!tpu.dma_semaphore, #tpu.memory_space<semaphore_mem>>) src(%dma_wait3A_145 : memref<640xf32, #tpu.memory_space<vmem_shared>>) dst(%arg7 : memref<640xf32, #tpu.memory_space<vmem>>)
      tpu.yield
    }) : () -> ()
    %scan3A_76 = arith.constant 0 : i32
    %scan3A_77 = arith.constant 0 : i32
    %scan3A_78 = arith.constant 40 : i32
    %scan3A_79 = arith.addi %scan3A_77, %scan3A_78 : i32
    %scan3A_80 = arith.constant 1 : i32
    %scan3A_81 = scf.for %scan3A_139 = %scan3A_77 to %scan3A_79 step %scan3A_80 iter_args(%scan3A_140 = %scan3A_76) -> (i32)  : i32 {
      %mul3A_141 = arith.constant 16 : i32
      %mul3A_142 = arith.muli %scan3A_139, %mul3A_141 : i32
      %get3A = arith.index_cast %mul3A_142 : i32 to index
      %get3A_143 = tpu.vector_load %arg6[%get3A] {strides = array<i32>} : memref<640xf32, #tpu.memory_space<vmem>>, vector<16xf32>,
      %get3A_144 = arith.index_cast %mul3A_142 : i32 to index
      %get3A_145 = tpu.vector_load %arg7[%get3A_144] {strides = array<i32>} : memref<640xf32, #tpu.memory_space<vmem>>, vector<16xf32>,
      %add3A_146 = arith.addf %get3A_143, %get3A_145 : vector<16xf32>
      %swap3A = arith.index_cast %mul3A_142 : i32 to index
      %swap3A_147 = tpu.vector_load %arg6[%swap3A] {strides = array<i32>} : memref<640xf32, #tpu.memory_space<vmem>>, vector<16xf32>,
      tpu.vector_store %arg6[%swap3A], %add3A_146 {strides = array<i32>} : memref<640xf32, #tpu.memory_space<vmem>>, vector<16xf32>,
      %scan3A_148 = arith.constant 0 : i32
      scf.yield %scan3A_148 : i32
    }
    %scan3A_82 = arith.constant 40 : i32
    %run_scoped3A_83 = arith.constant 9 : i32
    "tpu.region"() ({
      %run_scoped3A_139 = tpu.sem_alloc : memref<!tpu.dma_semaphore, #tpu.memory_space<semaphore_mem>>
      %dma_start3A = tpu.memref_slice %arg8[%run_scoped3A_83, %mul3A_18] : memref<16x10240xf32, #tpu.memory_space<vmem_shared>> -> memref<1x640xf32, #tpu.memory_space<vmem_shared>>
      %dma_start3A_140 = tpu.memref_squeeze %dma_start3A : memref<1x640xf32, #tpu.memory_space<vmem_shared>> -> memref<640xf32, #tpu.memory_space<vmem_shared>>
      %dma_start3A_141 = tpu.memref_slice %arg8[%run_scoped3A_83, %mul3A_18] : memref<16x10240xf32, #tpu.memory_space<vmem_shared>> -> memref<1x640xf32, #tpu.memory_space<vmem_shared>>
      %dma_start3A_142 = tpu.memref_squeeze %dma_start3A_141 : memref<1x640xf32, #tpu.memory_space<vmem_shared>> -> memref<640xf32, #tpu.memory_space<vmem_shared>>
      tpu.enqueue_dma source(%dma_start3A_142 : memref<640xf32, #tpu.memory_space<vmem_shared>>) target(%arg7 : memref<640xf32, #tpu.memory_space<vmem>>) target_semaphore(%run_scoped3A_139 : memref<!tpu.dma_semaphore, #tpu.memory_space<semaphore_mem>>)
      %dma_wait3A = tpu.memref_slice %arg8[%run_scoped3A_83, %mul3A_18] : memref<16x10240xf32, #tpu.memory_space<vmem_shared>> -> memref<1x640xf32, #tpu.memory_space<vmem_shared>>
      %dma_wait3A_143 = tpu.memref_squeeze %dma_wait3A : memref<1x640xf32, #tpu.memory_space<vmem_shared>> -> memref<640xf32, #tpu.memory_space<vmem_shared>>
      %dma_wait3A_144 = tpu.memref_slice %arg8[%run_scoped3A_83, %mul3A_18] : memref<16x10240xf32, #tpu.memory_space<vmem_shared>> -> memref<1x640xf32, #tpu.memory_space<vmem_shared>>
      %dma_wait3A_145 = tpu.memref_squeeze %dma_wait3A_144 : memref<1x640xf32, #tpu.memory_space<vmem_shared>> -> memref<640xf32, #tpu.memory_space<vmem_shared>>
      tpu.wait_dma2 semaphore(%run_scoped3A_139 : memref<!tpu.dma_semaphore, #tpu.memory_space<semaphore_mem>>) src(%dma_wait3A_145 : memref<640xf32, #tpu.memory_space<vmem_shared>>) dst(%arg7 : memref<640xf32, #tpu.memory_space<vmem>>)
      tpu.yield
    }) : () -> ()
    %scan3A_84 = arith.constant 0 : i32
    %scan3A_85 = arith.constant 0 : i32
    %scan3A_86 = arith.constant 40 : i32
    %scan3A_87 = arith.addi %scan3A_85, %scan3A_86 : i32
    %scan3A_88 = arith.constant 1 : i32
    %scan3A_89 = scf.for %scan3A_139 = %scan3A_85 to %scan3A_87 step %scan3A_88 iter_args(%scan3A_140 = %scan3A_84) -> (i32)  : i32 {
      %mul3A_141 = arith.constant 16 : i32
      %mul3A_142 = arith.muli %scan3A_139, %mul3A_141 : i32
      %get3A = arith.index_cast %mul3A_142 : i32 to index
      %get3A_143 = tpu.vector_load %arg6[%get3A] {strides = array<i32>} : memref<640xf32, #tpu.memory_space<vmem>>, vector<16xf32>,
      %get3A_144 = arith.index_cast %mul3A_142 : i32 to index
      %get3A_145 = tpu.vector_load %arg7[%get3A_144] {strides = array<i32>} : memref<640xf32, #tpu.memory_space<vmem>>, vector<16xf32>,
      %add3A_146 = arith.addf %get3A_143, %get3A_145 : vector<16xf32>
      %swap3A = arith.index_cast %mul3A_142 : i32 to index
      %swap3A_147 = tpu.vector_load %arg6[%swap3A] {strides = array<i32>} : memref<640xf32, #tpu.memory_space<vmem>>, vector<16xf32>,
      tpu.vector_store %arg6[%swap3A], %add3A_146 {strides = array<i32>} : memref<640xf32, #tpu.memory_space<vmem>>, vector<16xf32>,
      %scan3A_148 = arith.constant 0 : i32
      scf.yield %scan3A_148 : i32
    }
    %scan3A_90 = arith.constant 40 : i32
    %run_scoped3A_91 = arith.constant 10 : i32
    "tpu.region"() ({
      %run_scoped3A_139 = tpu.sem_alloc : memref<!tpu.dma_semaphore, #tpu.memory_space<semaphore_mem>>
      %dma_start3A = tpu.memref_slice %arg8[%run_scoped3A_91, %mul3A_18] : memref<16x10240xf32, #tpu.memory_space<vmem_shared>> -> memref<1x640xf32, #tpu.memory_space<vmem_shared>>
      %dma_start3A_140 = tpu.memref_squeeze %dma_start3A : memref<1x640xf32, #tpu.memory_space<vmem_shared>> -> memref<640xf32, #tpu.memory_space<vmem_shared>>
      %dma_start3A_141 = tpu.memref_slice %arg8[%run_scoped3A_91, %mul3A_18] : memref<16x10240xf32, #tpu.memory_space<vmem_shared>> -> memref<1x640xf32, #tpu.memory_space<vmem_shared>>
      %dma_start3A_142 = tpu.memref_squeeze %dma_start3A_141 : memref<1x640xf32, #tpu.memory_space<vmem_shared>> -> memref<640xf32, #tpu.memory_space<vmem_shared>>
      tpu.enqueue_dma source(%dma_start3A_142 : memref<640xf32, #tpu.memory_space<vmem_shared>>) target(%arg7 : memref<640xf32, #tpu.memory_space<vmem>>) target_semaphore(%run_scoped3A_139 : memref<!tpu.dma_semaphore, #tpu.memory_space<semaphore_mem>>)
      %dma_wait3A = tpu.memref_slice %arg8[%run_scoped3A_91, %mul3A_18] : memref<16x10240xf32, #tpu.memory_space<vmem_shared>> -> memref<1x640xf32, #tpu.memory_space<vmem_shared>>
      %dma_wait3A_143 = tpu.memref_squeeze %dma_wait3A : memref<1x640xf32, #tpu.memory_space<vmem_shared>> -> memref<640xf32, #tpu.memory_space<vmem_shared>>
      %dma_wait3A_144 = tpu.memref_slice %arg8[%run_scoped3A_91, %mul3A_18] : memref<16x10240xf32, #tpu.memory_space<vmem_shared>> -> memref<1x640xf32, #tpu.memory_space<vmem_shared>>
      %dma_wait3A_145 = tpu.memref_squeeze %dma_wait3A_144 : memref<1x640xf32, #tpu.memory_space<vmem_shared>> -> memref<640xf32, #tpu.memory_space<vmem_shared>>
      tpu.wait_dma2 semaphore(%run_scoped3A_139 : memref<!tpu.dma_semaphore, #tpu.memory_space<semaphore_mem>>) src(%dma_wait3A_145 : memref<640xf32, #tpu.memory_space<vmem_shared>>) dst(%arg7 : memref<640xf32, #tpu.memory_space<vmem>>)
      tpu.yield
    }) : () -> ()
    %scan3A_92 = arith.constant 0 : i32
    %scan3A_93 = arith.constant 0 : i32
    %scan3A_94 = arith.constant 40 : i32
    %scan3A_95 = arith.addi %scan3A_93, %scan3A_94 : i32
    %scan3A_96 = arith.constant 1 : i32
    %scan3A_97 = scf.for %scan3A_139 = %scan3A_93 to %scan3A_95 step %scan3A_96 iter_args(%scan3A_140 = %scan3A_92) -> (i32)  : i32 {
      %mul3A_141 = arith.constant 16 : i32
      %mul3A_142 = arith.muli %scan3A_139, %mul3A_141 : i32
      %get3A = arith.index_cast %mul3A_142 : i32 to index
      %get3A_143 = tpu.vector_load %arg6[%get3A] {strides = array<i32>} : memref<640xf32, #tpu.memory_space<vmem>>, vector<16xf32>,
      %get3A_144 = arith.index_cast %mul3A_142 : i32 to index
      %get3A_145 = tpu.vector_load %arg7[%get3A_144] {strides = array<i32>} : memref<640xf32, #tpu.memory_space<vmem>>, vector<16xf32>,
      %add3A_146 = arith.addf %get3A_143, %get3A_145 : vector<16xf32>
      %swap3A = arith.index_cast %mul3A_142 : i32 to index
      %swap3A_147 = tpu.vector_load %arg6[%swap3A] {strides = array<i32>} : memref<640xf32, #tpu.memory_space<vmem>>, vector<16xf32>,
      tpu.vector_store %arg6[%swap3A], %add3A_146 {strides = array<i32>} : memref<640xf32, #tpu.memory_space<vmem>>, vector<16xf32>,
      %scan3A_148 = arith.constant 0 : i32
      scf.yield %scan3A_148 : i32
    }
    %scan3A_98 = arith.constant 40 : i32
    %run_scoped3A_99 = arith.constant 11 : i32
    "tpu.region"() ({
      %run_scoped3A_139 = tpu.sem_alloc : memref<!tpu.dma_semaphore, #tpu.memory_space<semaphore_mem>>
      %dma_start3A = tpu.memref_slice %arg8[%run_scoped3A_99, %mul3A_18] : memref<16x10240xf32, #tpu.memory_space<vmem_shared>> -> memref<1x640xf32, #tpu.memory_space<vmem_shared>>
      %dma_start3A_140 = tpu.memref_squeeze %dma_start3A : memref<1x640xf32, #tpu.memory_space<vmem_shared>> -> memref<640xf32, #tpu.memory_space<vmem_shared>>
      %dma_start3A_141 = tpu.memref_slice %arg8[%run_scoped3A_99, %mul3A_18] : memref<16x10240xf32, #tpu.memory_space<vmem_shared>> -> memref<1x640xf32, #tpu.memory_space<vmem_shared>>
      %dma_start3A_142 = tpu.memref_squeeze %dma_start3A_141 : memref<1x640xf32, #tpu.memory_space<vmem_shared>> -> memref<640xf32, #tpu.memory_space<vmem_shared>>
      tpu.enqueue_dma source(%dma_start3A_142 : memref<640xf32, #tpu.memory_space<vmem_shared>>) target(%arg7 : memref<640xf32, #tpu.memory_space<vmem>>) target_semaphore(%run_scoped3A_139 : memref<!tpu.dma_semaphore, #tpu.memory_space<semaphore_mem>>)
      %dma_wait3A = tpu.memref_slice %arg8[%run_scoped3A_99, %mul3A_18] : memref<16x10240xf32, #tpu.memory_space<vmem_shared>> -> memref<1x640xf32, #tpu.memory_space<vmem_shared>>
      %dma_wait3A_143 = tpu.memref_squeeze %dma_wait3A : memref<1x640xf32, #tpu.memory_space<vmem_shared>> -> memref<640xf32, #tpu.memory_space<vmem_shared>>
      %dma_wait3A_144 = tpu.memref_slice %arg8[%run_scoped3A_99, %mul3A_18] : memref<16x10240xf32, #tpu.memory_space<vmem_shared>> -> memref<1x640xf32, #tpu.memory_space<vmem_shared>>
      %dma_wait3A_145 = tpu.memref_squeeze %dma_wait3A_144 : memref<1x640xf32, #tpu.memory_space<vmem_shared>> -> memref<640xf32, #tpu.memory_space<vmem_shared>>
      tpu.wait_dma2 semaphore(%run_scoped3A_139 : memref<!tpu.dma_semaphore, #tpu.memory_space<semaphore_mem>>) src(%dma_wait3A_145 : memref<640xf32, #tpu.memory_space<vmem_shared>>) dst(%arg7 : memref<640xf32, #tpu.memory_space<vmem>>)
      tpu.yield
    }) : () -> ()
    %scan3A_100 = arith.constant 0 : i32
    %scan3A_101 = arith.constant 0 : i32
    %scan3A_102 = arith.constant 40 : i32
    %scan3A_103 = arith.addi %scan3A_101, %scan3A_102 : i32
    %scan3A_104 = arith.constant 1 : i32
    %scan3A_105 = scf.for %scan3A_139 = %scan3A_101 to %scan3A_103 step %scan3A_104 iter_args(%scan3A_140 = %scan3A_100) -> (i32)  : i32 {
      %mul3A_141 = arith.constant 16 : i32
      %mul3A_142 = arith.muli %scan3A_139, %mul3A_141 : i32
      %get3A = arith.index_cast %mul3A_142 : i32 to index
      %get3A_143 = tpu.vector_load %arg6[%get3A] {strides = array<i32>} : memref<640xf32, #tpu.memory_space<vmem>>, vector<16xf32>,
      %get3A_144 = arith.index_cast %mul3A_142 : i32 to index
      %get3A_145 = tpu.vector_load %arg7[%get3A_144] {strides = array<i32>} : memref<640xf32, #tpu.memory_space<vmem>>, vector<16xf32>,
      %add3A_146 = arith.addf %get3A_143, %get3A_145 : vector<16xf32>
      %swap3A = arith.index_cast %mul3A_142 : i32 to index
      %swap3A_147 = tpu.vector_load %arg6[%swap3A] {strides = array<i32>} : memref<640xf32, #tpu.memory_space<vmem>>, vector<16xf32>,
      tpu.vector_store %arg6[%swap3A], %add3A_146 {strides = array<i32>} : memref<640xf32, #tpu.memory_space<vmem>>, vector<16xf32>,
      %scan3A_148 = arith.constant 0 : i32
      scf.yield %scan3A_148 : i32
    }
    %scan3A_106 = arith.constant 40 : i32
    %run_scoped3A_107 = arith.constant 12 : i32
    "tpu.region"() ({
      %run_scoped3A_139 = tpu.sem_alloc : memref<!tpu.dma_semaphore, #tpu.memory_space<semaphore_mem>>
      %dma_start3A = tpu.memref_slice %arg8[%run_scoped3A_107, %mul3A_18] : memref<16x10240xf32, #tpu.memory_space<vmem_shared>> -> memref<1x640xf32, #tpu.memory_space<vmem_shared>>
      %dma_start3A_140 = tpu.memref_squeeze %dma_start3A : memref<1x640xf32, #tpu.memory_space<vmem_shared>> -> memref<640xf32, #tpu.memory_space<vmem_shared>>
      %dma_start3A_141 = tpu.memref_slice %arg8[%run_scoped3A_107, %mul3A_18] : memref<16x10240xf32, #tpu.memory_space<vmem_shared>> -> memref<1x640xf32, #tpu.memory_space<vmem_shared>>
      %dma_start3A_142 = tpu.memref_squeeze %dma_start3A_141 : memref<1x640xf32, #tpu.memory_space<vmem_shared>> -> memref<640xf32, #tpu.memory_space<vmem_shared>>
      tpu.enqueue_dma source(%dma_start3A_142 : memref<640xf32, #tpu.memory_space<vmem_shared>>) target(%arg7 : memref<640xf32, #tpu.memory_space<vmem>>) target_semaphore(%run_scoped3A_139 : memref<!tpu.dma_semaphore, #tpu.memory_space<semaphore_mem>>)
      %dma_wait3A = tpu.memref_slice %arg8[%run_scoped3A_107, %mul3A_18] : memref<16x10240xf32, #tpu.memory_space<vmem_shared>> -> memref<1x640xf32, #tpu.memory_space<vmem_shared>>
      %dma_wait3A_143 = tpu.memref_squeeze %dma_wait3A : memref<1x640xf32, #tpu.memory_space<vmem_shared>> -> memref<640xf32, #tpu.memory_space<vmem_shared>>
      %dma_wait3A_144 = tpu.memref_slice %arg8[%run_scoped3A_107, %mul3A_18] : memref<16x10240xf32, #tpu.memory_space<vmem_shared>> -> memref<1x640xf32, #tpu.memory_space<vmem_shared>>
      %dma_wait3A_145 = tpu.memref_squeeze %dma_wait3A_144 : memref<1x640xf32, #tpu.memory_space<vmem_shared>> -> memref<640xf32, #tpu.memory_space<vmem_shared>>
      tpu.wait_dma2 semaphore(%run_scoped3A_139 : memref<!tpu.dma_semaphore, #tpu.memory_space<semaphore_mem>>) src(%dma_wait3A_145 : memref<640xf32, #tpu.memory_space<vmem_shared>>) dst(%arg7 : memref<640xf32, #tpu.memory_space<vmem>>)
      tpu.yield
    }) : () -> ()
    %scan3A_108 = arith.constant 0 : i32
    %scan3A_109 = arith.constant 0 : i32
    %scan3A_110 = arith.constant 40 : i32
    %scan3A_111 = arith.addi %scan3A_109, %scan3A_110 : i32
    %scan3A_112 = arith.constant 1 : i32
    %scan3A_113 = scf.for %scan3A_139 = %scan3A_109 to %scan3A_111 step %scan3A_112 iter_args(%scan3A_140 = %scan3A_108) -> (i32)  : i32 {
      %mul3A_141 = arith.constant 16 : i32
      %mul3A_142 = arith.muli %scan3A_139, %mul3A_141 : i32
      %get3A = arith.index_cast %mul3A_142 : i32 to index
      %get3A_143 = tpu.vector_load %arg6[%get3A] {strides = array<i32>} : memref<640xf32, #tpu.memory_space<vmem>>, vector<16xf32>,
      %get3A_144 = arith.index_cast %mul3A_142 : i32 to index
      %get3A_145 = tpu.vector_load %arg7[%get3A_144] {strides = array<i32>} : memref<640xf32, #tpu.memory_space<vmem>>, vector<16xf32>,
      %add3A_146 = arith.addf %get3A_143, %get3A_145 : vector<16xf32>
      %swap3A = arith.index_cast %mul3A_142 : i32 to index
      %swap3A_147 = tpu.vector_load %arg6[%swap3A] {strides = array<i32>} : memref<640xf32, #tpu.memory_space<vmem>>, vector<16xf32>,
      tpu.vector_store %arg6[%swap3A], %add3A_146 {strides = array<i32>} : memref<640xf32, #tpu.memory_space<vmem>>, vector<16xf32>,
      %scan3A_148 = arith.constant 0 : i32
      scf.yield %scan3A_148 : i32
    }
    %scan3A_114 = arith.constant 40 : i32
    %run_scoped3A_115 = arith.constant 13 : i32
    "tpu.region"() ({
      %run_scoped3A_139 = tpu.sem_alloc : memref<!tpu.dma_semaphore, #tpu.memory_space<semaphore_mem>>
      %dma_start3A = tpu.memref_slice %arg8[%run_scoped3A_115, %mul3A_18] : memref<16x10240xf32, #tpu.memory_space<vmem_shared>> -> memref<1x640xf32, #tpu.memory_space<vmem_shared>>
      %dma_start3A_140 = tpu.memref_squeeze %dma_start3A : memref<1x640xf32, #tpu.memory_space<vmem_shared>> -> memref<640xf32, #tpu.memory_space<vmem_shared>>
      %dma_start3A_141 = tpu.memref_slice %arg8[%run_scoped3A_115, %mul3A_18] : memref<16x10240xf32, #tpu.memory_space<vmem_shared>> -> memref<1x640xf32, #tpu.memory_space<vmem_shared>>
      %dma_start3A_142 = tpu.memref_squeeze %dma_start3A_141 : memref<1x640xf32, #tpu.memory_space<vmem_shared>> -> memref<640xf32, #tpu.memory_space<vmem_shared>>
      tpu.enqueue_dma source(%dma_start3A_142 : memref<640xf32, #tpu.memory_space<vmem_shared>>) target(%arg7 : memref<640xf32, #tpu.memory_space<vmem>>) target_semaphore(%run_scoped3A_139 : memref<!tpu.dma_semaphore, #tpu.memory_space<semaphore_mem>>)
      %dma_wait3A = tpu.memref_slice %arg8[%run_scoped3A_115, %mul3A_18] : memref<16x10240xf32, #tpu.memory_space<vmem_shared>> -> memref<1x640xf32, #tpu.memory_space<vmem_shared>>
      %dma_wait3A_143 = tpu.memref_squeeze %dma_wait3A : memref<1x640xf32, #tpu.memory_space<vmem_shared>> -> memref<640xf32, #tpu.memory_space<vmem_shared>>
      %dma_wait3A_144 = tpu.memref_slice %arg8[%run_scoped3A_115, %mul3A_18] : memref<16x10240xf32, #tpu.memory_space<vmem_shared>> -> memref<1x640xf32, #tpu.memory_space<vmem_shared>>
      %dma_wait3A_145 = tpu.memref_squeeze %dma_wait3A_144 : memref<1x640xf32, #tpu.memory_space<vmem_shared>> -> memref<640xf32, #tpu.memory_space<vmem_shared>>
      tpu.wait_dma2 semaphore(%run_scoped3A_139 : memref<!tpu.dma_semaphore, #tpu.memory_space<semaphore_mem>>) src(%dma_wait3A_145 : memref<640xf32, #tpu.memory_space<vmem_shared>>) dst(%arg7 : memref<640xf32, #tpu.memory_space<vmem>>)
      tpu.yield
    }) : () -> ()
    %scan3A_116 = arith.constant 0 : i32
    %scan3A_117 = arith.constant 0 : i32
    %scan3A_118 = arith.constant 40 : i32
    %scan3A_119 = arith.addi %scan3A_117, %scan3A_118 : i32
    %scan3A_120 = arith.constant 1 : i32
    %scan3A_121 = scf.for %scan3A_139 = %scan3A_117 to %scan3A_119 step %scan3A_120 iter_args(%scan3A_140 = %scan3A_116) -> (i32)  : i32 {
      %mul3A_141 = arith.constant 16 : i32
      %mul3A_142 = arith.muli %scan3A_139, %mul3A_141 : i32
      %get3A = arith.index_cast %mul3A_142 : i32 to index
      %get3A_143 = tpu.vector_load %arg6[%get3A] {strides = array<i32>} : memref<640xf32, #tpu.memory_space<vmem>>, vector<16xf32>,
      %get3A_144 = arith.index_cast %mul3A_142 : i32 to index
      %get3A_145 = tpu.vector_load %arg7[%get3A_144] {strides = array<i32>} : memref<640xf32, #tpu.memory_space<vmem>>, vector<16xf32>,
      %add3A_146 = arith.addf %get3A_143, %get3A_145 : vector<16xf32>
      %swap3A = arith.index_cast %mul3A_142 : i32 to index
      %swap3A_147 = tpu.vector_load %arg6[%swap3A] {strides = array<i32>} : memref<640xf32, #tpu.memory_space<vmem>>, vector<16xf32>,
      tpu.vector_store %arg6[%swap3A], %add3A_146 {strides = array<i32>} : memref<640xf32, #tpu.memory_space<vmem>>, vector<16xf32>,
      %scan3A_148 = arith.constant 0 : i32
      scf.yield %scan3A_148 : i32
    }
    %scan3A_122 = arith.constant 40 : i32
    %run_scoped3A_123 = arith.constant 14 : i32
    "tpu.region"() ({
      %run_scoped3A_139 = tpu.sem_alloc : memref<!tpu.dma_semaphore, #tpu.memory_space<semaphore_mem>>
      %dma_start3A = tpu.memref_slice %arg8[%run_scoped3A_123, %mul3A_18] : memref<16x10240xf32, #tpu.memory_space<vmem_shared>> -> memref<1x640xf32, #tpu.memory_space<vmem_shared>>
      %dma_start3A_140 = tpu.memref_squeeze %dma_start3A : memref<1x640xf32, #tpu.memory_space<vmem_shared>> -> memref<640xf32, #tpu.memory_space<vmem_shared>>
      %dma_start3A_141 = tpu.memref_slice %arg8[%run_scoped3A_123, %mul3A_18] : memref<16x10240xf32, #tpu.memory_space<vmem_shared>> -> memref<1x640xf32, #tpu.memory_space<vmem_shared>>
      %dma_start3A_142 = tpu.memref_squeeze %dma_start3A_141 : memref<1x640xf32, #tpu.memory_space<vmem_shared>> -> memref<640xf32, #tpu.memory_space<vmem_shared>>
      tpu.enqueue_dma source(%dma_start3A_142 : memref<640xf32, #tpu.memory_space<vmem_shared>>) target(%arg7 : memref<640xf32, #tpu.memory_space<vmem>>) target_semaphore(%run_scoped3A_139 : memref<!tpu.dma_semaphore, #tpu.memory_space<semaphore_mem>>)
      %dma_wait3A = tpu.memref_slice %arg8[%run_scoped3A_123, %mul3A_18] : memref<16x10240xf32, #tpu.memory_space<vmem_shared>> -> memref<1x640xf32, #tpu.memory_space<vmem_shared>>
      %dma_wait3A_143 = tpu.memref_squeeze %dma_wait3A : memref<1x640xf32, #tpu.memory_space<vmem_shared>> -> memref<640xf32, #tpu.memory_space<vmem_shared>>
      %dma_wait3A_144 = tpu.memref_slice %arg8[%run_scoped3A_123, %mul3A_18] : memref<16x10240xf32, #tpu.memory_space<vmem_shared>> -> memref<1x640xf32, #tpu.memory_space<vmem_shared>>
      %dma_wait3A_145 = tpu.memref_squeeze %dma_wait3A_144 : memref<1x640xf32, #tpu.memory_space<vmem_shared>> -> memref<640xf32, #tpu.memory_space<vmem_shared>>
      tpu.wait_dma2 semaphore(%run_scoped3A_139 : memref<!tpu.dma_semaphore, #tpu.memory_space<semaphore_mem>>) src(%dma_wait3A_145 : memref<640xf32, #tpu.memory_space<vmem_shared>>) dst(%arg7 : memref<640xf32, #tpu.memory_space<vmem>>)
      tpu.yield
    }) : () -> ()
    %scan3A_124 = arith.constant 0 : i32
    %scan3A_125 = arith.constant 0 : i32
    %scan3A_126 = arith.constant 40 : i32
    %scan3A_127 = arith.addi %scan3A_125, %scan3A_126 : i32
    %scan3A_128 = arith.constant 1 : i32
    %scan3A_129 = scf.for %scan3A_139 = %scan3A_125 to %scan3A_127 step %scan3A_128 iter_args(%scan3A_140 = %scan3A_124) -> (i32)  : i32 {
      %mul3A_141 = arith.constant 16 : i32
      %mul3A_142 = arith.muli %scan3A_139, %mul3A_141 : i32
      %get3A = arith.index_cast %mul3A_142 : i32 to index
      %get3A_143 = tpu.vector_load %arg6[%get3A] {strides = array<i32>} : memref<640xf32, #tpu.memory_space<vmem>>, vector<16xf32>,
      %get3A_144 = arith.index_cast %mul3A_142 : i32 to index
      %get3A_145 = tpu.vector_load %arg7[%get3A_144] {strides = array<i32>} : memref<640xf32, #tpu.memory_space<vmem>>, vector<16xf32>,
      %add3A_146 = arith.addf %get3A_143, %get3A_145 : vector<16xf32>
      %swap3A = arith.index_cast %mul3A_142 : i32 to index
      %swap3A_147 = tpu.vector_load %arg6[%swap3A] {strides = array<i32>} : memref<640xf32, #tpu.memory_space<vmem>>, vector<16xf32>,
      tpu.vector_store %arg6[%swap3A], %add3A_146 {strides = array<i32>} : memref<640xf32, #tpu.memory_space<vmem>>, vector<16xf32>,
      %scan3A_148 = arith.constant 0 : i32
      scf.yield %scan3A_148 : i32
    }
    %scan3A_130 = arith.constant 40 : i32
    %run_scoped3A_131 = arith.constant 15 : i32
    "tpu.region"() ({
      %run_scoped3A_139 = tpu.sem_alloc : memref<!tpu.dma_semaphore, #tpu.memory_space<semaphore_mem>>
      %dma_start3A = tpu.memref_slice %arg8[%run_scoped3A_131, %mul3A_18] : memref<16x10240xf32, #tpu.memory_space<vmem_shared>> -> memref<1x640xf32, #tpu.memory_space<vmem_shared>>
      %dma_start3A_140 = tpu.memref_squeeze %dma_start3A : memref<1x640xf32, #tpu.memory_space<vmem_shared>> -> memref<640xf32, #tpu.memory_space<vmem_shared>>
      %dma_start3A_141 = tpu.memref_slice %arg8[%run_scoped3A_131, %mul3A_18] : memref<16x10240xf32, #tpu.memory_space<vmem_shared>> -> memref<1x640xf32, #tpu.memory_space<vmem_shared>>
      %dma_start3A_142 = tpu.memref_squeeze %dma_start3A_141 : memref<1x640xf32, #tpu.memory_space<vmem_shared>> -> memref<640xf32, #tpu.memory_space<vmem_shared>>
      tpu.enqueue_dma source(%dma_start3A_142 : memref<640xf32, #tpu.memory_space<vmem_shared>>) target(%arg7 : memref<640xf32, #tpu.memory_space<vmem>>) target_semaphore(%run_scoped3A_139 : memref<!tpu.dma_semaphore, #tpu.memory_space<semaphore_mem>>)
      %dma_wait3A = tpu.memref_slice %arg8[%run_scoped3A_131, %mul3A_18] : memref<16x10240xf32, #tpu.memory_space<vmem_shared>> -> memref<1x640xf32, #tpu.memory_space<vmem_shared>>
      %dma_wait3A_143 = tpu.memref_squeeze %dma_wait3A : memref<1x640xf32, #tpu.memory_space<vmem_shared>> -> memref<640xf32, #tpu.memory_space<vmem_shared>>
      %dma_wait3A_144 = tpu.memref_slice %arg8[%run_scoped3A_131, %mul3A_18] : memref<16x10240xf32, #tpu.memory_space<vmem_shared>> -> memref<1x640xf32, #tpu.memory_space<vmem_shared>>
      %dma_wait3A_145 = tpu.memref_squeeze %dma_wait3A_144 : memref<1x640xf32, #tpu.memory_space<vmem_shared>> -> memref<640xf32, #tpu.memory_space<vmem_shared>>
      tpu.wait_dma2 semaphore(%run_scoped3A_139 : memref<!tpu.dma_semaphore, #tpu.memory_space<semaphore_mem>>) src(%dma_wait3A_145 : memref<640xf32, #tpu.memory_space<vmem_shared>>) dst(%arg7 : memref<640xf32, #tpu.memory_space<vmem>>)
      tpu.yield
    }) : () -> ()
    %scan3A_132 = arith.constant 0 : i32
    %scan3A_133 = arith.constant 0 : i32
    %scan3A_134 = arith.constant 40 : i32
    %scan3A_135 = arith.addi %scan3A_133, %scan3A_134 : i32
    %scan3A_136 = arith.constant 1 : i32
    %scan3A_137 = scf.for %scan3A_139 = %scan3A_133 to %scan3A_135 step %scan3A_136 iter_args(%scan3A_140 = %scan3A_132) -> (i32)  : i32 {
      %mul3A_141 = arith.constant 16 : i32
      %mul3A_142 = arith.muli %scan3A_139, %mul3A_141 : i32
      %get3A = arith.index_cast %mul3A_142 : i32 to index
      %get3A_143 = tpu.vector_load %arg6[%get3A] {strides = array<i32>} : memref<640xf32, #tpu.memory_space<vmem>>, vector<16xf32>,
      %get3A_144 = arith.index_cast %mul3A_142 : i32 to index
      %get3A_145 = tpu.vector_load %arg7[%get3A_144] {strides = array<i32>} : memref<640xf32, #tpu.memory_space<vmem>>, vector<16xf32>,
      %add3A_146 = arith.addf %get3A_143, %get3A_145 : vector<16xf32>
      %swap3A = arith.index_cast %mul3A_142 : i32 to index
      %swap3A_147 = tpu.vector_load %arg6[%swap3A] {strides = array<i32>} : memref<640xf32, #tpu.memory_space<vmem>>, vector<16xf32>,
      tpu.vector_store %arg6[%swap3A], %add3A_146 {strides = array<i32>} : memref<640xf32, #tpu.memory_space<vmem>>, vector<16xf32>,
      %scan3A_148 = arith.constant 0 : i32
      scf.yield %scan3A_148 : i32
    }
    %scan3A_138 = arith.constant 40 : i32
    "tpu.region"() ({
      %run_scoped3A_139 = tpu.sem_alloc : memref<!tpu.dma_semaphore, #tpu.memory_space<semaphore_mem>>
      %dma_start3A = tpu.memref_slice %arg3[%arg0, %mul3A_18] : memref<2x10240xf32, #tpu.memory_space<hbm>> -> memref<1x640xf32, #tpu.memory_space<hbm>>
      %dma_start3A_140 = tpu.memref_squeeze %dma_start3A : memref<1x640xf32, #tpu.memory_space<hbm>> -> memref<640xf32, #tpu.memory_space<hbm>>
      %dma_start3A_141 = tpu.memref_slice %arg3[%arg0, %mul3A_18] : memref<2x10240xf32, #tpu.memory_space<hbm>> -> memref<1x640xf32, #tpu.memory_space<hbm>>
      %dma_start3A_142 = tpu.memref_squeeze %dma_start3A_141 : memref<1x640xf32, #tpu.memory_space<hbm>> -> memref<640xf32, #tpu.memory_space<hbm>>
      tpu.enqueue_dma source(%arg6 : memref<640xf32, #tpu.memory_space<vmem>>) target(%dma_start3A_142 : memref<640xf32, #tpu.memory_space<hbm>>) target_semaphore(%run_scoped3A_139 : memref<!tpu.dma_semaphore, #tpu.memory_space<semaphore_mem>>)
      %dma_wait3A = tpu.memref_slice %arg3[%arg0, %mul3A_18] : memref<2x10240xf32, #tpu.memory_space<hbm>> -> memref<1x640xf32, #tpu.memory_space<hbm>>
      %dma_wait3A_143 = tpu.memref_squeeze %dma_wait3A : memref<1x640xf32, #tpu.memory_space<hbm>> -> memref<640xf32, #tpu.memory_space<hbm>>
      %dma_wait3A_144 = tpu.memref_slice %arg3[%arg0, %mul3A_18] : memref<2x10240xf32, #tpu.memory_space<hbm>> -> memref<1x640xf32, #tpu.memory_space<hbm>>
      %dma_wait3A_145 = tpu.memref_squeeze %dma_wait3A_144 : memref<1x640xf32, #tpu.memory_space<hbm>> -> memref<640xf32, #tpu.memory_space<hbm>>
      tpu.wait_dma2 semaphore(%run_scoped3A_139 : memref<!tpu.dma_semaphore, #tpu.memory_space<semaphore_mem>>) src(%arg6 : memref<640xf32, #tpu.memory_space<vmem>>) dst(%dma_wait3A_145 : memref<640xf32, #tpu.memory_space<hbm>>)
      tpu.yield
    }) : () -> ()
    return
  }
}

#map = affine_map<(d0, d1) -> (0, 0)>
#map1 = affine_map<(d0, d1) -> (0, 0, 0)>
module attributes {stable_mosaic.version = 14 : i64} {
  func.func @_scatter_kernel(%arg0: i32, %arg1: i32, %arg2: memref<2560x128xi32, #tpu.memory_space<hbm>>, %arg3: memref<2560x128xi32, #tpu.memory_space<hbm>>, %arg4: memref<2x10240x32xf32, #tpu.memory_space<hbm>>, %arg5: memref<10240x32xf32, #tpu.memory_space<hbm>>, %arg6: memref<2x10240x32xf32, #tpu.memory_space<hbm>>, %arg7: memref<160x128xi32, #tpu.memory_space<vmem>>, %arg8: memref<160x128xi32, #tpu.memory_space<vmem>>, %arg9: memref<128x32xf32, #tpu.memory_space<vmem>>, %arg10: memref<128x32xf32, #tpu.memory_space<vmem>>, %arg11: memref<128x32xf32, #tpu.memory_space<vmem>>, %arg12: memref<128x32xf32, #tpu.memory_space<vmem>>, %arg13: memref<128x32xf32, #tpu.memory_space<vmem>>, %arg14: memref<128x32xf32, #tpu.memory_space<vmem>>, %arg15: memref<128x32xf32, #tpu.memory_space<vmem>>, %arg16: memref<128x32xf32, #tpu.memory_space<vmem>>, %arg17: memref<10240x32xf32, #tpu.memory_space<vmem_shared>>, %arg18: memref<10240x32xf32, #tpu.memory_space<vmem_shared>>, %arg19: memref<!tpu.dma_semaphore, #tpu.memory_space<semaphore_mem>>, %arg20: memref<!tpu.dma_semaphore, #tpu.memory_space<semaphore_mem>>, %arg21: memref<!tpu.dma_semaphore, #tpu.memory_space<semaphore_mem>>, %arg22: memref<!tpu.dma_semaphore, #tpu.memory_space<semaphore_mem>>, %arg23: memref<!tpu.dma_semaphore, #tpu.memory_space<semaphore_mem>>, %arg24: memref<!tpu.dma_semaphore, #tpu.memory_space<semaphore_mem>>, %arg25: memref<!tpu.dma_semaphore, #tpu.memory_space<semaphore_mem>>, %arg26: memref<!tpu.dma_semaphore, #tpu.memory_space<semaphore_mem>>, %arg27: memref<!tpu.dma_semaphore, #tpu.memory_space<semaphore_mem>>, %arg28: memref<!tpu.dma_semaphore, #tpu.memory_space<semaphore_mem>>, %arg29: memref<!tpu.dma_semaphore, #tpu.memory_space<semaphore_mem>>, %arg30: memref<!tpu.dma_semaphore, #tpu.memory_space<semaphore_mem>>, %arg31: memref<!tpu.dma_semaphore, #tpu.memory_space<semaphore_mem>>, %arg32: memref<!tpu.dma_semaphore, #tpu.memory_space<semaphore_mem>>, %arg33: memref<!tpu.dma_semaphore, #tpu.memory_space<semaphore_mem>>, %arg34: memref<!tpu.dma_semaphore, #tpu.memory_space<semaphore_mem>>) attributes {dimension_semantics = [#tpu.dimension_semantics<core_parallel>, #tpu.dimension_semantics<subcore_parallel>], iteration_bounds = array<i64: 2, 16>, scalar_prefetch = 0 : i64, scratch_operands = 28 : i64, tpu.core_type = #tpu.core_type<sc_vector_subcore>, window_params = [{transform_indices = #map}, {transform_indices = #map}, {transform_indices = #map1}, {transform_indices = #map}, {transform_indices = #map1}]} {
    %mul3A = arith.constant 160 : i32
    %mul3A_0 = arith.muli %arg1, %mul3A : i32
    %mul3A_1 = arith.constant 640 : i32
    %mul3A_2 = arith.muli %arg1, %mul3A_1 : i32
    "tpu.region"() ({
      %run_scoped3A = tpu.sem_alloc : memref<!tpu.dma_semaphore, #tpu.memory_space<semaphore_mem>>
      %dma_start3A_92 = arith.constant 0 : i32
      %dma_start3A_93 = tpu.memref_slice %arg17[%mul3A_2, %dma_start3A_92] : memref<10240x32xf32, #tpu.memory_space<vmem_shared>> -> memref<640x32xf32, #tpu.memory_space<vmem_shared>>
      %dma_start3A_94 = arith.constant 0 : i32
      %dma_start3A_95 = tpu.memref_slice %arg5[%mul3A_2, %dma_start3A_94] : memref<10240x32xf32, #tpu.memory_space<hbm>> -> memref<640x32xf32, #tpu.memory_space<hbm>>
      tpu.enqueue_dma source(%dma_start3A_95 : memref<640x32xf32, #tpu.memory_space<hbm>>) target(%dma_start3A_93 : memref<640x32xf32, #tpu.memory_space<vmem_shared>>) target_semaphore(%run_scoped3A : memref<!tpu.dma_semaphore, #tpu.memory_space<semaphore_mem>>)
      %dma_wait3A_96 = arith.constant 0 : i32
      %dma_wait3A_97 = tpu.memref_slice %arg17[%mul3A_2, %dma_wait3A_96] : memref<10240x32xf32, #tpu.memory_space<vmem_shared>> -> memref<640x32xf32, #tpu.memory_space<vmem_shared>>
      %dma_wait3A_98 = arith.constant 0 : i32
      %dma_wait3A_99 = tpu.memref_slice %arg5[%mul3A_2, %dma_wait3A_98] : memref<10240x32xf32, #tpu.memory_space<hbm>> -> memref<640x32xf32, #tpu.memory_space<hbm>>
      tpu.wait_dma2 semaphore(%run_scoped3A : memref<!tpu.dma_semaphore, #tpu.memory_space<semaphore_mem>>) src(%dma_wait3A_99 : memref<640x32xf32, #tpu.memory_space<hbm>>) dst(%dma_wait3A_97 : memref<640x32xf32, #tpu.memory_space<vmem_shared>>)
      tpu.yield
    }) : () -> ()
    "tpu.region"() ({
      %run_scoped3A = tpu.sem_alloc : memref<!tpu.dma_semaphore, #tpu.memory_space<semaphore_mem>>
      %dma_start3A_92 = arith.constant 0 : i32
      %dma_start3A_93 = tpu.memref_slice %arg18[%mul3A_2, %dma_start3A_92] : memref<10240x32xf32, #tpu.memory_space<vmem_shared>> -> memref<640x32xf32, #tpu.memory_space<vmem_shared>>
      %dma_start3A_94 = arith.constant 0 : i32
      %dma_start3A_95 = tpu.memref_slice %arg4[%arg0, %mul3A_2, %dma_start3A_94] : memref<2x10240x32xf32, #tpu.memory_space<hbm>> -> memref<1x640x32xf32, #tpu.memory_space<hbm>>
      %dma_start3A_96 = tpu.memref_squeeze %dma_start3A_95 : memref<1x640x32xf32, #tpu.memory_space<hbm>> -> memref<640x32xf32, #tpu.memory_space<hbm>>
      tpu.enqueue_dma source(%dma_start3A_96 : memref<640x32xf32, #tpu.memory_space<hbm>>) target(%dma_start3A_93 : memref<640x32xf32, #tpu.memory_space<vmem_shared>>) target_semaphore(%run_scoped3A : memref<!tpu.dma_semaphore, #tpu.memory_space<semaphore_mem>>)
      %dma_wait3A_97 = arith.constant 0 : i32
      %dma_wait3A_98 = tpu.memref_slice %arg18[%mul3A_2, %dma_wait3A_97] : memref<10240x32xf32, #tpu.memory_space<vmem_shared>> -> memref<640x32xf32, #tpu.memory_space<vmem_shared>>
      %dma_wait3A_99 = arith.constant 0 : i32
      %dma_wait3A_100 = tpu.memref_slice %arg4[%arg0, %mul3A_2, %dma_wait3A_99] : memref<2x10240x32xf32, #tpu.memory_space<hbm>> -> memref<1x640x32xf32, #tpu.memory_space<hbm>>
      %dma_wait3A_101 = tpu.memref_squeeze %dma_wait3A_100 : memref<1x640x32xf32, #tpu.memory_space<hbm>> -> memref<640x32xf32, #tpu.memory_space<hbm>>
      tpu.wait_dma2 semaphore(%run_scoped3A : memref<!tpu.dma_semaphore, #tpu.memory_space<semaphore_mem>>) src(%dma_wait3A_101 : memref<640x32xf32, #tpu.memory_space<hbm>>) dst(%dma_wait3A_98 : memref<640x32xf32, #tpu.memory_space<vmem_shared>>)
      tpu.yield
    }) : () -> ()
    "tpu.region"() ({
      %run_scoped3A = tpu.sem_alloc : memref<!tpu.dma_semaphore, #tpu.memory_space<semaphore_mem>>
      %dma_start3A_92 = arith.constant 0 : i32
      %dma_start3A_93 = tpu.memref_slice %arg2[%mul3A_0, %dma_start3A_92] : memref<2560x128xi32, #tpu.memory_space<hbm>> -> memref<160x128xi32, #tpu.memory_space<hbm>>
      %dma_start3A_94 = arith.constant 0 : i32
      %dma_start3A_95 = tpu.memref_slice %arg2[%mul3A_0, %dma_start3A_94] : memref<2560x128xi32, #tpu.memory_space<hbm>> -> memref<160x128xi32, #tpu.memory_space<hbm>>
      tpu.enqueue_dma source(%dma_start3A_95 : memref<160x128xi32, #tpu.memory_space<hbm>>) target(%arg7 : memref<160x128xi32, #tpu.memory_space<vmem>>) target_semaphore(%run_scoped3A : memref<!tpu.dma_semaphore, #tpu.memory_space<semaphore_mem>>)
      %dma_wait3A_96 = arith.constant 0 : i32
      %dma_wait3A_97 = tpu.memref_slice %arg2[%mul3A_0, %dma_wait3A_96] : memref<2560x128xi32, #tpu.memory_space<hbm>> -> memref<160x128xi32, #tpu.memory_space<hbm>>
      %dma_wait3A_98 = arith.constant 0 : i32
      %dma_wait3A_99 = tpu.memref_slice %arg2[%mul3A_0, %dma_wait3A_98] : memref<2560x128xi32, #tpu.memory_space<hbm>> -> memref<160x128xi32, #tpu.memory_space<hbm>>
      tpu.wait_dma2 semaphore(%run_scoped3A : memref<!tpu.dma_semaphore, #tpu.memory_space<semaphore_mem>>) src(%dma_wait3A_99 : memref<160x128xi32, #tpu.memory_space<hbm>>) dst(%arg7 : memref<160x128xi32, #tpu.memory_space<vmem>>)
      tpu.yield
    }) : () -> ()
    "tpu.region"() ({
      %run_scoped3A = tpu.sem_alloc : memref<!tpu.dma_semaphore, #tpu.memory_space<semaphore_mem>>
      %dma_start3A_92 = arith.constant 0 : i32
      %dma_start3A_93 = tpu.memref_slice %arg3[%mul3A_0, %dma_start3A_92] : memref<2560x128xi32, #tpu.memory_space<hbm>> -> memref<160x128xi32, #tpu.memory_space<hbm>>
      %dma_start3A_94 = arith.constant 0 : i32
      %dma_start3A_95 = tpu.memref_slice %arg3[%mul3A_0, %dma_start3A_94] : memref<2560x128xi32, #tpu.memory_space<hbm>> -> memref<160x128xi32, #tpu.memory_space<hbm>>
      tpu.enqueue_dma source(%dma_start3A_95 : memref<160x128xi32, #tpu.memory_space<hbm>>) target(%arg8 : memref<160x128xi32, #tpu.memory_space<vmem>>) target_semaphore(%run_scoped3A : memref<!tpu.dma_semaphore, #tpu.memory_space<semaphore_mem>>)
      %dma_wait3A_96 = arith.constant 0 : i32
      %dma_wait3A_97 = tpu.memref_slice %arg3[%mul3A_0, %dma_wait3A_96] : memref<2560x128xi32, #tpu.memory_space<hbm>> -> memref<160x128xi32, #tpu.memory_space<hbm>>
      %dma_wait3A_98 = arith.constant 0 : i32
      %dma_wait3A_99 = tpu.memref_slice %arg3[%mul3A_0, %dma_wait3A_98] : memref<2560x128xi32, #tpu.memory_space<hbm>> -> memref<160x128xi32, #tpu.memory_space<hbm>>
      tpu.wait_dma2 semaphore(%run_scoped3A : memref<!tpu.dma_semaphore, #tpu.memory_space<semaphore_mem>>) src(%dma_wait3A_99 : memref<160x128xi32, #tpu.memory_space<hbm>>) dst(%arg8 : memref<160x128xi32, #tpu.memory_space<vmem>>)
      tpu.yield
    }) : () -> ()
    %barrier3A = arith.constant 0 : index
    tpu.barrier barrier_id(%barrier3A)
    %dma_start3A = arith.constant 0 : i32
    %dma_start3A_3 = arith.constant 0 : i32
    %dma_start3A_4 = tpu.memref_slice %arg7[%dma_start3A, %dma_start3A_3] : memref<160x128xi32, #tpu.memory_space<vmem>> -> memref<1x128xi32, #tpu.memory_space<vmem>>
    %dma_start3A_5 = tpu.memref_squeeze %dma_start3A_4 : memref<1x128xi32, #tpu.memory_space<vmem>> -> memref<128xi32, #tpu.memory_space<vmem>>
    %dma_start3A_6 = arith.constant 0 : i32
    %dma_start3A_7 = arith.constant 0 : i32
    %dma_start3A_8 = tpu.memref_slice %arg18[%dma_start3A_6, %dma_start3A_7] : memref<10240x32xf32, #tpu.memory_space<vmem_shared>> -> memref<10240x32xf32, #tpu.memory_space<vmem_shared>>
    tpu.enqueue_indirect_dma source(%dma_start3A_8 : memref<10240x32xf32, #tpu.memory_space<vmem_shared>>) target(%arg9 : memref<128x32xf32, #tpu.memory_space<vmem>>) offsets(%dma_start3A_5 : memref<128xi32, #tpu.memory_space<vmem>>) semaphore(%arg19 : memref<!tpu.dma_semaphore, #tpu.memory_space<semaphore_mem>>)
    %dma_start3A_9 = arith.constant 1 : i32
    %dma_start3A_10 = arith.constant 0 : i32
    %dma_start3A_11 = tpu.memref_slice %arg7[%dma_start3A_9, %dma_start3A_10] : memref<160x128xi32, #tpu.memory_space<vmem>> -> memref<1x128xi32, #tpu.memory_space<vmem>>
    %dma_start3A_12 = tpu.memref_squeeze %dma_start3A_11 : memref<1x128xi32, #tpu.memory_space<vmem>> -> memref<128xi32, #tpu.memory_space<vmem>>
    %dma_start3A_13 = arith.constant 0 : i32
    %dma_start3A_14 = arith.constant 0 : i32
    %dma_start3A_15 = tpu.memref_slice %arg18[%dma_start3A_13, %dma_start3A_14] : memref<10240x32xf32, #tpu.memory_space<vmem_shared>> -> memref<10240x32xf32, #tpu.memory_space<vmem_shared>>
    tpu.enqueue_indirect_dma source(%dma_start3A_15 : memref<10240x32xf32, #tpu.memory_space<vmem_shared>>) target(%arg10 : memref<128x32xf32, #tpu.memory_space<vmem>>) offsets(%dma_start3A_12 : memref<128xi32, #tpu.memory_space<vmem>>) semaphore(%arg20 : memref<!tpu.dma_semaphore, #tpu.memory_space<semaphore_mem>>)
    %dma_start3A_16 = arith.constant 2 : i32
    %dma_start3A_17 = arith.constant 0 : i32
    %dma_start3A_18 = tpu.memref_slice %arg7[%dma_start3A_16, %dma_start3A_17] : memref<160x128xi32, #tpu.memory_space<vmem>> -> memref<1x128xi32, #tpu.memory_space<vmem>>
    %dma_start3A_19 = tpu.memref_squeeze %dma_start3A_18 : memref<1x128xi32, #tpu.memory_space<vmem>> -> memref<128xi32, #tpu.memory_space<vmem>>
    %dma_start3A_20 = arith.constant 0 : i32
    %dma_start3A_21 = arith.constant 0 : i32
    %dma_start3A_22 = tpu.memref_slice %arg18[%dma_start3A_20, %dma_start3A_21] : memref<10240x32xf32, #tpu.memory_space<vmem_shared>> -> memref<10240x32xf32, #tpu.memory_space<vmem_shared>>
    tpu.enqueue_indirect_dma source(%dma_start3A_22 : memref<10240x32xf32, #tpu.memory_space<vmem_shared>>) target(%arg11 : memref<128x32xf32, #tpu.memory_space<vmem>>) offsets(%dma_start3A_19 : memref<128xi32, #tpu.memory_space<vmem>>) semaphore(%arg21 : memref<!tpu.dma_semaphore, #tpu.memory_space<semaphore_mem>>)
    %dma_start3A_23 = arith.constant 3 : i32
    %dma_start3A_24 = arith.constant 0 : i32
    %dma_start3A_25 = tpu.memref_slice %arg7[%dma_start3A_23, %dma_start3A_24] : memref<160x128xi32, #tpu.memory_space<vmem>> -> memref<1x128xi32, #tpu.memory_space<vmem>>
    %dma_start3A_26 = tpu.memref_squeeze %dma_start3A_25 : memref<1x128xi32, #tpu.memory_space<vmem>> -> memref<128xi32, #tpu.memory_space<vmem>>
    %dma_start3A_27 = arith.constant 0 : i32
    %dma_start3A_28 = arith.constant 0 : i32
    %dma_start3A_29 = tpu.memref_slice %arg18[%dma_start3A_27, %dma_start3A_28] : memref<10240x32xf32, #tpu.memory_space<vmem_shared>> -> memref<10240x32xf32, #tpu.memory_space<vmem_shared>>
    tpu.enqueue_indirect_dma source(%dma_start3A_29 : memref<10240x32xf32, #tpu.memory_space<vmem_shared>>) target(%arg12 : memref<128x32xf32, #tpu.memory_space<vmem>>) offsets(%dma_start3A_26 : memref<128xi32, #tpu.memory_space<vmem>>) semaphore(%arg22 : memref<!tpu.dma_semaphore, #tpu.memory_space<semaphore_mem>>)
    %scan3A = arith.constant 0 : i32
    %scan3A_30 = arith.constant 0 : i32
    %scan3A_31 = arith.constant 20 : i32
    %scan3A_32 = arith.addi %scan3A_30, %scan3A_31 : i32
    %scan3A_33 = arith.constant 1 : i32
    %scan3A_34 = scf.for %scan3A_92 = %scan3A_30 to %scan3A_32 step %scan3A_33 iter_args(%scan3A_93 = %scan3A) -> (i32)  : i32 {
      %mul3A_94 = arith.constant 8 : i32
      %mul3A_95 = arith.muli %scan3A_92, %mul3A_94 : i32
      %add3A = arith.constant 0 : i32
      %add3A_96 = arith.addi %mul3A_95, %add3A : i32
      %dma_wait3A_97 = arith.constant 0 : i32
      %dma_wait3A_98 = tpu.memref_slice %arg7[%add3A_96, %dma_wait3A_97] : memref<160x128xi32, #tpu.memory_space<vmem>> -> memref<1x128xi32, #tpu.memory_space<vmem>>
      %dma_wait3A_99 = tpu.memref_squeeze %dma_wait3A_98 : memref<1x128xi32, #tpu.memory_space<vmem>> -> memref<128xi32, #tpu.memory_space<vmem>>
      %dma_wait3A_100 = arith.constant 0 : i32
      %dma_wait3A_101 = arith.constant 0 : i32
      %dma_wait3A_102 = tpu.memref_slice %arg18[%dma_wait3A_100, %dma_wait3A_101] : memref<10240x32xf32, #tpu.memory_space<vmem_shared>> -> memref<10240x32xf32, #tpu.memory_space<vmem_shared>>
      tpu.wait_indirect_dma semaphore(%arg19 : memref<!tpu.dma_semaphore, #tpu.memory_space<semaphore_mem>>) src(%dma_wait3A_102 : memref<10240x32xf32, #tpu.memory_space<vmem_shared>>) dst(%arg9 : memref<128x32xf32, #tpu.memory_space<vmem>>)
      %dma_start3A_103 = arith.constant 0 : i32
      %dma_start3A_104 = tpu.memref_slice %arg8[%add3A_96, %dma_start3A_103] : memref<160x128xi32, #tpu.memory_space<vmem>> -> memref<1x128xi32, #tpu.memory_space<vmem>>
      %dma_start3A_105 = tpu.memref_squeeze %dma_start3A_104 : memref<1x128xi32, #tpu.memory_space<vmem>> -> memref<128xi32, #tpu.memory_space<vmem>>
      %dma_start3A_106 = arith.constant 0 : i32
      %dma_start3A_107 = arith.constant 0 : i32
      %dma_start3A_108 = tpu.memref_slice %arg17[%dma_start3A_106, %dma_start3A_107] : memref<10240x32xf32, #tpu.memory_space<vmem_shared>> -> memref<10240x32xf32, #tpu.memory_space<vmem_shared>>
      tpu.enqueue_indirect_dma source(%arg9 : memref<128x32xf32, #tpu.memory_space<vmem>>) target(%dma_start3A_108 : memref<10240x32xf32, #tpu.memory_space<vmem_shared>>) offsets(%dma_start3A_105 : memref<128xi32, #tpu.memory_space<vmem>>) semaphore(%arg27 : memref<!tpu.dma_semaphore, #tpu.memory_space<semaphore_mem>>) {add = true}
      %add3A_109 = arith.constant 4 : i32
      %add3A_110 = arith.addi %add3A_96, %add3A_109 : i32
      %lt3A = arith.constant 160 : i32
      %lt3A_111 = arith.cmpi slt, %add3A_110, %lt3A : i32
      %convert_element_type3A = arith.extui %lt3A_111 : i1 to i32
      %cond3A = arith.constant 0 : i32
      %cond3A_112 = arith.cmpi ne, %convert_element_type3A, %cond3A : i32
      scf.if %cond3A_112 {
        %ge3A = arith.constant 8 : i32
        %ge3A_261 = arith.cmpi sge, %add3A_110, %ge3A : i32
        %convert_element_type3A_262 = arith.extui %ge3A_261 : i1 to i32
        %cond3A_263 = arith.constant 0 : i32
        %cond3A_264 = arith.cmpi ne, %convert_element_type3A_262, %cond3A_263 : i32
        scf.if %cond3A_264 {
          %dma_wait3A_271 = arith.constant 0 : i32
          %dma_wait3A_272 = arith.constant 0 : i32
          %dma_wait3A_273 = tpu.memref_slice %arg8[%dma_wait3A_271, %dma_wait3A_272] : memref<160x128xi32, #tpu.memory_space<vmem>> -> memref<1x128xi32, #tpu.memory_space<vmem>>
          %dma_wait3A_274 = tpu.memref_squeeze %dma_wait3A_273 : memref<1x128xi32, #tpu.memory_space<vmem>> -> memref<128xi32, #tpu.memory_space<vmem>>
          %dma_wait3A_275 = arith.constant 0 : i32
          %dma_wait3A_276 = arith.constant 0 : i32
          %dma_wait3A_277 = tpu.memref_slice %arg17[%dma_wait3A_275, %dma_wait3A_276] : memref<10240x32xf32, #tpu.memory_space<vmem_shared>> -> memref<10240x32xf32, #tpu.memory_space<vmem_shared>>
          tpu.wait_indirect_dma semaphore(%arg31 : memref<!tpu.dma_semaphore, #tpu.memory_space<semaphore_mem>>) src(%arg13 : memref<128x32xf32, #tpu.memory_space<vmem>>) dst(%dma_wait3A_277 : memref<10240x32xf32, #tpu.memory_space<vmem_shared>>)
        } else {
        }
        %dma_start3A_265 = arith.constant 0 : i32
        %dma_start3A_266 = tpu.memref_slice %arg7[%add3A_110, %dma_start3A_265] : memref<160x128xi32, #tpu.memory_space<vmem>> -> memref<1x128xi32, #tpu.memory_space<vmem>>
        %dma_start3A_267 = tpu.memref_squeeze %dma_start3A_266 : memref<1x128xi32, #tpu.memory_space<vmem>> -> memref<128xi32, #tpu.memory_space<vmem>>
        %dma_start3A_268 = arith.constant 0 : i32
        %dma_start3A_269 = arith.constant 0 : i32
        %dma_start3A_270 = tpu.memref_slice %arg18[%dma_start3A_268, %dma_start3A_269] : memref<10240x32xf32, #tpu.memory_space<vmem_shared>> -> memref<10240x32xf32, #tpu.memory_space<vmem_shared>>
        tpu.enqueue_indirect_dma source(%dma_start3A_270 : memref<10240x32xf32, #tpu.memory_space<vmem_shared>>) target(%arg13 : memref<128x32xf32, #tpu.memory_space<vmem>>) offsets(%dma_start3A_267 : memref<128xi32, #tpu.memory_space<vmem>>) semaphore(%arg23 : memref<!tpu.dma_semaphore, #tpu.memory_space<semaphore_mem>>)
      } else {
      }
      %add3A_113 = arith.constant 1 : i32
      %add3A_114 = arith.addi %mul3A_95, %add3A_113 : i32
      %dma_wait3A_115 = arith.constant 0 : i32
      %dma_wait3A_116 = tpu.memref_slice %arg7[%add3A_114, %dma_wait3A_115] : memref<160x128xi32, #tpu.memory_space<vmem>> -> memref<1x128xi32, #tpu.memory_space<vmem>>
      %dma_wait3A_117 = tpu.memref_squeeze %dma_wait3A_116 : memref<1x128xi32, #tpu.memory_space<vmem>> -> memref<128xi32, #tpu.memory_space<vmem>>
      %dma_wait3A_118 = arith.constant 0 : i32
      %dma_wait3A_119 = arith.constant 0 : i32
      %dma_wait3A_120 = tpu.memref_slice %arg18[%dma_wait3A_118, %dma_wait3A_119] : memref<10240x32xf32, #tpu.memory_space<vmem_shared>> -> memref<10240x32xf32, #tpu.memory_space<vmem_shared>>
      tpu.wait_indirect_dma semaphore(%arg20 : memref<!tpu.dma_semaphore, #tpu.memory_space<semaphore_mem>>) src(%dma_wait3A_120 : memref<10240x32xf32, #tpu.memory_space<vmem_shared>>) dst(%arg10 : memref<128x32xf32, #tpu.memory_space<vmem>>)
      %dma_start3A_121 = arith.constant 0 : i32
      %dma_start3A_122 = tpu.memref_slice %arg8[%add3A_114, %dma_start3A_121] : memref<160x128xi32, #tpu.memory_space<vmem>> -> memref<1x128xi32, #tpu.memory_space<vmem>>
      %dma_start3A_123 = tpu.memref_squeeze %dma_start3A_122 : memref<1x128xi32, #tpu.memory_space<vmem>> -> memref<128xi32, #tpu.memory_space<vmem>>
      %dma_start3A_124 = arith.constant 0 : i32
      %dma_start3A_125 = arith.constant 0 : i32
      %dma_start3A_126 = tpu.memref_slice %arg17[%dma_start3A_124, %dma_start3A_125] : memref<10240x32xf32, #tpu.memory_space<vmem_shared>> -> memref<10240x32xf32, #tpu.memory_space<vmem_shared>>
      tpu.enqueue_indirect_dma source(%arg10 : memref<128x32xf32, #tpu.memory_space<vmem>>) target(%dma_start3A_126 : memref<10240x32xf32, #tpu.memory_space<vmem_shared>>) offsets(%dma_start3A_123 : memref<128xi32, #tpu.memory_space<vmem>>) semaphore(%arg28 : memref<!tpu.dma_semaphore, #tpu.memory_space<semaphore_mem>>) {add = true}
      %add3A_127 = arith.constant 4 : i32
      %add3A_128 = arith.addi %add3A_114, %add3A_127 : i32
      %lt3A_129 = arith.constant 160 : i32
      %lt3A_130 = arith.cmpi slt, %add3A_128, %lt3A_129 : i32
      %convert_element_type3A_131 = arith.extui %lt3A_130 : i1 to i32
      %cond3A_132 = arith.constant 0 : i32
      %cond3A_133 = arith.cmpi ne, %convert_element_type3A_131, %cond3A_132 : i32
      scf.if %cond3A_133 {
        %ge3A = arith.constant 8 : i32
        %ge3A_261 = arith.cmpi sge, %add3A_128, %ge3A : i32
        %convert_element_type3A_262 = arith.extui %ge3A_261 : i1 to i32
        %cond3A_263 = arith.constant 0 : i32
        %cond3A_264 = arith.cmpi ne, %convert_element_type3A_262, %cond3A_263 : i32
        scf.if %cond3A_264 {
          %dma_wait3A_271 = arith.constant 0 : i32
          %dma_wait3A_272 = arith.constant 0 : i32
          %dma_wait3A_273 = tpu.memref_slice %arg8[%dma_wait3A_271, %dma_wait3A_272] : memref<160x128xi32, #tpu.memory_space<vmem>> -> memref<1x128xi32, #tpu.memory_space<vmem>>
          %dma_wait3A_274 = tpu.memref_squeeze %dma_wait3A_273 : memref<1x128xi32, #tpu.memory_space<vmem>> -> memref<128xi32, #tpu.memory_space<vmem>>
          %dma_wait3A_275 = arith.constant 0 : i32
          %dma_wait3A_276 = arith.constant 0 : i32
          %dma_wait3A_277 = tpu.memref_slice %arg17[%dma_wait3A_275, %dma_wait3A_276] : memref<10240x32xf32, #tpu.memory_space<vmem_shared>> -> memref<10240x32xf32, #tpu.memory_space<vmem_shared>>
          tpu.wait_indirect_dma semaphore(%arg32 : memref<!tpu.dma_semaphore, #tpu.memory_space<semaphore_mem>>) src(%arg14 : memref<128x32xf32, #tpu.memory_space<vmem>>) dst(%dma_wait3A_277 : memref<10240x32xf32, #tpu.memory_space<vmem_shared>>)
        } else {
        }
        %dma_start3A_265 = arith.constant 0 : i32
        %dma_start3A_266 = tpu.memref_slice %arg7[%add3A_128, %dma_start3A_265] : memref<160x128xi32, #tpu.memory_space<vmem>> -> memref<1x128xi32, #tpu.memory_space<vmem>>
        %dma_start3A_267 = tpu.memref_squeeze %dma_start3A_266 : memref<1x128xi32, #tpu.memory_space<vmem>> -> memref<128xi32, #tpu.memory_space<vmem>>
        %dma_start3A_268 = arith.constant 0 : i32
        %dma_start3A_269 = arith.constant 0 : i32
        %dma_start3A_270 = tpu.memref_slice %arg18[%dma_start3A_268, %dma_start3A_269] : memref<10240x32xf32, #tpu.memory_space<vmem_shared>> -> memref<10240x32xf32, #tpu.memory_space<vmem_shared>>
        tpu.enqueue_indirect_dma source(%dma_start3A_270 : memref<10240x32xf32, #tpu.memory_space<vmem_shared>>) target(%arg14 : memref<128x32xf32, #tpu.memory_space<vmem>>) offsets(%dma_start3A_267 : memref<128xi32, #tpu.memory_space<vmem>>) semaphore(%arg24 : memref<!tpu.dma_semaphore, #tpu.memory_space<semaphore_mem>>)
      } else {
      }
      %add3A_134 = arith.constant 2 : i32
      %add3A_135 = arith.addi %mul3A_95, %add3A_134 : i32
      %dma_wait3A_136 = arith.constant 0 : i32
      %dma_wait3A_137 = tpu.memref_slice %arg7[%add3A_135, %dma_wait3A_136] : memref<160x128xi32, #tpu.memory_space<vmem>> -> memref<1x128xi32, #tpu.memory_space<vmem>>
      %dma_wait3A_138 = tpu.memref_squeeze %dma_wait3A_137 : memref<1x128xi32, #tpu.memory_space<vmem>> -> memref<128xi32, #tpu.memory_space<vmem>>
      %dma_wait3A_139 = arith.constant 0 : i32
      %dma_wait3A_140 = arith.constant 0 : i32
      %dma_wait3A_141 = tpu.memref_slice %arg18[%dma_wait3A_139, %dma_wait3A_140] : memref<10240x32xf32, #tpu.memory_space<vmem_shared>> -> memref<10240x32xf32, #tpu.memory_space<vmem_shared>>
      tpu.wait_indirect_dma semaphore(%arg21 : memref<!tpu.dma_semaphore, #tpu.memory_space<semaphore_mem>>) src(%dma_wait3A_141 : memref<10240x32xf32, #tpu.memory_space<vmem_shared>>) dst(%arg11 : memref<128x32xf32, #tpu.memory_space<vmem>>)
      %dma_start3A_142 = arith.constant 0 : i32
      %dma_start3A_143 = tpu.memref_slice %arg8[%add3A_135, %dma_start3A_142] : memref<160x128xi32, #tpu.memory_space<vmem>> -> memref<1x128xi32, #tpu.memory_space<vmem>>
      %dma_start3A_144 = tpu.memref_squeeze %dma_start3A_143 : memref<1x128xi32, #tpu.memory_space<vmem>> -> memref<128xi32, #tpu.memory_space<vmem>>
      %dma_start3A_145 = arith.constant 0 : i32
      %dma_start3A_146 = arith.constant 0 : i32
      %dma_start3A_147 = tpu.memref_slice %arg17[%dma_start3A_145, %dma_start3A_146] : memref<10240x32xf32, #tpu.memory_space<vmem_shared>> -> memref<10240x32xf32, #tpu.memory_space<vmem_shared>>
      tpu.enqueue_indirect_dma source(%arg11 : memref<128x32xf32, #tpu.memory_space<vmem>>) target(%dma_start3A_147 : memref<10240x32xf32, #tpu.memory_space<vmem_shared>>) offsets(%dma_start3A_144 : memref<128xi32, #tpu.memory_space<vmem>>) semaphore(%arg29 : memref<!tpu.dma_semaphore, #tpu.memory_space<semaphore_mem>>) {add = true}
      %add3A_148 = arith.constant 4 : i32
      %add3A_149 = arith.addi %add3A_135, %add3A_148 : i32
      %lt3A_150 = arith.constant 160 : i32
      %lt3A_151 = arith.cmpi slt, %add3A_149, %lt3A_150 : i32
      %convert_element_type3A_152 = arith.extui %lt3A_151 : i1 to i32
      %cond3A_153 = arith.constant 0 : i32
      %cond3A_154 = arith.cmpi ne, %convert_element_type3A_152, %cond3A_153 : i32
      scf.if %cond3A_154 {
        %ge3A = arith.constant 8 : i32
        %ge3A_261 = arith.cmpi sge, %add3A_149, %ge3A : i32
        %convert_element_type3A_262 = arith.extui %ge3A_261 : i1 to i32
        %cond3A_263 = arith.constant 0 : i32
        %cond3A_264 = arith.cmpi ne, %convert_element_type3A_262, %cond3A_263 : i32
        scf.if %cond3A_264 {
          %dma_wait3A_271 = arith.constant 0 : i32
          %dma_wait3A_272 = arith.constant 0 : i32
          %dma_wait3A_273 = tpu.memref_slice %arg8[%dma_wait3A_271, %dma_wait3A_272] : memref<160x128xi32, #tpu.memory_space<vmem>> -> memref<1x128xi32, #tpu.memory_space<vmem>>
          %dma_wait3A_274 = tpu.memref_squeeze %dma_wait3A_273 : memref<1x128xi32, #tpu.memory_space<vmem>> -> memref<128xi32, #tpu.memory_space<vmem>>
          %dma_wait3A_275 = arith.constant 0 : i32
          %dma_wait3A_276 = arith.constant 0 : i32
          %dma_wait3A_277 = tpu.memref_slice %arg17[%dma_wait3A_275, %dma_wait3A_276] : memref<10240x32xf32, #tpu.memory_space<vmem_shared>> -> memref<10240x32xf32, #tpu.memory_space<vmem_shared>>
          tpu.wait_indirect_dma semaphore(%arg33 : memref<!tpu.dma_semaphore, #tpu.memory_space<semaphore_mem>>) src(%arg15 : memref<128x32xf32, #tpu.memory_space<vmem>>) dst(%dma_wait3A_277 : memref<10240x32xf32, #tpu.memory_space<vmem_shared>>)
        } else {
        }
        %dma_start3A_265 = arith.constant 0 : i32
        %dma_start3A_266 = tpu.memref_slice %arg7[%add3A_149, %dma_start3A_265] : memref<160x128xi32, #tpu.memory_space<vmem>> -> memref<1x128xi32, #tpu.memory_space<vmem>>
        %dma_start3A_267 = tpu.memref_squeeze %dma_start3A_266 : memref<1x128xi32, #tpu.memory_space<vmem>> -> memref<128xi32, #tpu.memory_space<vmem>>
        %dma_start3A_268 = arith.constant 0 : i32
        %dma_start3A_269 = arith.constant 0 : i32
        %dma_start3A_270 = tpu.memref_slice %arg18[%dma_start3A_268, %dma_start3A_269] : memref<10240x32xf32, #tpu.memory_space<vmem_shared>> -> memref<10240x32xf32, #tpu.memory_space<vmem_shared>>
        tpu.enqueue_indirect_dma source(%dma_start3A_270 : memref<10240x32xf32, #tpu.memory_space<vmem_shared>>) target(%arg15 : memref<128x32xf32, #tpu.memory_space<vmem>>) offsets(%dma_start3A_267 : memref<128xi32, #tpu.memory_space<vmem>>) semaphore(%arg25 : memref<!tpu.dma_semaphore, #tpu.memory_space<semaphore_mem>>)
      } else {
      }
      %add3A_155 = arith.constant 3 : i32
      %add3A_156 = arith.addi %mul3A_95, %add3A_155 : i32
      %dma_wait3A_157 = arith.constant 0 : i32
      %dma_wait3A_158 = tpu.memref_slice %arg7[%add3A_156, %dma_wait3A_157] : memref<160x128xi32, #tpu.memory_space<vmem>> -> memref<1x128xi32, #tpu.memory_space<vmem>>
      %dma_wait3A_159 = tpu.memref_squeeze %dma_wait3A_158 : memref<1x128xi32, #tpu.memory_space<vmem>> -> memref<128xi32, #tpu.memory_space<vmem>>
      %dma_wait3A_160 = arith.constant 0 : i32
      %dma_wait3A_161 = arith.constant 0 : i32
      %dma_wait3A_162 = tpu.memref_slice %arg18[%dma_wait3A_160, %dma_wait3A_161] : memref<10240x32xf32, #tpu.memory_space<vmem_shared>> -> memref<10240x32xf32, #tpu.memory_space<vmem_shared>>
      tpu.wait_indirect_dma semaphore(%arg22 : memref<!tpu.dma_semaphore, #tpu.memory_space<semaphore_mem>>) src(%dma_wait3A_162 : memref<10240x32xf32, #tpu.memory_space<vmem_shared>>) dst(%arg12 : memref<128x32xf32, #tpu.memory_space<vmem>>)
      %dma_start3A_163 = arith.constant 0 : i32
      %dma_start3A_164 = tpu.memref_slice %arg8[%add3A_156, %dma_start3A_163] : memref<160x128xi32, #tpu.memory_space<vmem>> -> memref<1x128xi32, #tpu.memory_space<vmem>>
      %dma_start3A_165 = tpu.memref_squeeze %dma_start3A_164 : memref<1x128xi32, #tpu.memory_space<vmem>> -> memref<128xi32, #tpu.memory_space<vmem>>
      %dma_start3A_166 = arith.constant 0 : i32
      %dma_start3A_167 = arith.constant 0 : i32
      %dma_start3A_168 = tpu.memref_slice %arg17[%dma_start3A_166, %dma_start3A_167] : memref<10240x32xf32, #tpu.memory_space<vmem_shared>> -> memref<10240x32xf32, #tpu.memory_space<vmem_shared>>
      tpu.enqueue_indirect_dma source(%arg12 : memref<128x32xf32, #tpu.memory_space<vmem>>) target(%dma_start3A_168 : memref<10240x32xf32, #tpu.memory_space<vmem_shared>>) offsets(%dma_start3A_165 : memref<128xi32, #tpu.memory_space<vmem>>) semaphore(%arg30 : memref<!tpu.dma_semaphore, #tpu.memory_space<semaphore_mem>>) {add = true}
      %add3A_169 = arith.constant 4 : i32
      %add3A_170 = arith.addi %add3A_156, %add3A_169 : i32
      %lt3A_171 = arith.constant 160 : i32
      %lt3A_172 = arith.cmpi slt, %add3A_170, %lt3A_171 : i32
      %convert_element_type3A_173 = arith.extui %lt3A_172 : i1 to i32
      %cond3A_174 = arith.constant 0 : i32
      %cond3A_175 = arith.cmpi ne, %convert_element_type3A_173, %cond3A_174 : i32
      scf.if %cond3A_175 {
        %ge3A = arith.constant 8 : i32
        %ge3A_261 = arith.cmpi sge, %add3A_170, %ge3A : i32
        %convert_element_type3A_262 = arith.extui %ge3A_261 : i1 to i32
        %cond3A_263 = arith.constant 0 : i32
        %cond3A_264 = arith.cmpi ne, %convert_element_type3A_262, %cond3A_263 : i32
        scf.if %cond3A_264 {
          %dma_wait3A_271 = arith.constant 0 : i32
          %dma_wait3A_272 = arith.constant 0 : i32
          %dma_wait3A_273 = tpu.memref_slice %arg8[%dma_wait3A_271, %dma_wait3A_272] : memref<160x128xi32, #tpu.memory_space<vmem>> -> memref<1x128xi32, #tpu.memory_space<vmem>>
          %dma_wait3A_274 = tpu.memref_squeeze %dma_wait3A_273 : memref<1x128xi32, #tpu.memory_space<vmem>> -> memref<128xi32, #tpu.memory_space<vmem>>
          %dma_wait3A_275 = arith.constant 0 : i32
          %dma_wait3A_276 = arith.constant 0 : i32
          %dma_wait3A_277 = tpu.memref_slice %arg17[%dma_wait3A_275, %dma_wait3A_276] : memref<10240x32xf32, #tpu.memory_space<vmem_shared>> -> memref<10240x32xf32, #tpu.memory_space<vmem_shared>>
          tpu.wait_indirect_dma semaphore(%arg34 : memref<!tpu.dma_semaphore, #tpu.memory_space<semaphore_mem>>) src(%arg16 : memref<128x32xf32, #tpu.memory_space<vmem>>) dst(%dma_wait3A_277 : memref<10240x32xf32, #tpu.memory_space<vmem_shared>>)
        } else {
        }
        %dma_start3A_265 = arith.constant 0 : i32
        %dma_start3A_266 = tpu.memref_slice %arg7[%add3A_170, %dma_start3A_265] : memref<160x128xi32, #tpu.memory_space<vmem>> -> memref<1x128xi32, #tpu.memory_space<vmem>>
        %dma_start3A_267 = tpu.memref_squeeze %dma_start3A_266 : memref<1x128xi32, #tpu.memory_space<vmem>> -> memref<128xi32, #tpu.memory_space<vmem>>
        %dma_start3A_268 = arith.constant 0 : i32
        %dma_start3A_269 = arith.constant 0 : i32
        %dma_start3A_270 = tpu.memref_slice %arg18[%dma_start3A_268, %dma_start3A_269] : memref<10240x32xf32, #tpu.memory_space<vmem_shared>> -> memref<10240x32xf32, #tpu.memory_space<vmem_shared>>
        tpu.enqueue_indirect_dma source(%dma_start3A_270 : memref<10240x32xf32, #tpu.memory_space<vmem_shared>>) target(%arg16 : memref<128x32xf32, #tpu.memory_space<vmem>>) offsets(%dma_start3A_267 : memref<128xi32, #tpu.memory_space<vmem>>) semaphore(%arg26 : memref<!tpu.dma_semaphore, #tpu.memory_space<semaphore_mem>>)
      } else {
      }
      %add3A_176 = arith.constant 4 : i32
      %add3A_177 = arith.addi %mul3A_95, %add3A_176 : i32
      %dma_wait3A_178 = arith.constant 0 : i32
      %dma_wait3A_179 = tpu.memref_slice %arg7[%add3A_177, %dma_wait3A_178] : memref<160x128xi32, #tpu.memory_space<vmem>> -> memref<1x128xi32, #tpu.memory_space<vmem>>
      %dma_wait3A_180 = tpu.memref_squeeze %dma_wait3A_179 : memref<1x128xi32, #tpu.memory_space<vmem>> -> memref<128xi32, #tpu.memory_space<vmem>>
      %dma_wait3A_181 = arith.constant 0 : i32
      %dma_wait3A_182 = arith.constant 0 : i32
      %dma_wait3A_183 = tpu.memref_slice %arg18[%dma_wait3A_181, %dma_wait3A_182] : memref<10240x32xf32, #tpu.memory_space<vmem_shared>> -> memref<10240x32xf32, #tpu.memory_space<vmem_shared>>
      tpu.wait_indirect_dma semaphore(%arg23 : memref<!tpu.dma_semaphore, #tpu.memory_space<semaphore_mem>>) src(%dma_wait3A_183 : memref<10240x32xf32, #tpu.memory_space<vmem_shared>>) dst(%arg13 : memref<128x32xf32, #tpu.memory_space<vmem>>)
      %dma_start3A_184 = arith.constant 0 : i32
      %dma_start3A_185 = tpu.memref_slice %arg8[%add3A_177, %dma_start3A_184] : memref<160x128xi32, #tpu.memory_space<vmem>> -> memref<1x128xi32, #tpu.memory_space<vmem>>
      %dma_start3A_186 = tpu.memref_squeeze %dma_start3A_185 : memref<1x128xi32, #tpu.memory_space<vmem>> -> memref<128xi32, #tpu.memory_space<vmem>>
      %dma_start3A_187 = arith.constant 0 : i32
      %dma_start3A_188 = arith.constant 0 : i32
      %dma_start3A_189 = tpu.memref_slice %arg17[%dma_start3A_187, %dma_start3A_188] : memref<10240x32xf32, #tpu.memory_space<vmem_shared>> -> memref<10240x32xf32, #tpu.memory_space<vmem_shared>>
      tpu.enqueue_indirect_dma source(%arg13 : memref<128x32xf32, #tpu.memory_space<vmem>>) target(%dma_start3A_189 : memref<10240x32xf32, #tpu.memory_space<vmem_shared>>) offsets(%dma_start3A_186 : memref<128xi32, #tpu.memory_space<vmem>>) semaphore(%arg31 : memref<!tpu.dma_semaphore, #tpu.memory_space<semaphore_mem>>) {add = true}
      %add3A_190 = arith.constant 4 : i32
      %add3A_191 = arith.addi %add3A_177, %add3A_190 : i32
      %lt3A_192 = arith.constant 160 : i32
      %lt3A_193 = arith.cmpi slt, %add3A_191, %lt3A_192 : i32
      %convert_element_type3A_194 = arith.extui %lt3A_193 : i1 to i32
      %cond3A_195 = arith.constant 0 : i32
      %cond3A_196 = arith.cmpi ne, %convert_element_type3A_194, %cond3A_195 : i32
      scf.if %cond3A_196 {
        %ge3A = arith.constant 8 : i32
        %ge3A_261 = arith.cmpi sge, %add3A_191, %ge3A : i32
        %convert_element_type3A_262 = arith.extui %ge3A_261 : i1 to i32
        %cond3A_263 = arith.constant 0 : i32
        %cond3A_264 = arith.cmpi ne, %convert_element_type3A_262, %cond3A_263 : i32
        scf.if %cond3A_264 {
          %dma_wait3A_271 = arith.constant 0 : i32
          %dma_wait3A_272 = arith.constant 0 : i32
          %dma_wait3A_273 = tpu.memref_slice %arg8[%dma_wait3A_271, %dma_wait3A_272] : memref<160x128xi32, #tpu.memory_space<vmem>> -> memref<1x128xi32, #tpu.memory_space<vmem>>
          %dma_wait3A_274 = tpu.memref_squeeze %dma_wait3A_273 : memref<1x128xi32, #tpu.memory_space<vmem>> -> memref<128xi32, #tpu.memory_space<vmem>>
          %dma_wait3A_275 = arith.constant 0 : i32
          %dma_wait3A_276 = arith.constant 0 : i32
          %dma_wait3A_277 = tpu.memref_slice %arg17[%dma_wait3A_275, %dma_wait3A_276] : memref<10240x32xf32, #tpu.memory_space<vmem_shared>> -> memref<10240x32xf32, #tpu.memory_space<vmem_shared>>
          tpu.wait_indirect_dma semaphore(%arg27 : memref<!tpu.dma_semaphore, #tpu.memory_space<semaphore_mem>>) src(%arg9 : memref<128x32xf32, #tpu.memory_space<vmem>>) dst(%dma_wait3A_277 : memref<10240x32xf32, #tpu.memory_space<vmem_shared>>)
        } else {
        }
        %dma_start3A_265 = arith.constant 0 : i32
        %dma_start3A_266 = tpu.memref_slice %arg7[%add3A_191, %dma_start3A_265] : memref<160x128xi32, #tpu.memory_space<vmem>> -> memref<1x128xi32, #tpu.memory_space<vmem>>
        %dma_start3A_267 = tpu.memref_squeeze %dma_start3A_266 : memref<1x128xi32, #tpu.memory_space<vmem>> -> memref<128xi32, #tpu.memory_space<vmem>>
        %dma_start3A_268 = arith.constant 0 : i32
        %dma_start3A_269 = arith.constant 0 : i32
        %dma_start3A_270 = tpu.memref_slice %arg18[%dma_start3A_268, %dma_start3A_269] : memref<10240x32xf32, #tpu.memory_space<vmem_shared>> -> memref<10240x32xf32, #tpu.memory_space<vmem_shared>>
        tpu.enqueue_indirect_dma source(%dma_start3A_270 : memref<10240x32xf32, #tpu.memory_space<vmem_shared>>) target(%arg9 : memref<128x32xf32, #tpu.memory_space<vmem>>) offsets(%dma_start3A_267 : memref<128xi32, #tpu.memory_space<vmem>>) semaphore(%arg19 : memref<!tpu.dma_semaphore, #tpu.memory_space<semaphore_mem>>)
      } else {
      }
      %add3A_197 = arith.constant 5 : i32
      %add3A_198 = arith.addi %mul3A_95, %add3A_197 : i32
      %dma_wait3A_199 = arith.constant 0 : i32
      %dma_wait3A_200 = tpu.memref_slice %arg7[%add3A_198, %dma_wait3A_199] : memref<160x128xi32, #tpu.memory_space<vmem>> -> memref<1x128xi32, #tpu.memory_space<vmem>>
      %dma_wait3A_201 = tpu.memref_squeeze %dma_wait3A_200 : memref<1x128xi32, #tpu.memory_space<vmem>> -> memref<128xi32, #tpu.memory_space<vmem>>
      %dma_wait3A_202 = arith.constant 0 : i32
      %dma_wait3A_203 = arith.constant 0 : i32
      %dma_wait3A_204 = tpu.memref_slice %arg18[%dma_wait3A_202, %dma_wait3A_203] : memref<10240x32xf32, #tpu.memory_space<vmem_shared>> -> memref<10240x32xf32, #tpu.memory_space<vmem_shared>>
      tpu.wait_indirect_dma semaphore(%arg24 : memref<!tpu.dma_semaphore, #tpu.memory_space<semaphore_mem>>) src(%dma_wait3A_204 : memref<10240x32xf32, #tpu.memory_space<vmem_shared>>) dst(%arg14 : memref<128x32xf32, #tpu.memory_space<vmem>>)
      %dma_start3A_205 = arith.constant 0 : i32
      %dma_start3A_206 = tpu.memref_slice %arg8[%add3A_198, %dma_start3A_205] : memref<160x128xi32, #tpu.memory_space<vmem>> -> memref<1x128xi32, #tpu.memory_space<vmem>>
      %dma_start3A_207 = tpu.memref_squeeze %dma_start3A_206 : memref<1x128xi32, #tpu.memory_space<vmem>> -> memref<128xi32, #tpu.memory_space<vmem>>
      %dma_start3A_208 = arith.constant 0 : i32
      %dma_start3A_209 = arith.constant 0 : i32
      %dma_start3A_210 = tpu.memref_slice %arg17[%dma_start3A_208, %dma_start3A_209] : memref<10240x32xf32, #tpu.memory_space<vmem_shared>> -> memref<10240x32xf32, #tpu.memory_space<vmem_shared>>
      tpu.enqueue_indirect_dma source(%arg14 : memref<128x32xf32, #tpu.memory_space<vmem>>) target(%dma_start3A_210 : memref<10240x32xf32, #tpu.memory_space<vmem_shared>>) offsets(%dma_start3A_207 : memref<128xi32, #tpu.memory_space<vmem>>) semaphore(%arg32 : memref<!tpu.dma_semaphore, #tpu.memory_space<semaphore_mem>>) {add = true}
      %add3A_211 = arith.constant 4 : i32
      %add3A_212 = arith.addi %add3A_198, %add3A_211 : i32
      %lt3A_213 = arith.constant 160 : i32
      %lt3A_214 = arith.cmpi slt, %add3A_212, %lt3A_213 : i32
      %convert_element_type3A_215 = arith.extui %lt3A_214 : i1 to i32
      %cond3A_216 = arith.constant 0 : i32
      %cond3A_217 = arith.cmpi ne, %convert_element_type3A_215, %cond3A_216 : i32
      scf.if %cond3A_217 {
        %ge3A = arith.constant 8 : i32
        %ge3A_261 = arith.cmpi sge, %add3A_212, %ge3A : i32
        %convert_element_type3A_262 = arith.extui %ge3A_261 : i1 to i32
        %cond3A_263 = arith.constant 0 : i32
        %cond3A_264 = arith.cmpi ne, %convert_element_type3A_262, %cond3A_263 : i32
        scf.if %cond3A_264 {
          %dma_wait3A_271 = arith.constant 0 : i32
          %dma_wait3A_272 = arith.constant 0 : i32
          %dma_wait3A_273 = tpu.memref_slice %arg8[%dma_wait3A_271, %dma_wait3A_272] : memref<160x128xi32, #tpu.memory_space<vmem>> -> memref<1x128xi32, #tpu.memory_space<vmem>>
          %dma_wait3A_274 = tpu.memref_squeeze %dma_wait3A_273 : memref<1x128xi32, #tpu.memory_space<vmem>> -> memref<128xi32, #tpu.memory_space<vmem>>
          %dma_wait3A_275 = arith.constant 0 : i32
          %dma_wait3A_276 = arith.constant 0 : i32
          %dma_wait3A_277 = tpu.memref_slice %arg17[%dma_wait3A_275, %dma_wait3A_276] : memref<10240x32xf32, #tpu.memory_space<vmem_shared>> -> memref<10240x32xf32, #tpu.memory_space<vmem_shared>>
          tpu.wait_indirect_dma semaphore(%arg28 : memref<!tpu.dma_semaphore, #tpu.memory_space<semaphore_mem>>) src(%arg10 : memref<128x32xf32, #tpu.memory_space<vmem>>) dst(%dma_wait3A_277 : memref<10240x32xf32, #tpu.memory_space<vmem_shared>>)
        } else {
        }
        %dma_start3A_265 = arith.constant 0 : i32
        %dma_start3A_266 = tpu.memref_slice %arg7[%add3A_212, %dma_start3A_265] : memref<160x128xi32, #tpu.memory_space<vmem>> -> memref<1x128xi32, #tpu.memory_space<vmem>>
        %dma_start3A_267 = tpu.memref_squeeze %dma_start3A_266 : memref<1x128xi32, #tpu.memory_space<vmem>> -> memref<128xi32, #tpu.memory_space<vmem>>
        %dma_start3A_268 = arith.constant 0 : i32
        %dma_start3A_269 = arith.constant 0 : i32
        %dma_start3A_270 = tpu.memref_slice %arg18[%dma_start3A_268, %dma_start3A_269] : memref<10240x32xf32, #tpu.memory_space<vmem_shared>> -> memref<10240x32xf32, #tpu.memory_space<vmem_shared>>
        tpu.enqueue_indirect_dma source(%dma_start3A_270 : memref<10240x32xf32, #tpu.memory_space<vmem_shared>>) target(%arg10 : memref<128x32xf32, #tpu.memory_space<vmem>>) offsets(%dma_start3A_267 : memref<128xi32, #tpu.memory_space<vmem>>) semaphore(%arg20 : memref<!tpu.dma_semaphore, #tpu.memory_space<semaphore_mem>>)
      } else {
      }
      %add3A_218 = arith.constant 6 : i32
      %add3A_219 = arith.addi %mul3A_95, %add3A_218 : i32
      %dma_wait3A_220 = arith.constant 0 : i32
      %dma_wait3A_221 = tpu.memref_slice %arg7[%add3A_219, %dma_wait3A_220] : memref<160x128xi32, #tpu.memory_space<vmem>> -> memref<1x128xi32, #tpu.memory_space<vmem>>
      %dma_wait3A_222 = tpu.memref_squeeze %dma_wait3A_221 : memref<1x128xi32, #tpu.memory_space<vmem>> -> memref<128xi32, #tpu.memory_space<vmem>>
      %dma_wait3A_223 = arith.constant 0 : i32
      %dma_wait3A_224 = arith.constant 0 : i32
      %dma_wait3A_225 = tpu.memref_slice %arg18[%dma_wait3A_223, %dma_wait3A_224] : memref<10240x32xf32, #tpu.memory_space<vmem_shared>> -> memref<10240x32xf32, #tpu.memory_space<vmem_shared>>
      tpu.wait_indirect_dma semaphore(%arg25 : memref<!tpu.dma_semaphore, #tpu.memory_space<semaphore_mem>>) src(%dma_wait3A_225 : memref<10240x32xf32, #tpu.memory_space<vmem_shared>>) dst(%arg15 : memref<128x32xf32, #tpu.memory_space<vmem>>)
      %dma_start3A_226 = arith.constant 0 : i32
      %dma_start3A_227 = tpu.memref_slice %arg8[%add3A_219, %dma_start3A_226] : memref<160x128xi32, #tpu.memory_space<vmem>> -> memref<1x128xi32, #tpu.memory_space<vmem>>
      %dma_start3A_228 = tpu.memref_squeeze %dma_start3A_227 : memref<1x128xi32, #tpu.memory_space<vmem>> -> memref<128xi32, #tpu.memory_space<vmem>>
      %dma_start3A_229 = arith.constant 0 : i32
      %dma_start3A_230 = arith.constant 0 : i32
      %dma_start3A_231 = tpu.memref_slice %arg17[%dma_start3A_229, %dma_start3A_230] : memref<10240x32xf32, #tpu.memory_space<vmem_shared>> -> memref<10240x32xf32, #tpu.memory_space<vmem_shared>>
      tpu.enqueue_indirect_dma source(%arg15 : memref<128x32xf32, #tpu.memory_space<vmem>>) target(%dma_start3A_231 : memref<10240x32xf32, #tpu.memory_space<vmem_shared>>) offsets(%dma_start3A_228 : memref<128xi32, #tpu.memory_space<vmem>>) semaphore(%arg33 : memref<!tpu.dma_semaphore, #tpu.memory_space<semaphore_mem>>) {add = true}
      %add3A_232 = arith.constant 4 : i32
      %add3A_233 = arith.addi %add3A_219, %add3A_232 : i32
      %lt3A_234 = arith.constant 160 : i32
      %lt3A_235 = arith.cmpi slt, %add3A_233, %lt3A_234 : i32
      %convert_element_type3A_236 = arith.extui %lt3A_235 : i1 to i32
      %cond3A_237 = arith.constant 0 : i32
      %cond3A_238 = arith.cmpi ne, %convert_element_type3A_236, %cond3A_237 : i32
      scf.if %cond3A_238 {
        %ge3A = arith.constant 8 : i32
        %ge3A_261 = arith.cmpi sge, %add3A_233, %ge3A : i32
        %convert_element_type3A_262 = arith.extui %ge3A_261 : i1 to i32
        %cond3A_263 = arith.constant 0 : i32
        %cond3A_264 = arith.cmpi ne, %convert_element_type3A_262, %cond3A_263 : i32
        scf.if %cond3A_264 {
          %dma_wait3A_271 = arith.constant 0 : i32
          %dma_wait3A_272 = arith.constant 0 : i32
          %dma_wait3A_273 = tpu.memref_slice %arg8[%dma_wait3A_271, %dma_wait3A_272] : memref<160x128xi32, #tpu.memory_space<vmem>> -> memref<1x128xi32, #tpu.memory_space<vmem>>
          %dma_wait3A_274 = tpu.memref_squeeze %dma_wait3A_273 : memref<1x128xi32, #tpu.memory_space<vmem>> -> memref<128xi32, #tpu.memory_space<vmem>>
          %dma_wait3A_275 = arith.constant 0 : i32
          %dma_wait3A_276 = arith.constant 0 : i32
          %dma_wait3A_277 = tpu.memref_slice %arg17[%dma_wait3A_275, %dma_wait3A_276] : memref<10240x32xf32, #tpu.memory_space<vmem_shared>> -> memref<10240x32xf32, #tpu.memory_space<vmem_shared>>
          tpu.wait_indirect_dma semaphore(%arg29 : memref<!tpu.dma_semaphore, #tpu.memory_space<semaphore_mem>>) src(%arg11 : memref<128x32xf32, #tpu.memory_space<vmem>>) dst(%dma_wait3A_277 : memref<10240x32xf32, #tpu.memory_space<vmem_shared>>)
        } else {
        }
        %dma_start3A_265 = arith.constant 0 : i32
        %dma_start3A_266 = tpu.memref_slice %arg7[%add3A_233, %dma_start3A_265] : memref<160x128xi32, #tpu.memory_space<vmem>> -> memref<1x128xi32, #tpu.memory_space<vmem>>
        %dma_start3A_267 = tpu.memref_squeeze %dma_start3A_266 : memref<1x128xi32, #tpu.memory_space<vmem>> -> memref<128xi32, #tpu.memory_space<vmem>>
        %dma_start3A_268 = arith.constant 0 : i32
        %dma_start3A_269 = arith.constant 0 : i32
        %dma_start3A_270 = tpu.memref_slice %arg18[%dma_start3A_268, %dma_start3A_269] : memref<10240x32xf32, #tpu.memory_space<vmem_shared>> -> memref<10240x32xf32, #tpu.memory_space<vmem_shared>>
        tpu.enqueue_indirect_dma source(%dma_start3A_270 : memref<10240x32xf32, #tpu.memory_space<vmem_shared>>) target(%arg11 : memref<128x32xf32, #tpu.memory_space<vmem>>) offsets(%dma_start3A_267 : memref<128xi32, #tpu.memory_space<vmem>>) semaphore(%arg21 : memref<!tpu.dma_semaphore, #tpu.memory_space<semaphore_mem>>)
      } else {
      }
      %add3A_239 = arith.constant 7 : i32
      %add3A_240 = arith.addi %mul3A_95, %add3A_239 : i32
      %dma_wait3A_241 = arith.constant 0 : i32
      %dma_wait3A_242 = tpu.memref_slice %arg7[%add3A_240, %dma_wait3A_241] : memref<160x128xi32, #tpu.memory_space<vmem>> -> memref<1x128xi32, #tpu.memory_space<vmem>>
      %dma_wait3A_243 = tpu.memref_squeeze %dma_wait3A_242 : memref<1x128xi32, #tpu.memory_space<vmem>> -> memref<128xi32, #tpu.memory_space<vmem>>
      %dma_wait3A_244 = arith.constant 0 : i32
      %dma_wait3A_245 = arith.constant 0 : i32
      %dma_wait3A_246 = tpu.memref_slice %arg18[%dma_wait3A_244, %dma_wait3A_245] : memref<10240x32xf32, #tpu.memory_space<vmem_shared>> -> memref<10240x32xf32, #tpu.memory_space<vmem_shared>>
      tpu.wait_indirect_dma semaphore(%arg26 : memref<!tpu.dma_semaphore, #tpu.memory_space<semaphore_mem>>) src(%dma_wait3A_246 : memref<10240x32xf32, #tpu.memory_space<vmem_shared>>) dst(%arg16 : memref<128x32xf32, #tpu.memory_space<vmem>>)
      %dma_start3A_247 = arith.constant 0 : i32
      %dma_start3A_248 = tpu.memref_slice %arg8[%add3A_240, %dma_start3A_247] : memref<160x128xi32, #tpu.memory_space<vmem>> -> memref<1x128xi32, #tpu.memory_space<vmem>>
      %dma_start3A_249 = tpu.memref_squeeze %dma_start3A_248 : memref<1x128xi32, #tpu.memory_space<vmem>> -> memref<128xi32, #tpu.memory_space<vmem>>
      %dma_start3A_250 = arith.constant 0 : i32
      %dma_start3A_251 = arith.constant 0 : i32
      %dma_start3A_252 = tpu.memref_slice %arg17[%dma_start3A_250, %dma_start3A_251] : memref<10240x32xf32, #tpu.memory_space<vmem_shared>> -> memref<10240x32xf32, #tpu.memory_space<vmem_shared>>
      tpu.enqueue_indirect_dma source(%arg16 : memref<128x32xf32, #tpu.memory_space<vmem>>) target(%dma_start3A_252 : memref<10240x32xf32, #tpu.memory_space<vmem_shared>>) offsets(%dma_start3A_249 : memref<128xi32, #tpu.memory_space<vmem>>) semaphore(%arg34 : memref<!tpu.dma_semaphore, #tpu.memory_space<semaphore_mem>>) {add = true}
      %add3A_253 = arith.constant 4 : i32
      %add3A_254 = arith.addi %add3A_240, %add3A_253 : i32
      %lt3A_255 = arith.constant 160 : i32
      %lt3A_256 = arith.cmpi slt, %add3A_254, %lt3A_255 : i32
      %convert_element_type3A_257 = arith.extui %lt3A_256 : i1 to i32
      %cond3A_258 = arith.constant 0 : i32
      %cond3A_259 = arith.cmpi ne, %convert_element_type3A_257, %cond3A_258 : i32
      scf.if %cond3A_259 {
        %ge3A = arith.constant 8 : i32
        %ge3A_261 = arith.cmpi sge, %add3A_254, %ge3A : i32
        %convert_element_type3A_262 = arith.extui %ge3A_261 : i1 to i32
        %cond3A_263 = arith.constant 0 : i32
        %cond3A_264 = arith.cmpi ne, %convert_element_type3A_262, %cond3A_263 : i32
        scf.if %cond3A_264 {
          %dma_wait3A_271 = arith.constant 0 : i32
          %dma_wait3A_272 = arith.constant 0 : i32
          %dma_wait3A_273 = tpu.memref_slice %arg8[%dma_wait3A_271, %dma_wait3A_272] : memref<160x128xi32, #tpu.memory_space<vmem>> -> memref<1x128xi32, #tpu.memory_space<vmem>>
          %dma_wait3A_274 = tpu.memref_squeeze %dma_wait3A_273 : memref<1x128xi32, #tpu.memory_space<vmem>> -> memref<128xi32, #tpu.memory_space<vmem>>
          %dma_wait3A_275 = arith.constant 0 : i32
          %dma_wait3A_276 = arith.constant 0 : i32
          %dma_wait3A_277 = tpu.memref_slice %arg17[%dma_wait3A_275, %dma_wait3A_276] : memref<10240x32xf32, #tpu.memory_space<vmem_shared>> -> memref<10240x32xf32, #tpu.memory_space<vmem_shared>>
          tpu.wait_indirect_dma semaphore(%arg30 : memref<!tpu.dma_semaphore, #tpu.memory_space<semaphore_mem>>) src(%arg12 : memref<128x32xf32, #tpu.memory_space<vmem>>) dst(%dma_wait3A_277 : memref<10240x32xf32, #tpu.memory_space<vmem_shared>>)
        } else {
        }
        %dma_start3A_265 = arith.constant 0 : i32
        %dma_start3A_266 = tpu.memref_slice %arg7[%add3A_254, %dma_start3A_265] : memref<160x128xi32, #tpu.memory_space<vmem>> -> memref<1x128xi32, #tpu.memory_space<vmem>>
        %dma_start3A_267 = tpu.memref_squeeze %dma_start3A_266 : memref<1x128xi32, #tpu.memory_space<vmem>> -> memref<128xi32, #tpu.memory_space<vmem>>
        %dma_start3A_268 = arith.constant 0 : i32
        %dma_start3A_269 = arith.constant 0 : i32
        %dma_start3A_270 = tpu.memref_slice %arg18[%dma_start3A_268, %dma_start3A_269] : memref<10240x32xf32, #tpu.memory_space<vmem_shared>> -> memref<10240x32xf32, #tpu.memory_space<vmem_shared>>
        tpu.enqueue_indirect_dma source(%dma_start3A_270 : memref<10240x32xf32, #tpu.memory_space<vmem_shared>>) target(%arg12 : memref<128x32xf32, #tpu.memory_space<vmem>>) offsets(%dma_start3A_267 : memref<128xi32, #tpu.memory_space<vmem>>) semaphore(%arg22 : memref<!tpu.dma_semaphore, #tpu.memory_space<semaphore_mem>>)
      } else {
      }
      %scan3A_260 = arith.constant 0 : i32
      scf.yield %scan3A_260 : i32
    }
    %scan3A_35 = arith.constant 20 : i32
    %dma_wait3A = arith.constant 0 : i32
    %dma_wait3A_36 = arith.constant 0 : i32
    %dma_wait3A_37 = tpu.memref_slice %arg8[%dma_wait3A, %dma_wait3A_36] : memref<160x128xi32, #tpu.memory_space<vmem>> -> memref<1x128xi32, #tpu.memory_space<vmem>>
    %dma_wait3A_38 = tpu.memref_squeeze %dma_wait3A_37 : memref<1x128xi32, #tpu.memory_space<vmem>> -> memref<128xi32, #tpu.memory_space<vmem>>
    %dma_wait3A_39 = arith.constant 0 : i32
    %dma_wait3A_40 = arith.constant 0 : i32
    %dma_wait3A_41 = tpu.memref_slice %arg17[%dma_wait3A_39, %dma_wait3A_40] : memref<10240x32xf32, #tpu.memory_space<vmem_shared>> -> memref<10240x32xf32, #tpu.memory_space<vmem_shared>>
    tpu.wait_indirect_dma semaphore(%arg27 : memref<!tpu.dma_semaphore, #tpu.memory_space<semaphore_mem>>) src(%arg9 : memref<128x32xf32, #tpu.memory_space<vmem>>) dst(%dma_wait3A_41 : memref<10240x32xf32, #tpu.memory_space<vmem_shared>>)
    %dma_wait3A_42 = arith.constant 0 : i32
    %dma_wait3A_43 = arith.constant 0 : i32
    %dma_wait3A_44 = tpu.memref_slice %arg8[%dma_wait3A_42, %dma_wait3A_43] : memref<160x128xi32, #tpu.memory_space<vmem>> -> memref<1x128xi32, #tpu.memory_space<vmem>>
    %dma_wait3A_45 = tpu.memref_squeeze %dma_wait3A_44 : memref<1x128xi32, #tpu.memory_space<vmem>> -> memref<128xi32, #tpu.memory_space<vmem>>
    %dma_wait3A_46 = arith.constant 0 : i32
    %dma_wait3A_47 = arith.constant 0 : i32
    %dma_wait3A_48 = tpu.memref_slice %arg17[%dma_wait3A_46, %dma_wait3A_47] : memref<10240x32xf32, #tpu.memory_space<vmem_shared>> -> memref<10240x32xf32, #tpu.memory_space<vmem_shared>>
    tpu.wait_indirect_dma semaphore(%arg28 : memref<!tpu.dma_semaphore, #tpu.memory_space<semaphore_mem>>) src(%arg10 : memref<128x32xf32, #tpu.memory_space<vmem>>) dst(%dma_wait3A_48 : memref<10240x32xf32, #tpu.memory_space<vmem_shared>>)
    %dma_wait3A_49 = arith.constant 0 : i32
    %dma_wait3A_50 = arith.constant 0 : i32
    %dma_wait3A_51 = tpu.memref_slice %arg8[%dma_wait3A_49, %dma_wait3A_50] : memref<160x128xi32, #tpu.memory_space<vmem>> -> memref<1x128xi32, #tpu.memory_space<vmem>>
    %dma_wait3A_52 = tpu.memref_squeeze %dma_wait3A_51 : memref<1x128xi32, #tpu.memory_space<vmem>> -> memref<128xi32, #tpu.memory_space<vmem>>
    %dma_wait3A_53 = arith.constant 0 : i32
    %dma_wait3A_54 = arith.constant 0 : i32
    %dma_wait3A_55 = tpu.memref_slice %arg17[%dma_wait3A_53, %dma_wait3A_54] : memref<10240x32xf32, #tpu.memory_space<vmem_shared>> -> memref<10240x32xf32, #tpu.memory_space<vmem_shared>>
    tpu.wait_indirect_dma semaphore(%arg29 : memref<!tpu.dma_semaphore, #tpu.memory_space<semaphore_mem>>) src(%arg11 : memref<128x32xf32, #tpu.memory_space<vmem>>) dst(%dma_wait3A_55 : memref<10240x32xf32, #tpu.memory_space<vmem_shared>>)
    %dma_wait3A_56 = arith.constant 0 : i32
    %dma_wait3A_57 = arith.constant 0 : i32
    %dma_wait3A_58 = tpu.memref_slice %arg8[%dma_wait3A_56, %dma_wait3A_57] : memref<160x128xi32, #tpu.memory_space<vmem>> -> memref<1x128xi32, #tpu.memory_space<vmem>>
    %dma_wait3A_59 = tpu.memref_squeeze %dma_wait3A_58 : memref<1x128xi32, #tpu.memory_space<vmem>> -> memref<128xi32, #tpu.memory_space<vmem>>
    %dma_wait3A_60 = arith.constant 0 : i32
    %dma_wait3A_61 = arith.constant 0 : i32
    %dma_wait3A_62 = tpu.memref_slice %arg17[%dma_wait3A_60, %dma_wait3A_61] : memref<10240x32xf32, #tpu.memory_space<vmem_shared>> -> memref<10240x32xf32, #tpu.memory_space<vmem_shared>>
    tpu.wait_indirect_dma semaphore(%arg30 : memref<!tpu.dma_semaphore, #tpu.memory_space<semaphore_mem>>) src(%arg12 : memref<128x32xf32, #tpu.memory_space<vmem>>) dst(%dma_wait3A_62 : memref<10240x32xf32, #tpu.memory_space<vmem_shared>>)
    %dma_wait3A_63 = arith.constant 0 : i32
    %dma_wait3A_64 = arith.constant 0 : i32
    %dma_wait3A_65 = tpu.memref_slice %arg8[%dma_wait3A_63, %dma_wait3A_64] : memref<160x128xi32, #tpu.memory_space<vmem>> -> memref<1x128xi32, #tpu.memory_space<vmem>>
    %dma_wait3A_66 = tpu.memref_squeeze %dma_wait3A_65 : memref<1x128xi32, #tpu.memory_space<vmem>> -> memref<128xi32, #tpu.memory_space<vmem>>
    %dma_wait3A_67 = arith.constant 0 : i32
    %dma_wait3A_68 = arith.constant 0 : i32
    %dma_wait3A_69 = tpu.memref_slice %arg17[%dma_wait3A_67, %dma_wait3A_68] : memref<10240x32xf32, #tpu.memory_space<vmem_shared>> -> memref<10240x32xf32, #tpu.memory_space<vmem_shared>>
    tpu.wait_indirect_dma semaphore(%arg31 : memref<!tpu.dma_semaphore, #tpu.memory_space<semaphore_mem>>) src(%arg13 : memref<128x32xf32, #tpu.memory_space<vmem>>) dst(%dma_wait3A_69 : memref<10240x32xf32, #tpu.memory_space<vmem_shared>>)
    %dma_wait3A_70 = arith.constant 0 : i32
    %dma_wait3A_71 = arith.constant 0 : i32
    %dma_wait3A_72 = tpu.memref_slice %arg8[%dma_wait3A_70, %dma_wait3A_71] : memref<160x128xi32, #tpu.memory_space<vmem>> -> memref<1x128xi32, #tpu.memory_space<vmem>>
    %dma_wait3A_73 = tpu.memref_squeeze %dma_wait3A_72 : memref<1x128xi32, #tpu.memory_space<vmem>> -> memref<128xi32, #tpu.memory_space<vmem>>
    %dma_wait3A_74 = arith.constant 0 : i32
    %dma_wait3A_75 = arith.constant 0 : i32
    %dma_wait3A_76 = tpu.memref_slice %arg17[%dma_wait3A_74, %dma_wait3A_75] : memref<10240x32xf32, #tpu.memory_space<vmem_shared>> -> memref<10240x32xf32, #tpu.memory_space<vmem_shared>>
    tpu.wait_indirect_dma semaphore(%arg32 : memref<!tpu.dma_semaphore, #tpu.memory_space<semaphore_mem>>) src(%arg14 : memref<128x32xf32, #tpu.memory_space<vmem>>) dst(%dma_wait3A_76 : memref<10240x32xf32, #tpu.memory_space<vmem_shared>>)
    %dma_wait3A_77 = arith.constant 0 : i32
    %dma_wait3A_78 = arith.constant 0 : i32
    %dma_wait3A_79 = tpu.memref_slice %arg8[%dma_wait3A_77, %dma_wait3A_78] : memref<160x128xi32, #tpu.memory_space<vmem>> -> memref<1x128xi32, #tpu.memory_space<vmem>>
    %dma_wait3A_80 = tpu.memref_squeeze %dma_wait3A_79 : memref<1x128xi32, #tpu.memory_space<vmem>> -> memref<128xi32, #tpu.memory_space<vmem>>
    %dma_wait3A_81 = arith.constant 0 : i32
    %dma_wait3A_82 = arith.constant 0 : i32
    %dma_wait3A_83 = tpu.memref_slice %arg17[%dma_wait3A_81, %dma_wait3A_82] : memref<10240x32xf32, #tpu.memory_space<vmem_shared>> -> memref<10240x32xf32, #tpu.memory_space<vmem_shared>>
    tpu.wait_indirect_dma semaphore(%arg33 : memref<!tpu.dma_semaphore, #tpu.memory_space<semaphore_mem>>) src(%arg15 : memref<128x32xf32, #tpu.memory_space<vmem>>) dst(%dma_wait3A_83 : memref<10240x32xf32, #tpu.memory_space<vmem_shared>>)
    %dma_wait3A_84 = arith.constant 0 : i32
    %dma_wait3A_85 = arith.constant 0 : i32
    %dma_wait3A_86 = tpu.memref_slice %arg8[%dma_wait3A_84, %dma_wait3A_85] : memref<160x128xi32, #tpu.memory_space<vmem>> -> memref<1x128xi32, #tpu.memory_space<vmem>>
    %dma_wait3A_87 = tpu.memref_squeeze %dma_wait3A_86 : memref<1x128xi32, #tpu.memory_space<vmem>> -> memref<128xi32, #tpu.memory_space<vmem>>
    %dma_wait3A_88 = arith.constant 0 : i32
    %dma_wait3A_89 = arith.constant 0 : i32
    %dma_wait3A_90 = tpu.memref_slice %arg17[%dma_wait3A_88, %dma_wait3A_89] : memref<10240x32xf32, #tpu.memory_space<vmem_shared>> -> memref<10240x32xf32, #tpu.memory_space<vmem_shared>>
    tpu.wait_indirect_dma semaphore(%arg34 : memref<!tpu.dma_semaphore, #tpu.memory_space<semaphore_mem>>) src(%arg16 : memref<128x32xf32, #tpu.memory_space<vmem>>) dst(%dma_wait3A_90 : memref<10240x32xf32, #tpu.memory_space<vmem_shared>>)
    %barrier3A_91 = arith.constant 0 : index
    tpu.barrier barrier_id(%barrier3A_91)
    "tpu.region"() ({
      %run_scoped3A = tpu.sem_alloc : memref<!tpu.dma_semaphore, #tpu.memory_space<semaphore_mem>>
      %dma_start3A_92 = arith.constant 0 : i32
      %dma_start3A_93 = tpu.memref_slice %arg6[%arg0, %mul3A_2, %dma_start3A_92] : memref<2x10240x32xf32, #tpu.memory_space<hbm>> -> memref<1x640x32xf32, #tpu.memory_space<hbm>>
      %dma_start3A_94 = tpu.memref_squeeze %dma_start3A_93 : memref<1x640x32xf32, #tpu.memory_space<hbm>> -> memref<640x32xf32, #tpu.memory_space<hbm>>
      %dma_start3A_95 = arith.constant 0 : i32
      %dma_start3A_96 = tpu.memref_slice %arg17[%mul3A_2, %dma_start3A_95] : memref<10240x32xf32, #tpu.memory_space<vmem_shared>> -> memref<640x32xf32, #tpu.memory_space<vmem_shared>>
      tpu.enqueue_dma source(%dma_start3A_96 : memref<640x32xf32, #tpu.memory_space<vmem_shared>>) target(%dma_start3A_94 : memref<640x32xf32, #tpu.memory_space<hbm>>) target_semaphore(%run_scoped3A : memref<!tpu.dma_semaphore, #tpu.memory_space<semaphore_mem>>)
      %dma_wait3A_97 = arith.constant 0 : i32
      %dma_wait3A_98 = tpu.memref_slice %arg6[%arg0, %mul3A_2, %dma_wait3A_97] : memref<2x10240x32xf32, #tpu.memory_space<hbm>> -> memref<1x640x32xf32, #tpu.memory_space<hbm>>
      %dma_wait3A_99 = tpu.memref_squeeze %dma_wait3A_98 : memref<1x640x32xf32, #tpu.memory_space<hbm>> -> memref<640x32xf32, #tpu.memory_space<hbm>>
      %dma_wait3A_100 = arith.constant 0 : i32
      %dma_wait3A_101 = tpu.memref_slice %arg17[%mul3A_2, %dma_wait3A_100] : memref<10240x32xf32, #tpu.memory_space<vmem_shared>> -> memref<640x32xf32, #tpu.memory_space<vmem_shared>>
      tpu.wait_dma2 semaphore(%run_scoped3A : memref<!tpu.dma_semaphore, #tpu.memory_space<semaphore_mem>>) src(%dma_wait3A_101 : memref<640x32xf32, #tpu.memory_space<vmem_shared>>) dst(%dma_wait3A_99 : memref<640x32xf32, #tpu.memory_space<hbm>>)
      tpu.yield
    }) : () -> ()
    return
  }
}

module attributes {stable_mosaic.version = 14 : i64} {
  func.func @_t1_body(%arg0: memref<2x2560x4xf32, #tpu.memory_space<vmem>>, %arg1: memref<2500x512xf32, #tpu.memory_space<vmem>>, %arg2: memref<2x512x128xf32, #tpu.memory_space<vmem>>, %arg3: memref<2560x128xf32, #tpu.memory_space<vmem>>, %arg4: memref<2x2560x128xf32, #tpu.memory_space<vmem>>) attributes {dimension_semantics = [], scalar_prefetch = 0 : i64, scratch_operands = 0 : i64, tpu.core_type = #tpu.core_type<tc>} {
    %get3A = arith.constant 0 : index
    %get3A_0 = arith.constant 0 : index
    %get3A_1 = arith.constant 0 : index
    %get3A_2 = vector.load %arg0[%get3A, %get3A_0, %get3A_1] : memref<2x2560x4xf32, #tpu.memory_space<vmem>>, vector<1x2560x4xf32>
    %get3A_3 = vector.shape_cast %get3A_2 : vector<1x2560x4xf32> to vector<2560x4xf32>
    %get3A_4 = arith.constant 1 : index
    %get3A_5 = arith.constant 0 : index
    %get3A_6 = arith.constant 0 : index
    %get3A_7 = vector.load %arg0[%get3A_4, %get3A_5, %get3A_6] : memref<2x2560x4xf32, #tpu.memory_space<vmem>>, vector<1x2560x4xf32>
    %get3A_8 = vector.shape_cast %get3A_7 : vector<1x2560x4xf32> to vector<2560x4xf32>
    %add3A = arith.addf %get3A_3, %get3A_8 : vector<2560x4xf32>
    %add3A_9 = arith.constant 1.000000e+00 : f32
    %add3A_10 = vector.broadcast %add3A_9 : f32 to vector<2560x4xf32>
    %add3A_11 = arith.addf %add3A, %add3A_10 : vector<2560x4xf32>
    %rsqrt3A = math.rsqrt %add3A_11 : vector<2560x4xf32>
    %slice3A = vector.extract_strided_slice %rsqrt3A {offsets = [0, 0], sizes = [2560, 1], strides = [1, 1]} : vector<2560x4xf32> to vector<2560x1xf32>
    %broadcast_in_dim3A = vector.shape_cast %slice3A : vector<2560x1xf32> to vector<2560x1xf32>
    %broadcast_in_dim3A_12 = vector.broadcast %broadcast_in_dim3A : vector<2560x1xf32> to vector<2560x32xf32>
    %slice3A_13 = vector.extract_strided_slice %rsqrt3A {offsets = [0, 1], sizes = [2560, 1], strides = [1, 1]} : vector<2560x4xf32> to vector<2560x1xf32>
    %broadcast_in_dim3A_14 = vector.shape_cast %slice3A_13 : vector<2560x1xf32> to vector<2560x1xf32>
    %broadcast_in_dim3A_15 = vector.broadcast %broadcast_in_dim3A_14 : vector<2560x1xf32> to vector<2560x32xf32>
    %slice3A_16 = vector.extract_strided_slice %rsqrt3A {offsets = [0, 2], sizes = [2560, 1], strides = [1, 1]} : vector<2560x4xf32> to vector<2560x1xf32>
    %broadcast_in_dim3A_17 = vector.shape_cast %slice3A_16 : vector<2560x1xf32> to vector<2560x1xf32>
    %broadcast_in_dim3A_18 = vector.broadcast %broadcast_in_dim3A_17 : vector<2560x1xf32> to vector<2560x32xf32>
    %slice3A_19 = vector.extract_strided_slice %rsqrt3A {offsets = [0, 3], sizes = [2560, 1], strides = [1, 1]} : vector<2560x4xf32> to vector<2560x1xf32>
    %broadcast_in_dim3A_20 = vector.shape_cast %slice3A_19 : vector<2560x1xf32> to vector<2560x1xf32>
    %broadcast_in_dim3A_21 = vector.broadcast %broadcast_in_dim3A_20 : vector<2560x1xf32> to vector<2560x32xf32>
    %concatenate3A = tpu.concatenate %broadcast_in_dim3A_12, %broadcast_in_dim3A_15, %broadcast_in_dim3A_18, %broadcast_in_dim3A_21 in 1 : vector<2560x32xf32>, vector<2560x32xf32>, vector<2560x32xf32>, vector<2560x32xf32> -> vector<2560x128xf32>
    %swap3A = arith.constant 0 : index
    %swap3A_22 = arith.constant 0 : index
    %swap3A_23 = vector.load %arg3[%swap3A, %swap3A_22] : memref<2560x128xf32, #tpu.memory_space<vmem>>, vector<2560x128xf32>
    tpu.vector_store %arg3[%swap3A, %swap3A_22], %concatenate3A {strides = array<i32>} : memref<2560x128xf32, #tpu.memory_space<vmem>>, vector<2560x128xf32>,
    %get3A_24 = arith.constant 0 : index
    %get3A_25 = arith.constant 0 : index
    %get3A_26 = vector.load %arg1[%get3A_24, %get3A_25] : memref<2500x512xf32, #tpu.memory_space<vmem>>, vector<2500x512xf32>
    %get3A_27 = arith.constant 0 : index
    %get3A_28 = arith.constant 0 : index
    %get3A_29 = arith.constant 0 : index
    %get3A_30 = vector.load %arg2[%get3A_27, %get3A_28, %get3A_29] : memref<2x512x128xf32, #tpu.memory_space<vmem>>, vector<1x512x128xf32>
    %get3A_31 = vector.shape_cast %get3A_30 : vector<1x512x128xf32> to vector<512x128xf32>
    %dot_general3A = arith.constant dense<0.000000e+00> : vector<2500x128xf32>
    %dot_general3A_32 = tpu.matmul %get3A_26, %get3A_31, %dot_general3A {dimension_numbers = #tpu.dot_dimension_numbers<[1], [0], [0], [1], [0, 0, 1, 1], [], []>, transpose_lhs_hint = false} : vector<2500x512xf32>, vector<512x128xf32>, vector<2500x128xf32> -> vector<2500x128xf32>
    %slice3A_33 = vector.extract_strided_slice %concatenate3A {offsets = [0, 0], sizes = [2500, 128], strides = [1, 1]} : vector<2560x128xf32> to vector<2500x128xf32>
    %mul3A = arith.mulf %dot_general3A_32, %slice3A_33 : vector<2500x128xf32>
    %swap3A_34 = arith.constant 0 : index
    %swap3A_35 = arith.constant 0 : index
    %swap3A_36 = arith.constant 0 : index
    %swap3A_37 = vector.load %arg4[%swap3A_34, %swap3A_35, %swap3A_36] : memref<2x2560x128xf32, #tpu.memory_space<vmem>>, vector<1x2500x128xf32>
    %swap3A_38 = vector.shape_cast %swap3A_37 : vector<1x2500x128xf32> to vector<2500x128xf32>
    %swap3A_39 = vector.shape_cast %mul3A : vector<2500x128xf32> to vector<1x2500x128xf32>
    tpu.vector_store %arg4[%swap3A_34, %swap3A_35, %swap3A_36], %swap3A_39 {strides = array<i32>} : memref<2x2560x128xf32, #tpu.memory_space<vmem>>, vector<1x2500x128xf32>,
    %broadcast_in_dim3A_40 = arith.constant 0.000000e+00 : f32
    %broadcast_in_dim3A_41 = vector.broadcast %broadcast_in_dim3A_40 : f32 to vector<60x128xf32>
    %swap3A_42 = arith.constant 0 : index
    %swap3A_43 = arith.constant 2500 : index
    %swap3A_44 = arith.constant 0 : index
    %swap3A_45 = vector.load %arg4[%swap3A_42, %swap3A_43, %swap3A_44] : memref<2x2560x128xf32, #tpu.memory_space<vmem>>, vector<1x60x128xf32>
    %swap3A_46 = vector.shape_cast %swap3A_45 : vector<1x60x128xf32> to vector<60x128xf32>
    %swap3A_47 = vector.shape_cast %broadcast_in_dim3A_41 : vector<60x128xf32> to vector<1x60x128xf32>
    tpu.vector_store %arg4[%swap3A_42, %swap3A_43, %swap3A_44], %swap3A_47 {strides = array<i32>} : memref<2x2560x128xf32, #tpu.memory_space<vmem>>, vector<1x60x128xf32>,
    %get3A_48 = arith.constant 0 : index
    %get3A_49 = arith.constant 0 : index
    %get3A_50 = vector.load %arg1[%get3A_48, %get3A_49] : memref<2500x512xf32, #tpu.memory_space<vmem>>, vector<2500x512xf32>
    %get3A_51 = arith.constant 1 : index
    %get3A_52 = arith.constant 0 : index
    %get3A_53 = arith.constant 0 : index
    %get3A_54 = vector.load %arg2[%get3A_51, %get3A_52, %get3A_53] : memref<2x512x128xf32, #tpu.memory_space<vmem>>, vector<1x512x128xf32>
    %get3A_55 = vector.shape_cast %get3A_54 : vector<1x512x128xf32> to vector<512x128xf32>
    %dot_general3A_56 = arith.constant dense<0.000000e+00> : vector<2500x128xf32>
    %dot_general3A_57 = tpu.matmul %get3A_50, %get3A_55, %dot_general3A_56 {dimension_numbers = #tpu.dot_dimension_numbers<[1], [0], [0], [1], [0, 0, 1, 1], [], []>, transpose_lhs_hint = false} : vector<2500x512xf32>, vector<512x128xf32>, vector<2500x128xf32> -> vector<2500x128xf32>
    %slice3A_58 = vector.extract_strided_slice %concatenate3A {offsets = [0, 0], sizes = [2500, 128], strides = [1, 1]} : vector<2560x128xf32> to vector<2500x128xf32>
    %mul3A_59 = arith.mulf %dot_general3A_57, %slice3A_58 : vector<2500x128xf32>
    %swap3A_60 = arith.constant 1 : index
    %swap3A_61 = arith.constant 0 : index
    %swap3A_62 = arith.constant 0 : index
    %swap3A_63 = vector.load %arg4[%swap3A_60, %swap3A_61, %swap3A_62] : memref<2x2560x128xf32, #tpu.memory_space<vmem>>, vector<1x2500x128xf32>
    %swap3A_64 = vector.shape_cast %swap3A_63 : vector<1x2500x128xf32> to vector<2500x128xf32>
    %swap3A_65 = vector.shape_cast %mul3A_59 : vector<2500x128xf32> to vector<1x2500x128xf32>
    tpu.vector_store %arg4[%swap3A_60, %swap3A_61, %swap3A_62], %swap3A_65 {strides = array<i32>} : memref<2x2560x128xf32, #tpu.memory_space<vmem>>, vector<1x2500x128xf32>,
    %broadcast_in_dim3A_66 = arith.constant 0.000000e+00 : f32
    %broadcast_in_dim3A_67 = vector.broadcast %broadcast_in_dim3A_66 : f32 to vector<60x128xf32>
    %swap3A_68 = arith.constant 1 : index
    %swap3A_69 = arith.constant 2500 : index
    %swap3A_70 = arith.constant 0 : index
    %swap3A_71 = vector.load %arg4[%swap3A_68, %swap3A_69, %swap3A_70] : memref<2x2560x128xf32, #tpu.memory_space<vmem>>, vector<1x60x128xf32>
    %swap3A_72 = vector.shape_cast %swap3A_71 : vector<1x60x128xf32> to vector<60x128xf32>
    %swap3A_73 = vector.shape_cast %broadcast_in_dim3A_67 : vector<60x128xf32> to vector<1x60x128xf32>
    tpu.vector_store %arg4[%swap3A_68, %swap3A_69, %swap3A_70], %swap3A_73 {strides = array<i32>} : memref<2x2560x128xf32, #tpu.memory_space<vmem>>, vector<1x60x128xf32>,
    return
  }
}

module attributes {stable_mosaic.version = 14 : i64} {
  func.func @_t2_body(%arg0: memref<2x2560x128xf32, #tpu.memory_space<vmem>>, %arg1: memref<2x2560x128xf32, #tpu.memory_space<vmem>>, %arg2: memref<2560x128xf32, #tpu.memory_space<vmem>>, %arg3: memref<2x128xf32, #tpu.memory_space<vmem>>, %arg4: memref<2x2x128x128xf32, #tpu.memory_space<vmem>>, %arg5: memref<2x2560x128xf32, #tpu.memory_space<vmem>>) attributes {dimension_semantics = [], scalar_prefetch = 0 : i64, scratch_operands = 0 : i64, tpu.core_type = #tpu.core_type<tc>} {
    %get3A = arith.constant 0 : index
    %get3A_0 = arith.constant 0 : index
    %get3A_1 = vector.load %arg2[%get3A, %get3A_0] : memref<2560x128xf32, #tpu.memory_space<vmem>>, vector<2560x128xf32>
    %get3A_2 = arith.constant 0 : index
    %get3A_3 = arith.constant 0 : index
    %get3A_4 = arith.constant 0 : index
    %get3A_5 = vector.load %arg0[%get3A_2, %get3A_3, %get3A_4] : memref<2x2560x128xf32, #tpu.memory_space<vmem>>, vector<1x2560x128xf32>
    %get3A_6 = vector.shape_cast %get3A_5 : vector<1x2560x128xf32> to vector<2560x128xf32>
    %get3A_7 = arith.constant 0 : index
    %get3A_8 = arith.constant 0 : index
    %get3A_9 = arith.constant 0 : index
    %get3A_10 = vector.load %arg1[%get3A_7, %get3A_8, %get3A_9] : memref<2x2560x128xf32, #tpu.memory_space<vmem>>, vector<1x2560x128xf32>
    %get3A_11 = vector.shape_cast %get3A_10 : vector<1x2560x128xf32> to vector<2560x128xf32>
    %add3A = arith.addf %get3A_6, %get3A_11 : vector<2560x128xf32>
    %mul3A = arith.mulf %add3A, %get3A_1 : vector<2560x128xf32>
    %get3A_12 = arith.constant 0 : index
    %get3A_13 = arith.constant 0 : index
    %get3A_14 = vector.load %arg3[%get3A_12, %get3A_13] : memref<2x128xf32, #tpu.memory_space<vmem>>, vector<1x128xf32>
    %get3A_15 = vector.shape_cast %get3A_14 : vector<1x128xf32> to vector<128xf32>
    %broadcast_in_dim3A = vector.shape_cast %get3A_15 : vector<128xf32> to vector<1x128xf32>
    %add3A_16 = vector.broadcast %broadcast_in_dim3A : vector<1x128xf32> to vector<2560x128xf32>
    %add3A_17 = arith.addf %mul3A, %add3A_16 : vector<2560x128xf32>
    %max3A = arith.constant 0.000000e+00 : f32
    %max3A_18 = vector.broadcast %max3A : f32 to vector<2560x128xf32>
    %max3A_19 = arith.maximumf %add3A_17, %max3A_18 : vector<2560x128xf32>
    %get3A_20 = arith.constant 1 : index
    %get3A_21 = arith.constant 0 : index
    %get3A_22 = arith.constant 0 : index
    %get3A_23 = vector.load %arg0[%get3A_20, %get3A_21, %get3A_22] : memref<2x2560x128xf32, #tpu.memory_space<vmem>>, vector<1x2560x128xf32>
    %get3A_24 = vector.shape_cast %get3A_23 : vector<1x2560x128xf32> to vector<2560x128xf32>
    %get3A_25 = arith.constant 1 : index
    %get3A_26 = arith.constant 0 : index
    %get3A_27 = arith.constant 0 : index
    %get3A_28 = vector.load %arg1[%get3A_25, %get3A_26, %get3A_27] : memref<2x2560x128xf32, #tpu.memory_space<vmem>>, vector<1x2560x128xf32>
    %get3A_29 = vector.shape_cast %get3A_28 : vector<1x2560x128xf32> to vector<2560x128xf32>
    %add3A_30 = arith.addf %get3A_24, %get3A_29 : vector<2560x128xf32>
    %mul3A_31 = arith.mulf %add3A_30, %get3A_1 : vector<2560x128xf32>
    %get3A_32 = arith.constant 1 : index
    %get3A_33 = arith.constant 0 : index
    %get3A_34 = vector.load %arg3[%get3A_32, %get3A_33] : memref<2x128xf32, #tpu.memory_space<vmem>>, vector<1x128xf32>
    %get3A_35 = vector.shape_cast %get3A_34 : vector<1x128xf32> to vector<128xf32>
    %broadcast_in_dim3A_36 = vector.shape_cast %get3A_35 : vector<128xf32> to vector<1x128xf32>
    %add3A_37 = vector.broadcast %broadcast_in_dim3A_36 : vector<1x128xf32> to vector<2560x128xf32>
    %add3A_38 = arith.addf %mul3A_31, %add3A_37 : vector<2560x128xf32>
    %max3A_39 = arith.constant 0.000000e+00 : f32
    %max3A_40 = vector.broadcast %max3A_39 : f32 to vector<2560x128xf32>
    %max3A_41 = arith.maximumf %add3A_38, %max3A_40 : vector<2560x128xf32>
    %get3A_42 = arith.constant 0 : index
    %get3A_43 = arith.constant 0 : index
    %get3A_44 = arith.constant 0 : index
    %get3A_45 = arith.constant 0 : index
    %get3A_46 = vector.load %arg4[%get3A_42, %get3A_43, %get3A_44, %get3A_45] : memref<2x2x128x128xf32, #tpu.memory_space<vmem>>, vector<1x1x128x128xf32>
    %get3A_47 = vector.shape_cast %get3A_46 : vector<1x1x128x128xf32> to vector<128x128xf32>
    %dot_general3A = arith.constant dense<0.000000e+00> : vector<2560x128xf32>
    %dot_general3A_48 = tpu.matmul %max3A_19, %get3A_47, %dot_general3A {dimension_numbers = #tpu.dot_dimension_numbers<[1], [0], [0], [1], [0, 0, 1, 1], [], []>, transpose_lhs_hint = false} : vector<2560x128xf32>, vector<128x128xf32>, vector<2560x128xf32> -> vector<2560x128xf32>
    %get3A_49 = arith.constant 1 : index
    %get3A_50 = arith.constant 0 : index
    %get3A_51 = arith.constant 0 : index
    %get3A_52 = arith.constant 0 : index
    %get3A_53 = vector.load %arg4[%get3A_49, %get3A_50, %get3A_51, %get3A_52] : memref<2x2x128x128xf32, #tpu.memory_space<vmem>>, vector<1x1x128x128xf32>
    %get3A_54 = vector.shape_cast %get3A_53 : vector<1x1x128x128xf32> to vector<128x128xf32>
    %dot_general3A_55 = arith.constant dense<0.000000e+00> : vector<2560x128xf32>
    %dot_general3A_56 = tpu.matmul %max3A_41, %get3A_54, %dot_general3A_55 {dimension_numbers = #tpu.dot_dimension_numbers<[1], [0], [0], [1], [0, 0, 1, 1], [], []>, transpose_lhs_hint = false} : vector<2560x128xf32>, vector<128x128xf32>, vector<2560x128xf32> -> vector<2560x128xf32>
    %add3A_57 = arith.addf %dot_general3A_48, %dot_general3A_56 : vector<2560x128xf32>
    %mul3A_58 = arith.mulf %add3A_57, %get3A_1 : vector<2560x128xf32>
    %swap3A = arith.constant 0 : index
    %swap3A_59 = arith.constant 0 : index
    %swap3A_60 = arith.constant 0 : index
    %swap3A_61 = vector.load %arg5[%swap3A, %swap3A_59, %swap3A_60] : memref<2x2560x128xf32, #tpu.memory_space<vmem>>, vector<1x2560x128xf32>
    %swap3A_62 = vector.shape_cast %swap3A_61 : vector<1x2560x128xf32> to vector<2560x128xf32>
    %swap3A_63 = vector.shape_cast %mul3A_58 : vector<2560x128xf32> to vector<1x2560x128xf32>
    tpu.vector_store %arg5[%swap3A, %swap3A_59, %swap3A_60], %swap3A_63 {strides = array<i32>} : memref<2x2560x128xf32, #tpu.memory_space<vmem>>, vector<1x2560x128xf32>,
    %get3A_64 = arith.constant 0 : index
    %get3A_65 = arith.constant 1 : index
    %get3A_66 = arith.constant 0 : index
    %get3A_67 = arith.constant 0 : index
    %get3A_68 = vector.load %arg4[%get3A_64, %get3A_65, %get3A_66, %get3A_67] : memref<2x2x128x128xf32, #tpu.memory_space<vmem>>, vector<1x1x128x128xf32>
    %get3A_69 = vector.shape_cast %get3A_68 : vector<1x1x128x128xf32> to vector<128x128xf32>
    %dot_general3A_70 = arith.constant dense<0.000000e+00> : vector<2560x128xf32>
    %dot_general3A_71 = tpu.matmul %max3A_19, %get3A_69, %dot_general3A_70 {dimension_numbers = #tpu.dot_dimension_numbers<[1], [0], [0], [1], [0, 0, 1, 1], [], []>, transpose_lhs_hint = false} : vector<2560x128xf32>, vector<128x128xf32>, vector<2560x128xf32> -> vector<2560x128xf32>
    %get3A_72 = arith.constant 1 : index
    %get3A_73 = arith.constant 1 : index
    %get3A_74 = arith.constant 0 : index
    %get3A_75 = arith.constant 0 : index
    %get3A_76 = vector.load %arg4[%get3A_72, %get3A_73, %get3A_74, %get3A_75] : memref<2x2x128x128xf32, #tpu.memory_space<vmem>>, vector<1x1x128x128xf32>
    %get3A_77 = vector.shape_cast %get3A_76 : vector<1x1x128x128xf32> to vector<128x128xf32>
    %dot_general3A_78 = arith.constant dense<0.000000e+00> : vector<2560x128xf32>
    %dot_general3A_79 = tpu.matmul %max3A_41, %get3A_77, %dot_general3A_78 {dimension_numbers = #tpu.dot_dimension_numbers<[1], [0], [0], [1], [0, 0, 1, 1], [], []>, transpose_lhs_hint = false} : vector<2560x128xf32>, vector<128x128xf32>, vector<2560x128xf32> -> vector<2560x128xf32>
    %add3A_80 = arith.addf %dot_general3A_71, %dot_general3A_79 : vector<2560x128xf32>
    %mul3A_81 = arith.mulf %add3A_80, %get3A_1 : vector<2560x128xf32>
    %swap3A_82 = arith.constant 1 : index
    %swap3A_83 = arith.constant 0 : index
    %swap3A_84 = arith.constant 0 : index
    %swap3A_85 = vector.load %arg5[%swap3A_82, %swap3A_83, %swap3A_84] : memref<2x2560x128xf32, #tpu.memory_space<vmem>>, vector<1x2560x128xf32>
    %swap3A_86 = vector.shape_cast %swap3A_85 : vector<1x2560x128xf32> to vector<2560x128xf32>
    %swap3A_87 = vector.shape_cast %mul3A_81 : vector<2560x128xf32> to vector<1x2560x128xf32>
    tpu.vector_store %arg5[%swap3A_82, %swap3A_83, %swap3A_84], %swap3A_87 {strides = array<i32>} : memref<2x2560x128xf32, #tpu.memory_space<vmem>>, vector<1x2560x128xf32>,
    return
  }
}

module attributes {stable_mosaic.version = 14 : i64} {
  func.func @_t3_body(%arg0: memref<2x2560x128xf32, #tpu.memory_space<vmem>>, %arg1: memref<2x2560x128xf32, #tpu.memory_space<vmem>>, %arg2: memref<2560x128xf32, #tpu.memory_space<vmem>>, %arg3: memref<2x128xf32, #tpu.memory_space<vmem>>, %arg4: memref<64x128xf32, #tpu.memory_space<vmem>>, %arg5: memref<128xf32, #tpu.memory_space<vmem>>, %arg6: memref<1x128xf32, #tpu.memory_space<vmem>>) attributes {dimension_semantics = [], scalar_prefetch = 0 : i64, scratch_operands = 0 : i64, tpu.core_type = #tpu.core_type<tc>} {
    %get3A = arith.constant 0 : index
    %get3A_0 = arith.constant 0 : index
    %get3A_1 = vector.load %arg2[%get3A, %get3A_0] : memref<2560x128xf32, #tpu.memory_space<vmem>>, vector<2560x128xf32>
    %iota3A = tpu.iota {dimensions = array<i32: 0>} : vector<2560x128xi32>
    %get3A_2 = arith.constant 0 : index
    %get3A_3 = arith.constant 0 : index
    %get3A_4 = arith.constant 0 : index
    %get3A_5 = vector.load %arg0[%get3A_2, %get3A_3, %get3A_4] : memref<2x2560x128xf32, #tpu.memory_space<vmem>>, vector<1x2560x128xf32>
    %get3A_6 = vector.shape_cast %get3A_5 : vector<1x2560x128xf32> to vector<2560x128xf32>
    %get3A_7 = arith.constant 0 : index
    %get3A_8 = arith.constant 0 : index
    %get3A_9 = arith.constant 0 : index
    %get3A_10 = vector.load %arg1[%get3A_7, %get3A_8, %get3A_9] : memref<2x2560x128xf32, #tpu.memory_space<vmem>>, vector<1x2560x128xf32>
    %get3A_11 = vector.shape_cast %get3A_10 : vector<1x2560x128xf32> to vector<2560x128xf32>
    %add3A = arith.addf %get3A_6, %get3A_11 : vector<2560x128xf32>
    %mul3A = arith.mulf %add3A, %get3A_1 : vector<2560x128xf32>
    %get3A_12 = arith.constant 0 : index
    %get3A_13 = arith.constant 0 : index
    %get3A_14 = vector.load %arg3[%get3A_12, %get3A_13] : memref<2x128xf32, #tpu.memory_space<vmem>>, vector<1x128xf32>
    %get3A_15 = vector.shape_cast %get3A_14 : vector<1x128xf32> to vector<128xf32>
    %broadcast_in_dim3A = vector.shape_cast %get3A_15 : vector<128xf32> to vector<1x128xf32>
    %add3A_16 = vector.broadcast %broadcast_in_dim3A : vector<1x128xf32> to vector<2560x128xf32>
    %add3A_17 = arith.addf %mul3A, %add3A_16 : vector<2560x128xf32>
    %max3A = arith.constant 0.000000e+00 : f32
    %max3A_18 = vector.broadcast %max3A : f32 to vector<2560x128xf32>
    %max3A_19 = arith.maximumf %add3A_17, %max3A_18 : vector<2560x128xf32>
    %lt3A = arith.constant 2500 : i32
    %lt3A_20 = vector.broadcast %lt3A : i32 to vector<2560x128xi32>
    %lt3A_21 = arith.cmpi slt, %iota3A, %lt3A_20 : vector<2560x128xi32>
    %jit3A = arith.constant 0.000000e+00 : f32
    %broadcast_in_dim3A_22 = vector.broadcast %jit3A : f32 to vector<2560x128xf32>
    %select_n3A = arith.select %lt3A_21, %max3A_19, %broadcast_in_dim3A_22 : vector<2560x128xi1>, vector<2560x128xf32>
    %reduce_sum3A = arith.constant dense<0.000000e+00> : vector<128xf32>
    %reduce_sum3A_23 = vector.multi_reduction <add>, %select_n3A, %reduce_sum3A [0] : vector<2560x128xf32> to vector<128xf32>
    %slice3A = vector.extract_strided_slice %reduce_sum3A_23 {offsets = [0], sizes = [32], strides = [1]} : vector<128xf32> to vector<32xf32>
    %slice3A_24 = vector.extract_strided_slice %reduce_sum3A_23 {offsets = [32], sizes = [32], strides = [1]} : vector<128xf32> to vector<32xf32>
    %add3A_25 = arith.addf %slice3A, %slice3A_24 : vector<32xf32>
    %slice3A_26 = vector.extract_strided_slice %reduce_sum3A_23 {offsets = [64], sizes = [32], strides = [1]} : vector<128xf32> to vector<32xf32>
    %add3A_27 = arith.addf %add3A_25, %slice3A_26 : vector<32xf32>
    %slice3A_28 = vector.extract_strided_slice %reduce_sum3A_23 {offsets = [96], sizes = [32], strides = [1]} : vector<128xf32> to vector<32xf32>
    %add3A_29 = arith.addf %add3A_27, %slice3A_28 : vector<32xf32>
    %get3A_30 = arith.constant 1 : index
    %get3A_31 = arith.constant 0 : index
    %get3A_32 = arith.constant 0 : index
    %get3A_33 = vector.load %arg0[%get3A_30, %get3A_31, %get3A_32] : memref<2x2560x128xf32, #tpu.memory_space<vmem>>, vector<1x2560x128xf32>
    %get3A_34 = vector.shape_cast %get3A_33 : vector<1x2560x128xf32> to vector<2560x128xf32>
    %get3A_35 = arith.constant 1 : index
    %get3A_36 = arith.constant 0 : index
    %get3A_37 = arith.constant 0 : index
    %get3A_38 = vector.load %arg1[%get3A_35, %get3A_36, %get3A_37] : memref<2x2560x128xf32, #tpu.memory_space<vmem>>, vector<1x2560x128xf32>
    %get3A_39 = vector.shape_cast %get3A_38 : vector<1x2560x128xf32> to vector<2560x128xf32>
    %add3A_40 = arith.addf %get3A_34, %get3A_39 : vector<2560x128xf32>
    %mul3A_41 = arith.mulf %add3A_40, %get3A_1 : vector<2560x128xf32>
    %get3A_42 = arith.constant 1 : index
    %get3A_43 = arith.constant 0 : index
    %get3A_44 = vector.load %arg3[%get3A_42, %get3A_43] : memref<2x128xf32, #tpu.memory_space<vmem>>, vector<1x128xf32>
    %get3A_45 = vector.shape_cast %get3A_44 : vector<1x128xf32> to vector<128xf32>
    %broadcast_in_dim3A_46 = vector.shape_cast %get3A_45 : vector<128xf32> to vector<1x128xf32>
    %add3A_47 = vector.broadcast %broadcast_in_dim3A_46 : vector<1x128xf32> to vector<2560x128xf32>
    %add3A_48 = arith.addf %mul3A_41, %add3A_47 : vector<2560x128xf32>
    %max3A_49 = arith.constant 0.000000e+00 : f32
    %max3A_50 = vector.broadcast %max3A_49 : f32 to vector<2560x128xf32>
    %max3A_51 = arith.maximumf %add3A_48, %max3A_50 : vector<2560x128xf32>
    %lt3A_52 = arith.constant 2500 : i32
    %lt3A_53 = vector.broadcast %lt3A_52 : i32 to vector<2560x128xi32>
    %lt3A_54 = arith.cmpi slt, %iota3A, %lt3A_53 : vector<2560x128xi32>
    %jit3A_55 = arith.constant 0.000000e+00 : f32
    %broadcast_in_dim3A_56 = vector.broadcast %jit3A_55 : f32 to vector<2560x128xf32>
    %select_n3A_57 = arith.select %lt3A_54, %max3A_51, %broadcast_in_dim3A_56 : vector<2560x128xi1>, vector<2560x128xf32>
    %reduce_sum3A_58 = arith.constant dense<0.000000e+00> : vector<128xf32>
    %reduce_sum3A_59 = vector.multi_reduction <add>, %select_n3A_57, %reduce_sum3A_58 [0] : vector<2560x128xf32> to vector<128xf32>
    %slice3A_60 = vector.extract_strided_slice %reduce_sum3A_59 {offsets = [0], sizes = [32], strides = [1]} : vector<128xf32> to vector<32xf32>
    %slice3A_61 = vector.extract_strided_slice %reduce_sum3A_59 {offsets = [32], sizes = [32], strides = [1]} : vector<128xf32> to vector<32xf32>
    %add3A_62 = arith.addf %slice3A_60, %slice3A_61 : vector<32xf32>
    %slice3A_63 = vector.extract_strided_slice %reduce_sum3A_59 {offsets = [64], sizes = [32], strides = [1]} : vector<128xf32> to vector<32xf32>
    %add3A_64 = arith.addf %add3A_62, %slice3A_63 : vector<32xf32>
    %slice3A_65 = vector.extract_strided_slice %reduce_sum3A_59 {offsets = [96], sizes = [32], strides = [1]} : vector<128xf32> to vector<32xf32>
    %add3A_66 = arith.addf %add3A_64, %slice3A_65 : vector<32xf32>
    %concatenate3A = tpu.concatenate %add3A_29, %add3A_66 in 0 : vector<32xf32>, vector<32xf32> -> vector<64xf32>
    %broadcast_in_dim3A_67 = vector.shape_cast %concatenate3A : vector<64xf32> to vector<1x64xf32>
    %mul3A_68 = arith.constant 9.99999974E-5 : f32
    %mul3A_69 = vector.broadcast %mul3A_68 : f32 to vector<1x64xf32>
    %mul3A_70 = arith.mulf %broadcast_in_dim3A_67, %mul3A_69 : vector<1x64xf32>
    %get3A_71 = arith.constant 0 : index
    %get3A_72 = arith.constant 0 : index
    %get3A_73 = vector.load %arg4[%get3A_71, %get3A_72] : memref<64x128xf32, #tpu.memory_space<vmem>>, vector<64x128xf32>
    %dot_general3A = arith.constant dense<0.000000e+00> : vector<1x128xf32>
    %dot_general3A_74 = tpu.matmul %mul3A_70, %get3A_73, %dot_general3A {dimension_numbers = #tpu.dot_dimension_numbers<[1], [0], [0], [1], [0, 0, 1, 1], [], []>, transpose_lhs_hint = false} : vector<1x64xf32>, vector<64x128xf32>, vector<1x128xf32> -> vector<1x128xf32>
    %get3A_75 = arith.constant 0 : index
    %get3A_76 = vector.load %arg5[%get3A_75] : memref<128xf32, #tpu.memory_space<vmem>>, vector<128xf32>
    %broadcast_in_dim3A_77 = vector.shape_cast %get3A_76 : vector<128xf32> to vector<1x128xf32>
    %add3A_78 = arith.addf %dot_general3A_74, %broadcast_in_dim3A_77 : vector<1x128xf32>
    %max3A_79 = arith.constant 0.000000e+00 : f32
    %max3A_80 = vector.broadcast %max3A_79 : f32 to vector<1x128xf32>
    %max3A_81 = arith.maximumf %add3A_78, %max3A_80 : vector<1x128xf32>
    %swap3A = arith.constant 0 : index
    %swap3A_82 = arith.constant 0 : index
    %swap3A_83 = vector.load %arg6[%swap3A, %swap3A_82] : memref<1x128xf32, #tpu.memory_space<vmem>>, vector<1x128xf32>
    tpu.vector_store %arg6[%swap3A, %swap3A_82], %max3A_81 {strides = array<i32>} : memref<1x128xf32, #tpu.memory_space<vmem>>, vector<1x128xf32>,
    return
  }
}

</mosaic_0001>

<sc_bundles>
// kernel: kernel.10.cloned.1.call-start
scs
__scs_entry_jumppad:
0x0: {  	(pc) =	sbr.rel $0x88, $3  }
0x1: {  	(tag) =	ssettag $0x0;
	lr =	simm.s32 $0x1  }
0x2: {  	[smem:$0x3F97] =	sst lr;
	_ =	strace $0xD0000000  }
0x3: {  	_ = 	snop  }
0x4: {  	_ = 	snop  }
0x5: {  	_ = 	snop  }
0x6: {  	_ = 	snop  }
0x7: {  	_ = 	snop  }
__scs_overlays_trampoline_lowered:
0x8: {  	[smem:$0x3FA6] =	sst s0  }
0x9: {  	[smem:$0x3FA7] =	sst s1  }
0xa: {  	[smem:$0x3FA8] =	sst s2  }
0xb: {  	[smem:$0x3FA9] =	sst s3  }
0xc: {  	[smem:$0x3FAA] =	sst s4  }
0xd: {  	[smem:$0x3FAB] =	sst s5  }
0xe: {  	[smem:$0x3FAC] =	sst s6  }
0xf: {  	[smem:$0x3FAD] =	sst s7  }
0x10: {  	[smem:$0x3FAE] =	sst s8  }
0x11: {  	[smem:$0x3FAF] =	sst s9;
	s0 =	simm.s32 @!p0 $0x0  }
0x12: {  	s1 =	sld [smem:$0x3F95];
	s0 =	simm.s32 @p0 $0x1  }
0x13: {  	[smem:$0x3FB0] =	sst s0;
	s0 =	simm.s32 @!p1 $0x0  }
0x14: {  	s2 =	sld [smem:$0x3F94];
	s0 =	simm.s32 @p1 $0x1  }
0x15: {  	[smem:$0x3FB1] =	sst s0;
	s0 =	simm.s32 @!p2 $0x0  }
0x16: {  	s3 =	sld [smem:$0x3FDB];
	s0 =	simm.s32 @p2 $0x1  }
0x17: {  	s4 =	simm.s32 $0x1BF5;
	[smem:$0x3FB3] =	sst s0  }
0x18: {  	s0 =	sld [smem:$0x3F96];
	_ =	swait.ge [sflag:s4], $0x0  }
0x19: {  	s7 =	sld [smem:$0x3F97]  }
0x1a: {  	s8 =	sadd.s32 $0xFFFFE003, lr  }
0x1b: {  	s9 =	sadd.s32 $0xFFFFFEF7, lr;
	s5 =	simm.s32 $0xFFFFFFFF;
	p2 =	slt.u32 s8, $0xFFFFF086  }
0x1c: {  	p1 =	slt.u32 s9, $0xF7A;
	s5 =	simm.s32 @!p2 $0x0  }
0x1d: {  	s5 =	simm.s32 @p1 $0x1;
	p0 =	seq.s32 s7, s2  }
0x1e: {  	s7 =	smul.u32 @!p0 $0xF7A, s2;
	p2 =	seq.s32 @!p0 s5, $0x0  }
0x1f: {  	s9 =	smul.u32 $0xF7A, s1;
	s8 =	simm.s32 @!p0 $0x1BF5;
	p2 =	por !p2, p0  }
0x20: {  	[sflag:s8] =	ssyncset.s32 @!p0 $0xFFFFF086;
	s6 =	sadd.s32 @!p0 s3, s7;
	s7 =	simm.s32 @!p0 $0x108  }
0x21: {  	s3 =	sadd.s32 s3, s9;
	s6 =	sadd.s32 @!p0 $0x88, s6;
	s7 =	simm.s32 @p2 $0x1082  }
0x22: {  	[simem:s7], [sflag:s8] =	dma.local @!p0 [hbm:s6], $0xF7A  }
0x23: {  	s9 =	sor.u32 $0xD0000000, s2;
	s6 =	simm.s32 $0x108;
	_ =	swait.ge @!p0 [sflag:s8], $0x0  }
0x24: {  	s3 =	sadd.s32 $0x88, s3;
	s6 =	simm.s32 @!p1 $0x1082;
	[sflag:s4] =	ssyncset.s32 $0xFFFFF086  }
0x25: {  	[simem:s6], [sflag:s4] =	dma.local [hbm:s3], $0xF7A  }
0x26: {  	[smem:$0x3F97] =	sst s1;
	(tag) =	ssettag s2;
	_ =	strace s9  }
0x27: {  	s1 =	sld [smem:$0x3FA7]  }
0x28: {  	s2 =	sld [smem:$0x3FA8]  }
0x29: {  	s4 =	sld [smem:$0x3FAA]  }
0x2a: {  	p0 =	seq.s32 s5, $0x0;
	s5 =	sld [smem:$0x3FAB]  }
0x2b: {  	s6 =	sld [smem:$0x3FAC]  }
0x2c: {  	s7 =	sld [smem:$0x3FAD]  }
0x2d: {  	s3 =	simm.s32 $0x108;
	s8 =	sld [smem:$0x3FAE]  }
0x2e: {  	s3 =	simm.s32 @!p0 $0x1082;
	s9 =	sld [smem:$0x3FAF]  }
0x2f: {  	lr =	sadd.s32 s0, s3;
	s0 =	sld [smem:$0x3FA6]  }
0x30: {  	s3 =	sld [smem:$0x3FA9]  }
0x31: {  	[smem:$0x3FB2] =	sst s10  }
0x32: {  	s10 =	sld [smem:$0x3FB0];
	_ =	sdelay $0x3  }
0x33: {  	p0 =	seq.s32 s10, $0x1;
	s10 =	sld [smem:$0x3FB2];
	_ =	sdelay $0x3  }
0x34: {  	[smem:$0x3FB2] =	sst s10  }
0x35: {  	s10 =	sld [smem:$0x3FB1];
	_ =	sdelay $0x3  }
0x36: {  	p1 =	seq.s32 s10, $0x1;
	s10 =	sld [smem:$0x3FB2];
	_ =	sdelay $0x3  }
0x37: {  	[smem:$0x3FB2] =	sst s10  }
0x38: {  	s10 =	sld [smem:$0x3FB3]  }
0x39: {  	_ = 	snop;
	(pc) =	sbr.ind lr, $3  }
0x3a: {  	_ = 	snop  }
0x3b: {  	_ = 	snop  }
0x3c: {  	p2 =	seq.s32 s10, $0x1;
	s10 =	sld [smem:$0x3FB2]  }
0x3d: {  	_ =	shalt  }
0x3e: {  	_ =	shalt  }
0x3f: {  	_ =	shalt  }
0x40: {  	_ =	shalt  }
0x41: {  	_ =	shalt  }
0x42: {  	_ =	shalt  }
0x43: {  	_ =	shalt  }
0x44: {  	_ =	shalt  }
0x45: {  	_ =	shalt  }
0x46: {  	_ =	shalt  }
0x47: {  	_ =	shalt  }
0x48: {  	_ =	shalt  }
0x49: {  	_ =	shalt  }
0x4a: {  	_ =	shalt  }
0x4b: {  	_ =	shalt  }
0x4c: {  	_ =	shalt  }
0x4d: {  	_ =	shalt  }
0x4e: {  	_ =	shalt  }
0x4f: {  	_ =	shalt  }
0x50: {  	_ =	shalt  }
0x51: {  	_ =	shalt  }
0x52: {  	_ =	shalt  }
0x53: {  	_ =	shalt  }
0x54: {  	_ =	shalt  }
0x55: {  	_ =	shalt  }
0x56: {  	_ =	shalt  }
0x57: {  	_ =	shalt  }
0x58: {  	_ =	shalt  }
0x59: {  	_ =	shalt  }
0x5a: {  	_ =	shalt  }
0x5b: {  	_ =	shalt  }
0x5c: {  	_ =	shalt  }
0x5d: {  	_ =	shalt  }
0x5e: {  	_ =	shalt  }
0x5f: {  	_ =	shalt  }
0x60: {  	_ =	shalt  }
0x61: {  	_ =	shalt  }
0x62: {  	_ =	shalt  }
0x63: {  	_ =	shalt  }
0x64: {  	_ =	shalt  }
0x65: {  	_ =	shalt  }
0x66: {  	_ =	shalt  }
0x67: {  	_ =	shalt  }
0x68: {  	_ =	shalt  }
0x69: {  	_ =	shalt  }
0x6a: {  	_ =	shalt  }
0x6b: {  	_ =	shalt  }
0x6c: {  	_ =	shalt  }
0x6d: {  	_ =	shalt  }
0x6e: {  	_ =	shalt  }
0x6f: {  	_ =	shalt  }
0x70: {  	_ =	shalt  }
0x71: {  	_ =	shalt  }
0x72: {  	_ =	shalt  }
0x73: {  	_ =	shalt  }
0x74: {  	_ =	shalt  }
0x75: {  	_ =	shalt  }
0x76: {  	_ =	shalt  }
0x77: {  	_ =	shalt  }
0x78: {  	_ =	shalt  }
0x79: {  	_ =	shalt  }
0x7a: {  	_ =	shalt  }
0x7b: {  	_ =	shalt  }
0x7c: {  	_ =	shalt  }
0x7d: {  	_ =	shalt  }
0x7e: {  	_ =	shalt  }
0x7f: {  	_ =	shalt  }
0x80: {  	_ =	shalt  }
0x81: {  	_ =	shalt  }
0x82: {  	_ =	shalt  }
0x83: {  	_ =	shalt  }
0x84: {  	_ =	shalt  }
0x85: {  	_ =	shalt  }
0x86: {  	_ =	shalt  }
0x87: {  	_ =	shalt  }
.Lfunc_end0:
.L_simem_size_0:
called_computation_lowered:
.L_overlay_start_0:
0x88: {  	s2 =	sld [smem:$0x3FD9]  }
0x89: {  	s3 =	sld [smem:$0x3FFE];
	_ =	sdelay $0x1  }
0x8a: {  	s1 =	srdreg.scid  }
0x8b: {  	s0 =	sand.u32 $0x1, s1  }
0x8c: {  	s16 =	sshll.u32 s0, $0xA;
	s2 =	sadd.s32 s3, s2  }
0x8d: {  	s2 =	sadd.s32 s2, s16  }
0x8e: {  	[smem:$0x3FBE] =	sst s2  }
0x8f: {  	_ = 	snop  }
0x90: {  	(tm) =	ssettm $0x1  }
0x91: {  	s17 =	sld [smem:$0x3FFB];
	_ =	sdelay $0x3  }
0x92: {  	_ =	strace s17  }
0x93: {  	s2 =	sld [smem:$0x3FFC];
	_ =	sdelay $0x3  }
0x94: {  	_ =	strace s2  }
0x95: {  	s2 =	sld [smem:$0x3FFD];
	_ =	sdelay $0x3  }
0x96: {  	_ =	strace s2  }
0x97: {  	_ =	strace $0x8FFFFFFF  }
0x98: {  	s18 =	sld [smem:$0x3FDB];
	_ =	sdelay $0x1  }
0x99: {  	s19 =	simm.s32 $_scs_section_size  }
0x9a: {  	s4 =	simm.s32 $_size__tile_overlayer_lowered;
	s5 =	simm.s32 $_tile_overlayer_lowered  }
0x9b: {  	s22 =	simm.s32 $0x1BFF;
	s21 =	sshll.u32 s5, $0x1;
	s2 =	sadd.s32 s19, s18  }
0x9c: {  	s6 =	simm.s32 $0x0;
	s20 =	sshll.u32 s4, $0x1;
	s4 =	sadd.s32 s21, s2  }
0x9d: {  	[timem:s6], [sflag:s22] =	dma.local [hbm:s4], s20  }
0x9e: {  	_ =	swait.ge [sflag:s22], s20  }
0x9f: {  	s3 =	ssub.s32 $0x0, s20;
	[sflag:s22] =	ssyncset.done $0x0  }
0xa0: {  	[sflag:s22] =	ssyncadd.s32 s3;
	_ =	sdelay $0x1  }
0xa1: {  	s23 =	simm.s32 $0x1B8B  }
0xa2: {  	_ =	swait.ge [sflag:s23], $0x1  }
0xa3: {  	[sflag:s23] =	ssyncset.done $0x0  }
0xa4: {  	s25 =	simm.s32 $0x1B8E;
	s24 =	sld [smem:$0x3FFE];
	[sflag:s23] =	ssyncadd.s32 $0xFFFFFFFF  }
0xa5: {  	s26 =	simm.s32 $execute0_lowered;
	[smem:$0x3FD2] =	sst s25  }
0xa6: {  	s4 =	sshll.u32 s26, $0x1;
	_ =	strace $0x80000046;
	[dreg:$0x1] =	wrdreg $0xFFFFFFFF  }
0xa7: {  	s28 =	simm.s32 $_size_execute0_lowered;
	s2 =	sadd.s32 s2, s4;
	[dreg:$0x0] =	wrdreg $0x0  }
0xa8: {  	s4 =	sshll.u32 s28, $0x1;
	[dreg:$0x2] =	wrdreg s2  }
0xa9: {  	[dreg:$0x3] =	wrdreg s4  }
0xaa: {  	[dreg:$0x4] =	wrdreg $0xC0  }
0xab: {  	_ =	task [dreg:s6], $0x5FFFF  }
0xac: {  	[dreg:$0x1] =	wrdreg $0xFFFFFFFF  }
0xad: {  	[dreg:$0x0] =	wrdreg $0x60  }
0xae: {  	[dreg:$0x2] =	wrdreg s24  }
0xaf: {  	[dreg:$0x3] =	wrdreg $0x55000  }
0xb0: {  	[dreg:$0x4] =	wrdreg $0x9  }
0xb1: {  	_ =	task.clear_ibuf [dreg:s6], $0x5FFFF;
	_ =	strace $0x90000046  }
0xb2: {  	s29 =	simm.s32 $0x9;
	_ =	strace $0x80000048  }
0xb3: {  	_ =	swait.ge [sflag:s29], $0x1  }
0xb4: {  	[sflag:s29] =	ssyncadd.s32 $0xFFFFFFFF  }
0xb5: {  	_ =	strace $0x90000048  }
0xb6: {  	_ =	sfence  }
0xb7: {  	s30 =	sld [smem:$0x0];
	_ =	sdelay $0x2  }
0xb8: {  	s31 =	sshll.u32 s1, $0xD;
	s1 =	sshrl.u32 s1, $0x2  }
0xb9: {  	s3 =	sand.u32 $0x4000, s31;
	s1 =	sadd.s32 s1, s30  }
0xba: {  	s0 =	sor.u32 s3, s0;
	s1 =	sshll.u32 s1, $0x11  }
0xbb: {  	s0 =	sor.u32 s1, s0  }
0xbc: {  	s0 =	sadd.s32 $0x8F2B, s0  }
0xbd: {  	[sflag:s0] =	ssyncadd.remote.s32 $0x1  }
0xbe: {  	_ =	sfence.sel $0xFFFF  }
0xbf: {  	[dreg:$0x0] =	wrdreg $0xFFFFFFFF;
	(pc) =	sbr.abs _section_cstart, $3  }
0xc0: {  	[dreg:$0x1] =	wrdreg $0xFFFFFFFF  }
0xc1: {  	_ =	task.clear_ibuf [dreg:s6], $0x2FFFF;
	_ =	strace $0x9FFFFFFF  }
0xc2: {  	(tm) =	ssettm $0x7FFFFFFF  }
0xc3: {  	_ =	shalt  }
tec
execute0_lowered:
.L_overlay_start_1:
0x0: {  	(tag) =	ssettag $0x1  }
0x1: {  	s3 =	rddreg [dreg:$0x0]  }
0x2: {  	s5 =	rddreg [dreg:$0x1];
	s2 =	srdreg.scid  }
0x3: {  	s1 =	stileid.u32;
	s0 =	rddreg [dreg:$0x2];
	s23 =	simm.s32 $0x1  }
0x4: {  	s24 =	simm.s32 $0x2800;
	s25 =	simm.s32 $0x5000;
	s26 =	simm.s32 $0x5280  }
0x5: {  	s28 =	simm.s32 $0x0;
	s4 =	sand.u32 $0x1, s2;
	s6 =	smul.u32 $0x280, s1  }
0x6: {  	s2 =	simm.s32 $0x0;
	s9 =	smul.u32 $0xA000, s1;
	s7 =	sshll.u32 s4, $0x4  }
0x7: {  	s8 =	smul.u32 $0x2800, s4;
	[smem:$0x7FF] =	sst s2;
	s4 =	ssub.s32 $0x2, s4  }
0x8: {  	s7 =	sor.u32 s1, s7;
	_ =	strace $0x80000047;
	s30 =	sshrl.u32 s4, $0x1  }
0x9: {  	s7 =	smul.u32 $0x500, s7;
	s8 =	sadd.s32 s6, s8;
	s22 =	ssub.s32 s4, s30  }
0xa: {  	s31 =	sshrl.u32 s9, $0x2;
	s8 =	sshrl.u32 s8, $0x3;
	s22 =	smax.u32 s22, $0x1  }
0xb: {  	s7 =	sadd.s32 s7, s3;
	s21 =	sadd.s32 s8, s3;
	s3 =	sadd.s32 s6, s5  }
0xc: {  	s5 =	sadd.s32 s31, s5;
	s4 =	sadd.s32 $0x4200, s7;
	s6 =	sadd.s32 $0x2800, s3  }
0xd: {  	s7 =	sadd.s32 $0x5000, s3;
	s8 =	sadd.s32 $0x7800, s3;
	s9 =	sadd.s32 $0xA000, s3  }
0xe: {  	s10 =	sadd.s32 $0xC800, s3;
	s11 =	sadd.s32 $0xF000, s3;
	s12 =	sadd.s32 $0x11800, s3  }
0xf: {  	s13 =	sadd.s32 $0x14000, s3;
	s14 =	sadd.s32 $0x16800, s3;
	s15 =	sadd.s32 $0x19000, s3  }
0x10: {  	s16 =	sadd.s32 $0x1B800, s3;
	s17 =	sadd.s32 $0x1E000, s3;
	s18 =	sadd.s32 $0x20800, s3  }
0x11: {  	v0 =	vimm.f32 $0.0e+00;
	v1 =	vimm.f32 $1.000000000e+00;
	s19 =	sadd.s32 $0x23000, s3;
	s20 =	sadd.s32 $0x25800, s3;
	s21 =	sadd.s32 $0xE200, s21  }
.LBB2_1:
0x12: {  	[tilespmem:s2], [sflag:$0x1] =	stream.linear.gather [hbm4b:s4+s2], $0x2800, $0x38;
	[tilespmem:$0x7D00] =	vst v63  }
0x13: {  	_ =	swait.ge [sflag:s23], $0x2800  }
0x14: {  	[sflag:s23] =	ssyncset.done $0x0  }
0x15: {  	s29 =	simm.s32 $0x0;
	[sflag:s23] =	ssyncadd.s32 $0xFFFFD800  }
.LBB2_2:
0x16: {  	p0 =	sne.s32 s29, $0x9FC0  }
.Ltmp0:
0x17: {  	_ = 	snop;
	(pc) =	sbr.rel @p0 .LBB2_2-.Ltmp0, $3  }
0x18: {  	_ =	sdelay $0x1  }
0x19: {  	s30 =	sshra.s32 s29, $0x2  }
0x1a: {  	s29 =	sadd.s32 $0x40, s29;
	[tilespmem:s30+$0x2800] =	vst v0  }
0x1b: {  	s29 =	simm.s32 $0x0  }
.LBB2_4:
0x1c: {  	s30 =	sshra.s32 s29, $0x2  }
0x1d: {  	v2 =	vld [tilespmem:s30+$0x0];
	_ =	sdelay $0x7  }
0x1e: {  	[tilespmem:v2+s24+$0x0] =	vst.idx.add.f32.msk $0xffff, v1  }
0x1f: {  	v2 =	vld [tilespmem:s30+$0x10];
	_ =	sdelay $0x7  }
0x20: {  	[tilespmem:v2+s24+$0x0] =	vst.idx.add.f32.msk $0xffff, v1  }
0x21: {  	v2 =	vld [tilespmem:s30+$0x20];
	_ =	sdelay $0x7  }
0x22: {  	[tilespmem:v2+s24+$0x0] =	vst.idx.add.f32.msk $0xffff, v1  }
0x23: {  	v2 =	vld [tilespmem:s30+$0x30];
	_ =	sdelay $0x7  }
0x24: {  	[tilespmem:v2+s24+$0x0] =	vst.idx.add.f32.msk $0xffff, v1  }
0x25: {  	v2 =	vld [tilespmem:s30+$0x40];
	_ =	sdelay $0x7  }
0x26: {  	[tilespmem:v2+s24+$0x0] =	vst.idx.add.f32.msk $0xffff, v1  }
0x27: {  	v2 =	vld [tilespmem:s30+$0x50];
	_ =	sdelay $0x7  }
0x28: {  	[tilespmem:v2+s24+$0x0] =	vst.idx.add.f32.msk $0xffff, v1  }
0x29: {  	v2 =	vld [tilespmem:s30+$0x60];
	_ =	sdelay $0x7  }
0x2a: {  	[tilespmem:v2+s24+$0x0] =	vst.idx.add.f32.msk $0xffff, v1  }
0x2b: {  	v2 =	vld [tilespmem:s30+$0x70];
	_ =	sdelay $0x2  }
0x2c: {  	p0 =	sne.s32 s29, $0x9E00  }
.Ltmp1:
0x2d: {  	_ = 	snop;
	(pc) =	sbr.rel @p0 .LBB2_4-.Ltmp1, $2  }
0x2e: {  	_ =	sdelay $0x2  }
0x2f: {  	s29 =	sadd.s32 $0x200, s29;
	[tilespmem:v2+s24+$0x0] =	vst.idx.add.f32.msk $0xffff, v1  }
0x30: {  	[spmem:s5] =	stream.linear.scatter [tilespmem:s24], [sflag:$0x1], $0x2800, $0x38;
	[tilespmem:$0x7D00] =	vst v63  }
0x31: {  	_ =	swait.ge [sflag:s23], $0x2800  }
0x32: {  	[sflag:s23] =	ssyncset.done $0x0  }
0x33: {  	[sflag:s23] =	ssyncadd.s32 $0xFFFFD800  }
0x34: {  	[bflag:$0x0] =	sbarrier.arrive $0xFFFF  }
0x35: {  	[tilespmem:s25], [sflag:$0x1] =	stream.linear.gather [spmem:s3], $0x280, $0x38;
	[tilespmem:$0x7D00] =	vst v63  }
0x36: {  	_ =	swait.ge [sflag:s23], $0x280  }
0x37: {  	[sflag:s23] =	ssyncset.done $0x0  }
0x38: {  	[sflag:s23] =	ssyncadd.s32 $0xFFFFFD80  }
0x39: {  	[tilespmem:s26], [sflag:$0x1] =	stream.linear.gather [spmem:s6], $0x280, $0x38;
	[tilespmem:$0x7D00] =	vst v63  }
0x3a: {  	_ =	swait.ge [sflag:s23], $0x280  }
0x3b: {  	[sflag:s23] =	ssyncset.done $0x0  }
0x3c: {  	s29 =	simm.s32 $0x0;
	[sflag:s23] =	ssyncadd.s32 $0xFFFFFD80  }
0x3d: {  	s30 =	simm.s32 $0x40;
	v2 =	vld [tilespmem:s29+$0x5280]  }
.LBB2_6:
0x3e: {  	p0 =	sne.s32 s30, $0x9C0;
	v3 =	vld [tilespmem:s29+$0x5000];
	_ =	sdelay $0x2  }
.Ltmp2:
0x3f: {  	(pc) =	sbr.rel @p0 .LBB2_6-.Ltmp2, $4  }
0x40: {  	_ = 	snop  }
0x41: {  	v3 =	vadd.f32 v2, v3  }
0x42: {  	s31 =	sshra.s32 s30, $0x2  }
0x43: {  	s30 =	sadd.s32 $0x40, s30;
	v2 =	vld [tilespmem:s31+$0x5280];
	[tilespmem:s29+$0x5000] =	vst v3;
	s29 =	smov.u32 s31  }
0x44: {  	v3 =	vld [tilespmem:s29+$0x5000];
	_ =	sdelay $0x4  }
0x45: {  	v2 =	vadd.f32 v2, v3;
	_ =	sdelay $0x1  }
0x46: {  	[tilespmem:s29+$0x5000] =	vst v2  }
0x47: {  	[tilespmem:s26], [sflag:$0x1] =	stream.linear.gather [spmem:s7], $0x280, $0x38;
	[tilespmem:$0x7D00] =	vst v63  }
0x48: {  	_ =	swait.ge [sflag:s23], $0x280  }
0x49: {  	[sflag:s23] =	ssyncset.done $0x0  }
0x4a: {  	s29 =	simm.s32 $0x0;
	[sflag:s23] =	ssyncadd.s32 $0xFFFFFD80  }
0x4b: {  	s30 =	simm.s32 $0x40;
	v2 =	vld [tilespmem:s29+$0x5280]  }
.LBB2_8:
0x4c: {  	p0 =	sne.s32 s30, $0x9C0;
	v3 =	vld [tilespmem:s29+$0x5000];
	_ =	sdelay $0x2  }
.Ltmp3:
0x4d: {  	(pc) =	sbr.rel @p0 .LBB2_8-.Ltmp3, $4  }
0x4e: {  	_ = 	snop  }
0x4f: {  	v3 =	vadd.f32 v2, v3  }
0x50: {  	s31 =	sshra.s32 s30, $0x2  }
0x51: {  	s30 =	sadd.s32 $0x40, s30;
	v2 =	vld [tilespmem:s31+$0x5280];
	[tilespmem:s29+$0x5000] =	vst v3;
	s29 =	smov.u32 s31  }
0x52: {  	v3 =	vld [tilespmem:s29+$0x5000];
	_ =	sdelay $0x4  }
0x53: {  	v2 =	vadd.f32 v2, v3;
	_ =	sdelay $0x1  }
0x54: {  	[tilespmem:s29+$0x5000] =	vst v2  }
0x55: {  	[tilespmem:s26], [sflag:$0x1] =	stream.linear.gather [spmem:s8], $0x280, $0x38;
	[tilespmem:$0x7D00] =	vst v63  }
0x56: {  	_ =	swait.ge [sflag:s23], $0x280  }
0x57: {  	[sflag:s23] =	ssyncset.done $0x0  }
0x58: {  	s29 =	simm.s32 $0x0;
	[sflag:s23] =	ssyncadd.s32 $0xFFFFFD80  }
0x59: {  	s30 =	simm.s32 $0x40;
	v2 =	vld [tilespmem:s29+$0x5280]  }
.LBB2_10:
0x5a: {  	p0 =	sne.s32 s30, $0x9C0;
	v3 =	vld [tilespmem:s29+$0x5000];
	_ =	sdelay $0x2  }
.Ltmp4:
0x5b: {  	(pc) =	sbr.rel @p0 .LBB2_10-.Ltmp4, $4  }
0x5c: {  	_ = 	snop  }
0x5d: {  	v3 =	vadd.f32 v2, v3  }
0x5e: {  	s31 =	sshra.s32 s30, $0x2  }
0x5f: {  	s30 =	sadd.s32 $0x40, s30;
	v2 =	vld [tilespmem:s31+$0x5280];
	[tilespmem:s29+$0x5000] =	vst v3;
	s29 =	smov.u32 s31  }
0x60: {  	v3 =	vld [tilespmem:s29+$0x5000];
	_ =	sdelay $0x4  }
0x61: {  	v2 =	vadd.f32 v2, v3;
	_ =	sdelay $0x1  }
0x62: {  	[tilespmem:s29+$0x5000] =	vst v2  }
0x63: {  	[tilespmem:s26], [sflag:$0x1] =	stream.linear.gather [spmem:s9], $0x280, $0x38;
	[tilespmem:$0x7D00] =	vst v63  }
0x64: {  	_ =	swait.ge [sflag:s23], $0x280  }
0x65: {  	[sflag:s23] =	ssyncset.done $0x0  }
0x66: {  	s29 =	simm.s32 $0x0;
	[sflag:s23] =	ssyncadd.s32 $0xFFFFFD80  }
0x67: {  	s30 =	simm.s32 $0x40;
	v2 =	vld [tilespmem:s29+$0x5280]  }
.LBB2_12:
0x68: {  	p0 =	sne.s32 s30, $0x9C0;
	v3 =	vld [tilespmem:s29+$0x5000];
	_ =	sdelay $0x2  }
.Ltmp5:
0x69: {  	(pc) =	sbr.rel @p0 .LBB2_12-.Ltmp5, $4  }
0x6a: {  	_ = 	snop  }
0x6b: {  	v3 =	vadd.f32 v2, v3  }
0x6c: {  	s31 =	sshra.s32 s30, $0x2  }
0x6d: {  	s30 =	sadd.s32 $0x40, s30;
	v2 =	vld [tilespmem:s31+$0x5280];
	[tilespmem:s29+$0x5000] =	vst v3;
	s29 =	smov.u32 s31  }
0x6e: {  	v3 =	vld [tilespmem:s29+$0x5000];
	_ =	sdelay $0x4  }
0x6f: {  	v2 =	vadd.f32 v2, v3;
	_ =	sdelay $0x1  }
0x70: {  	[tilespmem:s29+$0x5000] =	vst v2  }
0x71: {  	[tilespmem:s26], [sflag:$0x1] =	stream.linear.gather [spmem:s10], $0x280, $0x38;
	[tilespmem:$0x7D00] =	vst v63  }
0x72: {  	_ =	swait.ge [sflag:s23], $0x280  }
0x73: {  	[sflag:s23] =	ssyncset.done $0x0  }
0x74: {  	s29 =	simm.s32 $0x0;
	[sflag:s23] =	ssyncadd.s32 $0xFFFFFD80  }
0x75: {  	s30 =	simm.s32 $0x40;
	v2 =	vld [tilespmem:s29+$0x5280]  }
.LBB2_14:
0x76: {  	p0 =	sne.s32 s30, $0x9C0;
	v3 =	vld [tilespmem:s29+$0x5000];
	_ =	sdelay $0x2  }
.Ltmp6:
0x77: {  	(pc) =	sbr.rel @p0 .LBB2_14-.Ltmp6, $4  }
0x78: {  	_ = 	snop  }
0x79: {  	v3 =	vadd.f32 v2, v3  }
0x7a: {  	s31 =	sshra.s32 s30, $0x2  }
0x7b: {  	s30 =	sadd.s32 $0x40, s30;
	v2 =	vld [tilespmem:s31+$0x5280];
	[tilespmem:s29+$0x5000] =	vst v3;
	s29 =	smov.u32 s31  }
0x7c: {  	v3 =	vld [tilespmem:s29+$0x5000];
	_ =	sdelay $0x4  }
0x7d: {  	v2 =	vadd.f32 v2, v3;
	_ =	sdelay $0x1  }
0x7e: {  	[tilespmem:s29+$0x5000] =	vst v2  }
0x7f: {  	[tilespmem:s26], [sflag:$0x1] =	stream.linear.gather [spmem:s11], $0x280, $0x38;
	[tilespmem:$0x7D00] =	vst v63  }
0x80: {  	_ =	swait.ge [sflag:s23], $0x280  }
0x81: {  	[sflag:s23] =	ssyncset.done $0x0  }
0x82: {  	s29 =	simm.s32 $0x0;
	[sflag:s23] =	ssyncadd.s32 $0xFFFFFD80  }
0x83: {  	s30 =	simm.s32 $0x40;
	v2 =	vld [tilespmem:s29+$0x5280]  }
.LBB2_16:
0x84: {  	p0 =	sne.s32 s30, $0x9C0;
	v3 =	vld [tilespmem:s29+$0x5000];
	_ =	sdelay $0x2  }
.Ltmp7:
0x85: {  	(pc) =	sbr.rel @p0 .LBB2_16-.Ltmp7, $4  }
0x86: {  	_ = 	snop  }
0x87: {  	v3 =	vadd.f32 v2, v3  }
0x88: {  	s31 =	sshra.s32 s30, $0x2  }
0x89: {  	s30 =	sadd.s32 $0x40, s30;
	v2 =	vld [tilespmem:s31+$0x5280];
	[tilespmem:s29+$0x5000] =	vst v3;
	s29 =	smov.u32 s31  }
0x8a: {  	v3 =	vld [tilespmem:s29+$0x5000];
	_ =	sdelay $0x4  }
0x8b: {  	v2 =	vadd.f32 v2, v3;
	_ =	sdelay $0x1  }
0x8c: {  	[tilespmem:s29+$0x5000] =	vst v2  }
0x8d: {  	[tilespmem:s26], [sflag:$0x1] =	stream.linear.gather [spmem:s12], $0x280, $0x38;
	[tilespmem:$0x7D00] =	vst v63  }
0x8e: {  	_ =	swait.ge [sflag:s23], $0x280  }
0x8f: {  	[sflag:s23] =	ssyncset.done $0x0  }
0x90: {  	s29 =	simm.s32 $0x0;
	[sflag:s23] =	ssyncadd.s32 $0xFFFFFD80  }
0x91: {  	s30 =	simm.s32 $0x40;
	v2 =	vld [tilespmem:s29+$0x5280]  }
.LBB2_18:
0x92: {  	p0 =	sne.s32 s30, $0x9C0;
	v3 =	vld [tilespmem:s29+$0x5000];
	_ =	sdelay $0x2  }
.Ltmp8:
0x93: {  	(pc) =	sbr.rel @p0 .LBB2_18-.Ltmp8, $4  }
0x94: {  	_ = 	snop  }
0x95: {  	v3 =	vadd.f32 v2, v3  }
0x96: {  	s31 =	sshra.s32 s30, $0x2  }
0x97: {  	s30 =	sadd.s32 $0x40, s30;
	v2 =	vld [tilespmem:s31+$0x5280];
	[tilespmem:s29+$0x5000] =	vst v3;
	s29 =	smov.u32 s31  }
0x98: {  	v3 =	vld [tilespmem:s29+$0x5000];
	_ =	sdelay $0x4  }
0x99: {  	v2 =	vadd.f32 v2, v3;
	_ =	sdelay $0x1  }
0x9a: {  	[tilespmem:s29+$0x5000] =	vst v2  }
0x9b: {  	[tilespmem:s26], [sflag:$0x1] =	stream.linear.gather [spmem:s13], $0x280, $0x38;
	[tilespmem:$0x7D00] =	vst v63  }
0x9c: {  	_ =	swait.ge [sflag:s23], $0x280  }
0x9d: {  	[sflag:s23] =	ssyncset.done $0x0  }
0x9e: {  	s29 =	simm.s32 $0x0;
	[sflag:s23] =	ssyncadd.s32 $0xFFFFFD80  }
0x9f: {  	s30 =	simm.s32 $0x40;
	v2 =	vld [tilespmem:s29+$0x5280]  }
.LBB2_20:
0xa0: {  	p0 =	sne.s32 s30, $0x9C0;
	v3 =	vld [tilespmem:s29+$0x5000];
	_ =	sdelay $0x2  }
.Ltmp9:
0xa1: {  	(pc) =	sbr.rel @p0 .LBB2_20-.Ltmp9, $4  }
0xa2: {  	_ = 	snop  }
0xa3: {  	v3 =	vadd.f32 v2, v3  }
0xa4: {  	s31 =	sshra.s32 s30, $0x2  }
0xa5: {  	s30 =	sadd.s32 $0x40, s30;
	v2 =	vld [tilespmem:s31+$0x5280];
	[tilespmem:s29+$0x5000] =	vst v3;
	s29 =	smov.u32 s31  }
0xa6: {  	v3 =	vld [tilespmem:s29+$0x5000];
	_ =	sdelay $0x4  }
0xa7: {  	v2 =	vadd.f32 v2, v3;
	_ =	sdelay $0x1  }
0xa8: {  	[tilespmem:s29+$0x5000] =	vst v2  }
0xa9: {  	[tilespmem:s26], [sflag:$0x1] =	stream.linear.gather [spmem:s14], $0x280, $0x38;
	[tilespmem:$0x7D00] =	vst v63  }
0xaa: {  	_ =	swait.ge [sflag:s23], $0x280  }
0xab: {  	[sflag:s23] =	ssyncset.done $0x0  }
0xac: {  	s29 =	simm.s32 $0x0;
	[sflag:s23] =	ssyncadd.s32 $0xFFFFFD80  }
0xad: {  	s30 =	simm.s32 $0x40;
	v2 =	vld [tilespmem:s29+$0x5280]  }
.LBB2_22:
0xae: {  	p0 =	sne.s32 s30, $0x9C0;
	v3 =	vld [tilespmem:s29+$0x5000];
	_ =	sdelay $0x2  }
.Ltmp10:
0xaf: {  	(pc) =	sbr.rel @p0 .LBB2_22-.Ltmp10, $4  }
0xb0: {  	_ = 	snop  }
0xb1: {  	v3 =	vadd.f32 v2, v3  }
0xb2: {  	s31 =	sshra.s32 s30, $0x2  }
0xb3: {  	s30 =	sadd.s32 $0x40, s30;
	v2 =	vld [tilespmem:s31+$0x5280];
	[tilespmem:s29+$0x5000] =	vst v3;
	s29 =	smov.u32 s31  }
0xb4: {  	v3 =	vld [tilespmem:s29+$0x5000];
	_ =	sdelay $0x4  }
0xb5: {  	v2 =	vadd.f32 v2, v3;
	_ =	sdelay $0x1  }
0xb6: {  	[tilespmem:s29+$0x5000] =	vst v2  }
0xb7: {  	[tilespmem:s26], [sflag:$0x1] =	stream.linear.gather [spmem:s15], $0x280, $0x38;
	[tilespmem:$0x7D00] =	vst v63  }
0xb8: {  	_ =	swait.ge [sflag:s23], $0x280  }
0xb9: {  	[sflag:s23] =	ssyncset.done $0x0  }
0xba: {  	s29 =	simm.s32 $0x0;
	[sflag:s23] =	ssyncadd.s32 $0xFFFFFD80  }
0xbb: {  	s30 =	simm.s32 $0x40;
	v2 =	vld [tilespmem:s29+$0x5280]  }
.LBB2_24:
0xbc: {  	p0 =	sne.s32 s30, $0x9C0;
	v3 =	vld [tilespmem:s29+$0x5000];
	_ =	sdelay $0x2  }
.Ltmp11:
0xbd: {  	(pc) =	sbr.rel @p0 .LBB2_24-.Ltmp11, $4  }
0xbe: {  	_ = 	snop  }
0xbf: {  	v3 =	vadd.f32 v2, v3  }
0xc0: {  	s31 =	sshra.s32 s30, $0x2  }
0xc1: {  	s30 =	sadd.s32 $0x40, s30;
	v2 =	vld [tilespmem:s31+$0x5280];
	[tilespmem:s29+$0x5000] =	vst v3;
	s29 =	smov.u32 s31  }
0xc2: {  	v3 =	vld [tilespmem:s29+$0x5000];
	_ =	sdelay $0x4  }
0xc3: {  	v2 =	vadd.f32 v2, v3;
	_ =	sdelay $0x1  }
0xc4: {  	[tilespmem:s29+$0x5000] =	vst v2  }
0xc5: {  	[tilespmem:s26], [sflag:$0x1] =	stream.linear.gather [spmem:s16], $0x280, $0x38;
	[tilespmem:$0x7D00] =	vst v63  }
0xc6: {  	_ =	swait.ge [sflag:s23], $0x280  }
0xc7: {  	[sflag:s23] =	ssyncset.done $0x0  }
0xc8: {  	s29 =	simm.s32 $0x0;
	[sflag:s23] =	ssyncadd.s32 $0xFFFFFD80  }
0xc9: {  	s30 =	simm.s32 $0x40;
	v2 =	vld [tilespmem:s29+$0x5280]  }
.LBB2_26:
0xca: {  	p0 =	sne.s32 s30, $0x9C0;
	v3 =	vld [tilespmem:s29+$0x5000];
	_ =	sdelay $0x2  }
.Ltmp12:
0xcb: {  	(pc) =	sbr.rel @p0 .LBB2_26-.Ltmp12, $4  }
0xcc: {  	_ = 	snop  }
0xcd: {  	v3 =	vadd.f32 v2, v3  }
0xce: {  	s31 =	sshra.s32 s30, $0x2  }
0xcf: {  	s30 =	sadd.s32 $0x40, s30;
	v2 =	vld [tilespmem:s31+$0x5280];
	[tilespmem:s29+$0x5000] =	vst v3;
	s29 =	smov.u32 s31  }
0xd0: {  	v3 =	vld [tilespmem:s29+$0x5000];
	_ =	sdelay $0x4  }
0xd1: {  	v2 =	vadd.f32 v2, v3;
	_ =	sdelay $0x1  }
0xd2: {  	[tilespmem:s29+$0x5000] =	vst v2  }
0xd3: {  	[tilespmem:s26], [sflag:$0x1] =	stream.linear.gather [spmem:s17], $0x280, $0x38;
	[tilespmem:$0x7D00] =	vst v63  }
0xd4: {  	_ =	swait.ge [sflag:s23], $0x280  }
0xd5: {  	[sflag:s23] =	ssyncset.done $0x0  }
0xd6: {  	s29 =	simm.s32 $0x0;
	[sflag:s23] =	ssyncadd.s32 $0xFFFFFD80  }
0xd7: {  	s30 =	simm.s32 $0x40;
	v2 =	vld [tilespmem:s29+$0x5280]  }
.LBB2_28:
0xd8: {  	p0 =	sne.s32 s30, $0x9C0;
	v3 =	vld [tilespmem:s29+$0x5000];
	_ =	sdelay $0x2  }
.Ltmp13:
0xd9: {  	(pc) =	sbr.rel @p0 .LBB2_28-.Ltmp13, $4  }
0xda: {  	_ = 	snop  }
0xdb: {  	v3 =	vadd.f32 v2, v3  }
0xdc: {  	s31 =	sshra.s32 s30, $0x2  }
0xdd: {  	s30 =	sadd.s32 $0x40, s30;
	v2 =	vld [tilespmem:s31+$0x5280];
	[tilespmem:s29+$0x5000] =	vst v3;
	s29 =	smov.u32 s31  }
0xde: {  	v3 =	vld [tilespmem:s29+$0x5000];
	_ =	sdelay $0x4  }
0xdf: {  	v2 =	vadd.f32 v2, v3;
	_ =	sdelay $0x1  }
0xe0: {  	[tilespmem:s29+$0x5000] =	vst v2  }
0xe1: {  	[tilespmem:s26], [sflag:$0x1] =	stream.linear.gather [spmem:s18], $0x280, $0x38;
	[tilespmem:$0x7D00] =	vst v63  }
0xe2: {  	_ =	swait.ge [sflag:s23], $0x280  }
0xe3: {  	[sflag:s23] =	ssyncset.done $0x0  }
0xe4: {  	s29 =	simm.s32 $0x0;
	[sflag:s23] =	ssyncadd.s32 $0xFFFFFD80  }
0xe5: {  	s30 =	simm.s32 $0x40;
	v2 =	vld [tilespmem:s29+$0x5280]  }
.LBB2_30:
0xe6: {  	p0 =	sne.s32 s30, $0x9C0;
	v3 =	vld [tilespmem:s29+$0x5000];
	_ =	sdelay $0x2  }
.Ltmp14:
0xe7: {  	(pc) =	sbr.rel @p0 .LBB2_30-.Ltmp14, $4  }
0xe8: {  	_ = 	snop  }
0xe9: {  	v3 =	vadd.f32 v2, v3  }
0xea: {  	s31 =	sshra.s32 s30, $0x2  }
0xeb: {  	s30 =	sadd.s32 $0x40, s30;
	v2 =	vld [tilespmem:s31+$0x5280];
	[tilespmem:s29+$0x5000] =	vst v3;
	s29 =	smov.u32 s31  }
0xec: {  	v3 =	vld [tilespmem:s29+$0x5000];
	_ =	sdelay $0x4  }
0xed: {  	v2 =	vadd.f32 v2, v3;
	_ =	sdelay $0x1  }
0xee: {  	[tilespmem:s29+$0x5000] =	vst v2  }
0xef: {  	[tilespmem:s26], [sflag:$0x1] =	stream.linear.gather [spmem:s19], $0x280, $0x38;
	[tilespmem:$0x7D00] =	vst v63  }
0xf0: {  	_ =	swait.ge [sflag:s23], $0x280  }
0xf1: {  	[sflag:s23] =	ssyncset.done $0x0  }
0xf2: {  	s29 =	simm.s32 $0x0;
	[sflag:s23] =	ssyncadd.s32 $0xFFFFFD80  }
0xf3: {  	s30 =	simm.s32 $0x40;
	v2 =	vld [tilespmem:s29+$0x5280]  }
.LBB2_32:
0xf4: {  	p0 =	sne.s32 s30, $0x9C0;
	v3 =	vld [tilespmem:s29+$0x5000];
	_ =	sdelay $0x2  }
.Ltmp15:
0xf5: {  	(pc) =	sbr.rel @p0 .LBB2_32-.Ltmp15, $4  }
0xf6: {  	_ = 	snop  }
0xf7: {  	v3 =	vadd.f32 v2, v3  }
0xf8: {  	s31 =	sshra.s32 s30, $0x2  }
0xf9: {  	s30 =	sadd.s32 $0x40, s30;
	v2 =	vld [tilespmem:s31+$0x5280];
	[tilespmem:s29+$0x5000] =	vst v3;
	s29 =	smov.u32 s31  }
0xfa: {  	v3 =	vld [tilespmem:s29+$0x5000];
	_ =	sdelay $0x4  }
0xfb: {  	v2 =	vadd.f32 v2, v3;
	_ =	sdelay $0x1  }
0xfc: {  	[tilespmem:s29+$0x5000] =	vst v2  }
0xfd: {  	[tilespmem:s26], [sflag:$0x1] =	stream.linear.gather [spmem:s20], $0x280, $0x38;
	[tilespmem:$0x7D00] =	vst v63  }
0xfe: {  	_ =	swait.ge [sflag:s23], $0x280  }
0xff: {  	[sflag:s23] =	ssyncset.done $0x0  }
0x100: {  	s29 =	simm.s32 $0x0;
	[sflag:s23] =	ssyncadd.s32 $0xFFFFFD80  }
0x101: {  	s30 =	simm.s32 $0x40;
	v2 =	vld [tilespmem:s29+$0x5280]  }
.LBB2_34:
0x102: {  	p0 =	sne.s32 s30, $0x9C0;
	v3 =	vld [tilespmem:s29+$0x5000];
	_ =	sdelay $0x2  }
.Ltmp16:
0x103: {  	(pc) =	sbr.rel @p0 .LBB2_34-.Ltmp16, $4  }
0x104: {  	_ = 	snop  }
0x105: {  	v3 =	vadd.f32 v2, v3  }
0x106: {  	s31 =	sshra.s32 s30, $0x2  }
0x107: {  	s30 =	sadd.s32 $0x40, s30;
	v2 =	vld [tilespmem:s31+$0x5280];
	[tilespmem:s29+$0x5000] =	vst v3;
	s29 =	smov.u32 s31  }
0x108: {  	v3 =	vld [tilespmem:s29+$0x5000];
	_ =	sdelay $0x4  }
0x109: {  	s28 =	sadd.s32 $0x1, s28;
	v2 =	vadd.f32 v2, v3  }
0x10a: {  	p0 =	sne.s32 s28, s22  }
.Ltmp17:
0x10b: {  	[tilespmem:s29+$0x5000] =	vst v2;
	(pc) =	sbr.rel @p0 .LBB2_1-.Ltmp17, $4  }
0x10c: {  	[hbm4b:s21+s2] =	stream.linear.scatter [tilespmem:s25], [sflag:$0x1], $0x280, $0x38;
	[tilespmem:$0x7D00] =	vst v63  }
0x10d: {  	_ =	swait.ge [sflag:s23], $0x280  }
0x10e: {  	[sflag:s23] =	ssyncset.done $0x0  }
0x10f: {  	[sflag:s23] =	ssyncadd.s32 $0xFFFFFD80  }
0x110: {  	_ =	sfence.sel $0x180000  }
0x111: {  	[bflag:$0x0] =	sbarrier.arrive $0xFFFF  }
0x112: {  	p0 =	sne.s32 s1, $0x0;
	_ =	strace $0x90000047  }
0x113: {  	s0 =	sadd.s32 @!p0 $0x100000, s0;
	[bflag:$0x2] =	sbarrier.arrive $0xFFFF  }
0x114: {  	[sflag:s0] =	ssyncadd.tile.s32 @!p0 $0x1;
	_ =	shalt  }
.Lfunc_end2:
_tile_overlayer_lowered:
.L_overlay_start_2:
0x115: {  	(tag) =	ssettag $0x2  }
0x116: {  	s0 =	rddreg [dreg:$0x0];
	s2 =	stileid.u32  }
0x117: {  	s1 =	rddreg [dreg:$0x1];
	p0 =	sne.s32 s2, $0x0  }
0x118: {  	s3 =	rddreg [dreg:$0x2];
	[bflag:$0x3] =	sbarrier.arrive $0xFFFF;
	s2 =	simm.s32 @!p0 $0x1C01  }
0x119: {  	[timem:s3], [sflag:s2] =	dma.local @!p0 [hbm:s0], s1  }
0x11a: {  	s0 =	simm.s32 @!p0 $0x1  }
0x11b: {  	_ =	swait.ge @!p0 [sflag:s0], s1  }
0x11c: {  	s1 =	ssub.s32 @!p0 $0x0, s1;
	[sflag:s0] =	ssyncset.done @!p0 $0x0  }
0x11d: {  	[sflag:s0] =	ssyncadd.s32 @!p0 s1  }
0x11e: {  	[bflag:$0x3] =	sbarrier.arrive $0xFFFF  }
0x11f: {  	_ =	shalt  }

// kernel: kernel.13.cloned.1.call-start
scs
__scs_entry_jumppad:
0x0: {  	(pc) =	sbr.rel $0x88, $3  }
0x1: {  	(tag) =	ssettag $0x0;
	lr =	simm.s32 $0x1  }
0x2: {  	[smem:$0x3F97] =	sst lr;
	_ =	strace $0xD0000000  }
0x3: {  	_ = 	snop  }
0x4: {  	_ = 	snop  }
0x5: {  	_ = 	snop  }
0x6: {  	_ = 	snop  }
0x7: {  	_ = 	snop  }
__scs_overlays_trampoline_lowered:
0x8: {  	[smem:$0x3FA6] =	sst s0  }
0x9: {  	[smem:$0x3FA7] =	sst s1  }
0xa: {  	[smem:$0x3FA8] =	sst s2  }
0xb: {  	[smem:$0x3FA9] =	sst s3  }
0xc: {  	[smem:$0x3FAA] =	sst s4  }
0xd: {  	[smem:$0x3FAB] =	sst s5  }
0xe: {  	[smem:$0x3FAC] =	sst s6  }
0xf: {  	[smem:$0x3FAD] =	sst s7  }
0x10: {  	[smem:$0x3FAE] =	sst s8  }
0x11: {  	[smem:$0x3FAF] =	sst s9;
	s0 =	simm.s32 @!p0 $0x0  }
0x12: {  	s1 =	sld [smem:$0x3F95];
	s0 =	simm.s32 @p0 $0x1  }
0x13: {  	[smem:$0x3FB0] =	sst s0;
	s0 =	simm.s32 @!p1 $0x0  }
0x14: {  	s2 =	sld [smem:$0x3F94];
	s0 =	simm.s32 @p1 $0x1  }
0x15: {  	[smem:$0x3FB1] =	sst s0;
	s0 =	simm.s32 @!p2 $0x0  }
0x16: {  	s3 =	sld [smem:$0x3FDB];
	s0 =	simm.s32 @p2 $0x1  }
0x17: {  	s4 =	simm.s32 $0x1BF5;
	[smem:$0x3FB3] =	sst s0  }
0x18: {  	s0 =	sld [smem:$0x3F96];
	_ =	swait.ge [sflag:s4], $0x0  }
0x19: {  	s7 =	sld [smem:$0x3F97]  }
0x1a: {  	s8 =	sadd.s32 $0xFFFFE003, lr  }
0x1b: {  	s9 =	sadd.s32 $0xFFFFFEF7, lr;
	s5 =	simm.s32 $0xFFFFFFFF;
	p2 =	slt.u32 s8, $0xFFFFF086  }
0x1c: {  	p1 =	slt.u32 s9, $0xF7A;
	s5 =	simm.s32 @!p2 $0x0  }
0x1d: {  	s5 =	simm.s32 @p1 $0x1;
	p0 =	seq.s32 s7, s2  }
0x1e: {  	s7 =	smul.u32 @!p0 $0xF7A, s2;
	p2 =	seq.s32 @!p0 s5, $0x0  }
0x1f: {  	s9 =	smul.u32 $0xF7A, s1;
	s8 =	simm.s32 @!p0 $0x1BF5;
	p2 =	por !p2, p0  }
0x20: {  	[sflag:s8] =	ssyncset.s32 @!p0 $0xFFFFF086;
	s6 =	sadd.s32 @!p0 s3, s7;
	s7 =	simm.s32 @!p0 $0x108  }
0x21: {  	s3 =	sadd.s32 s3, s9;
	s6 =	sadd.s32 @!p0 $0x88, s6;
	s7 =	simm.s32 @p2 $0x1082  }
0x22: {  	[simem:s7], [sflag:s8] =	dma.local @!p0 [hbm:s6], $0xF7A  }
0x23: {  	s9 =	sor.u32 $0xD0000000, s2;
	s6 =	simm.s32 $0x108;
	_ =	swait.ge @!p0 [sflag:s8], $0x0  }
0x24: {  	s3 =	sadd.s32 $0x88, s3;
	s6 =	simm.s32 @!p1 $0x1082;
	[sflag:s4] =	ssyncset.s32 $0xFFFFF086  }
0x25: {  	[simem:s6], [sflag:s4] =	dma.local [hbm:s3], $0xF7A  }
0x26: {  	[smem:$0x3F97] =	sst s1;
	(tag) =	ssettag s2;
	_ =	strace s9  }
0x27: {  	s1 =	sld [smem:$0x3FA7]  }
0x28: {  	s2 =	sld [smem:$0x3FA8]  }
0x29: {  	s4 =	sld [smem:$0x3FAA]  }
0x2a: {  	p0 =	seq.s32 s5, $0x0;
	s5 =	sld [smem:$0x3FAB]  }
0x2b: {  	s6 =	sld [smem:$0x3FAC]  }
0x2c: {  	s7 =	sld [smem:$0x3FAD]  }
0x2d: {  	s3 =	simm.s32 $0x108;
	s8 =	sld [smem:$0x3FAE]  }
0x2e: {  	s3 =	simm.s32 @!p0 $0x1082;
	s9 =	sld [smem:$0x3FAF]  }
0x2f: {  	lr =	sadd.s32 s0, s3;
	s0 =	sld [smem:$0x3FA6]  }
0x30: {  	s3 =	sld [smem:$0x3FA9]  }
0x31: {  	[smem:$0x3FB2] =	sst s10  }
0x32: {  	s10 =	sld [smem:$0x3FB0];
	_ =	sdelay $0x3  }
0x33: {  	p0 =	seq.s32 s10, $0x1;
	s10 =	sld [smem:$0x3FB2];
	_ =	sdelay $0x3  }
0x34: {  	[smem:$0x3FB2] =	sst s10  }
0x35: {  	s10 =	sld [smem:$0x3FB1];
	_ =	sdelay $0x3  }
0x36: {  	p1 =	seq.s32 s10, $0x1;
	s10 =	sld [smem:$0x3FB2];
	_ =	sdelay $0x3  }
0x37: {  	[smem:$0x3FB2] =	sst s10  }
0x38: {  	s10 =	sld [smem:$0x3FB3]  }
0x39: {  	_ = 	snop;
	(pc) =	sbr.ind lr, $3  }
0x3a: {  	_ = 	snop  }
0x3b: {  	_ = 	snop  }
0x3c: {  	p2 =	seq.s32 s10, $0x1;
	s10 =	sld [smem:$0x3FB2]  }
0x3d: {  	_ =	shalt  }
0x3e: {  	_ =	shalt  }
0x3f: {  	_ =	shalt  }
0x40: {  	_ =	shalt  }
0x41: {  	_ =	shalt  }
0x42: {  	_ =	shalt  }
0x43: {  	_ =	shalt  }
0x44: {  	_ =	shalt  }
0x45: {  	_ =	shalt  }
0x46: {  	_ =	shalt  }
0x47: {  	_ =	shalt  }
0x48: {  	_ =	shalt  }
0x49: {  	_ =	shalt  }
0x4a: {  	_ =	shalt  }
0x4b: {  	_ =	shalt  }
0x4c: {  	_ =	shalt  }
0x4d: {  	_ =	shalt  }
0x4e: {  	_ =	shalt  }
0x4f: {  	_ =	shalt  }
0x50: {  	_ =	shalt  }
0x51: {  	_ =	shalt  }
0x52: {  	_ =	shalt  }
0x53: {  	_ =	shalt  }
0x54: {  	_ =	shalt  }
0x55: {  	_ =	shalt  }
0x56: {  	_ =	shalt  }
0x57: {  	_ =	shalt  }
0x58: {  	_ =	shalt  }
0x59: {  	_ =	shalt  }
0x5a: {  	_ =	shalt  }
0x5b: {  	_ =	shalt  }
0x5c: {  	_ =	shalt  }
0x5d: {  	_ =	shalt  }
0x5e: {  	_ =	shalt  }
0x5f: {  	_ =	shalt  }
0x60: {  	_ =	shalt  }
0x61: {  	_ =	shalt  }
0x62: {  	_ =	shalt  }
0x63: {  	_ =	shalt  }
0x64: {  	_ =	shalt  }
0x65: {  	_ =	shalt  }
0x66: {  	_ =	shalt  }
0x67: {  	_ =	shalt  }
0x68: {  	_ =	shalt  }
0x69: {  	_ =	shalt  }
0x6a: {  	_ =	shalt  }
0x6b: {  	_ =	shalt  }
0x6c: {  	_ =	shalt  }
0x6d: {  	_ =	shalt  }
0x6e: {  	_ =	shalt  }
0x6f: {  	_ =	shalt  }
0x70: {  	_ =	shalt  }
0x71: {  	_ =	shalt  }
0x72: {  	_ =	shalt  }
0x73: {  	_ =	shalt  }
0x74: {  	_ =	shalt  }
0x75: {  	_ =	shalt  }
0x76: {  	_ =	shalt  }
0x77: {  	_ =	shalt  }
0x78: {  	_ =	shalt  }
0x79: {  	_ =	shalt  }
0x7a: {  	_ =	shalt  }
0x7b: {  	_ =	shalt  }
0x7c: {  	_ =	shalt  }
0x7d: {  	_ =	shalt  }
0x7e: {  	_ =	shalt  }
0x7f: {  	_ =	shalt  }
0x80: {  	_ =	shalt  }
0x81: {  	_ =	shalt  }
0x82: {  	_ =	shalt  }
0x83: {  	_ =	shalt  }
0x84: {  	_ =	shalt  }
0x85: {  	_ =	shalt  }
0x86: {  	_ =	shalt  }
0x87: {  	_ =	shalt  }
.Lfunc_end0:
.L_simem_size_0:
called_computation.1_lowered:
.L_overlay_start_0:
0x88: {  	s2 =	sld [smem:$0x3FD9]  }
0x89: {  	s3 =	sld [smem:$0x3FFE];
	_ =	sdelay $0x1  }
0x8a: {  	s1 =	srdreg.scid  }
0x8b: {  	s0 =	sand.u32 $0x1, s1  }
0x8c: {  	s16 =	sshll.u32 s0, $0xA;
	s2 =	sadd.s32 s3, s2  }
0x8d: {  	s2 =	sadd.s32 s2, s16  }
0x8e: {  	[smem:$0x3FBE] =	sst s2  }
0x8f: {  	_ = 	snop  }
0x90: {  	(tm) =	ssettm $0x1  }
0x91: {  	s17 =	sld [smem:$0x3FFB];
	_ =	sdelay $0x3  }
0x92: {  	_ =	strace s17  }
0x93: {  	s2 =	sld [smem:$0x3FFC];
	_ =	sdelay $0x3  }
0x94: {  	_ =	strace s2  }
0x95: {  	s2 =	sld [smem:$0x3FFD];
	_ =	sdelay $0x3  }
0x96: {  	_ =	strace s2  }
0x97: {  	_ =	strace $0x8FFFFFFF  }
0x98: {  	s18 =	sld [smem:$0x3FDB];
	_ =	sdelay $0x1  }
0x99: {  	s19 =	simm.s32 $_scs_section_size  }
0x9a: {  	s4 =	simm.s32 $_size__tile_overlayer_lowered;
	s5 =	simm.s32 $_tile_overlayer_lowered  }
0x9b: {  	s22 =	simm.s32 $0x1BFF;
	s21 =	sshll.u32 s5, $0x1;
	s2 =	sadd.s32 s19, s18  }
0x9c: {  	s6 =	simm.s32 $0x0;
	s20 =	sshll.u32 s4, $0x1;
	s4 =	sadd.s32 s21, s2  }
0x9d: {  	[timem:s6], [sflag:s22] =	dma.local [hbm:s4], s20  }
0x9e: {  	_ =	swait.ge [sflag:s22], s20  }
0x9f: {  	s3 =	ssub.s32 $0x0, s20;
	[sflag:s22] =	ssyncset.done $0x0  }
0xa0: {  	[sflag:s22] =	ssyncadd.s32 s3;
	_ =	sdelay $0x1  }
0xa1: {  	s23 =	simm.s32 $0x1B8B  }
0xa2: {  	_ =	swait.ge [sflag:s23], $0x1  }
0xa3: {  	[sflag:s23] =	ssyncset.done $0x0  }
0xa4: {  	s25 =	simm.s32 $0x1B8E;
	s24 =	sld [smem:$0x3FFE];
	[sflag:s23] =	ssyncadd.s32 $0xFFFFFFFF  }
0xa5: {  	s26 =	simm.s32 $execute0_lowered;
	[smem:$0x3FD2] =	sst s25  }
0xa6: {  	s4 =	sshll.u32 s26, $0x1;
	_ =	strace $0x80000049;
	[dreg:$0x1] =	wrdreg $0xFFFFFFFF  }
0xa7: {  	s28 =	simm.s32 $_size_execute0_lowered;
	s2 =	sadd.s32 s2, s4;
	[dreg:$0x0] =	wrdreg $0x0  }
0xa8: {  	s4 =	sshll.u32 s28, $0x1;
	[dreg:$0x2] =	wrdreg s2  }
0xa9: {  	[dreg:$0x3] =	wrdreg s4  }
0xaa: {  	[dreg:$0x4] =	wrdreg $0xC0  }
0xab: {  	_ =	task [dreg:s6], $0x5FFFF  }
0xac: {  	[dreg:$0x1] =	wrdreg $0xFFFFFFFF  }
0xad: {  	[dreg:$0x0] =	wrdreg $0x60  }
0xae: {  	[dreg:$0x2] =	wrdreg s24  }
0xaf: {  	[dreg:$0x3] =	wrdreg $0x120000  }
0xb0: {  	[dreg:$0x4] =	wrdreg $0x170000  }
0xb1: {  	[dreg:$0x5] =	wrdreg $0x9  }
0xb2: {  	_ =	task.clear_ibuf [dreg:s6], $0x6FFFF;
	_ =	strace $0x90000049  }
0xb3: {  	s29 =	simm.s32 $0x9;
	_ =	strace $0x8000004B  }
0xb4: {  	_ =	swait.ge [sflag:s29], $0x1  }
0xb5: {  	[sflag:s29] =	ssyncadd.s32 $0xFFFFFFFF  }
0xb6: {  	_ =	strace $0x9000004B  }
0xb7: {  	_ =	sfence  }
0xb8: {  	s30 =	sld [smem:$0x0];
	_ =	sdelay $0x2  }
0xb9: {  	s31 =	sshll.u32 s1, $0xD;
	s1 =	sshrl.u32 s1, $0x2  }
0xba: {  	s3 =	sand.u32 $0x4000, s31;
	s1 =	sadd.s32 s1, s30  }
0xbb: {  	s0 =	sor.u32 s3, s0;
	s1 =	sshll.u32 s1, $0x11  }
0xbc: {  	s0 =	sor.u32 s1, s0  }
0xbd: {  	s0 =	sadd.s32 $0x8F2B, s0  }
0xbe: {  	[sflag:s0] =	ssyncadd.remote.s32 $0x1  }
0xbf: {  	_ =	sfence.sel $0xFFFF  }
0xc0: {  	[dreg:$0x0] =	wrdreg $0xFFFFFFFF;
	(pc) =	sbr.abs _section_cstart, $3  }
0xc1: {  	[dreg:$0x1] =	wrdreg $0xFFFFFFFF  }
0xc2: {  	_ =	task.clear_ibuf [dreg:s6], $0x2FFFF;
	_ =	strace $0x9FFFFFFF  }
0xc3: {  	(tm) =	ssettm $0x7FFFFFFF  }
tec
execute0_lowered:
.L_overlay_start_1:
0x0: {  	(tag) =	ssettag $0x1  }
0x1: {  	s0 =	rddreg [dreg:$0x0]  }
0x2: {  	s1 =	rddreg [dreg:$0x1];
	s9 =	stileid.u32  }
0x3: {  	s4 =	srdreg.scid;
	s3 =	rddreg [dreg:$0x2]  }
0x4: {  	s7 =	simm.s32 $0x0;
	s13 =	simm.s32 $0x11;
	s16 =	simm.s32 $0x80  }
0x5: {  	s17 =	simm.s32 $0xA000;
	s18 =	simm.s32 $0xB000;
	s28 =	simm.s32 $0x3  }
0x6: {  	s29 =	simm.s32 $0x10000;
	s30 =	simm.s32 $0x4;
	s31 =	simm.s32 $0x11000  }
0x7: {  	s15 =	simm.s32 $0x8;
	s11 =	simm.s32 $0x10;
	s2 =	smul.u32 $0xA00, s9  }
0x8: {  	s14 =	simm.s32 $0x0;
	s5 =	smul.u32 $0x5000, s9;
	s4 =	sand.u32 $0x1, s4  }
0x9: {  	[smem:$0x7FF] =	sst s7;
	s22 =	sshll.u32 s9, $0x6;
	s6 =	smul.u32 $0x50000, s4  }
0xa: {  	_ =	strace $0x8000004A;
	s4 =	ssub.s32 $0x2, s4;
	s2 =	sadd.s32 s2, s0  }
0xb: {  	s20 =	sshrl.u32 s5, $0x3;
	s21 =	sshrl.u32 s4, $0x1;
	s8 =	sadd.s32 s5, s1  }
0xc: {  	s6 =	sadd.s32 s5, s6;
	s7 =	sadd.s32 s20, s0;
	s4 =	ssub.s32 s4, s21  }
0xd: {  	s5 =	sadd.s32 s5, s3;
	s24 =	sadd.s32 $0xEC00, s2;
	s2 =	sadd.s32 $0x4200, s2  }
0xe: {  	s12 =	sshrl.u32 s8, $0x3;
	s20 =	simm.s32 $0xC000;
	[dreg:$0x6] =	wrdreg s24  }
0xf: {  	s6 =	sshrl.u32 s6, $0x3;
	s7 =	sadd.s32 $0x2CC00, s7;
	[dreg:$0x7] =	wrdreg s2  }
0x10: {  	s25 =	smax.u32 s4, $0x1;
	s26 =	sshrl.u32 s5, $0x3;
	s24 =	simm.s32 $0xE000  }
0x11: {  	s2 =	simm.s32 $0x5;
	s5 =	simm.s32 $0xB;
	[dreg:$0x4] =	wrdreg s7  }
.Ltmp0:
0x12: {  	s0 =	sadd.s32 s6, s0;
	[dreg:$0x9] =	wrdreg s25;
	(pc) =	sbr.rel .LBB2_1-.Ltmp0, $4  }
0x13: {  	s6 =	sor.u32 $0x1C11, s22;
	[dreg:$0xa] =	wrdreg s26;
	s22 =	simm.s32 $0xD000  }
0x14: {  	s25 =	simm.s32 $0x2;
	s26 =	simm.s32 $0xF000;
	s23 =	sadd.s32 $0x18C00, s0  }
0x15: {  	s7 =	simm.s32 $0xC;
	s0 =	sadd.s32 $0x36C00, s0;
	[dreg:$0x5] =	wrdreg s23  }
0x16: {  	[dreg:$0x8] =	wrdreg s0;
	s23 =	simm.s32 $0x1;
	s0 =	simm.s32 $0x7  }
.LBB2_4:
0x17: {  	_ =	swait.ge [sflag:s15], $0x1000  }
0x18: {  	[sflag:s15] =	ssyncset.done $0x0  }
0x19: {  	s4 =	simm.s32 $0x9;
	[sflag:s15] =	ssyncadd.s32 $0xFFFFF000  }
0x1a: {  	[spmem:s1] =	stream.indirect.scatter.add.f32 [tilespmem:s31], [sflag:$0x10], $0x20, s21, s16, $0xb8;
	[tilespmem:$0x1C000] =	vst v63  }
0x1b: {  	_ =	swait.ge [sflag:s4], $0x1000  }
0x1c: {  	[sflag:s4] =	ssyncset.done $0x0  }
0x1d: {  	s21 =	simm.s32 $0xA;
	[sflag:s4] =	ssyncadd.s32 $0xFFFFF000  }
0x1e: {  	_ =	swait.ge [sflag:s21], $0x1000  }
0x1f: {  	[sflag:s21] =	ssyncset.done $0x0  }
0x20: {  	[sflag:s21] =	ssyncadd.s32 $0xFFFFF000  }
0x21: {  	_ =	swait.ge [sflag:s5], $0x1000  }
0x22: {  	[sflag:s5] =	ssyncset.done $0x0  }
0x23: {  	[sflag:s5] =	ssyncadd.s32 $0xFFFFF000  }
0x24: {  	_ =	swait.ge [sflag:s7], $0x1000  }
0x25: {  	[sflag:s7] =	ssyncset.done $0x0  }
0x26: {  	s8 =	simm.s32 $0xD;
	[sflag:s7] =	ssyncadd.s32 $0xFFFFF000  }
0x27: {  	_ =	swait.ge [sflag:s8], $0x1000  }
0x28: {  	[sflag:s8] =	ssyncset.done $0x0  }
0x29: {  	s9 =	simm.s32 $0xE;
	[sflag:s8] =	ssyncadd.s32 $0xFFFFF000  }
0x2a: {  	_ =	swait.ge [sflag:s9], $0x1000  }
0x2b: {  	[sflag:s9] =	ssyncset.done $0x0  }
0x2c: {  	s10 =	simm.s32 $0xF;
	[sflag:s9] =	ssyncadd.s32 $0xFFFFF000  }
0x2d: {  	_ =	swait.ge [sflag:s10], $0x1000  }
0x2e: {  	[sflag:s10] =	ssyncset.done $0x0  }
0x2f: {  	[sflag:s10] =	ssyncadd.s32 $0xFFFFF000  }
0x30: {  	_ =	swait.ge [sflag:s11], $0x1000  }
0x31: {  	[sflag:s11] =	ssyncset.done $0x0  }
0x32: {  	[sflag:s11] =	ssyncadd.s32 $0xFFFFF000  }
0x33: {  	[bflag:$0x0] =	sbarrier.arrive $0xFFFF  }
0x34: {  	s19 =	rddreg [dreg:$0x8]  }
0x35: {  	[hbm:s19], [sflag:s6] =	dma.local [spmem:s12], $0xA00  }
0x36: {  	_ =	swait.ge [sflag:s13], $0xA00  }
0x37: {  	s14 =	sadd.s32 $0x1, s14;
	s21 =	rddreg [dreg:$0x9]  }
0x38: {  	p0 =	sne.s32 s14, s21  }
.Ltmp1:
0x39: {  	_ = 	snop;
	(pc) =	sbr.rel @!p0 .LBB2_5-.Ltmp1, $3  }
0x3a: {  	_ =	sdelay $0x1  }
0x3b: {  	[sflag:s13] =	ssyncset.done $0x0  }
0x3c: {  	[sflag:s13] =	ssyncadd.s32 $0xFFFFF600  }
.LBB2_1:
0x3d: {  	s4 =	rddreg [dreg:$0x4]  }
0x3e: {  	[spmem:s12], [sflag:s6] =	dma.local [hbm:s4], $0xA00  }
0x3f: {  	_ =	swait.ge [sflag:s13], $0xA00  }
0x40: {  	[sflag:s13] =	ssyncset.done $0x0;
	s19 =	rddreg [dreg:$0x5]  }
0x41: {  	s8 =	rddreg [dreg:$0xa];
	[sflag:s13] =	ssyncadd.s32 $0xFFFFF600  }
0x42: {  	[spmem:s8], [sflag:s6] =	dma.local [hbm:s19], $0xA00  }
0x43: {  	_ =	swait.ge [sflag:s13], $0xA00  }
0x44: {  	[sflag:s13] =	ssyncset.done $0x0  }
0x45: {  	s21 =	simm.s32 $0x0;
	s9 =	rddreg [dreg:$0x6];
	[sflag:s13] =	ssyncadd.s32 $0xFFFFF600  }
0x46: {  	[tilespmem:s21], [sflag:$0x11] =	stream.linear.gather [hbm4b:s9+s21], $0x5000, $0x38;
	[tilespmem:$0x1C000] =	vst v63  }
0x47: {  	_ =	swait.ge [sflag:s13], $0x5000  }
0x48: {  	[sflag:s13] =	ssyncset.done $0x0  }
0x49: {  	s9 =	simm.s32 $0x5000;
	s10 =	rddreg [dreg:$0x7];
	[sflag:s13] =	ssyncadd.s32 $0xFFFFB000  }
0x4a: {  	[tilespmem:s9], [sflag:$0x11] =	stream.linear.gather [hbm4b:s10+s21], $0x5000, $0x38;
	[tilespmem:$0x1C000] =	vst v63  }
0x4b: {  	_ =	swait.ge [sflag:s13], $0x5000  }
0x4c: {  	[sflag:s13] =	ssyncset.done $0x0  }
0x4d: {  	[sflag:s13] =	ssyncadd.s32 $0xFFFFB000  }
0x4e: {  	[bflag:$0x0] =	sbarrier.arrive $0xFFFF  }
0x4f: {  	[tilespmem:s17], [sflag:$0x1] =	stream.indirect.gather [spmem:s3], $0x20, s21, s16, $0xb8;
	[tilespmem:$0x1C000] =	vst v63  }
0x50: {  	_ = 	snop  }
0x51: {  	[tilespmem:s18], [sflag:$0x2] =	stream.indirect.gather [spmem:s3], $0x20, s16, s16, $0xb8;
	[tilespmem:$0x1C000] =	vst v63  }
0x52: {  	s19 =	simm.s32 $0x100  }
0x53: {  	[tilespmem:s20], [sflag:$0x3] =	stream.indirect.gather [spmem:s3], $0x20, s19, s16, $0xb8;
	[tilespmem:$0x1C000] =	vst v63  }
0x54: {  	s4 =	simm.s32 $0x0;
	s21 =	simm.s32 $0x180  }
0x55: {  	[tilespmem:s22], [sflag:$0x4] =	stream.indirect.gather [spmem:s3], $0x20, s21, s16, $0xb8;
	[tilespmem:$0x1C000] =	vst v63  }
.LBB2_2:
0x56: {  	_ =	swait.ge [sflag:s23], $0x1000  }
0x57: {  	s19 =	sshra.s32 s4, $0x2;
	[sflag:s23] =	ssyncset.done $0x0  }
0x58: {  	p0 =	seq.s32 s4, $0x0;
	s21 =	sadd.s32 $0x5000, s19;
	[sflag:s23] =	ssyncadd.s32 $0xFFFFF000  }
0x59: {  	[spmem:s1] =	stream.indirect.scatter.add.f32 [tilespmem:s17], [sflag:$0x9], $0x20, s21, s16, $0xb8;
	[tilespmem:$0x1C000] =	vst v63  }
0x5a: {  	s21 =	simm.s32 @!p0 $0xD  }
0x5b: {  	_ =	swait.ge @!p0 [sflag:s21], $0x1000  }
0x5c: {  	[sflag:s21] =	ssyncset.done @!p0 $0x0  }
0x5d: {  	s9 =	sadd.s32 $0x200, s19;
	[sflag:s21] =	ssyncadd.s32 @!p0 $0xFFFFF000  }
0x5e: {  	[tilespmem:s24], [sflag:$0x5] =	stream.indirect.gather [spmem:s3], $0x20, s9, s16, $0xb8;
	[tilespmem:$0x1C000] =	vst v63  }
0x5f: {  	_ =	swait.ge [sflag:s25], $0x1000  }
0x60: {  	[sflag:s25] =	ssyncset.done $0x0  }
0x61: {  	s10 =	sadd.s32 $0x5080, s19;
	s21 =	simm.s32 @!p0 $0xE;
	[sflag:s25] =	ssyncadd.s32 $0xFFFFF000  }
0x62: {  	[spmem:s1] =	stream.indirect.scatter.add.f32 [tilespmem:s18], [sflag:$0xA], $0x20, s10, s16, $0xb8;
	[tilespmem:$0x1C000] =	vst v63  }
0x63: {  	_ =	swait.ge @!p0 [sflag:s21], $0x1000  }
0x64: {  	[sflag:s21] =	ssyncset.done @!p0 $0x0  }
0x65: {  	s8 =	sadd.s32 $0x280, s19;
	[sflag:s21] =	ssyncadd.s32 @!p0 $0xFFFFF000  }
0x66: {  	[tilespmem:s26], [sflag:$0x6] =	stream.indirect.gather [spmem:s3], $0x20, s8, s16, $0xb8;
	[tilespmem:$0x1C000] =	vst v63  }
0x67: {  	_ =	swait.ge [sflag:s28], $0x1000  }
0x68: {  	[sflag:s28] =	ssyncset.done $0x0  }
0x69: {  	s9 =	sadd.s32 $0x5100, s19;
	s21 =	simm.s32 @!p0 $0xF;
	[sflag:s28] =	ssyncadd.s32 $0xFFFFF000  }
0x6a: {  	[spmem:s1] =	stream.indirect.scatter.add.f32 [tilespmem:s20], [sflag:$0xB], $0x20, s9, s16, $0xb8;
	[tilespmem:$0x1C000] =	vst v63  }
0x6b: {  	_ =	swait.ge @!p0 [sflag:s21], $0x1000  }
0x6c: {  	[sflag:s21] =	ssyncset.done @!p0 $0x0  }
0x6d: {  	s10 =	sadd.s32 $0x300, s19;
	[sflag:s21] =	ssyncadd.s32 @!p0 $0xFFFFF000  }
0x6e: {  	[tilespmem:s29], [sflag:$0x7] =	stream.indirect.gather [spmem:s3], $0x20, s10, s16, $0xb8;
	[tilespmem:$0x1C000] =	vst v63  }
0x6f: {  	_ =	swait.ge [sflag:s30], $0x1000  }
0x70: {  	[sflag:s30] =	ssyncset.done $0x0  }
0x71: {  	s8 =	sadd.s32 $0x5180, s19;
	s21 =	simm.s32 @!p0 $0x10;
	[sflag:s30] =	ssyncadd.s32 $0xFFFFF000  }
0x72: {  	[spmem:s1] =	stream.indirect.scatter.add.f32 [tilespmem:s22], [sflag:$0xC], $0x20, s8, s16, $0xb8;
	[tilespmem:$0x1C000] =	vst v63  }
0x73: {  	_ =	swait.ge @!p0 [sflag:s21], $0x1000  }
0x74: {  	[sflag:s21] =	ssyncset.done @!p0 $0x0  }
0x75: {  	s9 =	sadd.s32 $0x380, s19;
	[sflag:s21] =	ssyncadd.s32 @!p0 $0xFFFFF000  }
0x76: {  	[tilespmem:s31], [sflag:$0x8] =	stream.indirect.gather [spmem:s3], $0x20, s9, s16, $0xb8;
	[tilespmem:$0x1C000] =	vst v63  }
0x77: {  	_ =	swait.ge [sflag:s2], $0x1000  }
0x78: {  	p0 =	seq.s32 s4, $0x13000;
	[sflag:s2] =	ssyncset.done $0x0  }
0x79: {  	s10 =	sadd.s32 $0x5200, s19;
	s21 =	simm.s32 @p0 $0x6;
	[sflag:s2] =	ssyncadd.s32 $0xFFFFF000  }
0x7a: {  	[spmem:s1] =	stream.indirect.scatter.add.f32 [tilespmem:s24], [sflag:$0xD], $0x20, s10, s16, $0xb8;
	[tilespmem:$0x1C000] =	vst v63  }
0x7b: {  	_ =	swait.ge @p0 [sflag:s21], $0x1000  }
0x7c: {  	[sflag:s21] =	ssyncset.done @p0 $0x0  }
0x7d: {  	[sflag:s21] =	ssyncadd.s32 @p0 $0xFFFFF000;
	s21 =	sshra.s32 @p0 s4, $0x2  }
0x7e: {  	s8 =	simm.s32 @p0 $0x80;
	s9 =	simm.s32 @p0 $0xF000;
	s21 =	sadd.s32 @p0 $0x5280, s21  }
0x7f: {  	[spmem:s1] =	stream.indirect.scatter.add.f32 @p0 [tilespmem:s9], [sflag:$0xE], $0x20, s21, s8, $0xb8;
	[tilespmem:$0x1C000] =	vst v63  }
0x80: {  	s8 =	simm.s32 @!p0 $0x9  }
0x81: {  	_ =	swait.ge @!p0 [sflag:s8], $0x1000  }
0x82: {  	[sflag:s8] =	ssyncset.done @!p0 $0x0  }
0x83: {  	[sflag:s8] =	ssyncadd.s32 @!p0 $0xFFFFF000;
	s8 =	sshra.s32 @!p0 s4, $0x2  }
0x84: {  	s10 =	simm.s32 @!p0 $0xA000;
	s21 =	simm.s32 @!p0 $0x80;
	s9 =	sadd.s32 @!p0 $0x400, s8  }
0x85: {  	[tilespmem:s10], [sflag:$0x1] =	stream.indirect.gather @!p0 [spmem:s3], $0x20, s9, s21, $0xb8;
	[tilespmem:$0x1C000] =	vst v63  }
0x86: {  	s9 =	simm.s32 @!p0 $0x6  }
0x87: {  	_ =	swait.ge @!p0 [sflag:s9], $0x1000  }
0x88: {  	[sflag:s9] =	ssyncset.done @!p0 $0x0  }
0x89: {  	s10 =	simm.s32 @!p0 $0xF000;
	[sflag:s9] =	ssyncadd.s32 @!p0 $0xFFFFF000;
	s9 =	sadd.s32 @!p0 $0x5280, s8  }
0x8a: {  	[spmem:s1] =	stream.indirect.scatter.add.f32 @!p0 [tilespmem:s10], [sflag:$0xE], $0x20, s9, s21, $0xb8;
	[tilespmem:$0x1C000] =	vst v63  }
0x8b: {  	s9 =	simm.s32 @!p0 $0xA  }
0x8c: {  	_ =	swait.ge @!p0 [sflag:s9], $0x1000  }
0x8d: {  	[sflag:s9] =	ssyncset.done @!p0 $0x0  }
0x8e: {  	s8 =	sadd.s32 @!p0 $0x480, s8;
	[sflag:s9] =	ssyncadd.s32 @!p0 $0xFFFFF000;
	s9 =	simm.s32 @!p0 $0xB000  }
0x8f: {  	[tilespmem:s9], [sflag:$0x2] =	stream.indirect.gather @!p0 [spmem:s3], $0x20, s8, s21, $0xb8;
	[tilespmem:$0x1C000] =	vst v63  }
.Ltmp2:
0x90: {  	_ =	swait.ge [sflag:s0], $0x1000;
	(pc) =	sbr.rel @p0 .LBB2_4-.Ltmp2, $4  }
0x91: {  	[sflag:s0] =	ssyncset.done $0x0  }
0x92: {  	s21 =	sadd.s32 $0x5300, s19;
	[sflag:s0] =	ssyncadd.s32 $0xFFFFF000  }
0x93: {  	[spmem:s1] =	stream.indirect.scatter.add.f32 [tilespmem:s29], [sflag:$0xF], $0x20, s21, s16, $0xb8;
	[tilespmem:$0x1C000] =	vst v63  }
0x94: {  	s21 =	sadd.s32 $0x5380, s19  }
0x95: {  	_ =	swait.ge [sflag:s5], $0x1000  }
0x96: {  	[sflag:s5] =	ssyncset.done $0x0  }
0x97: {  	s8 =	sadd.s32 $0x500, s19;
	[sflag:s5] =	ssyncadd.s32 $0xFFFFF000  }
0x98: {  	[tilespmem:s20], [sflag:$0x3] =	stream.indirect.gather [spmem:s3], $0x20, s8, s16, $0xb8;
	[tilespmem:$0x1C000] =	vst v63  }
0x99: {  	_ =	swait.ge [sflag:s15], $0x1000  }
0x9a: {  	[sflag:s15] =	ssyncset.done $0x0  }
0x9b: {  	[sflag:s15] =	ssyncadd.s32 $0xFFFFF000  }
0x9c: {  	[spmem:s1] =	stream.indirect.scatter.add.f32 [tilespmem:s31], [sflag:$0x10], $0x20, s21, s16, $0xb8;
	[tilespmem:$0x1C000] =	vst v63  }
.Ltmp3:
0x9d: {  	_ = 	snop;
	(pc) =	sbr.rel .LBB2_2-.Ltmp3, $4  }
0x9e: {  	_ =	swait.ge [sflag:s7], $0x1000  }
0x9f: {  	[sflag:s7] =	ssyncset.done $0x0  }
0xa0: {  	s4 =	sadd.s32 $0x1000, s4;
	s21 =	sadd.s32 $0x580, s19;
	[sflag:s7] =	ssyncadd.s32 $0xFFFFF000  }
0xa1: {  	[tilespmem:s22], [sflag:$0x4] =	stream.indirect.gather [spmem:s3], $0x20, s21, s16, $0xb8;
	[tilespmem:$0x1C000] =	vst v63  }
.LBB2_5:
0xa2: {  	_ =	sfence.sel $0x180000  }
0xa3: {  	[bflag:$0x0] =	sbarrier.arrive $0xFFFF  }
0xa4: {  	_ =	strace $0x9000004A  }
0xa5: {  	s0 =	stileid.u32;
	[bflag:$0x2] =	sbarrier.arrive $0xFFFF  }
0xa6: {  	p0 =	sne.s32 s0, $0x0;
	s0 =	rddreg [dreg:$0x3]  }
0xa7: {  	s0 =	sadd.s32 @!p0 $0x100000, s0  }
0xa8: {  	[sflag:s0] =	ssyncadd.tile.s32 @!p0 $0x1;
	_ =	shalt  }
.Lfunc_end2:
_tile_overlayer_lowered:
.L_overlay_start_2:
0xa9: {  	(tag) =	ssettag $0x2  }
0xaa: {  	s0 =	rddreg [dreg:$0x0];
	s2 =	stileid.u32  }
0xab: {  	s1 =	rddreg [dreg:$0x1];
	p0 =	sne.s32 s2, $0x0  }
0xac: {  	s3 =	rddreg [dreg:$0x2];
	[bflag:$0x3] =	sbarrier.arrive $0xFFFF;
	s2 =	simm.s32 @!p0 $0x1C11  }
0xad: {  	[timem:s3], [sflag:s2] =	dma.local @!p0 [hbm:s0], s1  }
0xae: {  	s0 =	simm.s32 @!p0 $0x11  }
0xaf: {  	_ =	swait.ge @!p0 [sflag:s0], s1  }
0xb0: {  	s1 =	ssub.s32 @!p0 $0x0, s1;
	[sflag:s0] =	ssyncset.done @!p0 $0x0  }
0xb1: {  	[sflag:s0] =	ssyncadd.s32 @!p0 s1  }
0xb2: {  	[bflag:$0x3] =	sbarrier.arrive $0xFFFF  }
0xb3: {  	_ =	shalt  }

// kernel: kernel.16.cloned.1.call-start
scs
__scs_entry_jumppad:
0x0: {  	(pc) =	sbr.rel $0x88, $3  }
0x1: {  	(tag) =	ssettag $0x0;
	lr =	simm.s32 $0x1  }
0x2: {  	[smem:$0x3F97] =	sst lr;
	_ =	strace $0xD0000000  }
0x3: {  	_ = 	snop  }
0x4: {  	_ = 	snop  }
0x5: {  	_ = 	snop  }
0x6: {  	_ = 	snop  }
0x7: {  	_ = 	snop  }
__scs_overlays_trampoline_lowered:
0x8: {  	[smem:$0x3FA6] =	sst s0  }
0x9: {  	[smem:$0x3FA7] =	sst s1  }
0xa: {  	[smem:$0x3FA8] =	sst s2  }
0xb: {  	[smem:$0x3FA9] =	sst s3  }
0xc: {  	[smem:$0x3FAA] =	sst s4  }
0xd: {  	[smem:$0x3FAB] =	sst s5  }
0xe: {  	[smem:$0x3FAC] =	sst s6  }
0xf: {  	[smem:$0x3FAD] =	sst s7  }
0x10: {  	[smem:$0x3FAE] =	sst s8  }
0x11: {  	[smem:$0x3FAF] =	sst s9;
	s0 =	simm.s32 @!p0 $0x0  }
0x12: {  	s1 =	sld [smem:$0x3F95];
	s0 =	simm.s32 @p0 $0x1  }
0x13: {  	[smem:$0x3FB0] =	sst s0;
	s0 =	simm.s32 @!p1 $0x0  }
0x14: {  	s2 =	sld [smem:$0x3F94];
	s0 =	simm.s32 @p1 $0x1  }
0x15: {  	[smem:$0x3FB1] =	sst s0;
	s0 =	simm.s32 @!p2 $0x0  }
0x16: {  	s3 =	sld [smem:$0x3FDB];
	s0 =	simm.s32 @p2 $0x1  }
0x17: {  	s4 =	simm.s32 $0x1BF5;
	[smem:$0x3FB3] =	sst s0  }
0x18: {  	s0 =	sld [smem:$0x3F96];
	_ =	swait.ge [sflag:s4], $0x0  }
0x19: {  	s7 =	sld [smem:$0x3F97]  }
0x1a: {  	s8 =	sadd.s32 $0xFFFFE003, lr  }
0x1b: {  	s9 =	sadd.s32 $0xFFFFFEF7, lr;
	s5 =	simm.s32 $0xFFFFFFFF;
	p2 =	slt.u32 s8, $0xFFFFF086  }
0x1c: {  	p1 =	slt.u32 s9, $0xF7A;
	s5 =	simm.s32 @!p2 $0x0  }
0x1d: {  	s5 =	simm.s32 @p1 $0x1;
	p0 =	seq.s32 s7, s2  }
0x1e: {  	s7 =	smul.u32 @!p0 $0xF7A, s2;
	p2 =	seq.s32 @!p0 s5, $0x0  }
0x1f: {  	s9 =	smul.u32 $0xF7A, s1;
	s8 =	simm.s32 @!p0 $0x1BF5;
	p2 =	por !p2, p0  }
0x20: {  	[sflag:s8] =	ssyncset.s32 @!p0 $0xFFFFF086;
	s6 =	sadd.s32 @!p0 s3, s7;
	s7 =	simm.s32 @!p0 $0x108  }
0x21: {  	s3 =	sadd.s32 s3, s9;
	s6 =	sadd.s32 @!p0 $0x88, s6;
	s7 =	simm.s32 @p2 $0x1082  }
0x22: {  	[simem:s7], [sflag:s8] =	dma.local @!p0 [hbm:s6], $0xF7A  }
0x23: {  	s9 =	sor.u32 $0xD0000000, s2;
	s6 =	simm.s32 $0x108;
	_ =	swait.ge @!p0 [sflag:s8], $0x0  }
0x24: {  	s3 =	sadd.s32 $0x88, s3;
	s6 =	simm.s32 @!p1 $0x1082;
	[sflag:s4] =	ssyncset.s32 $0xFFFFF086  }
0x25: {  	[simem:s6], [sflag:s4] =	dma.local [hbm:s3], $0xF7A  }
0x26: {  	[smem:$0x3F97] =	sst s1;
	(tag) =	ssettag s2;
	_ =	strace s9  }
0x27: {  	s1 =	sld [smem:$0x3FA7]  }
0x28: {  	s2 =	sld [smem:$0x3FA8]  }
0x29: {  	s4 =	sld [smem:$0x3FAA]  }
0x2a: {  	p0 =	seq.s32 s5, $0x0;
	s5 =	sld [smem:$0x3FAB]  }
0x2b: {  	s6 =	sld [smem:$0x3FAC]  }
0x2c: {  	s7 =	sld [smem:$0x3FAD]  }
0x2d: {  	s3 =	simm.s32 $0x108;
	s8 =	sld [smem:$0x3FAE]  }
0x2e: {  	s3 =	simm.s32 @!p0 $0x1082;
	s9 =	sld [smem:$0x3FAF]  }
0x2f: {  	lr =	sadd.s32 s0, s3;
	s0 =	sld [smem:$0x3FA6]  }
0x30: {  	s3 =	sld [smem:$0x3FA9]  }
0x31: {  	[smem:$0x3FB2] =	sst s10  }
0x32: {  	s10 =	sld [smem:$0x3FB0];
	_ =	sdelay $0x3  }
0x33: {  	p0 =	seq.s32 s10, $0x1;
	s10 =	sld [smem:$0x3FB2];
	_ =	sdelay $0x3  }
0x34: {  	[smem:$0x3FB2] =	sst s10  }
0x35: {  	s10 =	sld [smem:$0x3FB1];
	_ =	sdelay $0x3  }
0x36: {  	p1 =	seq.s32 s10, $0x1;
	s10 =	sld [smem:$0x3FB2];
	_ =	sdelay $0x3  }
0x37: {  	[smem:$0x3FB2] =	sst s10  }
0x38: {  	s10 =	sld [smem:$0x3FB3]  }
0x39: {  	_ = 	snop;
	(pc) =	sbr.ind lr, $3  }
0x3a: {  	_ = 	snop  }
0x3b: {  	_ = 	snop  }
0x3c: {  	p2 =	seq.s32 s10, $0x1;
	s10 =	sld [smem:$0x3FB2]  }
0x3d: {  	_ =	shalt  }
0x3e: {  	_ =	shalt  }
0x3f: {  	_ =	shalt  }
0x40: {  	_ =	shalt  }
0x41: {  	_ =	shalt  }
0x42: {  	_ =	shalt  }
0x43: {  	_ =	shalt  }
0x44: {  	_ =	shalt  }
0x45: {  	_ =	shalt  }
0x46: {  	_ =	shalt  }
0x47: {  	_ =	shalt  }
0x48: {  	_ =	shalt  }
0x49: {  	_ =	shalt  }
0x4a: {  	_ =	shalt  }
0x4b: {  	_ =	shalt  }
0x4c: {  	_ =	shalt  }
0x4d: {  	_ =	shalt  }
0x4e: {  	_ =	shalt  }
0x4f: {  	_ =	shalt  }
0x50: {  	_ =	shalt  }
0x51: {  	_ =	shalt  }
0x52: {  	_ =	shalt  }
0x53: {  	_ =	shalt  }
0x54: {  	_ =	shalt  }
0x55: {  	_ =	shalt  }
0x56: {  	_ =	shalt  }
0x57: {  	_ =	shalt  }
0x58: {  	_ =	shalt  }
0x59: {  	_ =	shalt  }
0x5a: {  	_ =	shalt  }
0x5b: {  	_ =	shalt  }
0x5c: {  	_ =	shalt  }
0x5d: {  	_ =	shalt  }
0x5e: {  	_ =	shalt  }
0x5f: {  	_ =	shalt  }
0x60: {  	_ =	shalt  }
0x61: {  	_ =	shalt  }
0x62: {  	_ =	shalt  }
0x63: {  	_ =	shalt  }
0x64: {  	_ =	shalt  }
0x65: {  	_ =	shalt  }
0x66: {  	_ =	shalt  }
0x67: {  	_ =	shalt  }
0x68: {  	_ =	shalt  }
0x69: {  	_ =	shalt  }
0x6a: {  	_ =	shalt  }
0x6b: {  	_ =	shalt  }
0x6c: {  	_ =	shalt  }
0x6d: {  	_ =	shalt  }
0x6e: {  	_ =	shalt  }
0x6f: {  	_ =	shalt  }
0x70: {  	_ =	shalt  }
0x71: {  	_ =	shalt  }
0x72: {  	_ =	shalt  }
0x73: {  	_ =	shalt  }
0x74: {  	_ =	shalt  }
0x75: {  	_ =	shalt  }
0x76: {  	_ =	shalt  }
0x77: {  	_ =	shalt  }
0x78: {  	_ =	shalt  }
0x79: {  	_ =	shalt  }
0x7a: {  	_ =	shalt  }
0x7b: {  	_ =	shalt  }
0x7c: {  	_ =	shalt  }
0x7d: {  	_ =	shalt  }
0x7e: {  	_ =	shalt  }
0x7f: {  	_ =	shalt  }
0x80: {  	_ =	shalt  }
0x81: {  	_ =	shalt  }
0x82: {  	_ =	shalt  }
0x83: {  	_ =	shalt  }
0x84: {  	_ =	shalt  }
0x85: {  	_ =	shalt  }
0x86: {  	_ =	shalt  }
0x87: {  	_ =	shalt  }
.Lfunc_end0:
.L_simem_size_0:
called_computation.2_lowered:
.L_overlay_start_0:
0x88: {  	s2 =	sld [smem:$0x3FD9]  }
0x89: {  	s3 =	sld [smem:$0x3FFE];
	_ =	sdelay $0x1  }
0x8a: {  	s1 =	srdreg.scid  }
0x8b: {  	s0 =	sand.u32 $0x1, s1  }
0x8c: {  	s16 =	sshll.u32 s0, $0xA;
	s2 =	sadd.s32 s3, s2  }
0x8d: {  	s2 =	sadd.s32 s2, s16  }
0x8e: {  	[smem:$0x3FBE] =	sst s2  }
0x8f: {  	_ = 	snop  }
0x90: {  	(tm) =	ssettm $0x1  }
0x91: {  	s17 =	sld [smem:$0x3FFB];
	_ =	sdelay $0x3  }
0x92: {  	_ =	strace s17  }
0x93: {  	s2 =	sld [smem:$0x3FFC];
	_ =	sdelay $0x3  }
0x94: {  	_ =	strace s2  }
0x95: {  	s2 =	sld [smem:$0x3FFD];
	_ =	sdelay $0x3  }
0x96: {  	_ =	strace s2  }
0x97: {  	_ =	strace $0x8FFFFFFF  }
0x98: {  	s18 =	sld [smem:$0x3FDB];
	_ =	sdelay $0x1  }
0x99: {  	s19 =	simm.s32 $_scs_section_size  }
0x9a: {  	s4 =	simm.s32 $_size__tile_overlayer_lowered;
	s5 =	simm.s32 $_tile_overlayer_lowered  }
0x9b: {  	s22 =	simm.s32 $0x1BFF;
	s21 =	sshll.u32 s5, $0x1;
	s2 =	sadd.s32 s19, s18  }
0x9c: {  	s6 =	simm.s32 $0x0;
	s20 =	sshll.u32 s4, $0x1;
	s4 =	sadd.s32 s21, s2  }
0x9d: {  	[timem:s6], [sflag:s22] =	dma.local [hbm:s4], s20  }
0x9e: {  	_ =	swait.ge [sflag:s22], s20  }
0x9f: {  	s3 =	ssub.s32 $0x0, s20;
	[sflag:s22] =	ssyncset.done $0x0  }
0xa0: {  	[sflag:s22] =	ssyncadd.s32 s3;
	_ =	sdelay $0x1  }
0xa1: {  	s23 =	simm.s32 $0x1B8B  }
0xa2: {  	_ =	swait.ge [sflag:s23], $0x1  }
0xa3: {  	[sflag:s23] =	ssyncset.done $0x0  }
0xa4: {  	s25 =	simm.s32 $0x1B8E;
	s24 =	sld [smem:$0x3FFE];
	[sflag:s23] =	ssyncadd.s32 $0xFFFFFFFF  }
0xa5: {  	s26 =	simm.s32 $execute0_lowered;
	[smem:$0x3FD2] =	sst s25  }
0xa6: {  	s4 =	sshll.u32 s26, $0x1;
	_ =	strace $0x8000004C;
	[dreg:$0x1] =	wrdreg $0xFFFFFFFF  }
0xa7: {  	s28 =	simm.s32 $_size_execute0_lowered;
	s2 =	sadd.s32 s2, s4;
	[dreg:$0x0] =	wrdreg $0x0  }
0xa8: {  	s4 =	sshll.u32 s28, $0x1;
	[dreg:$0x2] =	wrdreg s2  }
0xa9: {  	[dreg:$0x3] =	wrdreg s4  }
0xaa: {  	[dreg:$0x4] =	wrdreg $0xC0  }
0xab: {  	_ =	task [dreg:s6], $0x5FFFF  }
0xac: {  	[dreg:$0x1] =	wrdreg $0xFFFFFFFF  }
0xad: {  	[dreg:$0x0] =	wrdreg $0x60  }
0xae: {  	[dreg:$0x2] =	wrdreg s24  }
0xaf: {  	[dreg:$0x3] =	wrdreg $0x120000  }
0xb0: {  	[dreg:$0x4] =	wrdreg $0x170000  }
0xb1: {  	[dreg:$0x5] =	wrdreg $0x9  }
0xb2: {  	_ =	task.clear_ibuf [dreg:s6], $0x6FFFF;
	_ =	strace $0x9000004C  }
0xb3: {  	s29 =	simm.s32 $0x9;
	_ =	strace $0x8000004E  }
0xb4: {  	_ =	swait.ge [sflag:s29], $0x1  }
0xb5: {  	[sflag:s29] =	ssyncadd.s32 $0xFFFFFFFF  }
0xb6: {  	_ =	strace $0x9000004E  }
0xb7: {  	_ =	sfence  }
0xb8: {  	s30 =	sld [smem:$0x0];
	_ =	sdelay $0x2  }
0xb9: {  	s31 =	sshll.u32 s1, $0xD;
	s1 =	sshrl.u32 s1, $0x2  }
0xba: {  	s3 =	sand.u32 $0x4000, s31;
	s1 =	sadd.s32 s1, s30  }
0xbb: {  	s0 =	sor.u32 s3, s0;
	s1 =	sshll.u32 s1, $0x11  }
0xbc: {  	s0 =	sor.u32 s1, s0  }
0xbd: {  	s0 =	sadd.s32 $0x8F2B, s0  }
0xbe: {  	[sflag:s0] =	ssyncadd.remote.s32 $0x1  }
0xbf: {  	_ =	sfence.sel $0xFFFF  }
0xc0: {  	[dreg:$0x0] =	wrdreg $0xFFFFFFFF;
	(pc) =	sbr.abs _section_cstart, $3  }
0xc1: {  	[dreg:$0x1] =	wrdreg $0xFFFFFFFF  }
0xc2: {  	_ =	task.clear_ibuf [dreg:s6], $0x2FFFF;
	_ =	strace $0x9FFFFFFF  }
0xc3: {  	(tm) =	ssettm $0x7FFFFFFF  }
tec
execute0_lowered:
.L_overlay_start_1:
0x0: {  	(tag) =	ssettag $0x1  }
0x1: {  	s0 =	rddreg [dreg:$0x0]  }
0x2: {  	s1 =	rddreg [dreg:$0x1];
	s9 =	stileid.u32  }
0x3: {  	s4 =	srdreg.scid;
	s3 =	rddreg [dreg:$0x2]  }
0x4: {  	s7 =	simm.s32 $0x0;
	s13 =	simm.s32 $0x11;
	s16 =	simm.s32 $0x80  }
0x5: {  	s17 =	simm.s32 $0xA000;
	s18 =	simm.s32 $0xB000;
	s28 =	simm.s32 $0x3  }
0x6: {  	s29 =	simm.s32 $0x10000;
	s30 =	simm.s32 $0x4;
	s31 =	simm.s32 $0x11000  }
0x7: {  	s15 =	simm.s32 $0x8;
	s11 =	simm.s32 $0x10;
	s2 =	smul.u32 $0xA00, s9  }
0x8: {  	s14 =	simm.s32 $0x0;
	s5 =	smul.u32 $0x5000, s9;
	s4 =	sand.u32 $0x1, s4  }
0x9: {  	[smem:$0x7FF] =	sst s7;
	s22 =	sshll.u32 s9, $0x6;
	s6 =	smul.u32 $0x50000, s4  }
0xa: {  	_ =	strace $0x8000004D;
	s4 =	ssub.s32 $0x2, s4;
	s2 =	sadd.s32 s2, s0  }
0xb: {  	s20 =	sshrl.u32 s5, $0x3;
	s21 =	sshrl.u32 s4, $0x1;
	s8 =	sadd.s32 s5, s1  }
0xc: {  	s6 =	sadd.s32 s5, s6;
	s7 =	sadd.s32 s20, s0;
	s4 =	ssub.s32 s4, s21  }
0xd: {  	s5 =	sadd.s32 s5, s3;
	s24 =	sadd.s32 $0xEC00, s2;
	s2 =	sadd.s32 $0x4200, s2  }
0xe: {  	s12 =	sshrl.u32 s8, $0x3;
	s20 =	simm.s32 $0xC000;
	[dreg:$0x6] =	wrdreg s24  }
0xf: {  	s6 =	sshrl.u32 s6, $0x3;
	s7 =	sadd.s32 $0x2CC00, s7;
	[dreg:$0x7] =	wrdreg s2  }
0x10: {  	s25 =	smax.u32 s4, $0x1;
	s26 =	sshrl.u32 s5, $0x3;
	s24 =	simm.s32 $0xE000  }
0x11: {  	s2 =	simm.s32 $0x5;
	s5 =	simm.s32 $0xB;
	[dreg:$0x4] =	wrdreg s7  }
.Ltmp0:
0x12: {  	s0 =	sadd.s32 s6, s0;
	[dreg:$0x9] =	wrdreg s25;
	(pc) =	sbr.rel .LBB2_1-.Ltmp0, $4  }
0x13: {  	s6 =	sor.u32 $0x1C11, s22;
	[dreg:$0xa] =	wrdreg s26;
	s22 =	simm.s32 $0xD000  }
0x14: {  	s25 =	simm.s32 $0x2;
	s26 =	simm.s32 $0xF000;
	s23 =	sadd.s32 $0x18C00, s0  }
0x15: {  	s7 =	simm.s32 $0xC;
	s0 =	sadd.s32 $0x36C00, s0;
	[dreg:$0x5] =	wrdreg s23  }
0x16: {  	[dreg:$0x8] =	wrdreg s0;
	s23 =	simm.s32 $0x1;
	s0 =	simm.s32 $0x7  }
.LBB2_4:
0x17: {  	_ =	swait.ge [sflag:s15], $0x1000  }
0x18: {  	[sflag:s15] =	ssyncset.done $0x0  }
0x19: {  	s4 =	simm.s32 $0x9;
	[sflag:s15] =	ssyncadd.s32 $0xFFFFF000  }
0x1a: {  	[spmem:s1] =	stream.indirect.scatter.add.f32 [tilespmem:s31], [sflag:$0x10], $0x20, s21, s16, $0xb8;
	[tilespmem:$0x1C000] =	vst v63  }
0x1b: {  	_ =	swait.ge [sflag:s4], $0x1000  }
0x1c: {  	[sflag:s4] =	ssyncset.done $0x0  }
0x1d: {  	s21 =	simm.s32 $0xA;
	[sflag:s4] =	ssyncadd.s32 $0xFFFFF000  }
0x1e: {  	_ =	swait.ge [sflag:s21], $0x1000  }
0x1f: {  	[sflag:s21] =	ssyncset.done $0x0  }
0x20: {  	[sflag:s21] =	ssyncadd.s32 $0xFFFFF000  }
0x21: {  	_ =	swait.ge [sflag:s5], $0x1000  }
0x22: {  	[sflag:s5] =	ssyncset.done $0x0  }
0x23: {  	[sflag:s5] =	ssyncadd.s32 $0xFFFFF000  }
0x24: {  	_ =	swait.ge [sflag:s7], $0x1000  }
0x25: {  	[sflag:s7] =	ssyncset.done $0x0  }
0x26: {  	s8 =	simm.s32 $0xD;
	[sflag:s7] =	ssyncadd.s32 $0xFFFFF000  }
0x27: {  	_ =	swait.ge [sflag:s8], $0x1000  }
0x28: {  	[sflag:s8] =	ssyncset.done $0x0  }
0x29: {  	s9 =	simm.s32 $0xE;
	[sflag:s8] =	ssyncadd.s32 $0xFFFFF000  }
0x2a: {  	_ =	swait.ge [sflag:s9], $0x1000  }
0x2b: {  	[sflag:s9] =	ssyncset.done $0x0  }
0x2c: {  	s10 =	simm.s32 $0xF;
	[sflag:s9] =	ssyncadd.s32 $0xFFFFF000  }
0x2d: {  	_ =	swait.ge [sflag:s10], $0x1000  }
0x2e: {  	[sflag:s10] =	ssyncset.done $0x0  }
0x2f: {  	[sflag:s10] =	ssyncadd.s32 $0xFFFFF000  }
0x30: {  	_ =	swait.ge [sflag:s11], $0x1000  }
0x31: {  	[sflag:s11] =	ssyncset.done $0x0  }
0x32: {  	[sflag:s11] =	ssyncadd.s32 $0xFFFFF000  }
0x33: {  	[bflag:$0x0] =	sbarrier.arrive $0xFFFF  }
0x34: {  	s19 =	rddreg [dreg:$0x8]  }
0x35: {  	[hbm:s19], [sflag:s6] =	dma.local [spmem:s12], $0xA00  }
0x36: {  	_ =	swait.ge [sflag:s13], $0xA00  }
0x37: {  	s14 =	sadd.s32 $0x1, s14;
	s21 =	rddreg [dreg:$0x9]  }
0x38: {  	p0 =	sne.s32 s14, s21  }
.Ltmp1:
0x39: {  	_ = 	snop;
	(pc) =	sbr.rel @!p0 .LBB2_5-.Ltmp1, $3  }
0x3a: {  	_ =	sdelay $0x1  }
0x3b: {  	[sflag:s13] =	ssyncset.done $0x0  }
0x3c: {  	[sflag:s13] =	ssyncadd.s32 $0xFFFFF600  }
.LBB2_1:
0x3d: {  	s4 =	rddreg [dreg:$0x4]  }
0x3e: {  	[spmem:s12], [sflag:s6] =	dma.local [hbm:s4], $0xA00  }
0x3f: {  	_ =	swait.ge [sflag:s13], $0xA00  }
0x40: {  	[sflag:s13] =	ssyncset.done $0x0;
	s19 =	rddreg [dreg:$0x5]  }
0x41: {  	s8 =	rddreg [dreg:$0xa];
	[sflag:s13] =	ssyncadd.s32 $0xFFFFF600  }
0x42: {  	[spmem:s8], [sflag:s6] =	dma.local [hbm:s19], $0xA00  }
0x43: {  	_ =	swait.ge [sflag:s13], $0xA00  }
0x44: {  	[sflag:s13] =	ssyncset.done $0x0  }
0x45: {  	s21 =	simm.s32 $0x0;
	s9 =	rddreg [dreg:$0x6];
	[sflag:s13] =	ssyncadd.s32 $0xFFFFF600  }
0x46: {  	[tilespmem:s21], [sflag:$0x11] =	stream.linear.gather [hbm4b:s9+s21], $0x5000, $0x38;
	[tilespmem:$0x1C000] =	vst v63  }
0x47: {  	_ =	swait.ge [sflag:s13], $0x5000  }
0x48: {  	[sflag:s13] =	ssyncset.done $0x0  }
0x49: {  	s9 =	simm.s32 $0x5000;
	s10 =	rddreg [dreg:$0x7];
	[sflag:s13] =	ssyncadd.s32 $0xFFFFB000  }
0x4a: {  	[tilespmem:s9], [sflag:$0x11] =	stream.linear.gather [hbm4b:s10+s21], $0x5000, $0x38;
	[tilespmem:$0x1C000] =	vst v63  }
0x4b: {  	_ =	swait.ge [sflag:s13], $0x5000  }
0x4c: {  	[sflag:s13] =	ssyncset.done $0x0  }
0x4d: {  	[sflag:s13] =	ssyncadd.s32 $0xFFFFB000  }
0x4e: {  	[bflag:$0x0] =	sbarrier.arrive $0xFFFF  }
0x4f: {  	[tilespmem:s17], [sflag:$0x1] =	stream.indirect.gather [spmem:s3], $0x20, s21, s16, $0xb8;
	[tilespmem:$0x1C000] =	vst v63  }
0x50: {  	_ = 	snop  }
0x51: {  	[tilespmem:s18], [sflag:$0x2] =	stream.indirect.gather [spmem:s3], $0x20, s16, s16, $0xb8;
	[tilespmem:$0x1C000] =	vst v63  }
0x52: {  	s19 =	simm.s32 $0x100  }
0x53: {  	[tilespmem:s20], [sflag:$0x3] =	stream.indirect.gather [spmem:s3], $0x20, s19, s16, $0xb8;
	[tilespmem:$0x1C000] =	vst v63  }
0x54: {  	s4 =	simm.s32 $0x0;
	s21 =	simm.s32 $0x180  }
0x55: {  	[tilespmem:s22], [sflag:$0x4] =	stream.indirect.gather [spmem:s3], $0x20, s21, s16, $0xb8;
	[tilespmem:$0x1C000] =	vst v63  }
.LBB2_2:
0x56: {  	_ =	swait.ge [sflag:s23], $0x1000  }
0x57: {  	s19 =	sshra.s32 s4, $0x2;
	[sflag:s23] =	ssyncset.done $0x0  }
0x58: {  	p0 =	seq.s32 s4, $0x0;
	s21 =	sadd.s32 $0x5000, s19;
	[sflag:s23] =	ssyncadd.s32 $0xFFFFF000  }
0x59: {  	[spmem:s1] =	stream.indirect.scatter.add.f32 [tilespmem:s17], [sflag:$0x9], $0x20, s21, s16, $0xb8;
	[tilespmem:$0x1C000] =	vst v63  }
0x5a: {  	s21 =	simm.s32 @!p0 $0xD  }
0x5b: {  	_ =	swait.ge @!p0 [sflag:s21], $0x1000  }
0x5c: {  	[sflag:s21] =	ssyncset.done @!p0 $0x0  }
0x5d: {  	s9 =	sadd.s32 $0x200, s19;
	[sflag:s21] =	ssyncadd.s32 @!p0 $0xFFFFF000  }
0x5e: {  	[tilespmem:s24], [sflag:$0x5] =	stream.indirect.gather [spmem:s3], $0x20, s9, s16, $0xb8;
	[tilespmem:$0x1C000] =	vst v63  }
0x5f: {  	_ =	swait.ge [sflag:s25], $0x1000  }
0x60: {  	[sflag:s25] =	ssyncset.done $0x0  }
0x61: {  	s10 =	sadd.s32 $0x5080, s19;
	s21 =	simm.s32 @!p0 $0xE;
	[sflag:s25] =	ssyncadd.s32 $0xFFFFF000  }
0x62: {  	[spmem:s1] =	stream.indirect.scatter.add.f32 [tilespmem:s18], [sflag:$0xA], $0x20, s10, s16, $0xb8;
	[tilespmem:$0x1C000] =	vst v63  }
0x63: {  	_ =	swait.ge @!p0 [sflag:s21], $0x1000  }
0x64: {  	[sflag:s21] =	ssyncset.done @!p0 $0x0  }
0x65: {  	s8 =	sadd.s32 $0x280, s19;
	[sflag:s21] =	ssyncadd.s32 @!p0 $0xFFFFF000  }
0x66: {  	[tilespmem:s26], [sflag:$0x6] =	stream.indirect.gather [spmem:s3], $0x20, s8, s16, $0xb8;
	[tilespmem:$0x1C000] =	vst v63  }
0x67: {  	_ =	swait.ge [sflag:s28], $0x1000  }
0x68: {  	[sflag:s28] =	ssyncset.done $0x0  }
0x69: {  	s9 =	sadd.s32 $0x5100, s19;
	s21 =	simm.s32 @!p0 $0xF;
	[sflag:s28] =	ssyncadd.s32 $0xFFFFF000  }
0x6a: {  	[spmem:s1] =	stream.indirect.scatter.add.f32 [tilespmem:s20], [sflag:$0xB], $0x20, s9, s16, $0xb8;
	[tilespmem:$0x1C000] =	vst v63  }
0x6b: {  	_ =	swait.ge @!p0 [sflag:s21], $0x1000  }
0x6c: {  	[sflag:s21] =	ssyncset.done @!p0 $0x0  }
0x6d: {  	s10 =	sadd.s32 $0x300, s19;
	[sflag:s21] =	ssyncadd.s32 @!p0 $0xFFFFF000  }
0x6e: {  	[tilespmem:s29], [sflag:$0x7] =	stream.indirect.gather [spmem:s3], $0x20, s10, s16, $0xb8;
	[tilespmem:$0x1C000] =	vst v63  }
0x6f: {  	_ =	swait.ge [sflag:s30], $0x1000  }
0x70: {  	[sflag:s30] =	ssyncset.done $0x0  }
0x71: {  	s8 =	sadd.s32 $0x5180, s19;
	s21 =	simm.s32 @!p0 $0x10;
	[sflag:s30] =	ssyncadd.s32 $0xFFFFF000  }
0x72: {  	[spmem:s1] =	stream.indirect.scatter.add.f32 [tilespmem:s22], [sflag:$0xC], $0x20, s8, s16, $0xb8;
	[tilespmem:$0x1C000] =	vst v63  }
0x73: {  	_ =	swait.ge @!p0 [sflag:s21], $0x1000  }
0x74: {  	[sflag:s21] =	ssyncset.done @!p0 $0x0  }
0x75: {  	s9 =	sadd.s32 $0x380, s19;
	[sflag:s21] =	ssyncadd.s32 @!p0 $0xFFFFF000  }
0x76: {  	[tilespmem:s31], [sflag:$0x8] =	stream.indirect.gather [spmem:s3], $0x20, s9, s16, $0xb8;
	[tilespmem:$0x1C000] =	vst v63  }
0x77: {  	_ =	swait.ge [sflag:s2], $0x1000  }
0x78: {  	p0 =	seq.s32 s4, $0x13000;
	[sflag:s2] =	ssyncset.done $0x0  }
0x79: {  	s10 =	sadd.s32 $0x5200, s19;
	s21 =	simm.s32 @p0 $0x6;
	[sflag:s2] =	ssyncadd.s32 $0xFFFFF000  }
0x7a: {  	[spmem:s1] =	stream.indirect.scatter.add.f32 [tilespmem:s24], [sflag:$0xD], $0x20, s10, s16, $0xb8;
	[tilespmem:$0x1C000] =	vst v63  }
0x7b: {  	_ =	swait.ge @p0 [sflag:s21], $0x1000  }
0x7c: {  	[sflag:s21] =	ssyncset.done @p0 $0x0  }
0x7d: {  	[sflag:s21] =	ssyncadd.s32 @p0 $0xFFFFF000;
	s21 =	sshra.s32 @p0 s4, $0x2  }
0x7e: {  	s8 =	simm.s32 @p0 $0x80;
	s9 =	simm.s32 @p0 $0xF000;
	s21 =	sadd.s32 @p0 $0x5280, s21  }
0x7f: {  	[spmem:s1] =	stream.indirect.scatter.add.f32 @p0 [tilespmem:s9], [sflag:$0xE], $0x20, s21, s8, $0xb8;
	[tilespmem:$0x1C000] =	vst v63  }
0x80: {  	s8 =	simm.s32 @!p0 $0x9  }
0x81: {  	_ =	swait.ge @!p0 [sflag:s8], $0x1000  }
0x82: {  	[sflag:s8] =	ssyncset.done @!p0 $0x0  }
0x83: {  	[sflag:s8] =	ssyncadd.s32 @!p0 $0xFFFFF000;
	s8 =	sshra.s32 @!p0 s4, $0x2  }
0x84: {  	s10 =	simm.s32 @!p0 $0xA000;
	s21 =	simm.s32 @!p0 $0x80;
	s9 =	sadd.s32 @!p0 $0x400, s8  }
0x85: {  	[tilespmem:s10], [sflag:$0x1] =	stream.indirect.gather @!p0 [spmem:s3], $0x20, s9, s21, $0xb8;
	[tilespmem:$0x1C000] =	vst v63  }
0x86: {  	s9 =	simm.s32 @!p0 $0x6  }
0x87: {  	_ =	swait.ge @!p0 [sflag:s9], $0x1000  }
0x88: {  	[sflag:s9] =	ssyncset.done @!p0 $0x0  }
0x89: {  	s10 =	simm.s32 @!p0 $0xF000;
	[sflag:s9] =	ssyncadd.s32 @!p0 $0xFFFFF000;
	s9 =	sadd.s32 @!p0 $0x5280, s8  }
0x8a: {  	[spmem:s1] =	stream.indirect.scatter.add.f32 @!p0 [tilespmem:s10], [sflag:$0xE], $0x20, s9, s21, $0xb8;
	[tilespmem:$0x1C000] =	vst v63  }
0x8b: {  	s9 =	simm.s32 @!p0 $0xA  }
0x8c: {  	_ =	swait.ge @!p0 [sflag:s9], $0x1000  }
0x8d: {  	[sflag:s9] =	ssyncset.done @!p0 $0x0  }
0x8e: {  	s8 =	sadd.s32 @!p0 $0x480, s8;
	[sflag:s9] =	ssyncadd.s32 @!p0 $0xFFFFF000;
	s9 =	simm.s32 @!p0 $0xB000  }
0x8f: {  	[tilespmem:s9], [sflag:$0x2] =	stream.indirect.gather @!p0 [spmem:s3], $0x20, s8, s21, $0xb8;
	[tilespmem:$0x1C000] =	vst v63  }
.Ltmp2:
0x90: {  	_ =	swait.ge [sflag:s0], $0x1000;
	(pc) =	sbr.rel @p0 .LBB2_4-.Ltmp2, $4  }
0x91: {  	[sflag:s0] =	ssyncset.done $0x0  }
0x92: {  	s21 =	sadd.s32 $0x5300, s19;
	[sflag:s0] =	ssyncadd.s32 $0xFFFFF000  }
0x93: {  	[spmem:s1] =	stream.indirect.scatter.add.f32 [tilespmem:s29], [sflag:$0xF], $0x20, s21, s16, $0xb8;
	[tilespmem:$0x1C000] =	vst v63  }
0x94: {  	s21 =	sadd.s32 $0x5380, s19  }
0x95: {  	_ =	swait.ge [sflag:s5], $0x1000  }
0x96: {  	[sflag:s5] =	ssyncset.done $0x0  }
0x97: {  	s8 =	sadd.s32 $0x500, s19;
	[sflag:s5] =	ssyncadd.s32 $0xFFFFF000  }
0x98: {  	[tilespmem:s20], [sflag:$0x3] =	stream.indirect.gather [spmem:s3], $0x20, s8, s16, $0xb8;
	[tilespmem:$0x1C000] =	vst v63  }
0x99: {  	_ =	swait.ge [sflag:s15], $0x1000  }
0x9a: {  	[sflag:s15] =	ssyncset.done $0x0  }
0x9b: {  	[sflag:s15] =	ssyncadd.s32 $0xFFFFF000  }
0x9c: {  	[spmem:s1] =	stream.indirect.scatter.add.f32 [tilespmem:s31], [sflag:$0x10], $0x20, s21, s16, $0xb8;
	[tilespmem:$0x1C000] =	vst v63  }
.Ltmp3:
0x9d: {  	_ = 	snop;
	(pc) =	sbr.rel .LBB2_2-.Ltmp3, $4  }
0x9e: {  	_ =	swait.ge [sflag:s7], $0x1000  }
0x9f: {  	[sflag:s7] =	ssyncset.done $0x0  }
0xa0: {  	s4 =	sadd.s32 $0x1000, s4;
	s21 =	sadd.s32 $0x580, s19;
	[sflag:s7] =	ssyncadd.s32 $0xFFFFF000  }
0xa1: {  	[tilespmem:s22], [sflag:$0x4] =	stream.indirect.gather [spmem:s3], $0x20, s21, s16, $0xb8;
	[tilespmem:$0x1C000] =	vst v63  }
.LBB2_5:
0xa2: {  	_ =	sfence.sel $0x180000  }
0xa3: {  	[bflag:$0x0] =	sbarrier.arrive $0xFFFF  }
0xa4: {  	_ =	strace $0x9000004D  }
0xa5: {  	s0 =	stileid.u32;
	[bflag:$0x2] =	sbarrier.arrive $0xFFFF  }
0xa6: {  	p0 =	sne.s32 s0, $0x0;
	s0 =	rddreg [dreg:$0x3]  }
0xa7: {  	s0 =	sadd.s32 @!p0 $0x100000, s0  }
0xa8: {  	[sflag:s0] =	ssyncadd.tile.s32 @!p0 $0x1;
	_ =	shalt  }
.Lfunc_end2:
_tile_overlayer_lowered:
.L_overlay_start_2:
0xa9: {  	(tag) =	ssettag $0x2  }
0xaa: {  	s0 =	rddreg [dreg:$0x0];
	s2 =	stileid.u32  }
0xab: {  	s1 =	rddreg [dreg:$0x1];
	p0 =	sne.s32 s2, $0x0  }
0xac: {  	s3 =	rddreg [dreg:$0x2];
	[bflag:$0x3] =	sbarrier.arrive $0xFFFF;
	s2 =	simm.s32 @!p0 $0x1C11  }
0xad: {  	[timem:s3], [sflag:s2] =	dma.local @!p0 [hbm:s0], s1  }
0xae: {  	s0 =	simm.s32 @!p0 $0x11  }
0xaf: {  	_ =	swait.ge @!p0 [sflag:s0], s1  }
0xb0: {  	s1 =	ssub.s32 @!p0 $0x0, s1;
	[sflag:s0] =	ssyncset.done @!p0 $0x0  }
0xb1: {  	[sflag:s0] =	ssyncadd.s32 @!p0 s1  }
0xb2: {  	[bflag:$0x3] =	sbarrier.arrive $0xFFFF  }
0xb3: {  	_ =	shalt  }

// kernel: kernel.19.cloned.1.call-start
scs
__scs_entry_jumppad:
0x0: {  	(pc) =	sbr.rel $0x88, $3  }
0x1: {  	(tag) =	ssettag $0x0;
	lr =	simm.s32 $0x1  }
0x2: {  	[smem:$0x3F97] =	sst lr;
	_ =	strace $0xD0000000  }
0x3: {  	_ = 	snop  }
0x4: {  	_ = 	snop  }
0x5: {  	_ = 	snop  }
0x6: {  	_ = 	snop  }
0x7: {  	_ = 	snop  }
__scs_overlays_trampoline_lowered:
0x8: {  	[smem:$0x3FA6] =	sst s0  }
0x9: {  	[smem:$0x3FA7] =	sst s1  }
0xa: {  	[smem:$0x3FA8] =	sst s2  }
0xb: {  	[smem:$0x3FA9] =	sst s3  }
0xc: {  	[smem:$0x3FAA] =	sst s4  }
0xd: {  	[smem:$0x3FAB] =	sst s5  }
0xe: {  	[smem:$0x3FAC] =	sst s6  }
0xf: {  	[smem:$0x3FAD] =	sst s7  }
0x10: {  	[smem:$0x3FAE] =	sst s8  }
0x11: {  	[smem:$0x3FAF] =	sst s9;
	s0 =	simm.s32 @!p0 $0x0  }
0x12: {  	s1 =	sld [smem:$0x3F95];
	s0 =	simm.s32 @p0 $0x1  }
0x13: {  	[smem:$0x3FB0] =	sst s0;
	s0 =	simm.s32 @!p1 $0x0  }
0x14: {  	s2 =	sld [smem:$0x3F94];
	s0 =	simm.s32 @p1 $0x1  }
0x15: {  	[smem:$0x3FB1] =	sst s0;
	s0 =	simm.s32 @!p2 $0x0  }
0x16: {  	s3 =	sld [smem:$0x3FDB];
	s0 =	simm.s32 @p2 $0x1  }
0x17: {  	s4 =	simm.s32 $0x1BF5;
	[smem:$0x3FB3] =	sst s0  }
0x18: {  	s0 =	sld [smem:$0x3F96];
	_ =	swait.ge [sflag:s4], $0x0  }
0x19: {  	s7 =	sld [smem:$0x3F97]  }
0x1a: {  	s8 =	sadd.s32 $0xFFFFE003, lr  }
0x1b: {  	s9 =	sadd.s32 $0xFFFFFEF7, lr;
	s5 =	simm.s32 $0xFFFFFFFF;
	p2 =	slt.u32 s8, $0xFFFFF086  }
0x1c: {  	p1 =	slt.u32 s9, $0xF7A;
	s5 =	simm.s32 @!p2 $0x0  }
0x1d: {  	s5 =	simm.s32 @p1 $0x1;
	p0 =	seq.s32 s7, s2  }
0x1e: {  	s7 =	smul.u32 @!p0 $0xF7A, s2;
	p2 =	seq.s32 @!p0 s5, $0x0  }
0x1f: {  	s9 =	smul.u32 $0xF7A, s1;
	s8 =	simm.s32 @!p0 $0x1BF5;
	p2 =	por !p2, p0  }
0x20: {  	[sflag:s8] =	ssyncset.s32 @!p0 $0xFFFFF086;
	s6 =	sadd.s32 @!p0 s3, s7;
	s7 =	simm.s32 @!p0 $0x108  }
0x21: {  	s3 =	sadd.s32 s3, s9;
	s6 =	sadd.s32 @!p0 $0x88, s6;
	s7 =	simm.s32 @p2 $0x1082  }
0x22: {  	[simem:s7], [sflag:s8] =	dma.local @!p0 [hbm:s6], $0xF7A  }
0x23: {  	s9 =	sor.u32 $0xD0000000, s2;
	s6 =	simm.s32 $0x108;
	_ =	swait.ge @!p0 [sflag:s8], $0x0  }
0x24: {  	s3 =	sadd.s32 $0x88, s3;
	s6 =	simm.s32 @!p1 $0x1082;
	[sflag:s4] =	ssyncset.s32 $0xFFFFF086  }
0x25: {  	[simem:s6], [sflag:s4] =	dma.local [hbm:s3], $0xF7A  }
0x26: {  	[smem:$0x3F97] =	sst s1;
	(tag) =	ssettag s2;
	_ =	strace s9  }
0x27: {  	s1 =	sld [smem:$0x3FA7]  }
0x28: {  	s2 =	sld [smem:$0x3FA8]  }
0x29: {  	s4 =	sld [smem:$0x3FAA]  }
0x2a: {  	p0 =	seq.s32 s5, $0x0;
	s5 =	sld [smem:$0x3FAB]  }
0x2b: {  	s6 =	sld [smem:$0x3FAC]  }
0x2c: {  	s7 =	sld [smem:$0x3FAD]  }
0x2d: {  	s3 =	simm.s32 $0x108;
	s8 =	sld [smem:$0x3FAE]  }
0x2e: {  	s3 =	simm.s32 @!p0 $0x1082;
	s9 =	sld [smem:$0x3FAF]  }
0x2f: {  	lr =	sadd.s32 s0, s3;
	s0 =	sld [smem:$0x3FA6]  }
0x30: {  	s3 =	sld [smem:$0x3FA9]  }
0x31: {  	[smem:$0x3FB2] =	sst s10  }
0x32: {  	s10 =	sld [smem:$0x3FB0];
	_ =	sdelay $0x3  }
0x33: {  	p0 =	seq.s32 s10, $0x1;
	s10 =	sld [smem:$0x3FB2];
	_ =	sdelay $0x3  }
0x34: {  	[smem:$0x3FB2] =	sst s10  }
0x35: {  	s10 =	sld [smem:$0x3FB1];
	_ =	sdelay $0x3  }
0x36: {  	p1 =	seq.s32 s10, $0x1;
	s10 =	sld [smem:$0x3FB2];
	_ =	sdelay $0x3  }
0x37: {  	[smem:$0x3FB2] =	sst s10  }
0x38: {  	s10 =	sld [smem:$0x3FB3]  }
0x39: {  	_ = 	snop;
	(pc) =	sbr.ind lr, $3  }
0x3a: {  	_ = 	snop  }
0x3b: {  	_ = 	snop  }
0x3c: {  	p2 =	seq.s32 s10, $0x1;
	s10 =	sld [smem:$0x3FB2]  }
0x3d: {  	_ =	shalt  }
0x3e: {  	_ =	shalt  }
0x3f: {  	_ =	shalt  }
0x40: {  	_ =	shalt  }
0x41: {  	_ =	shalt  }
0x42: {  	_ =	shalt  }
0x43: {  	_ =	shalt  }
0x44: {  	_ =	shalt  }
0x45: {  	_ =	shalt  }
0x46: {  	_ =	shalt  }
0x47: {  	_ =	shalt  }
0x48: {  	_ =	shalt  }
0x49: {  	_ =	shalt  }
0x4a: {  	_ =	shalt  }
0x4b: {  	_ =	shalt  }
0x4c: {  	_ =	shalt  }
0x4d: {  	_ =	shalt  }
0x4e: {  	_ =	shalt  }
0x4f: {  	_ =	shalt  }
0x50: {  	_ =	shalt  }
0x51: {  	_ =	shalt  }
0x52: {  	_ =	shalt  }
0x53: {  	_ =	shalt  }
0x54: {  	_ =	shalt  }
0x55: {  	_ =	shalt  }
0x56: {  	_ =	shalt  }
0x57: {  	_ =	shalt  }
0x58: {  	_ =	shalt  }
0x59: {  	_ =	shalt  }
0x5a: {  	_ =	shalt  }
0x5b: {  	_ =	shalt  }
0x5c: {  	_ =	shalt  }
0x5d: {  	_ =	shalt  }
0x5e: {  	_ =	shalt  }
0x5f: {  	_ =	shalt  }
0x60: {  	_ =	shalt  }
0x61: {  	_ =	shalt  }
0x62: {  	_ =	shalt  }
0x63: {  	_ =	shalt  }
0x64: {  	_ =	shalt  }
0x65: {  	_ =	shalt  }
0x66: {  	_ =	shalt  }
0x67: {  	_ =	shalt  }
0x68: {  	_ =	shalt  }
0x69: {  	_ =	shalt  }
0x6a: {  	_ =	shalt  }
0x6b: {  	_ =	shalt  }
0x6c: {  	_ =	shalt  }
0x6d: {  	_ =	shalt  }
0x6e: {  	_ =	shalt  }
0x6f: {  	_ =	shalt  }
0x70: {  	_ =	shalt  }
0x71: {  	_ =	shalt  }
0x72: {  	_ =	shalt  }
0x73: {  	_ =	shalt  }
0x74: {  	_ =	shalt  }
0x75: {  	_ =	shalt  }
0x76: {  	_ =	shalt  }
0x77: {  	_ =	shalt  }
0x78: {  	_ =	shalt  }
0x79: {  	_ =	shalt  }
0x7a: {  	_ =	shalt  }
0x7b: {  	_ =	shalt  }
0x7c: {  	_ =	shalt  }
0x7d: {  	_ =	shalt  }
0x7e: {  	_ =	shalt  }
0x7f: {  	_ =	shalt  }
0x80: {  	_ =	shalt  }
0x81: {  	_ =	shalt  }
0x82: {  	_ =	shalt  }
0x83: {  	_ =	shalt  }
0x84: {  	_ =	shalt  }
0x85: {  	_ =	shalt  }
0x86: {  	_ =	shalt  }
0x87: {  	_ =	shalt  }
.Lfunc_end0:
.L_simem_size_0:
called_computation.3_lowered:
.L_overlay_start_0:
0x88: {  	s2 =	sld [smem:$0x3FD9]  }
0x89: {  	s3 =	sld [smem:$0x3FFE];
	_ =	sdelay $0x1  }
0x8a: {  	s1 =	srdreg.scid  }
0x8b: {  	s0 =	sand.u32 $0x1, s1  }
0x8c: {  	s16 =	sshll.u32 s0, $0xA;
	s2 =	sadd.s32 s3, s2  }
0x8d: {  	s2 =	sadd.s32 s2, s16  }
0x8e: {  	[smem:$0x3FBE] =	sst s2  }
0x8f: {  	_ = 	snop  }
0x90: {  	(tm) =	ssettm $0x1  }
0x91: {  	s17 =	sld [smem:$0x3FFB];
	_ =	sdelay $0x3  }
0x92: {  	_ =	strace s17  }
0x93: {  	s2 =	sld [smem:$0x3FFC];
	_ =	sdelay $0x3  }
0x94: {  	_ =	strace s2  }
0x95: {  	s2 =	sld [smem:$0x3FFD];
	_ =	sdelay $0x3  }
0x96: {  	_ =	strace s2  }
0x97: {  	_ =	strace $0x8FFFFFFF  }
0x98: {  	s18 =	sld [smem:$0x3FDB];
	_ =	sdelay $0x1  }
0x99: {  	s19 =	simm.s32 $_scs_section_size  }
0x9a: {  	s4 =	simm.s32 $_size__tile_overlayer_lowered;
	s5 =	simm.s32 $_tile_overlayer_lowered  }
0x9b: {  	s22 =	simm.s32 $0x1BFF;
	s21 =	sshll.u32 s5, $0x1;
	s2 =	sadd.s32 s19, s18  }
0x9c: {  	s6 =	simm.s32 $0x0;
	s20 =	sshll.u32 s4, $0x1;
	s4 =	sadd.s32 s21, s2  }
0x9d: {  	[timem:s6], [sflag:s22] =	dma.local [hbm:s4], s20  }
0x9e: {  	_ =	swait.ge [sflag:s22], s20  }
0x9f: {  	s3 =	ssub.s32 $0x0, s20;
	[sflag:s22] =	ssyncset.done $0x0  }
0xa0: {  	[sflag:s22] =	ssyncadd.s32 s3;
	_ =	sdelay $0x1  }
0xa1: {  	s23 =	simm.s32 $0x1B8B  }
0xa2: {  	_ =	swait.ge [sflag:s23], $0x1  }
0xa3: {  	[sflag:s23] =	ssyncset.done $0x0  }
0xa4: {  	s25 =	simm.s32 $0x1B8E;
	s24 =	sld [smem:$0x3FFE];
	[sflag:s23] =	ssyncadd.s32 $0xFFFFFFFF  }
0xa5: {  	s26 =	simm.s32 $execute0_lowered;
	[smem:$0x3FD2] =	sst s25  }
0xa6: {  	s4 =	sshll.u32 s26, $0x1;
	_ =	strace $0x8000004F;
	[dreg:$0x1] =	wrdreg $0xFFFFFFFF  }
0xa7: {  	s28 =	simm.s32 $_size_execute0_lowered;
	s2 =	sadd.s32 s2, s4;
	[dreg:$0x0] =	wrdreg $0x0  }
0xa8: {  	s4 =	sshll.u32 s28, $0x1;
	[dreg:$0x2] =	wrdreg s2  }
0xa9: {  	[dreg:$0x3] =	wrdreg s4  }
0xaa: {  	[dreg:$0x4] =	wrdreg $0xC0  }
0xab: {  	_ =	task [dreg:s6], $0x5FFFF  }
0xac: {  	[dreg:$0x1] =	wrdreg $0xFFFFFFFF  }
0xad: {  	[dreg:$0x0] =	wrdreg $0x60  }
0xae: {  	[dreg:$0x2] =	wrdreg s24  }
0xaf: {  	[dreg:$0x3] =	wrdreg $0x120000  }
0xb0: {  	[dreg:$0x4] =	wrdreg $0x170000  }
0xb1: {  	[dreg:$0x5] =	wrdreg $0x9  }
0xb2: {  	_ =	task.clear_ibuf [dreg:s6], $0x6FFFF;
	_ =	strace $0x9000004F  }
0xb3: {  	s29 =	simm.s32 $0x9;
	_ =	strace $0x80000051  }
0xb4: {  	_ =	swait.ge [sflag:s29], $0x1  }
0xb5: {  	[sflag:s29] =	ssyncadd.s32 $0xFFFFFFFF  }
0xb6: {  	_ =	strace $0x90000051  }
0xb7: {  	_ =	sfence  }
0xb8: {  	s30 =	sld [smem:$0x0];
	_ =	sdelay $0x2  }
0xb9: {  	s31 =	sshll.u32 s1, $0xD;
	s1 =	sshrl.u32 s1, $0x2  }
0xba: {  	s3 =	sand.u32 $0x4000, s31;
	s1 =	sadd.s32 s1, s30  }
0xbb: {  	s0 =	sor.u32 s3, s0;
	s1 =	sshll.u32 s1, $0x11  }
0xbc: {  	s0 =	sor.u32 s1, s0  }
0xbd: {  	s0 =	sadd.s32 $0x8F2B, s0  }
0xbe: {  	[sflag:s0] =	ssyncadd.remote.s32 $0x1  }
0xbf: {  	_ =	sfence.sel $0xFFFF  }
0xc0: {  	[dreg:$0x0] =	wrdreg $0xFFFFFFFF;
	(pc) =	sbr.abs _section_cstart, $3  }
0xc1: {  	[dreg:$0x1] =	wrdreg $0xFFFFFFFF  }
0xc2: {  	_ =	task.clear_ibuf [dreg:s6], $0x2FFFF;
	_ =	strace $0x9FFFFFFF  }
0xc3: {  	(tm) =	ssettm $0x7FFFFFFF  }
tec
execute0_lowered:
.L_overlay_start_1:
0x0: {  	(tag) =	ssettag $0x1  }
0x1: {  	s0 =	rddreg [dreg:$0x0]  }
0x2: {  	s1 =	rddreg [dreg:$0x1];
	s9 =	stileid.u32  }
0x3: {  	s4 =	srdreg.scid;
	s3 =	rddreg [dreg:$0x2]  }
0x4: {  	s7 =	simm.s32 $0x0;
	s13 =	simm.s32 $0x11;
	s16 =	simm.s32 $0x80  }
0x5: {  	s17 =	simm.s32 $0xA000;
	s18 =	simm.s32 $0xB000;
	s28 =	simm.s32 $0x3  }
0x6: {  	s29 =	simm.s32 $0x10000;
	s30 =	simm.s32 $0x4;
	s31 =	simm.s32 $0x11000  }
0x7: {  	s15 =	simm.s32 $0x8;
	s11 =	simm.s32 $0x10;
	s2 =	smul.u32 $0xA00, s9  }
0x8: {  	s14 =	simm.s32 $0x0;
	s5 =	smul.u32 $0x5000, s9;
	s4 =	sand.u32 $0x1, s4  }
0x9: {  	[smem:$0x7FF] =	sst s7;
	s22 =	sshll.u32 s9, $0x6;
	s6 =	smul.u32 $0x50000, s4  }
0xa: {  	_ =	strace $0x80000050;
	s4 =	ssub.s32 $0x2, s4;
	s2 =	sadd.s32 s2, s0  }
0xb: {  	s20 =	sshrl.u32 s5, $0x3;
	s21 =	sshrl.u32 s4, $0x1;
	s8 =	sadd.s32 s5, s1  }
0xc: {  	s6 =	sadd.s32 s5, s6;
	s7 =	sadd.s32 s20, s0;
	s4 =	ssub.s32 s4, s21  }
0xd: {  	s5 =	sadd.s32 s5, s3;
	s24 =	sadd.s32 $0xEC00, s2;
	s2 =	sadd.s32 $0x4200, s2  }
0xe: {  	s12 =	sshrl.u32 s8, $0x3;
	s20 =	simm.s32 $0xC000;
	[dreg:$0x6] =	wrdreg s24  }
0xf: {  	s6 =	sshrl.u32 s6, $0x3;
	s7 =	sadd.s32 $0x2CC00, s7;
	[dreg:$0x7] =	wrdreg s2  }
0x10: {  	s25 =	smax.u32 s4, $0x1;
	s26 =	sshrl.u32 s5, $0x3;
	s24 =	simm.s32 $0xE000  }
0x11: {  	s2 =	simm.s32 $0x5;
	s5 =	simm.s32 $0xB;
	[dreg:$0x4] =	wrdreg s7  }
.Ltmp0:
0x12: {  	s0 =	sadd.s32 s6, s0;
	[dreg:$0x9] =	wrdreg s25;
	(pc) =	sbr.rel .LBB2_1-.Ltmp0, $4  }
0x13: {  	s6 =	sor.u32 $0x1C11, s22;
	[dreg:$0xa] =	wrdreg s26;
	s22 =	simm.s32 $0xD000  }
0x14: {  	s25 =	simm.s32 $0x2;
	s26 =	simm.s32 $0xF000;
	s23 =	sadd.s32 $0x18C00, s0  }
0x15: {  	s7 =	simm.s32 $0xC;
	s0 =	sadd.s32 $0x36C00, s0;
	[dreg:$0x5] =	wrdreg s23  }
0x16: {  	[dreg:$0x8] =	wrdreg s0;
	s23 =	simm.s32 $0x1;
	s0 =	simm.s32 $0x7  }
.LBB2_4:
0x17: {  	_ =	swait.ge [sflag:s15], $0x1000  }
0x18: {  	[sflag:s15] =	ssyncset.done $0x0  }
0x19: {  	s4 =	simm.s32 $0x9;
	[sflag:s15] =	ssyncadd.s32 $0xFFFFF000  }
0x1a: {  	[spmem:s1] =	stream.indirect.scatter.add.f32 [tilespmem:s31], [sflag:$0x10], $0x20, s21, s16, $0xb8;
	[tilespmem:$0x1C000] =	vst v63  }
0x1b: {  	_ =	swait.ge [sflag:s4], $0x1000  }
0x1c: {  	[sflag:s4] =	ssyncset.done $0x0  }
0x1d: {  	s21 =	simm.s32 $0xA;
	[sflag:s4] =	ssyncadd.s32 $0xFFFFF000  }
0x1e: {  	_ =	swait.ge [sflag:s21], $0x1000  }
0x1f: {  	[sflag:s21] =	ssyncset.done $0x0  }
0x20: {  	[sflag:s21] =	ssyncadd.s32 $0xFFFFF000  }
0x21: {  	_ =	swait.ge [sflag:s5], $0x1000  }
0x22: {  	[sflag:s5] =	ssyncset.done $0x0  }
0x23: {  	[sflag:s5] =	ssyncadd.s32 $0xFFFFF000  }
0x24: {  	_ =	swait.ge [sflag:s7], $0x1000  }
0x25: {  	[sflag:s7] =	ssyncset.done $0x0  }
0x26: {  	s8 =	simm.s32 $0xD;
	[sflag:s7] =	ssyncadd.s32 $0xFFFFF000  }
0x27: {  	_ =	swait.ge [sflag:s8], $0x1000  }
0x28: {  	[sflag:s8] =	ssyncset.done $0x0  }
0x29: {  	s9 =	simm.s32 $0xE;
	[sflag:s8] =	ssyncadd.s32 $0xFFFFF000  }
0x2a: {  	_ =	swait.ge [sflag:s9], $0x1000  }
0x2b: {  	[sflag:s9] =	ssyncset.done $0x0  }
0x2c: {  	s10 =	simm.s32 $0xF;
	[sflag:s9] =	ssyncadd.s32 $0xFFFFF000  }
0x2d: {  	_ =	swait.ge [sflag:s10], $0x1000  }
0x2e: {  	[sflag:s10] =	ssyncset.done $0x0  }
0x2f: {  	[sflag:s10] =	ssyncadd.s32 $0xFFFFF000  }
0x30: {  	_ =	swait.ge [sflag:s11], $0x1000  }
0x31: {  	[sflag:s11] =	ssyncset.done $0x0  }
0x32: {  	[sflag:s11] =	ssyncadd.s32 $0xFFFFF000  }
0x33: {  	[bflag:$0x0] =	sbarrier.arrive $0xFFFF  }
0x34: {  	s19 =	rddreg [dreg:$0x8]  }
0x35: {  	[hbm:s19], [sflag:s6] =	dma.local [spmem:s12], $0xA00  }
0x36: {  	_ =	swait.ge [sflag:s13], $0xA00  }
0x37: {  	s14 =	sadd.s32 $0x1, s14;
	s21 =	rddreg [dreg:$0x9]  }
0x38: {  	p0 =	sne.s32 s14, s21  }
.Ltmp1:
0x39: {  	_ = 	snop;
	(pc) =	sbr.rel @!p0 .LBB2_5-.Ltmp1, $3  }
0x3a: {  	_ =	sdelay $0x1  }
0x3b: {  	[sflag:s13] =	ssyncset.done $0x0  }
0x3c: {  	[sflag:s13] =	ssyncadd.s32 $0xFFFFF600  }
.LBB2_1:
0x3d: {  	s4 =	rddreg [dreg:$0x4]  }
0x3e: {  	[spmem:s12], [sflag:s6] =	dma.local [hbm:s4], $0xA00  }
0x3f: {  	_ =	swait.ge [sflag:s13], $0xA00  }
0x40: {  	[sflag:s13] =	ssyncset.done $0x0;
	s19 =	rddreg [dreg:$0x5]  }
0x41: {  	s8 =	rddreg [dreg:$0xa];
	[sflag:s13] =	ssyncadd.s32 $0xFFFFF600  }
0x42: {  	[spmem:s8], [sflag:s6] =	dma.local [hbm:s19], $0xA00  }
0x43: {  	_ =	swait.ge [sflag:s13], $0xA00  }
0x44: {  	[sflag:s13] =	ssyncset.done $0x0  }
0x45: {  	s21 =	simm.s32 $0x0;
	s9 =	rddreg [dreg:$0x6];
	[sflag:s13] =	ssyncadd.s32 $0xFFFFF600  }
0x46: {  	[tilespmem:s21], [sflag:$0x11] =	stream.linear.gather [hbm4b:s9+s21], $0x5000, $0x38;
	[tilespmem:$0x1C000] =	vst v63  }
0x47: {  	_ =	swait.ge [sflag:s13], $0x5000  }
0x48: {  	[sflag:s13] =	ssyncset.done $0x0  }
0x49: {  	s9 =	simm.s32 $0x5000;
	s10 =	rddreg [dreg:$0x7];
	[sflag:s13] =	ssyncadd.s32 $0xFFFFB000  }
0x4a: {  	[tilespmem:s9], [sflag:$0x11] =	stream.linear.gather [hbm4b:s10+s21], $0x5000, $0x38;
	[tilespmem:$0x1C000] =	vst v63  }
0x4b: {  	_ =	swait.ge [sflag:s13], $0x5000  }
0x4c: {  	[sflag:s13] =	ssyncset.done $0x0  }
0x4d: {  	[sflag:s13] =	ssyncadd.s32 $0xFFFFB000  }
0x4e: {  	[bflag:$0x0] =	sbarrier.arrive $0xFFFF  }
0x4f: {  	[tilespmem:s17], [sflag:$0x1] =	stream.indirect.gather [spmem:s3], $0x20, s21, s16, $0xb8;
	[tilespmem:$0x1C000] =	vst v63  }
0x50: {  	_ = 	snop  }
0x51: {  	[tilespmem:s18], [sflag:$0x2] =	stream.indirect.gather [spmem:s3], $0x20, s16, s16, $0xb8;
	[tilespmem:$0x1C000] =	vst v63  }
0x52: {  	s19 =	simm.s32 $0x100  }
0x53: {  	[tilespmem:s20], [sflag:$0x3] =	stream.indirect.gather [spmem:s3], $0x20, s19, s16, $0xb8;
	[tilespmem:$0x1C000] =	vst v63  }
0x54: {  	s4 =	simm.s32 $0x0;
	s21 =	simm.s32 $0x180  }
0x55: {  	[tilespmem:s22], [sflag:$0x4] =	stream.indirect.gather [spmem:s3], $0x20, s21, s16, $0xb8;
	[tilespmem:$0x1C000] =	vst v63  }
.LBB2_2:
0x56: {  	_ =	swait.ge [sflag:s23], $0x1000  }
0x57: {  	s19 =	sshra.s32 s4, $0x2;
	[sflag:s23] =	ssyncset.done $0x0  }
0x58: {  	p0 =	seq.s32 s4, $0x0;
	s21 =	sadd.s32 $0x5000, s19;
	[sflag:s23] =	ssyncadd.s32 $0xFFFFF000  }
0x59: {  	[spmem:s1] =	stream.indirect.scatter.add.f32 [tilespmem:s17], [sflag:$0x9], $0x20, s21, s16, $0xb8;
	[tilespmem:$0x1C000] =	vst v63  }
0x5a: {  	s21 =	simm.s32 @!p0 $0xD  }
0x5b: {  	_ =	swait.ge @!p0 [sflag:s21], $0x1000  }
0x5c: {  	[sflag:s21] =	ssyncset.done @!p0 $0x0  }
0x5d: {  	s9 =	sadd.s32 $0x200, s19;
	[sflag:s21] =	ssyncadd.s32 @!p0 $0xFFFFF000  }
0x5e: {  	[tilespmem:s24], [sflag:$0x5] =	stream.indirect.gather [spmem:s3], $0x20, s9, s16, $0xb8;
	[tilespmem:$0x1C000] =	vst v63  }
0x5f: {  	_ =	swait.ge [sflag:s25], $0x1000  }
0x60: {  	[sflag:s25] =	ssyncset.done $0x0  }
0x61: {  	s10 =	sadd.s32 $0x5080, s19;
	s21 =	simm.s32 @!p0 $0xE;
	[sflag:s25] =	ssyncadd.s32 $0xFFFFF000  }
0x62: {  	[spmem:s1] =	stream.indirect.scatter.add.f32 [tilespmem:s18], [sflag:$0xA], $0x20, s10, s16, $0xb8;
	[tilespmem:$0x1C000] =	vst v63  }
0x63: {  	_ =	swait.ge @!p0 [sflag:s21], $0x1000  }
0x64: {  	[sflag:s21] =	ssyncset.done @!p0 $0x0  }
0x65: {  	s8 =	sadd.s32 $0x280, s19;
	[sflag:s21] =	ssyncadd.s32 @!p0 $0xFFFFF000  }
0x66: {  	[tilespmem:s26], [sflag:$0x6] =	stream.indirect.gather [spmem:s3], $0x20, s8, s16, $0xb8;
	[tilespmem:$0x1C000] =	vst v63  }
0x67: {  	_ =	swait.ge [sflag:s28], $0x1000  }
0x68: {  	[sflag:s28] =	ssyncset.done $0x0  }
0x69: {  	s9 =	sadd.s32 $0x5100, s19;
	s21 =	simm.s32 @!p0 $0xF;
	[sflag:s28] =	ssyncadd.s32 $0xFFFFF000  }
0x6a: {  	[spmem:s1] =	stream.indirect.scatter.add.f32 [tilespmem:s20], [sflag:$0xB], $0x20, s9, s16, $0xb8;
	[tilespmem:$0x1C000] =	vst v63  }
0x6b: {  	_ =	swait.ge @!p0 [sflag:s21], $0x1000  }
0x6c: {  	[sflag:s21] =	ssyncset.done @!p0 $0x0  }
0x6d: {  	s10 =	sadd.s32 $0x300, s19;
	[sflag:s21] =	ssyncadd.s32 @!p0 $0xFFFFF000  }
0x6e: {  	[tilespmem:s29], [sflag:$0x7] =	stream.indirect.gather [spmem:s3], $0x20, s10, s16, $0xb8;
	[tilespmem:$0x1C000] =	vst v63  }
0x6f: {  	_ =	swait.ge [sflag:s30], $0x1000  }
0x70: {  	[sflag:s30] =	ssyncset.done $0x0  }
0x71: {  	s8 =	sadd.s32 $0x5180, s19;
	s21 =	simm.s32 @!p0 $0x10;
	[sflag:s30] =	ssyncadd.s32 $0xFFFFF000  }
0x72: {  	[spmem:s1] =	stream.indirect.scatter.add.f32 [tilespmem:s22], [sflag:$0xC], $0x20, s8, s16, $0xb8;
	[tilespmem:$0x1C000] =	vst v63  }
0x73: {  	_ =	swait.ge @!p0 [sflag:s21], $0x1000  }
0x74: {  	[sflag:s21] =	ssyncset.done @!p0 $0x0  }
0x75: {  	s9 =	sadd.s32 $0x380, s19;
	[sflag:s21] =	ssyncadd.s32 @!p0 $0xFFFFF000  }
0x76: {  	[tilespmem:s31], [sflag:$0x8] =	stream.indirect.gather [spmem:s3], $0x20, s9, s16, $0xb8;
	[tilespmem:$0x1C000] =	vst v63  }
0x77: {  	_ =	swait.ge [sflag:s2], $0x1000  }
0x78: {  	p0 =	seq.s32 s4, $0x13000;
	[sflag:s2] =	ssyncset.done $0x0  }
0x79: {  	s10 =	sadd.s32 $0x5200, s19;
	s21 =	simm.s32 @p0 $0x6;
	[sflag:s2] =	ssyncadd.s32 $0xFFFFF000  }
0x7a: {  	[spmem:s1] =	stream.indirect.scatter.add.f32 [tilespmem:s24], [sflag:$0xD], $0x20, s10, s16, $0xb8;
	[tilespmem:$0x1C000] =	vst v63  }
0x7b: {  	_ =	swait.ge @p0 [sflag:s21], $0x1000  }
0x7c: {  	[sflag:s21] =	ssyncset.done @p0 $0x0  }
0x7d: {  	[sflag:s21] =	ssyncadd.s32 @p0 $0xFFFFF000;
	s21 =	sshra.s32 @p0 s4, $0x2  }
0x7e: {  	s8 =	simm.s32 @p0 $0x80;
	s9 =	simm.s32 @p0 $0xF000;
	s21 =	sadd.s32 @p0 $0x5280, s21  }
0x7f: {  	[spmem:s1] =	stream.indirect.scatter.add.f32 @p0 [tilespmem:s9], [sflag:$0xE], $0x20, s21, s8, $0xb8;
	[tilespmem:$0x1C000] =	vst v63  }
0x80: {  	s8 =	simm.s32 @!p0 $0x9  }
0x81: {  	_ =	swait.ge @!p0 [sflag:s8], $0x1000  }
0x82: {  	[sflag:s8] =	ssyncset.done @!p0 $0x0  }
0x83: {  	[sflag:s8] =	ssyncadd.s32 @!p0 $0xFFFFF000;
	s8 =	sshra.s32 @!p0 s4, $0x2  }
0x84: {  	s10 =	simm.s32 @!p0 $0xA000;
	s21 =	simm.s32 @!p0 $0x80;
	s9 =	sadd.s32 @!p0 $0x400, s8  }
0x85: {  	[tilespmem:s10], [sflag:$0x1] =	stream.indirect.gather @!p0 [spmem:s3], $0x20, s9, s21, $0xb8;
	[tilespmem:$0x1C000] =	vst v63  }
0x86: {  	s9 =	simm.s32 @!p0 $0x6  }
0x87: {  	_ =	swait.ge @!p0 [sflag:s9], $0x1000  }
0x88: {  	[sflag:s9] =	ssyncset.done @!p0 $0x0  }
0x89: {  	s10 =	simm.s32 @!p0 $0xF000;
	[sflag:s9] =	ssyncadd.s32 @!p0 $0xFFFFF000;
	s9 =	sadd.s32 @!p0 $0x5280, s8  }
0x8a: {  	[spmem:s1] =	stream.indirect.scatter.add.f32 @!p0 [tilespmem:s10], [sflag:$0xE], $0x20, s9, s21, $0xb8;
	[tilespmem:$0x1C000] =	vst v63  }
0x8b: {  	s9 =	simm.s32 @!p0 $0xA  }
0x8c: {  	_ =	swait.ge @!p0 [sflag:s9], $0x1000  }
0x8d: {  	[sflag:s9] =	ssyncset.done @!p0 $0x0  }
0x8e: {  	s8 =	sadd.s32 @!p0 $0x480, s8;
	[sflag:s9] =	ssyncadd.s32 @!p0 $0xFFFFF000;
	s9 =	simm.s32 @!p0 $0xB000  }
0x8f: {  	[tilespmem:s9], [sflag:$0x2] =	stream.indirect.gather @!p0 [spmem:s3], $0x20, s8, s21, $0xb8;
	[tilespmem:$0x1C000] =	vst v63  }
.Ltmp2:
0x90: {  	_ =	swait.ge [sflag:s0], $0x1000;
	(pc) =	sbr.rel @p0 .LBB2_4-.Ltmp2, $4  }
0x91: {  	[sflag:s0] =	ssyncset.done $0x0  }
0x92: {  	s21 =	sadd.s32 $0x5300, s19;
	[sflag:s0] =	ssyncadd.s32 $0xFFFFF000  }
0x93: {  	[spmem:s1] =	stream.indirect.scatter.add.f32 [tilespmem:s29], [sflag:$0xF], $0x20, s21, s16, $0xb8;
	[tilespmem:$0x1C000] =	vst v63  }
0x94: {  	s21 =	sadd.s32 $0x5380, s19  }
0x95: {  	_ =	swait.ge [sflag:s5], $0x1000  }
0x96: {  	[sflag:s5] =	ssyncset.done $0x0  }
0x97: {  	s8 =	sadd.s32 $0x500, s19;
	[sflag:s5] =	ssyncadd.s32 $0xFFFFF000  }
0x98: {  	[tilespmem:s20], [sflag:$0x3] =	stream.indirect.gather [spmem:s3], $0x20, s8, s16, $0xb8;
	[tilespmem:$0x1C000] =	vst v63  }
0x99: {  	_ =	swait.ge [sflag:s15], $0x1000  }
0x9a: {  	[sflag:s15] =	ssyncset.done $0x0  }
0x9b: {  	[sflag:s15] =	ssyncadd.s32 $0xFFFFF000  }
0x9c: {  	[spmem:s1] =	stream.indirect.scatter.add.f32 [tilespmem:s31], [sflag:$0x10], $0x20, s21, s16, $0xb8;
	[tilespmem:$0x1C000] =	vst v63  }
.Ltmp3:
0x9d: {  	_ = 	snop;
	(pc) =	sbr.rel .LBB2_2-.Ltmp3, $4  }
0x9e: {  	_ =	swait.ge [sflag:s7], $0x1000  }
0x9f: {  	[sflag:s7] =	ssyncset.done $0x0  }
0xa0: {  	s4 =	sadd.s32 $0x1000, s4;
	s21 =	sadd.s32 $0x580, s19;
	[sflag:s7] =	ssyncadd.s32 $0xFFFFF000  }
0xa1: {  	[tilespmem:s22], [sflag:$0x4] =	stream.indirect.gather [spmem:s3], $0x20, s21, s16, $0xb8;
	[tilespmem:$0x1C000] =	vst v63  }
.LBB2_5:
0xa2: {  	_ =	sfence.sel $0x180000  }
0xa3: {  	[bflag:$0x0] =	sbarrier.arrive $0xFFFF  }
0xa4: {  	_ =	strace $0x90000050  }
0xa5: {  	s0 =	stileid.u32;
	[bflag:$0x2] =	sbarrier.arrive $0xFFFF  }
0xa6: {  	p0 =	sne.s32 s0, $0x0;
	s0 =	rddreg [dreg:$0x3]  }
0xa7: {  	s0 =	sadd.s32 @!p0 $0x100000, s0  }
0xa8: {  	[sflag:s0] =	ssyncadd.tile.s32 @!p0 $0x1;
	_ =	shalt  }
.Lfunc_end2:
_tile_overlayer_lowered:
.L_overlay_start_2:
0xa9: {  	(tag) =	ssettag $0x2  }
0xaa: {  	s0 =	rddreg [dreg:$0x0];
	s2 =	stileid.u32  }
0xab: {  	s1 =	rddreg [dreg:$0x1];
	p0 =	sne.s32 s2, $0x0  }
0xac: {  	s3 =	rddreg [dreg:$0x2];
	[bflag:$0x3] =	sbarrier.arrive $0xFFFF;
	s2 =	simm.s32 @!p0 $0x1C11  }
0xad: {  	[timem:s3], [sflag:s2] =	dma.local @!p0 [hbm:s0], s1  }
0xae: {  	s0 =	simm.s32 @!p0 $0x11  }
0xaf: {  	_ =	swait.ge @!p0 [sflag:s0], s1  }
0xb0: {  	s1 =	ssub.s32 @!p0 $0x0, s1;
	[sflag:s0] =	ssyncset.done @!p0 $0x0  }
0xb1: {  	[sflag:s0] =	ssyncadd.s32 @!p0 s1  }
0xb2: {  	[bflag:$0x3] =	sbarrier.arrive $0xFFFF  }
0xb3: {  	_ =	shalt  }

</sc_bundles>
